<compile_context>
chip_gen: v7x
topology: tpu7x:2x2x1
jax: 0.10.2.dev20260603
libtpu: 0.0.44.dev20260713+nightly
codegen_flags: <defaults>
</compile_context>

<pallas_src>
import functools

import jax
import jax.numpy as jnp
from jax import lax
from jax.experimental import pallas as pl
from jax.experimental.pallas import tpu as pltpu
from jax.experimental.pallas import tpu_sc as plsc

N = 10000
E = 320000
D = 128
C_CURV = 1.0
K_CURV = 1.0 / C_CURV
SQRTK = K_CURV ** 0.5
EPS = 1e-7
MIN_NORM = 1e-15

NC = 2
NS = 16
CK = 128
N_PAD = 10240
NSLICE = N_PAD // NS
ZROWS = 128
EPT = -(-E // (NC * NS * CK)) * CK
E_PAD = EPT * NC * NS
NCH = EPT // CK
NCHT = NCH * NC * NS


def _prolog_body(h_ref, w_ref, wa_ref, wb_ref, hw_ref, aro_ref, acl_ref):
    h = h_ref[...]
    col = lax.broadcasted_iota(jnp.int32, (N, D), 1)
    is0 = col == 0
    h0 = h[:, 0:1]
    y = jnp.where(is0, 0.0, h)
    y_norm = jnp.maximum(jnp.sqrt(jnp.sum(y * y, axis=1, keepdims=True)), MIN_NORM)
    theta = jnp.maximum(h0 / SQRTK, 1.0 + EPS)
    arcosh = jnp.log(theta + jnp.sqrt(jnp.maximum(theta * theta - 1.0, MIN_NORM)))
    u = jnp.where(is0, 0.0, h * (SQRTK * arcosh / y_norm))
    hw = lax.dot_general(u, w_ref[...], (((1,), (1,)), ((), ())),
                         preferred_element_type=jnp.float32)
    hw_ref[...] = hw
    aro_ref[...] = jnp.sum(hw * wa_ref[...], axis=1, keepdims=True)
    acl_ref[...] = jnp.sum(hw * wb_ref[...], axis=1, keepdims=True)


def _edge_body(hw_hbm, aro_hbm, acl_hbm, pack_hbm, out_hbm, pack_v, ar_v,
               ac_v, att_v, rows_v, srows_v, out_sh, sem, sem2, sem3):
    cid = lax.axis_index("c")
    sid = lax.axis_index("s")
    zv = jnp.zeros((16,), jnp.float32)

    def _zrow(r, _):
        for dd in range(8):
            rows_v[r, pl.ds(dd * 16, 16)] = zv
        return 0

    lax.fori_loop(0, ZROWS, _zrow, 0)
    base = sid * NSLICE
    for j in range(NSLICE // ZROWS):
        pltpu.sync_copy(rows_v, out_sh.at[pl.ds(base + j * ZROWS, ZROWS)])
    plsc.subcore_barrier()

    wid = cid * NS + sid

    dn = lax.GatherDimensionNumbers(offset_dims=(), collapsed_slice_dims=(0,),
                                    start_index_map=(0,))
    H = CK // 2

    def _chunk(c, _):
        cidx = wid * NCH + c
        pltpu.sync_copy(pack_hbm.at[cidx], pack_v)
        da = pltpu.async_copy(hw_hbm.at[pack_v.at[1, pl.ds(0, H)]],
                              rows_v.at[pl.ds(0, H)], sem2)
        db = pltpu.async_copy(hw_hbm.at[pack_v.at[1, pl.ds(H, H)]],
                              rows_v.at[pl.ds(H, H)], sem3)
        d2 = pltpu.async_copy(aro_hbm.at[pack_v.at[0]], ar_v, sem)
        d3 = pltpu.async_copy(acl_hbm.at[pack_v.at[1]], ac_v, sem)
        d2.wait()
        d3.wait()

        def _att(g, _):
            sl = pl.ds(g * 16, 16)
            x = ar_v[sl] + ac_v[sl] + plsc.bitcast(pack_v[2, sl], jnp.float32)
            att_v[sl] = (plsc.bitcast(pack_v[3, sl], jnp.float32)
                         / (1.0 + jnp.exp(-x)))
            return 0

        lax.fori_loop(0, CK // 16, _att, 0)

        def _group(g, _):
            att = att_v[pl.ds(g * 16, 16)]
            ge0 = g * 16
            for e in range(16):
                attb = lax.gather(att, jnp.full((16, 1), e, jnp.int32), dn,
                                  (1,),
                                  mode=lax.GatherScatterMode.PROMISE_IN_BOUNDS)
                for k in range(D // 16):
                    kd = pl.ds(k * 16, 16)
                    srows_v[ge0 + e, kd] = rows_v[ge0 + e, kd] * attb
            return 0

        da.wait()
        lax.fori_loop(0, CK // 32, _group, 0)
        db.wait()
        lax.fori_loop(CK // 32, CK // 16, _group, 0)
        pltpu.sync_copy(srows_v, out_sh.at[pack_v.at[0]], add=True)
        return 0

    lax.fori_loop(0, NCH, _chunk, 0)
    plsc.subcore_barrier()
    pltpu.sync_copy(out_sh.at[pl.ds(base, NSLICE)],
                    out_hbm.at[cid, pl.ds(base, NSLICE)])


def _epilog_body(o2_ref, g_ref, b_ref, out_ref):
    s = (o2_ref[0, 0:N] + o2_ref[1, 0:N]) * 0.01
    col = lax.broadcasted_iota(jnp.int32, (N, D), 1)
    is0 = col == 0
    dm1 = float(D - 1)
    s0 = s[:, 0:1]
    mu = (jnp.sum(s, axis=1, keepdims=True) - s0) / dm1
    dev = jnp.where(is0, 0.0, s - mu)
    var = jnp.sum(dev * dev, axis=1, keepdims=True) / dm1
    tn = dev / jnp.sqrt(var + 1e-5) * g_ref[...] + b_ref[...]
    o = jnp.where(is0, 0.0, tn)
    x_norm = jnp.maximum(jnp.sqrt(jnp.sum(o * o, axis=1, keepdims=True)), MIN_NORM)
    th = x_norm / SQRTK
    e = jnp.exp(th)
    ei = 1.0 / e
    ch = 0.5 * (e + ei)
    sh = 0.5 * (e - ei)
    res = jnp.where(is0, SQRTK * ch, SQRTK * sh * o / x_norm)
    yp = jnp.where(is0, 0.0, res)
    y_sq = jnp.sum(yp * yp, axis=1, keepdims=True)
    r0 = jnp.sqrt(jnp.maximum(K_CURV + y_sq, EPS))
    p = jnp.where(is0, 0.0, SQRTK * res / (r0 + SQRTK))
    p = p / (1.0 + jnp.exp(-p))
    sqn = jnp.sum(p * p, axis=1, keepdims=True)
    inv = SQRTK / (K_CURV - sqn)
    out_ref[...] = jnp.where(is0, (K_CURV + sqn) * inv, (2.0 * SQRTK) * p * inv)


@functools.lru_cache(maxsize=1)
def _make_edge_kernel():
    return pl.kernel(
        _edge_body,
        out_type=jax.ShapeDtypeStruct((NC, N_PAD, D), jnp.float32),
        mesh=plsc.VectorSubcoreMesh(core_axis_name="c", subcore_axis_name="s",
                                    num_cores=NC, num_subcores=NS),
        compiler_params=pltpu.CompilerParams(needs_layout_passes=False),
        scratch_types=[
            pltpu.VMEM((4, CK), jnp.int32),
            pltpu.VMEM((CK,), jnp.float32),
            pltpu.VMEM((CK,), jnp.float32),
            pltpu.VMEM((CK,), jnp.float32),
            pltpu.VMEM((CK, D), jnp.float32),
            pltpu.VMEM((CK, D), jnp.float32),
            pltpu.VMEM_SHARED((N_PAD, D), jnp.float32),
            pltpu.SemaphoreType.DMA,
            pltpu.SemaphoreType.DMA,
            pltpu.SemaphoreType.DMA,
        ],
    )


def kernel(h, distances, edges, node_mask, edge_mask, W, Watt, batt, gamma, beta):
    f32 = jnp.float32
    wa = Watt[:, 0:D].astype(f32)
    wb = Watt[:, D:2 * D].astype(f32)
    wc = Watt[0, 2 * D]
    hw, aro, acl = pl.pallas_call(
        _prolog_body,
        out_shape=[
            jax.ShapeDtypeStruct((N, D), f32),
            jax.ShapeDtypeStruct((N, 1), f32),
            jax.ShapeDtypeStruct((N, 1), f32),
        ],
    )(h, W, wa, wb)

    pad = E_PAD - E
    row = jnp.pad(edges[0], (0, pad))
    col = jnp.pad(edges[1], (0, pad))
    dall = jnp.pad(distances[:, 0] * wc + batt[0], (0, pad))
    em = jnp.pad(edge_mask[:, 0], (0, pad))
    pack = jnp.stack([row, col,
                      lax.bitcast_convert_type(dall, jnp.int32),
                      lax.bitcast_convert_type(em, jnp.int32)])
    pack = pack.reshape(4, NCHT, CK).transpose(1, 0, 2)

    out2 = _make_edge_kernel()(hw, aro.reshape(N), acl.reshape(N), pack)

    gp = jnp.concatenate([jnp.zeros((1, 1), f32), gamma.reshape(1, D - 1)], axis=1)
    bp = jnp.concatenate([jnp.zeros((1, 1), f32), beta.reshape(1, D - 1)], axis=1)
    out = pl.pallas_call(
        _epilog_body,
        out_shape=jax.ShapeDtypeStruct((N, D), f32),
    )(out2, gp, bp)
    return (out, distances, edges, node_mask, edge_mask)

# --- scband reference (transcript-rebuilt; emitter-appended) ---
"""Pipeline reference for scband-hgnlayer-76038101008915 (READ-ONLY COPY).

The authoritative reference and input builder live on the scoring server;
editing this copy changes nothing except your own understanding.
"""

import jax, jax.numpy as jnp
import numpy as np

N = 10000
E = 320000
DIN = 128
DOUT = 128
C = 1.0
EPS = 1e-7
MIN_NORM = 1e-15


def setup_inputs(seed: int = 0) -> dict:
    key = jax.random.key(seed)
    ks = jax.random.split(key, 8)
    h = jax.random.normal(ks[0], (N, DIN), dtype=jnp.float32)
    distances = jax.random.uniform(ks[1], (E, 1), dtype=jnp.float32)
    edges = jax.random.randint(ks[2], (2, E), 0, N).astype(jnp.int32)
    node_mask = jnp.ones((N, 1), dtype=jnp.float32)
    edge_mask = jnp.ones((E, 1), dtype=jnp.float32)
    W = jax.random.normal(ks[3], (DOUT, DIN), dtype=jnp.float32) * (1.0 / np.sqrt(DIN))
    Watt = jax.random.normal(ks[4], (1, 2 * DOUT + 1), dtype=jnp.float32) * (1.0 / np.sqrt(2 * DOUT + 1))
    batt = jnp.zeros((1,), dtype=jnp.float32)
    gamma = jnp.ones((DOUT - 1,), dtype=jnp.float32)
    beta = jnp.zeros((DOUT - 1,), dtype=jnp.float32)
    return {"h": h, "distances": distances, "edges": edges, "node_mask": node_mask,
            "edge_mask": edge_mask, "W": W, "Watt": Watt, "batt": batt,
            "gamma": gamma, "beta": beta}


def _hgn_forward(h, distances, edges, edge_mask, W, Watt, batt, gamma, beta):
    K = 1.0 / C
    sqrtK = K ** 0.5
    # Hyperboloid.logmap0
    y = h[:, 1:]
    y_norm = jnp.clip(jnp.linalg.norm(y, axis=-1, keepdims=True), MIN_NORM, None)
    theta = jnp.clip(h[:, 0:1] / sqrtK, 1.0 + EPS, None)
    arcosh = jnp.log(theta + jnp.sqrt(jnp.clip(theta * theta - 1.0, MIN_NORM, None)))
    u = jnp.concatenate([jnp.zeros_like(h[:, 0:1]), sqrtK * arcosh * y / y_norm], axis=-1)
    # linear (no bias)
    hw = u @ W.T
    row = edges[0]
    col = edges[1]
    h_row = jnp.take(hw, row, axis=0)
    h_col = jnp.take(hw, col, axis=0)
    # DenseAtt: linear(2*d + edge_dim -> 1) + sigmoid, masked by edge_mask
    x_cat = jnp.concatenate([h_row, h_col, distances], axis=1)
    att = jax.nn.sigmoid(x_cat @ Watt.T + batt) * edge_mask
    h_col = h_col * att
    # unsorted_segment_sum with 'sum' aggregation (divide by normalization_factor=100)
    out = jax.ops.segment_sum(h_col, row, num_segments=hw.shape[0]) / 100.0
    # LayerNorm on out[..., 1:]
    t = out[:, 1:]
    mu = jnp.mean(t, axis=-1, keepdims=True)
    var = jnp.var(t, axis=-1, keepdims=True)
    t = (t - mu) / jnp.sqrt(var + 1e-5) * gamma + beta
    out = jnp.concatenate([out[:, 0:1], t], axis=-1)
    # proj_tan0: zero the first (time) coordinate
    out = jnp.concatenate([jnp.zeros_like(out[:, 0:1]), out[:, 1:]], axis=-1)
    # expmap0
    x = out[:, 1:]
    x_norm = jnp.clip(jnp.linalg.norm(x, axis=-1, keepdims=True), MIN_NORM, None)
    th = x_norm / sqrtK
    res0 = sqrtK * jnp.cosh(th)
    rest = sqrtK * jnp.sinh(th) * x / x_norm
    res = jnp.concatenate([res0, rest], axis=-1)
    # proj onto hyperboloid
    yp = res[:, 1:]
    y_sq = jnp.sum(yp * yp, axis=-1, keepdims=True)
    res = jnp.concatenate([jnp.sqrt(jnp.clip(K + y_sq, EPS, None)), yp], axis=-1)
    # to_poincare
    p = sqrtK * res[:, 1:] / (res[:, 0:1] + sqrtK)
    # act = SiLU
    p = p * jax.nn.sigmoid(p)
    # PoincareBall.to_hyperboloid
    sqn = jnp.sum(p * p, axis=1, keepdims=True)
    out = sqrtK * jnp.concatenate([K + sqn, 2.0 * sqrtK * p], axis=1) / (K - sqn)
    return out


def reference(h, distances, edges, node_mask, edge_mask, W, Watt, batt, gamma, beta):
    out = _hgn_forward(h, distances, edges, edge_mask, W, Watt, batt, gamma, beta)
    return (out, distances, edges, node_mask, edge_mask)

if __name__ == "__main__":
    import jax
    _d = setup_inputs()
    print(jax.jit(kernel)(*tuple(_d.values())))

</pallas_src>

<mosaic_0001>
#map = affine_map<(d0, d1) -> (0, 0)>
#map1 = affine_map<(d0, d1) -> (0)>
#map2 = affine_map<(d0, d1) -> (0, 0, 0)>
module attributes {stable_mosaic.version = 14 : i64} {
  func.func @_edge_body(%arg0: i32, %arg1: i32, %arg2: memref<10000x128xf32, #tpu.memory_space<hbm>>, %arg3: memref<10000xf32, #tpu.memory_space<hbm>>, %arg4: memref<10000xf32, #tpu.memory_space<hbm>>, %arg5: memref<2528x4x128xi32, #tpu.memory_space<hbm>>, %arg6: memref<2x10240x128xf32, #tpu.memory_space<hbm>>, %arg7: memref<4x128xi32, #tpu.memory_space<vmem>>, %arg8: memref<128xf32, #tpu.memory_space<vmem>>, %arg9: memref<128xf32, #tpu.memory_space<vmem>>, %arg10: memref<128xf32, #tpu.memory_space<vmem>>, %arg11: memref<128x128xf32, #tpu.memory_space<vmem>>, %arg12: memref<128x128xf32, #tpu.memory_space<vmem>>, %arg13: memref<10240x128xf32, #tpu.memory_space<vmem_shared>>, %arg14: memref<!tpu.dma_semaphore, #tpu.memory_space<semaphore_mem>>, %arg15: memref<!tpu.dma_semaphore, #tpu.memory_space<semaphore_mem>>, %arg16: memref<!tpu.dma_semaphore, #tpu.memory_space<semaphore_mem>>) attributes {dimension_semantics = [#tpu.dimension_semantics<core_parallel>, #tpu.dimension_semantics<subcore_parallel>], iteration_bounds = array<i64: 2, 16>, scalar_prefetch = 0 : i64, scratch_operands = 10 : i64, tpu.core_type = #tpu.core_type<sc_vector_subcore>, window_params = [{transform_indices = #map}, {transform_indices = #map1}, {transform_indices = #map1}, {transform_indices = #map2}, {transform_indices = #map2}]} {
    %broadcast_in_dim3A = arith.constant 0.000000e+00 : f32
    %broadcast_in_dim3A_0 = vector.broadcast %broadcast_in_dim3A : f32 to vector<16xf32>
    %scan3A = arith.constant 0 : i32
    %scan3A_1 = arith.constant 0 : i32
    %scan3A_2 = arith.constant 128 : i32
    %scan3A_3 = arith.addi %scan3A_1, %scan3A_2 : i32
    %scan3A_4 = arith.constant 1 : i32
    %scan3A_5 = scf.for %scan3A_28 = %scan3A_1 to %scan3A_3 step %scan3A_4 iter_args(%scan3A_29 = %scan3A) -> (i32)  : i32 {
      %swap3A = arith.index_cast %scan3A_28 : i32 to index
      %swap3A_30 = arith.constant 0 : index
      %swap3A_31 = tpu.vector_load %arg11[%swap3A, %swap3A_30] {strides = array<i32>} : memref<128x128xf32, #tpu.memory_space<vmem>>, vector<16xf32>,
      tpu.vector_store %arg11[%swap3A, %swap3A_30], %broadcast_in_dim3A_0 {strides = array<i32>} : memref<128x128xf32, #tpu.memory_space<vmem>>, vector<16xf32>,
      %swap3A_32 = arith.index_cast %scan3A_28 : i32 to index
      %swap3A_33 = arith.constant 16 : index
      %swap3A_34 = tpu.vector_load %arg11[%swap3A_32, %swap3A_33] {strides = array<i32>} : memref<128x128xf32, #tpu.memory_space<vmem>>, vector<16xf32>,
      tpu.vector_store %arg11[%swap3A_32, %swap3A_33], %broadcast_in_dim3A_0 {strides = array<i32>} : memref<128x128xf32, #tpu.memory_space<vmem>>, vector<16xf32>,
      %swap3A_35 = arith.index_cast %scan3A_28 : i32 to index
      %swap3A_36 = arith.constant 32 : index
      %swap3A_37 = tpu.vector_load %arg11[%swap3A_35, %swap3A_36] {strides = array<i32>} : memref<128x128xf32, #tpu.memory_space<vmem>>, vector<16xf32>,
      tpu.vector_store %arg11[%swap3A_35, %swap3A_36], %broadcast_in_dim3A_0 {strides = array<i32>} : memref<128x128xf32, #tpu.memory_space<vmem>>, vector<16xf32>,
      %swap3A_38 = arith.index_cast %scan3A_28 : i32 to index
      %swap3A_39 = arith.constant 48 : index
      %swap3A_40 = tpu.vector_load %arg11[%swap3A_38, %swap3A_39] {strides = array<i32>} : memref<128x128xf32, #tpu.memory_space<vmem>>, vector<16xf32>,
      tpu.vector_store %arg11[%swap3A_38, %swap3A_39], %broadcast_in_dim3A_0 {strides = array<i32>} : memref<128x128xf32, #tpu.memory_space<vmem>>, vector<16xf32>,
      %swap3A_41 = arith.index_cast %scan3A_28 : i32 to index
      %swap3A_42 = arith.constant 64 : index
      %swap3A_43 = tpu.vector_load %arg11[%swap3A_41, %swap3A_42] {strides = array<i32>} : memref<128x128xf32, #tpu.memory_space<vmem>>, vector<16xf32>,
      tpu.vector_store %arg11[%swap3A_41, %swap3A_42], %broadcast_in_dim3A_0 {strides = array<i32>} : memref<128x128xf32, #tpu.memory_space<vmem>>, vector<16xf32>,
      %swap3A_44 = arith.index_cast %scan3A_28 : i32 to index
      %swap3A_45 = arith.constant 80 : index
      %swap3A_46 = tpu.vector_load %arg11[%swap3A_44, %swap3A_45] {strides = array<i32>} : memref<128x128xf32, #tpu.memory_space<vmem>>, vector<16xf32>,
      tpu.vector_store %arg11[%swap3A_44, %swap3A_45], %broadcast_in_dim3A_0 {strides = array<i32>} : memref<128x128xf32, #tpu.memory_space<vmem>>, vector<16xf32>,
      %swap3A_47 = arith.index_cast %scan3A_28 : i32 to index
      %swap3A_48 = arith.constant 96 : index
      %swap3A_49 = tpu.vector_load %arg11[%swap3A_47, %swap3A_48] {strides = array<i32>} : memref<128x128xf32, #tpu.memory_space<vmem>>, vector<16xf32>,
      tpu.vector_store %arg11[%swap3A_47, %swap3A_48], %broadcast_in_dim3A_0 {strides = array<i32>} : memref<128x128xf32, #tpu.memory_space<vmem>>, vector<16xf32>,
      %swap3A_50 = arith.index_cast %scan3A_28 : i32 to index
      %swap3A_51 = arith.constant 112 : index
      %swap3A_52 = tpu.vector_load %arg11[%swap3A_50, %swap3A_51] {strides = array<i32>} : memref<128x128xf32, #tpu.memory_space<vmem>>, vector<16xf32>,
      tpu.vector_store %arg11[%swap3A_50, %swap3A_51], %broadcast_in_dim3A_0 {strides = array<i32>} : memref<128x128xf32, #tpu.memory_space<vmem>>, vector<16xf32>,
      %scan3A_53 = arith.constant 0 : i32
      scf.yield %scan3A_53 : i32
    }
    %scan3A_6 = arith.constant 128 : i32
    %mul3A = arith.constant 640 : i32
    %mul3A_7 = arith.muli %arg1, %mul3A : i32
    %add3A = arith.constant 0 : i32
    %add3A_8 = arith.addi %mul3A_7, %add3A : i32
    "tpu.region"() ({
      %run_scoped3A = tpu.sem_alloc : memref<!tpu.dma_semaphore, #tpu.memory_space<semaphore_mem>>
      %dma_start3A = arith.constant 0 : i32
      %dma_start3A_28 = tpu.memref_slice %arg13[%add3A_8, %dma_start3A] : memref<10240x128xf32, #tpu.memory_space<vmem_shared>> -> memref<128x128xf32, #tpu.memory_space<vmem_shared>>
      %dma_start3A_29 = arith.constant 0 : i32
      %dma_start3A_30 = tpu.memref_slice %arg13[%add3A_8, %dma_start3A_29] : memref<10240x128xf32, #tpu.memory_space<vmem_shared>> -> memref<128x128xf32, #tpu.memory_space<vmem_shared>>
      tpu.enqueue_dma source(%arg11 : memref<128x128xf32, #tpu.memory_space<vmem>>) target(%dma_start3A_30 : memref<128x128xf32, #tpu.memory_space<vmem_shared>>) target_semaphore(%run_scoped3A : memref<!tpu.dma_semaphore, #tpu.memory_space<semaphore_mem>>)
      %dma_wait3A = arith.constant 0 : i32
      %dma_wait3A_31 = tpu.memref_slice %arg13[%add3A_8, %dma_wait3A] : memref<10240x128xf32, #tpu.memory_space<vmem_shared>> -> memref<128x128xf32, #tpu.memory_space<vmem_shared>>
      %dma_wait3A_32 = arith.constant 0 : i32
      %dma_wait3A_33 = tpu.memref_slice %arg13[%add3A_8, %dma_wait3A_32] : memref<10240x128xf32, #tpu.memory_space<vmem_shared>> -> memref<128x128xf32, #tpu.memory_space<vmem_shared>>
      tpu.wait_dma2 semaphore(%run_scoped3A : memref<!tpu.dma_semaphore, #tpu.memory_space<semaphore_mem>>) src(%arg11 : memref<128x128xf32, #tpu.memory_space<vmem>>) dst(%dma_wait3A_33 : memref<128x128xf32, #tpu.memory_space<vmem_shared>>)
      tpu.yield
    }) : () -> ()
    %add3A_9 = arith.constant 128 : i32
    %add3A_10 = arith.addi %mul3A_7, %add3A_9 : i32
    "tpu.region"() ({
      %run_scoped3A = tpu.sem_alloc : memref<!tpu.dma_semaphore, #tpu.memory_space<semaphore_mem>>
      %dma_start3A = arith.constant 0 : i32
      %dma_start3A_28 = tpu.memref_slice %arg13[%add3A_10, %dma_start3A] : memref<10240x128xf32, #tpu.memory_space<vmem_shared>> -> memref<128x128xf32, #tpu.memory_space<vmem_shared>>
      %dma_start3A_29 = arith.constant 0 : i32
      %dma_start3A_30 = tpu.memref_slice %arg13[%add3A_10, %dma_start3A_29] : memref<10240x128xf32, #tpu.memory_space<vmem_shared>> -> memref<128x128xf32, #tpu.memory_space<vmem_shared>>
      tpu.enqueue_dma source(%arg11 : memref<128x128xf32, #tpu.memory_space<vmem>>) target(%dma_start3A_30 : memref<128x128xf32, #tpu.memory_space<vmem_shared>>) target_semaphore(%run_scoped3A : memref<!tpu.dma_semaphore, #tpu.memory_space<semaphore_mem>>)
      %dma_wait3A = arith.constant 0 : i32
      %dma_wait3A_31 = tpu.memref_slice %arg13[%add3A_10, %dma_wait3A] : memref<10240x128xf32, #tpu.memory_space<vmem_shared>> -> memref<128x128xf32, #tpu.memory_space<vmem_shared>>
      %dma_wait3A_32 = arith.constant 0 : i32
      %dma_wait3A_33 = tpu.memref_slice %arg13[%add3A_10, %dma_wait3A_32] : memref<10240x128xf32, #tpu.memory_space<vmem_shared>> -> memref<128x128xf32, #tpu.memory_space<vmem_shared>>
      tpu.wait_dma2 semaphore(%run_scoped3A : memref<!tpu.dma_semaphore, #tpu.memory_space<semaphore_mem>>) src(%arg11 : memref<128x128xf32, #tpu.memory_space<vmem>>) dst(%dma_wait3A_33 : memref<128x128xf32, #tpu.memory_space<vmem_shared>>)
      tpu.yield
    }) : () -> ()
    %add3A_11 = arith.constant 256 : i32
    %add3A_12 = arith.addi %mul3A_7, %add3A_11 : i32
    "tpu.region"() ({
      %run_scoped3A = tpu.sem_alloc : memref<!tpu.dma_semaphore, #tpu.memory_space<semaphore_mem>>
      %dma_start3A = arith.constant 0 : i32
      %dma_start3A_28 = tpu.memref_slice %arg13[%add3A_12, %dma_start3A] : memref<10240x128xf32, #tpu.memory_space<vmem_shared>> -> memref<128x128xf32, #tpu.memory_space<vmem_shared>>
      %dma_start3A_29 = arith.constant 0 : i32
      %dma_start3A_30 = tpu.memref_slice %arg13[%add3A_12, %dma_start3A_29] : memref<10240x128xf32, #tpu.memory_space<vmem_shared>> -> memref<128x128xf32, #tpu.memory_space<vmem_shared>>
      tpu.enqueue_dma source(%arg11 : memref<128x128xf32, #tpu.memory_space<vmem>>) target(%dma_start3A_30 : memref<128x128xf32, #tpu.memory_space<vmem_shared>>) target_semaphore(%run_scoped3A : memref<!tpu.dma_semaphore, #tpu.memory_space<semaphore_mem>>)
      %dma_wait3A = arith.constant 0 : i32
      %dma_wait3A_31 = tpu.memref_slice %arg13[%add3A_12, %dma_wait3A] : memref<10240x128xf32, #tpu.memory_space<vmem_shared>> -> memref<128x128xf32, #tpu.memory_space<vmem_shared>>
      %dma_wait3A_32 = arith.constant 0 : i32
      %dma_wait3A_33 = tpu.memref_slice %arg13[%add3A_12, %dma_wait3A_32] : memref<10240x128xf32, #tpu.memory_space<vmem_shared>> -> memref<128x128xf32, #tpu.memory_space<vmem_shared>>
      tpu.wait_dma2 semaphore(%run_scoped3A : memref<!tpu.dma_semaphore, #tpu.memory_space<semaphore_mem>>) src(%arg11 : memref<128x128xf32, #tpu.memory_space<vmem>>) dst(%dma_wait3A_33 : memref<128x128xf32, #tpu.memory_space<vmem_shared>>)
      tpu.yield
    }) : () -> ()
    %add3A_13 = arith.constant 384 : i32
    %add3A_14 = arith.addi %mul3A_7, %add3A_13 : i32
    "tpu.region"() ({
      %run_scoped3A = tpu.sem_alloc : memref<!tpu.dma_semaphore, #tpu.memory_space<semaphore_mem>>
      %dma_start3A = arith.constant 0 : i32
      %dma_start3A_28 = tpu.memref_slice %arg13[%add3A_14, %dma_start3A] : memref<10240x128xf32, #tpu.memory_space<vmem_shared>> -> memref<128x128xf32, #tpu.memory_space<vmem_shared>>
      %dma_start3A_29 = arith.constant 0 : i32
      %dma_start3A_30 = tpu.memref_slice %arg13[%add3A_14, %dma_start3A_29] : memref<10240x128xf32, #tpu.memory_space<vmem_shared>> -> memref<128x128xf32, #tpu.memory_space<vmem_shared>>
      tpu.enqueue_dma source(%arg11 : memref<128x128xf32, #tpu.memory_space<vmem>>) target(%dma_start3A_30 : memref<128x128xf32, #tpu.memory_space<vmem_shared>>) target_semaphore(%run_scoped3A : memref<!tpu.dma_semaphore, #tpu.memory_space<semaphore_mem>>)
      %dma_wait3A = arith.constant 0 : i32
      %dma_wait3A_31 = tpu.memref_slice %arg13[%add3A_14, %dma_wait3A] : memref<10240x128xf32, #tpu.memory_space<vmem_shared>> -> memref<128x128xf32, #tpu.memory_space<vmem_shared>>
      %dma_wait3A_32 = arith.constant 0 : i32
      %dma_wait3A_33 = tpu.memref_slice %arg13[%add3A_14, %dma_wait3A_32] : memref<10240x128xf32, #tpu.memory_space<vmem_shared>> -> memref<128x128xf32, #tpu.memory_space<vmem_shared>>
      tpu.wait_dma2 semaphore(%run_scoped3A : memref<!tpu.dma_semaphore, #tpu.memory_space<semaphore_mem>>) src(%arg11 : memref<128x128xf32, #tpu.memory_space<vmem>>) dst(%dma_wait3A_33 : memref<128x128xf32, #tpu.memory_space<vmem_shared>>)
      tpu.yield
    }) : () -> ()
    %add3A_15 = arith.constant 512 : i32
    %add3A_16 = arith.addi %mul3A_7, %add3A_15 : i32
    "tpu.region"() ({
      %run_scoped3A = tpu.sem_alloc : memref<!tpu.dma_semaphore, #tpu.memory_space<semaphore_mem>>
      %dma_start3A = arith.constant 0 : i32
      %dma_start3A_28 = tpu.memref_slice %arg13[%add3A_16, %dma_start3A] : memref<10240x128xf32, #tpu.memory_space<vmem_shared>> -> memref<128x128xf32, #tpu.memory_space<vmem_shared>>
      %dma_start3A_29 = arith.constant 0 : i32
      %dma_start3A_30 = tpu.memref_slice %arg13[%add3A_16, %dma_start3A_29] : memref<10240x128xf32, #tpu.memory_space<vmem_shared>> -> memref<128x128xf32, #tpu.memory_space<vmem_shared>>
      tpu.enqueue_dma source(%arg11 : memref<128x128xf32, #tpu.memory_space<vmem>>) target(%dma_start3A_30 : memref<128x128xf32, #tpu.memory_space<vmem_shared>>) target_semaphore(%run_scoped3A : memref<!tpu.dma_semaphore, #tpu.memory_space<semaphore_mem>>)
      %dma_wait3A = arith.constant 0 : i32
      %dma_wait3A_31 = tpu.memref_slice %arg13[%add3A_16, %dma_wait3A] : memref<10240x128xf32, #tpu.memory_space<vmem_shared>> -> memref<128x128xf32, #tpu.memory_space<vmem_shared>>
      %dma_wait3A_32 = arith.constant 0 : i32
      %dma_wait3A_33 = tpu.memref_slice %arg13[%add3A_16, %dma_wait3A_32] : memref<10240x128xf32, #tpu.memory_space<vmem_shared>> -> memref<128x128xf32, #tpu.memory_space<vmem_shared>>
      tpu.wait_dma2 semaphore(%run_scoped3A : memref<!tpu.dma_semaphore, #tpu.memory_space<semaphore_mem>>) src(%arg11 : memref<128x128xf32, #tpu.memory_space<vmem>>) dst(%dma_wait3A_33 : memref<128x128xf32, #tpu.memory_space<vmem_shared>>)
      tpu.yield
    }) : () -> ()
    %barrier3A = arith.constant 0 : index
    tpu.barrier barrier_id(%barrier3A)
    %mul3A_17 = arith.constant 16 : i32
    %mul3A_18 = arith.muli %arg0, %mul3A_17 : i32
    %add3A_19 = arith.addi %mul3A_18, %arg1 : i32
    %scan3A_20 = arith.constant 0 : i32
    %scan3A_21 = arith.constant 0 : i32
    %scan3A_22 = arith.constant 79 : i32
    %scan3A_23 = arith.addi %scan3A_21, %scan3A_22 : i32
    %scan3A_24 = arith.constant 1 : i32
    %scan3A_25 = scf.for %scan3A_28 = %scan3A_21 to %scan3A_23 step %scan3A_24 iter_args(%scan3A_29 = %scan3A_20) -> (i32)  : i32 {
      %mul3A_30 = arith.constant 79 : i32
      %mul3A_31 = arith.muli %add3A_19, %mul3A_30 : i32
      %add3A_32 = arith.addi %mul3A_31, %scan3A_28 : i32
      "tpu.region"() ({
        %run_scoped3A_117 = tpu.sem_alloc : memref<!tpu.dma_semaphore, #tpu.memory_space<semaphore_mem>>
        %dma_start3A_118 = arith.constant 0 : i32
        %dma_start3A_119 = arith.constant 0 : i32
        %dma_start3A_120 = tpu.memref_slice %arg5[%add3A_32, %dma_start3A_118, %dma_start3A_119] : memref<2528x4x128xi32, #tpu.memory_space<hbm>> -> memref<1x4x128xi32, #tpu.memory_space<hbm>>
        %dma_start3A_121 = tpu.memref_squeeze %dma_start3A_120 : memref<1x4x128xi32, #tpu.memory_space<hbm>> -> memref<4x128xi32, #tpu.memory_space<hbm>>
        %dma_start3A_122 = arith.constant 0 : i32
        %dma_start3A_123 = arith.constant 0 : i32
        %dma_start3A_124 = tpu.memref_slice %arg5[%add3A_32, %dma_start3A_122, %dma_start3A_123] : memref<2528x4x128xi32, #tpu.memory_space<hbm>> -> memref<1x4x128xi32, #tpu.memory_space<hbm>>
        %dma_start3A_125 = tpu.memref_squeeze %dma_start3A_124 : memref<1x4x128xi32, #tpu.memory_space<hbm>> -> memref<4x128xi32, #tpu.memory_space<hbm>>
        tpu.enqueue_dma source(%dma_start3A_125 : memref<4x128xi32, #tpu.memory_space<hbm>>) target(%arg7 : memref<4x128xi32, #tpu.memory_space<vmem>>) target_semaphore(%run_scoped3A_117 : memref<!tpu.dma_semaphore, #tpu.memory_space<semaphore_mem>>)
        %dma_wait3A_126 = arith.constant 0 : i32
        %dma_wait3A_127 = arith.constant 0 : i32
        %dma_wait3A_128 = tpu.memref_slice %arg5[%add3A_32, %dma_wait3A_126, %dma_wait3A_127] : memref<2528x4x128xi32, #tpu.memory_space<hbm>> -> memref<1x4x128xi32, #tpu.memory_space<hbm>>
        %dma_wait3A_129 = tpu.memref_squeeze %dma_wait3A_128 : memref<1x4x128xi32, #tpu.memory_space<hbm>> -> memref<4x128xi32, #tpu.memory_space<hbm>>
        %dma_wait3A_130 = arith.constant 0 : i32
        %dma_wait3A_131 = arith.constant 0 : i32
        %dma_wait3A_132 = tpu.memref_slice %arg5[%add3A_32, %dma_wait3A_130, %dma_wait3A_131] : memref<2528x4x128xi32, #tpu.memory_space<hbm>> -> memref<1x4x128xi32, #tpu.memory_space<hbm>>
        %dma_wait3A_133 = tpu.memref_squeeze %dma_wait3A_132 : memref<1x4x128xi32, #tpu.memory_space<hbm>> -> memref<4x128xi32, #tpu.memory_space<hbm>>
        tpu.wait_dma2 semaphore(%run_scoped3A_117 : memref<!tpu.dma_semaphore, #tpu.memory_space<semaphore_mem>>) src(%dma_wait3A_133 : memref<4x128xi32, #tpu.memory_space<hbm>>) dst(%arg7 : memref<4x128xi32, #tpu.memory_space<vmem>>)
        tpu.yield
      }) : () -> ()
      %dma_start3A = arith.constant 1 : i32
      %dma_start3A_33 = arith.constant 0 : i32
      %dma_start3A_34 = arith.constant 0 : i32
      %dma_start3A_35 = tpu.memref_slice %arg11[%dma_start3A_33, %dma_start3A_34] : memref<128x128xf32, #tpu.memory_space<vmem>> -> memref<64x128xf32, #tpu.memory_space<vmem>>
      %dma_start3A_36 = arith.constant 0 : i32
      %dma_start3A_37 = tpu.memref_slice %arg7[%dma_start3A, %dma_start3A_36] : memref<4x128xi32, #tpu.memory_space<vmem>> -> memref<1x64xi32, #tpu.memory_space<vmem>>
      %dma_start3A_38 = tpu.memref_squeeze %dma_start3A_37 : memref<1x64xi32, #tpu.memory_space<vmem>> -> memref<64xi32, #tpu.memory_space<vmem>>
      %dma_start3A_39 = arith.constant 0 : i32
      %dma_start3A_40 = arith.constant 0 : i32
      %dma_start3A_41 = tpu.memref_slice %arg2[%dma_start3A_39, %dma_start3A_40] : memref<10000x128xf32, #tpu.memory_space<hbm>> -> memref<10000x128xf32, #tpu.memory_space<hbm>>
      tpu.enqueue_indirect_dma source(%dma_start3A_41 : memref<10000x128xf32, #tpu.memory_space<hbm>>) target(%dma_start3A_35 : memref<64x128xf32, #tpu.memory_space<vmem>>) offsets(%dma_start3A_38 : memref<64xi32, #tpu.memory_space<vmem>>) semaphore(%arg15 : memref<!tpu.dma_semaphore, #tpu.memory_space<semaphore_mem>>)
      %dma_start3A_42 = arith.constant 1 : i32
      %dma_start3A_43 = arith.constant 64 : i32
      %dma_start3A_44 = arith.constant 0 : i32
      %dma_start3A_45 = tpu.memref_slice %arg11[%dma_start3A_43, %dma_start3A_44] : memref<128x128xf32, #tpu.memory_space<vmem>> -> memref<64x128xf32, #tpu.memory_space<vmem>>
      %dma_start3A_46 = arith.constant 64 : i32
      %dma_start3A_47 = tpu.memref_slice %arg7[%dma_start3A_42, %dma_start3A_46] : memref<4x128xi32, #tpu.memory_space<vmem>> -> memref<1x64xi32, #tpu.memory_space<vmem>>
      %dma_start3A_48 = tpu.memref_squeeze %dma_start3A_47 : memref<1x64xi32, #tpu.memory_space<vmem>> -> memref<64xi32, #tpu.memory_space<vmem>>
      %dma_start3A_49 = arith.constant 0 : i32
      %dma_start3A_50 = arith.constant 0 : i32
      %dma_start3A_51 = tpu.memref_slice %arg2[%dma_start3A_49, %dma_start3A_50] : memref<10000x128xf32, #tpu.memory_space<hbm>> -> memref<10000x128xf32, #tpu.memory_space<hbm>>
      tpu.enqueue_indirect_dma source(%dma_start3A_51 : memref<10000x128xf32, #tpu.memory_space<hbm>>) target(%dma_start3A_45 : memref<64x128xf32, #tpu.memory_space<vmem>>) offsets(%dma_start3A_48 : memref<64xi32, #tpu.memory_space<vmem>>) semaphore(%arg16 : memref<!tpu.dma_semaphore, #tpu.memory_space<semaphore_mem>>)
      %dma_start3A_52 = arith.constant 0 : i32
      %dma_start3A_53 = arith.constant 0 : i32
      %dma_start3A_54 = tpu.memref_slice %arg7[%dma_start3A_52, %dma_start3A_53] : memref<4x128xi32, #tpu.memory_space<vmem>> -> memref<1x128xi32, #tpu.memory_space<vmem>>
      %dma_start3A_55 = tpu.memref_squeeze %dma_start3A_54 : memref<1x128xi32, #tpu.memory_space<vmem>> -> memref<128xi32, #tpu.memory_space<vmem>>
      %dma_start3A_56 = arith.constant 0 : i32
      %dma_start3A_57 = tpu.memref_slice %arg3[%dma_start3A_56] : memref<10000xf32, #tpu.memory_space<hbm>> -> memref<10000xf32, #tpu.memory_space<hbm>>
      tpu.enqueue_indirect_dma source(%dma_start3A_57 : memref<10000xf32, #tpu.memory_space<hbm>>) target(%arg8 : memref<128xf32, #tpu.memory_space<vmem>>) offsets(%dma_start3A_55 : memref<128xi32, #tpu.memory_space<vmem>>) semaphore(%arg14 : memref<!tpu.dma_semaphore, #tpu.memory_space<semaphore_mem>>)
      %dma_start3A_58 = arith.constant 1 : i32
      %dma_start3A_59 = arith.constant 0 : i32
      %dma_start3A_60 = tpu.memref_slice %arg7[%dma_start3A_58, %dma_start3A_59] : memref<4x128xi32, #tpu.memory_space<vmem>> -> memref<1x128xi32, #tpu.memory_space<vmem>>
      %dma_start3A_61 = tpu.memref_squeeze %dma_start3A_60 : memref<1x128xi32, #tpu.memory_space<vmem>> -> memref<128xi32, #tpu.memory_space<vmem>>
      %dma_start3A_62 = arith.constant 0 : i32
      %dma_start3A_63 = tpu.memref_slice %arg4[%dma_start3A_62] : memref<10000xf32, #tpu.memory_space<hbm>> -> memref<10000xf32, #tpu.memory_space<hbm>>
      tpu.enqueue_indirect_dma source(%dma_start3A_63 : memref<10000xf32, #tpu.memory_space<hbm>>) target(%arg9 : memref<128xf32, #tpu.memory_space<vmem>>) offsets(%dma_start3A_61 : memref<128xi32, #tpu.memory_space<vmem>>) semaphore(%arg14 : memref<!tpu.dma_semaphore, #tpu.memory_space<semaphore_mem>>)
      %dma_wait3A = arith.constant 0 : i32
      %dma_wait3A_64 = arith.constant 0 : i32
      %dma_wait3A_65 = tpu.memref_slice %arg7[%dma_wait3A, %dma_wait3A_64] : memref<4x128xi32, #tpu.memory_space<vmem>> -> memref<1x128xi32, #tpu.memory_space<vmem>>
      %dma_wait3A_66 = tpu.memref_squeeze %dma_wait3A_65 : memref<1x128xi32, #tpu.memory_space<vmem>> -> memref<128xi32, #tpu.memory_space<vmem>>
      %dma_wait3A_67 = arith.constant 0 : i32
      %dma_wait3A_68 = tpu.memref_slice %arg3[%dma_wait3A_67] : memref<10000xf32, #tpu.memory_space<hbm>> -> memref<10000xf32, #tpu.memory_space<hbm>>
      tpu.wait_indirect_dma semaphore(%arg14 : memref<!tpu.dma_semaphore, #tpu.memory_space<semaphore_mem>>) src(%dma_wait3A_68 : memref<10000xf32, #tpu.memory_space<hbm>>) dst(%arg8 : memref<128xf32, #tpu.memory_space<vmem>>)
      %dma_wait3A_69 = arith.constant 1 : i32
      %dma_wait3A_70 = arith.constant 0 : i32
      %dma_wait3A_71 = tpu.memref_slice %arg7[%dma_wait3A_69, %dma_wait3A_70] : memref<4x128xi32, #tpu.memory_space<vmem>> -> memref<1x128xi32, #tpu.memory_space<vmem>>
      %dma_wait3A_72 = tpu.memref_squeeze %dma_wait3A_71 : memref<1x128xi32, #tpu.memory_space<vmem>> -> memref<128xi32, #tpu.memory_space<vmem>>
      %dma_wait3A_73 = arith.constant 0 : i32
      %dma_wait3A_74 = tpu.memref_slice %arg4[%dma_wait3A_73] : memref<10000xf32, #tpu.memory_space<hbm>> -> memref<10000xf32, #tpu.memory_space<hbm>>
      tpu.wait_indirect_dma semaphore(%arg14 : memref<!tpu.dma_semaphore, #tpu.memory_space<semaphore_mem>>) src(%dma_wait3A_74 : memref<10000xf32, #tpu.memory_space<hbm>>) dst(%arg9 : memref<128xf32, #tpu.memory_space<vmem>>)
      %scan3A_75 = arith.constant 0 : i32
      %scan3A_76 = arith.constant 0 : i32
      %scan3A_77 = arith.constant 8 : i32
      %scan3A_78 = arith.addi %scan3A_76, %scan3A_77 : i32
      %scan3A_79 = arith.constant 1 : i32
      %scan3A_80 = scf.for %scan3A_117 = %scan3A_76 to %scan3A_78 step %scan3A_79 iter_args(%scan3A_118 = %scan3A_75) -> (i32)  : i32 {
        %mul3A_119 = arith.constant 16 : i32
        %mul3A_120 = arith.muli %scan3A_117, %mul3A_119 : i32
        %get3A = arith.index_cast %mul3A_120 : i32 to index
        %get3A_121 = tpu.vector_load %arg8[%get3A] {strides = array<i32>} : memref<128xf32, #tpu.memory_space<vmem>>, vector<16xf32>,
        %get3A_122 = arith.index_cast %mul3A_120 : i32 to index
        %get3A_123 = tpu.vector_load %arg9[%get3A_122] {strides = array<i32>} : memref<128xf32, #tpu.memory_space<vmem>>, vector<16xf32>,
        %add3A_124 = arith.addf %get3A_121, %get3A_123 : vector<16xf32>
        %get3A_125 = arith.constant 2 : i32
        %get3A_126 = arith.index_cast %get3A_125 : i32 to index
        %get3A_127 = arith.index_cast %mul3A_120 : i32 to index
        %get3A_128 = tpu.vector_load %arg7[%get3A_126, %get3A_127] {strides = array<i32>} : memref<4x128xi32, #tpu.memory_space<vmem>>, vector<16xi32>,
        %bitcast3A = vector.bitcast %get3A_128 : vector<16xi32> to vector<16xf32>
        %add3A_129 = arith.addf %add3A_124, %bitcast3A : vector<16xf32>
        %get3A_130 = arith.constant 3 : i32
        %get3A_131 = arith.index_cast %get3A_130 : i32 to index
        %get3A_132 = arith.index_cast %mul3A_120 : i32 to index
        %get3A_133 = tpu.vector_load %arg7[%get3A_131, %get3A_132] {strides = array<i32>} : memref<4x128xi32, #tpu.memory_space<vmem>>, vector<16xi32>,
        %bitcast3A_134 = vector.bitcast %get3A_133 : vector<16xi32> to vector<16xf32>
        %neg3A = arith.constant 0.000000e+00 : f32
        %neg3A_135 = vector.broadcast %neg3A : f32 to vector<16xf32>
        %neg3A_136 = arith.subf %neg3A_135, %add3A_129 : vector<16xf32>
        %exp3A = math.exp %neg3A_136 : vector<16xf32>
        %add3A_137 = arith.constant 1.000000e+00 : f32
        %add3A_138 = vector.broadcast %add3A_137 : f32 to vector<16xf32>
        %add3A_139 = arith.addf %add3A_138, %exp3A : vector<16xf32>
        %div3A = arith.divf %bitcast3A_134, %add3A_139 : vector<16xf32>
        %swap3A = arith.index_cast %mul3A_120 : i32 to index
        %swap3A_140 = tpu.vector_load %arg10[%swap3A] {strides = array<i32>} : memref<128xf32, #tpu.memory_space<vmem>>, vector<16xf32>,
        tpu.vector_store %arg10[%swap3A], %div3A {strides = array<i32>} : memref<128xf32, #tpu.memory_space<vmem>>, vector<16xf32>,
        %scan3A_141 = arith.constant 0 : i32
        scf.yield %scan3A_141 : i32
      }
      %scan3A_81 = arith.constant 8 : i32
      %dma_wait3A_82 = arith.constant 1 : i32
      %dma_wait3A_83 = arith.constant 0 : i32
      %dma_wait3A_84 = arith.constant 0 : i32
      %dma_wait3A_85 = tpu.memref_slice %arg11[%dma_wait3A_83, %dma_wait3A_84] : memref<128x128xf32, #tpu.memory_space<vmem>> -> memref<64x128xf32, #tpu.memory_space<vmem>>
      %dma_wait3A_86 = arith.constant 0 : i32
      %dma_wait3A_87 = tpu.memref_slice %arg7[%dma_wait3A_82, %dma_wait3A_86] : memref<4x128xi32, #tpu.memory_space<vmem>> -> memref<1x64xi32, #tpu.memory_space<vmem>>
      %dma_wait3A_88 = tpu.memref_squeeze %dma_wait3A_87 : memref<1x64xi32, #tpu.memory_space<vmem>> -> memref<64xi32, #tpu.memory_space<vmem>>
      %dma_wait3A_89 = arith.constant 0 : i32
      %dma_wait3A_90 = arith.constant 0 : i32
      %dma_wait3A_91 = tpu.memref_slice %arg2[%dma_wait3A_89, %dma_wait3A_90] : memref<10000x128xf32, #tpu.memory_space<hbm>> -> memref<10000x128xf32, #tpu.memory_space<hbm>>
      tpu.wait_indirect_dma semaphore(%arg15 : memref<!tpu.dma_semaphore, #tpu.memory_space<semaphore_mem>>) src(%dma_wait3A_91 : memref<10000x128xf32, #tpu.memory_space<hbm>>) dst(%dma_wait3A_85 : memref<64x128xf32, #tpu.memory_space<vmem>>)
      %scan3A_92 = arith.constant 0 : i32
      %scan3A_93 = arith.constant 0 : i32
      %scan3A_94 = arith.constant 4 : i32
      %scan3A_95 = arith.addi %scan3A_93, %scan3A_94 : i32
      %scan3A_96 = arith.constant 1 : i32
      %scan3A_97 = scf.for %scan3A_117 = %scan3A_93 to %scan3A_95 step %scan3A_96 iter_args(%scan3A_118 = %scan3A_92) -> (i32)  : i32 {
        %mul3A_119 = arith.constant 16 : i32
        %mul3A_120 = arith.muli %scan3A_117, %mul3A_119 : i32
        %get3A = arith.index_cast %mul3A_120 : i32 to index
        %get3A_121 = tpu.vector_load %arg10[%get3A] {strides = array<i32>} : memref<128xf32, #tpu.memory_space<vmem>>, vector<16xf32>,
        %mul3A_122 = arith.constant 16 : i32
        %mul3A_123 = arith.muli %scan3A_117, %mul3A_122 : i32
        %broadcast_in_dim3A_124 = arith.constant 0 : i32
        %broadcast_in_dim3A_125 = vector.broadcast %broadcast_in_dim3A_124 : i32 to vector<16x1xi32>
        %gather3A = vector.shape_cast %broadcast_in_dim3A_125 : vector<16x1xi32> to vector<16xi32>
        %gather3A_126 = tpu.dynamic_gather %get3A_121[%gather3A] in [0] : vector<16xf32>, vector<16xi32> -> vector<16xf32>
        %add3A_127 = arith.constant 0 : i32
        %add3A_128 = arith.addi %mul3A_123, %add3A_127 : i32
        %get3A_129 = arith.index_cast %add3A_128 : i32 to index
        %get3A_130 = arith.constant 0 : index
        %get3A_131 = tpu.vector_load %arg11[%get3A_129, %get3A_130] {strides = array<i32>} : memref<128x128xf32, #tpu.memory_space<vmem>>, vector<16xf32>,
        %mul3A_132 = arith.mulf %get3A_131, %gather3A_126 : vector<16xf32>
        %add3A_133 = arith.constant 0 : i32
        %add3A_134 = arith.addi %mul3A_123, %add3A_133 : i32
        %swap3A = arith.index_cast %add3A_134 : i32 to index
        %swap3A_135 = arith.constant 0 : index
        %swap3A_136 = tpu.vector_load %arg12[%swap3A, %swap3A_135] {strides = array<i32>} : memref<128x128xf32, #tpu.memory_space<vmem>>, vector<16xf32>,
        tpu.vector_store %arg12[%swap3A, %swap3A_135], %mul3A_132 {strides = array<i32>} : memref<128x128xf32, #tpu.memory_space<vmem>>, vector<16xf32>,
        %add3A_137 = arith.constant 0 : i32
        %add3A_138 = arith.addi %mul3A_123, %add3A_137 : i32
        %get3A_139 = arith.index_cast %add3A_138 : i32 to index
        %get3A_140 = arith.constant 16 : index
        %get3A_141 = tpu.vector_load %arg11[%get3A_139, %get3A_140] {strides = array<i32>} : memref<128x128xf32, #tpu.memory_space<vmem>>, vector<16xf32>,
        %mul3A_142 = arith.mulf %get3A_141, %gather3A_126 : vector<16xf32>
        %add3A_143 = arith.constant 0 : i32
        %add3A_144 = arith.addi %mul3A_123, %add3A_143 : i32
        %swap3A_145 = arith.index_cast %add3A_144 : i32 to index
        %swap3A_146 = arith.constant 16 : index
        %swap3A_147 = tpu.vector_load %arg12[%swap3A_145, %swap3A_146] {strides = array<i32>} : memref<128x128xf32, #tpu.memory_space<vmem>>, vector<16xf32>,
        tpu.vector_store %arg12[%swap3A_145, %swap3A_146], %mul3A_142 {strides = array<i32>} : memref<128x128xf32, #tpu.memory_space<vmem>>, vector<16xf32>,
        %add3A_148 = arith.constant 0 : i32
        %add3A_149 = arith.addi %mul3A_123, %add3A_148 : i32
        %get3A_150 = arith.index_cast %add3A_149 : i32 to index
        %get3A_151 = arith.constant 32 : index
        %get3A_152 = tpu.vector_load %arg11[%get3A_150, %get3A_151] {strides = array<i32>} : memref<128x128xf32, #tpu.memory_space<vmem>>, vector<16xf32>,
        %mul3A_153 = arith.mulf %get3A_152, %gather3A_126 : vector<16xf32>
        %add3A_154 = arith.constant 0 : i32
        %add3A_155 = arith.addi %mul3A_123, %add3A_154 : i32
        %swap3A_156 = arith.index_cast %add3A_155 : i32 to index
        %swap3A_157 = arith.constant 32 : index
        %swap3A_158 = tpu.vector_load %arg12[%swap3A_156, %swap3A_157] {strides = array<i32>} : memref<128x128xf32, #tpu.memory_space<vmem>>, vector<16xf32>,
        tpu.vector_store %arg12[%swap3A_156, %swap3A_157], %mul3A_153 {strides = array<i32>} : memref<128x128xf32, #tpu.memory_space<vmem>>, vector<16xf32>,
        %add3A_159 = arith.constant 0 : i32
        %add3A_160 = arith.addi %mul3A_123, %add3A_159 : i32
        %get3A_161 = arith.index_cast %add3A_160 : i32 to index
        %get3A_162 = arith.constant 48 : index
        %get3A_163 = tpu.vector_load %arg11[%get3A_161, %get3A_162] {strides = array<i32>} : memref<128x128xf32, #tpu.memory_space<vmem>>, vector<16xf32>,
        %mul3A_164 = arith.mulf %get3A_163, %gather3A_126 : vector<16xf32>
        %add3A_165 = arith.constant 0 : i32
        %add3A_166 = arith.addi %mul3A_123, %add3A_165 : i32
        %swap3A_167 = arith.index_cast %add3A_166 : i32 to index
        %swap3A_168 = arith.constant 48 : index
        %swap3A_169 = tpu.vector_load %arg12[%swap3A_167, %swap3A_168] {strides = array<i32>} : memref<128x128xf32, #tpu.memory_space<vmem>>, vector<16xf32>,
        tpu.vector_store %arg12[%swap3A_167, %swap3A_168], %mul3A_164 {strides = array<i32>} : memref<128x128xf32, #tpu.memory_space<vmem>>, vector<16xf32>,
        %add3A_170 = arith.constant 0 : i32
        %add3A_171 = arith.addi %mul3A_123, %add3A_170 : i32
        %get3A_172 = arith.index_cast %add3A_171 : i32 to index
        %get3A_173 = arith.constant 64 : index
        %get3A_174 = tpu.vector_load %arg11[%get3A_172, %get3A_173] {strides = array<i32>} : memref<128x128xf32, #tpu.memory_space<vmem>>, vector<16xf32>,
        %mul3A_175 = arith.mulf %get3A_174, %gather3A_126 : vector<16xf32>
        %add3A_176 = arith.constant 0 : i32
        %add3A_177 = arith.addi %mul3A_123, %add3A_176 : i32
        %swap3A_178 = arith.index_cast %add3A_177 : i32 to index
        %swap3A_179 = arith.constant 64 : index
        %swap3A_180 = tpu.vector_load %arg12[%swap3A_178, %swap3A_179] {strides = array<i32>} : memref<128x128xf32, #tpu.memory_space<vmem>>, vector<16xf32>,
        tpu.vector_store %arg12[%swap3A_178, %swap3A_179], %mul3A_175 {strides = array<i32>} : memref<128x128xf32, #tpu.memory_space<vmem>>, vector<16xf32>,
        %add3A_181 = arith.constant 0 : i32
        %add3A_182 = arith.addi %mul3A_123, %add3A_181 : i32
        %get3A_183 = arith.index_cast %add3A_182 : i32 to index
        %get3A_184 = arith.constant 80 : index
        %get3A_185 = tpu.vector_load %arg11[%get3A_183, %get3A_184] {strides = array<i32>} : memref<128x128xf32, #tpu.memory_space<vmem>>, vector<16xf32>,
        %mul3A_186 = arith.mulf %get3A_185, %gather3A_126 : vector<16xf32>
        %add3A_187 = arith.constant 0 : i32
        %add3A_188 = arith.addi %mul3A_123, %add3A_187 : i32
        %swap3A_189 = arith.index_cast %add3A_188 : i32 to index
        %swap3A_190 = arith.constant 80 : index
        %swap3A_191 = tpu.vector_load %arg12[%swap3A_189, %swap3A_190] {strides = array<i32>} : memref<128x128xf32, #tpu.memory_space<vmem>>, vector<16xf32>,
        tpu.vector_store %arg12[%swap3A_189, %swap3A_190], %mul3A_186 {strides = array<i32>} : memref<128x128xf32, #tpu.memory_space<vmem>>, vector<16xf32>,
        %add3A_192 = arith.constant 0 : i32
        %add3A_193 = arith.addi %mul3A_123, %add3A_192 : i32
        %get3A_194 = arith.index_cast %add3A_193 : i32 to index
        %get3A_195 = arith.constant 96 : index
        %get3A_196 = tpu.vector_load %arg11[%get3A_194, %get3A_195] {strides = array<i32>} : memref<128x128xf32, #tpu.memory_space<vmem>>, vector<16xf32>,
        %mul3A_197 = arith.mulf %get3A_196, %gather3A_126 : vector<16xf32>
        %add3A_198 = arith.constant 0 : i32
        %add3A_199 = arith.addi %mul3A_123, %add3A_198 : i32
        %swap3A_200 = arith.index_cast %add3A_199 : i32 to index
        %swap3A_201 = arith.constant 96 : index
        %swap3A_202 = tpu.vector_load %arg12[%swap3A_200, %swap3A_201] {strides = array<i32>} : memref<128x128xf32, #tpu.memory_space<vmem>>, vector<16xf32>,
        tpu.vector_store %arg12[%swap3A_200, %swap3A_201], %mul3A_197 {strides = array<i32>} : memref<128x128xf32, #tpu.memory_space<vmem>>, vector<16xf32>,
        %add3A_203 = arith.constant 0 : i32
        %add3A_204 = arith.addi %mul3A_123, %add3A_203 : i32
        %get3A_205 = arith.index_cast %add3A_204 : i32 to index
        %get3A_206 = arith.constant 112 : index
        %get3A_207 = tpu.vector_load %arg11[%get3A_205, %get3A_206] {strides = array<i32>} : memref<128x128xf32, #tpu.memory_space<vmem>>, vector<16xf32>,
        %mul3A_208 = arith.mulf %get3A_207, %gather3A_126 : vector<16xf32>
        %add3A_209 = arith.constant 0 : i32
        %add3A_210 = arith.addi %mul3A_123, %add3A_209 : i32
        %swap3A_211 = arith.index_cast %add3A_210 : i32 to index
        %swap3A_212 = arith.constant 112 : index
        %swap3A_213 = tpu.vector_load %arg12[%swap3A_211, %swap3A_212] {strides = array<i32>} : memref<128x128xf32, #tpu.memory_space<vmem>>, vector<16xf32>,
        tpu.vector_store %arg12[%swap3A_211, %swap3A_212], %mul3A_208 {strides = array<i32>} : memref<128x128xf32, #tpu.memory_space<vmem>>, vector<16xf32>,
        %broadcast_in_dim3A_214 = arith.constant 1 : i32
        %broadcast_in_dim3A_215 = vector.broadcast %broadcast_in_dim3A_214 : i32 to vector<16x1xi32>
        %gather3A_216 = vector.shape_cast %broadcast_in_dim3A_215 : vector<16x1xi32> to vector<16xi32>
        %gather3A_217 = tpu.dynamic_gather %get3A_121[%gather3A_216] in [0] : vector<16xf32>, vector<16xi32> -> vector<16xf32>
        %add3A_218 = arith.constant 1 : i32
        %add3A_219 = arith.addi %mul3A_123, %add3A_218 : i32
        %get3A_220 = arith.index_cast %add3A_219 : i32 to index
        %get3A_221 = arith.constant 0 : index
        %get3A_222 = tpu.vector_load %arg11[%get3A_220, %get3A_221] {strides = array<i32>} : memref<128x128xf32, #tpu.memory_space<vmem>>, vector<16xf32>,
        %mul3A_223 = arith.mulf %get3A_222, %gather3A_217 : vector<16xf32>
        %add3A_224 = arith.constant 1 : i32
        %add3A_225 = arith.addi %mul3A_123, %add3A_224 : i32
        %swap3A_226 = arith.index_cast %add3A_225 : i32 to index
        %swap3A_227 = arith.constant 0 : index
        %swap3A_228 = tpu.vector_load %arg12[%swap3A_226, %swap3A_227] {strides = array<i32>} : memref<128x128xf32, #tpu.memory_space<vmem>>, vector<16xf32>,
        tpu.vector_store %arg12[%swap3A_226, %swap3A_227], %mul3A_223 {strides = array<i32>} : memref<128x128xf32, #tpu.memory_space<vmem>>, vector<16xf32>,
        %add3A_229 = arith.constant 1 : i32
        %add3A_230 = arith.addi %mul3A_123, %add3A_229 : i32
        %get3A_231 = arith.index_cast %add3A_230 : i32 to index
        %get3A_232 = arith.constant 16 : index
        %get3A_233 = tpu.vector_load %arg11[%get3A_231, %get3A_232] {strides = array<i32>} : memref<128x128xf32, #tpu.memory_space<vmem>>, vector<16xf32>,
        %mul3A_234 = arith.mulf %get3A_233, %gather3A_217 : vector<16xf32>
        %add3A_235 = arith.constant 1 : i32
        %add3A_236 = arith.addi %mul3A_123, %add3A_235 : i32
        %swap3A_237 = arith.index_cast %add3A_236 : i32 to index
        %swap3A_238 = arith.constant 16 : index
        %swap3A_239 = tpu.vector_load %arg12[%swap3A_237, %swap3A_238] {strides = array<i32>} : memref<128x128xf32, #tpu.memory_space<vmem>>, vector<16xf32>,
        tpu.vector_store %arg12[%swap3A_237, %swap3A_238], %mul3A_234 {strides = array<i32>} : memref<128x128xf32, #tpu.memory_space<vmem>>, vector<16xf32>,
        %add3A_240 = arith.constant 1 : i32
        %add3A_241 = arith.addi %mul3A_123, %add3A_240 : i32
        %get3A_242 = arith.index_cast %add3A_241 : i32 to index
        %get3A_243 = arith.constant 32 : index
        %get3A_244 = tpu.vector_load %arg11[%get3A_242, %get3A_243] {strides = array<i32>} : memref<128x128xf32, #tpu.memory_space<vmem>>, vector<16xf32>,
        %mul3A_245 = arith.mulf %get3A_244, %gather3A_217 : vector<16xf32>
        %add3A_246 = arith.constant 1 : i32
        %add3A_247 = arith.addi %mul3A_123, %add3A_246 : i32
        %swap3A_248 = arith.index_cast %add3A_247 : i32 to index
        %swap3A_249 = arith.constant 32 : index
        %swap3A_250 = tpu.vector_load %arg12[%swap3A_248, %swap3A_249] {strides = array<i32>} : memref<128x128xf32, #tpu.memory_space<vmem>>, vector<16xf32>,
        tpu.vector_store %arg12[%swap3A_248, %swap3A_249], %mul3A_245 {strides = array<i32>} : memref<128x128xf32, #tpu.memory_space<vmem>>, vector<16xf32>,
        %add3A_251 = arith.constant 1 : i32
        %add3A_252 = arith.addi %mul3A_123, %add3A_251 : i32
        %get3A_253 = arith.index_cast %add3A_252 : i32 to index
        %get3A_254 = arith.constant 48 : index
        %get3A_255 = tpu.vector_load %arg11[%get3A_253, %get3A_254] {strides = array<i32>} : memref<128x128xf32, #tpu.memory_space<vmem>>, vector<16xf32>,
        %mul3A_256 = arith.mulf %get3A_255, %gather3A_217 : vector<16xf32>
        %add3A_257 = arith.constant 1 : i32
        %add3A_258 = arith.addi %mul3A_123, %add3A_257 : i32
        %swap3A_259 = arith.index_cast %add3A_258 : i32 to index
        %swap3A_260 = arith.constant 48 : index
        %swap3A_261 = tpu.vector_load %arg12[%swap3A_259, %swap3A_260] {strides = array<i32>} : memref<128x128xf32, #tpu.memory_space<vmem>>, vector<16xf32>,
        tpu.vector_store %arg12[%swap3A_259, %swap3A_260], %mul3A_256 {strides = array<i32>} : memref<128x128xf32, #tpu.memory_space<vmem>>, vector<16xf32>,
        %add3A_262 = arith.constant 1 : i32
        %add3A_263 = arith.addi %mul3A_123, %add3A_262 : i32
        %get3A_264 = arith.index_cast %add3A_263 : i32 to index
        %get3A_265 = arith.constant 64 : index
        %get3A_266 = tpu.vector_load %arg11[%get3A_264, %get3A_265] {strides = array<i32>} : memref<128x128xf32, #tpu.memory_space<vmem>>, vector<16xf32>,
        %mul3A_267 = arith.mulf %get3A_266, %gather3A_217 : vector<16xf32>
        %add3A_268 = arith.constant 1 : i32
        %add3A_269 = arith.addi %mul3A_123, %add3A_268 : i32
        %swap3A_270 = arith.index_cast %add3A_269 : i32 to index
        %swap3A_271 = arith.constant 64 : index
        %swap3A_272 = tpu.vector_load %arg12[%swap3A_270, %swap3A_271] {strides = array<i32>} : memref<128x128xf32, #tpu.memory_space<vmem>>, vector<16xf32>,
        tpu.vector_store %arg12[%swap3A_270, %swap3A_271], %mul3A_267 {strides = array<i32>} : memref<128x128xf32, #tpu.memory_space<vmem>>, vector<16xf32>,
        %add3A_273 = arith.constant 1 : i32
        %add3A_274 = arith.addi %mul3A_123, %add3A_273 : i32
        %get3A_275 = arith.index_cast %add3A_274 : i32 to index
        %get3A_276 = arith.constant 80 : index
        %get3A_277 = tpu.vector_load %arg11[%get3A_275, %get3A_276] {strides = array<i32>} : memref<128x128xf32, #tpu.memory_space<vmem>>, vector<16xf32>,
        %mul3A_278 = arith.mulf %get3A_277, %gather3A_217 : vector<16xf32>
        %add3A_279 = arith.constant 1 : i32
        %add3A_280 = arith.addi %mul3A_123, %add3A_279 : i32
        %swap3A_281 = arith.index_cast %add3A_280 : i32 to index
        %swap3A_282 = arith.constant 80 : index
        %swap3A_283 = tpu.vector_load %arg12[%swap3A_281, %swap3A_282] {strides = array<i32>} : memref<128x128xf32, #tpu.memory_space<vmem>>, vector<16xf32>,
        tpu.vector_store %arg12[%swap3A_281, %swap3A_282], %mul3A_278 {strides = array<i32>} : memref<128x128xf32, #tpu.memory_space<vmem>>, vector<16xf32>,
        %add3A_284 = arith.constant 1 : i32
        %add3A_285 = arith.addi %mul3A_123, %add3A_284 : i32
        %get3A_286 = arith.index_cast %add3A_285 : i32 to index
        %get3A_287 = arith.constant 96 : index
        %get3A_288 = tpu.vector_load %arg11[%get3A_286, %get3A_287] {strides = array<i32>} : memref<128x128xf32, #tpu.memory_space<vmem>>, vector<16xf32>,
        %mul3A_289 = arith.mulf %get3A_288, %gather3A_217 : vector<16xf32>
        %add3A_290 = arith.constant 1 : i32
        %add3A_291 = arith.addi %mul3A_123, %add3A_290 : i32
        %swap3A_292 = arith.index_cast %add3A_291 : i32 to index
        %swap3A_293 = arith.constant 96 : index
        %swap3A_294 = tpu.vector_load %arg12[%swap3A_292, %swap3A_293] {strides = array<i32>} : memref<128x128xf32, #tpu.memory_space<vmem>>, vector<16xf32>,
        tpu.vector_store %arg12[%swap3A_292, %swap3A_293], %mul3A_289 {strides = array<i32>} : memref<128x128xf32, #tpu.memory_space<vmem>>, vector<16xf32>,
        %add3A_295 = arith.constant 1 : i32
        %add3A_296 = arith.addi %mul3A_123, %add3A_295 : i32
        %get3A_297 = arith.index_cast %add3A_296 : i32 to index
        %get3A_298 = arith.constant 112 : index
        %get3A_299 = tpu.vector_load %arg11[%get3A_297, %get3A_298] {strides = array<i32>} : memref<128x128xf32, #tpu.memory_space<vmem>>, vector<16xf32>,
        %mul3A_300 = arith.mulf %get3A_299, %gather3A_217 : vector<16xf32>
        %add3A_301 = arith.constant 1 : i32
        %add3A_302 = arith.addi %mul3A_123, %add3A_301 : i32
        %swap3A_303 = arith.index_cast %add3A_302 : i32 to index
        %swap3A_304 = arith.constant 112 : index
        %swap3A_305 = tpu.vector_load %arg12[%swap3A_303, %swap3A_304] {strides = array<i32>} : memref<128x128xf32, #tpu.memory_space<vmem>>, vector<16xf32>,
        tpu.vector_store %arg12[%swap3A_303, %swap3A_304], %mul3A_300 {strides = array<i32>} : memref<128x128xf32, #tpu.memory_space<vmem>>, vector<16xf32>,
        %broadcast_in_dim3A_306 = arith.constant 2 : i32
        %broadcast_in_dim3A_307 = vector.broadcast %broadcast_in_dim3A_306 : i32 to vector<16x1xi32>
        %gather3A_308 = vector.shape_cast %broadcast_in_dim3A_307 : vector<16x1xi32> to vector<16xi32>
        %gather3A_309 = tpu.dynamic_gather %get3A_121[%gather3A_308] in [0] : vector<16xf32>, vector<16xi32> -> vector<16xf32>
        %add3A_310 = arith.constant 2 : i32
        %add3A_311 = arith.addi %mul3A_123, %add3A_310 : i32
        %get3A_312 = arith.index_cast %add3A_311 : i32 to index
        %get3A_313 = arith.constant 0 : index
        %get3A_314 = tpu.vector_load %arg11[%get3A_312, %get3A_313] {strides = array<i32>} : memref<128x128xf32, #tpu.memory_space<vmem>>, vector<16xf32>,
        %mul3A_315 = arith.mulf %get3A_314, %gather3A_309 : vector<16xf32>
        %add3A_316 = arith.constant 2 : i32
        %add3A_317 = arith.addi %mul3A_123, %add3A_316 : i32
        %swap3A_318 = arith.index_cast %add3A_317 : i32 to index
        %swap3A_319 = arith.constant 0 : index
        %swap3A_320 = tpu.vector_load %arg12[%swap3A_318, %swap3A_319] {strides = array<i32>} : memref<128x128xf32, #tpu.memory_space<vmem>>, vector<16xf32>,
        tpu.vector_store %arg12[%swap3A_318, %swap3A_319], %mul3A_315 {strides = array<i32>} : memref<128x128xf32, #tpu.memory_space<vmem>>, vector<16xf32>,
        %add3A_321 = arith.constant 2 : i32
        %add3A_322 = arith.addi %mul3A_123, %add3A_321 : i32
        %get3A_323 = arith.index_cast %add3A_322 : i32 to index
        %get3A_324 = arith.constant 16 : index
        %get3A_325 = tpu.vector_load %arg11[%get3A_323, %get3A_324] {strides = array<i32>} : memref<128x128xf32, #tpu.memory_space<vmem>>, vector<16xf32>,
        %mul3A_326 = arith.mulf %get3A_325, %gather3A_309 : vector<16xf32>
        %add3A_327 = arith.constant 2 : i32
        %add3A_328 = arith.addi %mul3A_123, %add3A_327 : i32
        %swap3A_329 = arith.index_cast %add3A_328 : i32 to index
        %swap3A_330 = arith.constant 16 : index
        %swap3A_331 = tpu.vector_load %arg12[%swap3A_329, %swap3A_330] {strides = array<i32>} : memref<128x128xf32, #tpu.memory_space<vmem>>, vector<16xf32>,
        tpu.vector_store %arg12[%swap3A_329, %swap3A_330], %mul3A_326 {strides = array<i32>} : memref<128x128xf32, #tpu.memory_space<vmem>>, vector<16xf32>,
        %add3A_332 = arith.constant 2 : i32
        %add3A_333 = arith.addi %mul3A_123, %add3A_332 : i32
        %get3A_334 = arith.index_cast %add3A_333 : i32 to index
        %get3A_335 = arith.constant 32 : index
        %get3A_336 = tpu.vector_load %arg11[%get3A_334, %get3A_335] {strides = array<i32>} : memref<128x128xf32, #tpu.memory_space<vmem>>, vector<16xf32>,
        %mul3A_337 = arith.mulf %get3A_336, %gather3A_309 : vector<16xf32>
        %add3A_338 = arith.constant 2 : i32
        %add3A_339 = arith.addi %mul3A_123, %add3A_338 : i32
        %swap3A_340 = arith.index_cast %add3A_339 : i32 to index
        %swap3A_341 = arith.constant 32 : index
        %swap3A_342 = tpu.vector_load %arg12[%swap3A_340, %swap3A_341] {strides = array<i32>} : memref<128x128xf32, #tpu.memory_space<vmem>>, vector<16xf32>,
        tpu.vector_store %arg12[%swap3A_340, %swap3A_341], %mul3A_337 {strides = array<i32>} : memref<128x128xf32, #tpu.memory_space<vmem>>, vector<16xf32>,
        %add3A_343 = arith.constant 2 : i32
        %add3A_344 = arith.addi %mul3A_123, %add3A_343 : i32
        %get3A_345 = arith.index_cast %add3A_344 : i32 to index
        %get3A_346 = arith.constant 48 : index
        %get3A_347 = tpu.vector_load %arg11[%get3A_345, %get3A_346] {strides = array<i32>} : memref<128x128xf32, #tpu.memory_space<vmem>>, vector<16xf32>,
        %mul3A_348 = arith.mulf %get3A_347, %gather3A_309 : vector<16xf32>
        %add3A_349 = arith.constant 2 : i32
        %add3A_350 = arith.addi %mul3A_123, %add3A_349 : i32
        %swap3A_351 = arith.index_cast %add3A_350 : i32 to index
        %swap3A_352 = arith.constant 48 : index
        %swap3A_353 = tpu.vector_load %arg12[%swap3A_351, %swap3A_352] {strides = array<i32>} : memref<128x128xf32, #tpu.memory_space<vmem>>, vector<16xf32>,
        tpu.vector_store %arg12[%swap3A_351, %swap3A_352], %mul3A_348 {strides = array<i32>} : memref<128x128xf32, #tpu.memory_space<vmem>>, vector<16xf32>,
        %add3A_354 = arith.constant 2 : i32
        %add3A_355 = arith.addi %mul3A_123, %add3A_354 : i32
        %get3A_356 = arith.index_cast %add3A_355 : i32 to index
        %get3A_357 = arith.constant 64 : index
        %get3A_358 = tpu.vector_load %arg11[%get3A_356, %get3A_357] {strides = array<i32>} : memref<128x128xf32, #tpu.memory_space<vmem>>, vector<16xf32>,
        %mul3A_359 = arith.mulf %get3A_358, %gather3A_309 : vector<16xf32>
        %add3A_360 = arith.constant 2 : i32
        %add3A_361 = arith.addi %mul3A_123, %add3A_360 : i32
        %swap3A_362 = arith.index_cast %add3A_361 : i32 to index
        %swap3A_363 = arith.constant 64 : index
        %swap3A_364 = tpu.vector_load %arg12[%swap3A_362, %swap3A_363] {strides = array<i32>} : memref<128x128xf32, #tpu.memory_space<vmem>>, vector<16xf32>,
        tpu.vector_store %arg12[%swap3A_362, %swap3A_363], %mul3A_359 {strides = array<i32>} : memref<128x128xf32, #tpu.memory_space<vmem>>, vector<16xf32>,
        %add3A_365 = arith.constant 2 : i32
        %add3A_366 = arith.addi %mul3A_123, %add3A_365 : i32
        %get3A_367 = arith.index_cast %add3A_366 : i32 to index
        %get3A_368 = arith.constant 80 : index
        %get3A_369 = tpu.vector_load %arg11[%get3A_367, %get3A_368] {strides = array<i32>} : memref<128x128xf32, #tpu.memory_space<vmem>>, vector<16xf32>,
        %mul3A_370 = arith.mulf %get3A_369, %gather3A_309 : vector<16xf32>
        %add3A_371 = arith.constant 2 : i32
        %add3A_372 = arith.addi %mul3A_123, %add3A_371 : i32
        %swap3A_373 = arith.index_cast %add3A_372 : i32 to index
        %swap3A_374 = arith.constant 80 : index
        %swap3A_375 = tpu.vector_load %arg12[%swap3A_373, %swap3A_374] {strides = array<i32>} : memref<128x128xf32, #tpu.memory_space<vmem>>, vector<16xf32>,
        tpu.vector_store %arg12[%swap3A_373, %swap3A_374], %mul3A_370 {strides = array<i32>} : memref<128x128xf32, #tpu.memory_space<vmem>>, vector<16xf32>,
        %add3A_376 = arith.constant 2 : i32
        %add3A_377 = arith.addi %mul3A_123, %add3A_376 : i32
        %get3A_378 = arith.index_cast %add3A_377 : i32 to index
        %get3A_379 = arith.constant 96 : index
        %get3A_380 = tpu.vector_load %arg11[%get3A_378, %get3A_379] {strides = array<i32>} : memref<128x128xf32, #tpu.memory_space<vmem>>, vector<16xf32>,
        %mul3A_381 = arith.mulf %get3A_380, %gather3A_309 : vector<16xf32>
        %add3A_382 = arith.constant 2 : i32
        %add3A_383 = arith.addi %mul3A_123, %add3A_382 : i32
        %swap3A_384 = arith.index_cast %add3A_383 : i32 to index
        %swap3A_385 = arith.constant 96 : index
        %swap3A_386 = tpu.vector_load %arg12[%swap3A_384, %swap3A_385] {strides = array<i32>} : memref<128x128xf32, #tpu.memory_space<vmem>>, vector<16xf32>,
        tpu.vector_store %arg12[%swap3A_384, %swap3A_385], %mul3A_381 {strides = array<i32>} : memref<128x128xf32, #tpu.memory_space<vmem>>, vector<16xf32>,
        %add3A_387 = arith.constant 2 : i32
        %add3A_388 = arith.addi %mul3A_123, %add3A_387 : i32
        %get3A_389 = arith.index_cast %add3A_388 : i32 to index
        %get3A_390 = arith.constant 112 : index
        %get3A_391 = tpu.vector_load %arg11[%get3A_389, %get3A_390] {strides = array<i32>} : memref<128x128xf32, #tpu.memory_space<vmem>>, vector<16xf32>,
        %mul3A_392 = arith.mulf %get3A_391, %gather3A_309 : vector<16xf32>
        %add3A_393 = arith.constant 2 : i32
        %add3A_394 = arith.addi %mul3A_123, %add3A_393 : i32
        %swap3A_395 = arith.index_cast %add3A_394 : i32 to index
        %swap3A_396 = arith.constant 112 : index
        %swap3A_397 = tpu.vector_load %arg12[%swap3A_395, %swap3A_396] {strides = array<i32>} : memref<128x128xf32, #tpu.memory_space<vmem>>, vector<16xf32>,
        tpu.vector_store %arg12[%swap3A_395, %swap3A_396], %mul3A_392 {strides = array<i32>} : memref<128x128xf32, #tpu.memory_space<vmem>>, vector<16xf32>,
        %broadcast_in_dim3A_398 = arith.constant 3 : i32
        %broadcast_in_dim3A_399 = vector.broadcast %broadcast_in_dim3A_398 : i32 to vector<16x1xi32>
        %gather3A_400 = vector.shape_cast %broadcast_in_dim3A_399 : vector<16x1xi32> to vector<16xi32>
        %gather3A_401 = tpu.dynamic_gather %get3A_121[%gather3A_400] in [0] : vector<16xf32>, vector<16xi32> -> vector<16xf32>
        %add3A_402 = arith.constant 3 : i32
        %add3A_403 = arith.addi %mul3A_123, %add3A_402 : i32
        %get3A_404 = arith.index_cast %add3A_403 : i32 to index
        %get3A_405 = arith.constant 0 : index
        %get3A_406 = tpu.vector_load %arg11[%get3A_404, %get3A_405] {strides = array<i32>} : memref<128x128xf32, #tpu.memory_space<vmem>>, vector<16xf32>,
        %mul3A_407 = arith.mulf %get3A_406, %gather3A_401 : vector<16xf32>
        %add3A_408 = arith.constant 3 : i32
        %add3A_409 = arith.addi %mul3A_123, %add3A_408 : i32
        %swap3A_410 = arith.index_cast %add3A_409 : i32 to index
        %swap3A_411 = arith.constant 0 : index
        %swap3A_412 = tpu.vector_load %arg12[%swap3A_410, %swap3A_411] {strides = array<i32>} : memref<128x128xf32, #tpu.memory_space<vmem>>, vector<16xf32>,
        tpu.vector_store %arg12[%swap3A_410, %swap3A_411], %mul3A_407 {strides = array<i32>} : memref<128x128xf32, #tpu.memory_space<vmem>>, vector<16xf32>,
        %add3A_413 = arith.constant 3 : i32
        %add3A_414 = arith.addi %mul3A_123, %add3A_413 : i32
        %get3A_415 = arith.index_cast %add3A_414 : i32 to index
        %get3A_416 = arith.constant 16 : index
        %get3A_417 = tpu.vector_load %arg11[%get3A_415, %get3A_416] {strides = array<i32>} : memref<128x128xf32, #tpu.memory_space<vmem>>, vector<16xf32>,
        %mul3A_418 = arith.mulf %get3A_417, %gather3A_401 : vector<16xf32>
        %add3A_419 = arith.constant 3 : i32
        %add3A_420 = arith.addi %mul3A_123, %add3A_419 : i32
        %swap3A_421 = arith.index_cast %add3A_420 : i32 to index
        %swap3A_422 = arith.constant 16 : index
        %swap3A_423 = tpu.vector_load %arg12[%swap3A_421, %swap3A_422] {strides = array<i32>} : memref<128x128xf32, #tpu.memory_space<vmem>>, vector<16xf32>,
        tpu.vector_store %arg12[%swap3A_421, %swap3A_422], %mul3A_418 {strides = array<i32>} : memref<128x128xf32, #tpu.memory_space<vmem>>, vector<16xf32>,
        %add3A_424 = arith.constant 3 : i32
        %add3A_425 = arith.addi %mul3A_123, %add3A_424 : i32
        %get3A_426 = arith.index_cast %add3A_425 : i32 to index
        %get3A_427 = arith.constant 32 : index
        %get3A_428 = tpu.vector_load %arg11[%get3A_426, %get3A_427] {strides = array<i32>} : memref<128x128xf32, #tpu.memory_space<vmem>>, vector<16xf32>,
        %mul3A_429 = arith.mulf %get3A_428, %gather3A_401 : vector<16xf32>
        %add3A_430 = arith.constant 3 : i32
        %add3A_431 = arith.addi %mul3A_123, %add3A_430 : i32
        %swap3A_432 = arith.index_cast %add3A_431 : i32 to index
        %swap3A_433 = arith.constant 32 : index
        %swap3A_434 = tpu.vector_load %arg12[%swap3A_432, %swap3A_433] {strides = array<i32>} : memref<128x128xf32, #tpu.memory_space<vmem>>, vector<16xf32>,
        tpu.vector_store %arg12[%swap3A_432, %swap3A_433], %mul3A_429 {strides = array<i32>} : memref<128x128xf32, #tpu.memory_space<vmem>>, vector<16xf32>,
        %add3A_435 = arith.constant 3 : i32
        %add3A_436 = arith.addi %mul3A_123, %add3A_435 : i32
        %get3A_437 = arith.index_cast %add3A_436 : i32 to index
        %get3A_438 = arith.constant 48 : index
        %get3A_439 = tpu.vector_load %arg11[%get3A_437, %get3A_438] {strides = array<i32>} : memref<128x128xf32, #tpu.memory_space<vmem>>, vector<16xf32>,
        %mul3A_440 = arith.mulf %get3A_439, %gather3A_401 : vector<16xf32>
        %add3A_441 = arith.constant 3 : i32
        %add3A_442 = arith.addi %mul3A_123, %add3A_441 : i32
        %swap3A_443 = arith.index_cast %add3A_442 : i32 to index
        %swap3A_444 = arith.constant 48 : index
        %swap3A_445 = tpu.vector_load %arg12[%swap3A_443, %swap3A_444] {strides = array<i32>} : memref<128x128xf32, #tpu.memory_space<vmem>>, vector<16xf32>,
        tpu.vector_store %arg12[%swap3A_443, %swap3A_444], %mul3A_440 {strides = array<i32>} : memref<128x128xf32, #tpu.memory_space<vmem>>, vector<16xf32>,
        %add3A_446 = arith.constant 3 : i32
        %add3A_447 = arith.addi %mul3A_123, %add3A_446 : i32
        %get3A_448 = arith.index_cast %add3A_447 : i32 to index
        %get3A_449 = arith.constant 64 : index
        %get3A_450 = tpu.vector_load %arg11[%get3A_448, %get3A_449] {strides = array<i32>} : memref<128x128xf32, #tpu.memory_space<vmem>>, vector<16xf32>,
        %mul3A_451 = arith.mulf %get3A_450, %gather3A_401 : vector<16xf32>
        %add3A_452 = arith.constant 3 : i32
        %add3A_453 = arith.addi %mul3A_123, %add3A_452 : i32
        %swap3A_454 = arith.index_cast %add3A_453 : i32 to index
        %swap3A_455 = arith.constant 64 : index
        %swap3A_456 = tpu.vector_load %arg12[%swap3A_454, %swap3A_455] {strides = array<i32>} : memref<128x128xf32, #tpu.memory_space<vmem>>, vector<16xf32>,
        tpu.vector_store %arg12[%swap3A_454, %swap3A_455], %mul3A_451 {strides = array<i32>} : memref<128x128xf32, #tpu.memory_space<vmem>>, vector<16xf32>,
        %add3A_457 = arith.constant 3 : i32
        %add3A_458 = arith.addi %mul3A_123, %add3A_457 : i32
        %get3A_459 = arith.index_cast %add3A_458 : i32 to index
        %get3A_460 = arith.constant 80 : index
        %get3A_461 = tpu.vector_load %arg11[%get3A_459, %get3A_460] {strides = array<i32>} : memref<128x128xf32, #tpu.memory_space<vmem>>, vector<16xf32>,
        %mul3A_462 = arith.mulf %get3A_461, %gather3A_401 : vector<16xf32>
        %add3A_463 = arith.constant 3 : i32
        %add3A_464 = arith.addi %mul3A_123, %add3A_463 : i32
        %swap3A_465 = arith.index_cast %add3A_464 : i32 to index
        %swap3A_466 = arith.constant 80 : index
        %swap3A_467 = tpu.vector_load %arg12[%swap3A_465, %swap3A_466] {strides = array<i32>} : memref<128x128xf32, #tpu.memory_space<vmem>>, vector<16xf32>,
        tpu.vector_store %arg12[%swap3A_465, %swap3A_466], %mul3A_462 {strides = array<i32>} : memref<128x128xf32, #tpu.memory_space<vmem>>, vector<16xf32>,
        %add3A_468 = arith.constant 3 : i32
        %add3A_469 = arith.addi %mul3A_123, %add3A_468 : i32
        %get3A_470 = arith.index_cast %add3A_469 : i32 to index
        %get3A_471 = arith.constant 96 : index
        %get3A_472 = tpu.vector_load %arg11[%get3A_470, %get3A_471] {strides = array<i32>} : memref<128x128xf32, #tpu.memory_space<vmem>>, vector<16xf32>,
        %mul3A_473 = arith.mulf %get3A_472, %gather3A_401 : vector<16xf32>
        %add3A_474 = arith.constant 3 : i32
        %add3A_475 = arith.addi %mul3A_123, %add3A_474 : i32
        %swap3A_476 = arith.index_cast %add3A_475 : i32 to index
        %swap3A_477 = arith.constant 96 : index
        %swap3A_478 = tpu.vector_load %arg12[%swap3A_476, %swap3A_477] {strides = array<i32>} : memref<128x128xf32, #tpu.memory_space<vmem>>, vector<16xf32>,
        tpu.vector_store %arg12[%swap3A_476, %swap3A_477], %mul3A_473 {strides = array<i32>} : memref<128x128xf32, #tpu.memory_space<vmem>>, vector<16xf32>,
        %add3A_479 = arith.constant 3 : i32
        %add3A_480 = arith.addi %mul3A_123, %add3A_479 : i32
        %get3A_481 = arith.index_cast %add3A_480 : i32 to index
        %get3A_482 = arith.constant 112 : index
        %get3A_483 = tpu.vector_load %arg11[%get3A_481, %get3A_482] {strides = array<i32>} : memref<128x128xf32, #tpu.memory_space<vmem>>, vector<16xf32>,
        %mul3A_484 = arith.mulf %get3A_483, %gather3A_401 : vector<16xf32>
        %add3A_485 = arith.constant 3 : i32
        %add3A_486 = arith.addi %mul3A_123, %add3A_485 : i32
        %swap3A_487 = arith.index_cast %add3A_486 : i32 to index
        %swap3A_488 = arith.constant 112 : index
        %swap3A_489 = tpu.vector_load %arg12[%swap3A_487, %swap3A_488] {strides = array<i32>} : memref<128x128xf32, #tpu.memory_space<vmem>>, vector<16xf32>,
        tpu.vector_store %arg12[%swap3A_487, %swap3A_488], %mul3A_484 {strides = array<i32>} : memref<128x128xf32, #tpu.memory_space<vmem>>, vector<16xf32>,
        %broadcast_in_dim3A_490 = arith.constant 4 : i32
        %broadcast_in_dim3A_491 = vector.broadcast %broadcast_in_dim3A_490 : i32 to vector<16x1xi32>
        %gather3A_492 = vector.shape_cast %broadcast_in_dim3A_491 : vector<16x1xi32> to vector<16xi32>
        %gather3A_493 = tpu.dynamic_gather %get3A_121[%gather3A_492] in [0] : vector<16xf32>, vector<16xi32> -> vector<16xf32>
        %add3A_494 = arith.constant 4 : i32
        %add3A_495 = arith.addi %mul3A_123, %add3A_494 : i32
        %get3A_496 = arith.index_cast %add3A_495 : i32 to index
        %get3A_497 = arith.constant 0 : index
        %get3A_498 = tpu.vector_load %arg11[%get3A_496, %get3A_497] {strides = array<i32>} : memref<128x128xf32, #tpu.memory_space<vmem>>, vector<16xf32>,
        %mul3A_499 = arith.mulf %get3A_498, %gather3A_493 : vector<16xf32>
        %add3A_500 = arith.constant 4 : i32
        %add3A_501 = arith.addi %mul3A_123, %add3A_500 : i32
        %swap3A_502 = arith.index_cast %add3A_501 : i32 to index
        %swap3A_503 = arith.constant 0 : index
        %swap3A_504 = tpu.vector_load %arg12[%swap3A_502, %swap3A_503] {strides = array<i32>} : memref<128x128xf32, #tpu.memory_space<vmem>>, vector<16xf32>,
        tpu.vector_store %arg12[%swap3A_502, %swap3A_503], %mul3A_499 {strides = array<i32>} : memref<128x128xf32, #tpu.memory_space<vmem>>, vector<16xf32>,
        %add3A_505 = arith.constant 4 : i32
        %add3A_506 = arith.addi %mul3A_123, %add3A_505 : i32
        %get3A_507 = arith.index_cast %add3A_506 : i32 to index
        %get3A_508 = arith.constant 16 : index
        %get3A_509 = tpu.vector_load %arg11[%get3A_507, %get3A_508] {strides = array<i32>} : memref<128x128xf32, #tpu.memory_space<vmem>>, vector<16xf32>,
        %mul3A_510 = arith.mulf %get3A_509, %gather3A_493 : vector<16xf32>
        %add3A_511 = arith.constant 4 : i32
        %add3A_512 = arith.addi %mul3A_123, %add3A_511 : i32
        %swap3A_513 = arith.index_cast %add3A_512 : i32 to index
        %swap3A_514 = arith.constant 16 : index
        %swap3A_515 = tpu.vector_load %arg12[%swap3A_513, %swap3A_514] {strides = array<i32>} : memref<128x128xf32, #tpu.memory_space<vmem>>, vector<16xf32>,
        tpu.vector_store %arg12[%swap3A_513, %swap3A_514], %mul3A_510 {strides = array<i32>} : memref<128x128xf32, #tpu.memory_space<vmem>>, vector<16xf32>,
        %add3A_516 = arith.constant 4 : i32
        %add3A_517 = arith.addi %mul3A_123, %add3A_516 : i32
        %get3A_518 = arith.index_cast %add3A_517 : i32 to index
        %get3A_519 = arith.constant 32 : index
        %get3A_520 = tpu.vector_load %arg11[%get3A_518, %get3A_519] {strides = array<i32>} : memref<128x128xf32, #tpu.memory_space<vmem>>, vector<16xf32>,
        %mul3A_521 = arith.mulf %get3A_520, %gather3A_493 : vector<16xf32>
        %add3A_522 = arith.constant 4 : i32
        %add3A_523 = arith.addi %mul3A_123, %add3A_522 : i32
        %swap3A_524 = arith.index_cast %add3A_523 : i32 to index
        %swap3A_525 = arith.constant 32 : index
        %swap3A_526 = tpu.vector_load %arg12[%swap3A_524, %swap3A_525] {strides = array<i32>} : memref<128x128xf32, #tpu.memory_space<vmem>>, vector<16xf32>,
        tpu.vector_store %arg12[%swap3A_524, %swap3A_525], %mul3A_521 {strides = array<i32>} : memref<128x128xf32, #tpu.memory_space<vmem>>, vector<16xf32>,
        %add3A_527 = arith.constant 4 : i32
        %add3A_528 = arith.addi %mul3A_123, %add3A_527 : i32
        %get3A_529 = arith.index_cast %add3A_528 : i32 to index
        %get3A_530 = arith.constant 48 : index
        %get3A_531 = tpu.vector_load %arg11[%get3A_529, %get3A_530] {strides = array<i32>} : memref<128x128xf32, #tpu.memory_space<vmem>>, vector<16xf32>,
        %mul3A_532 = arith.mulf %get3A_531, %gather3A_493 : vector<16xf32>
        %add3A_533 = arith.constant 4 : i32
        %add3A_534 = arith.addi %mul3A_123, %add3A_533 : i32
        %swap3A_535 = arith.index_cast %add3A_534 : i32 to index
        %swap3A_536 = arith.constant 48 : index
        %swap3A_537 = tpu.vector_load %arg12[%swap3A_535, %swap3A_536] {strides = array<i32>} : memref<128x128xf32, #tpu.memory_space<vmem>>, vector<16xf32>,
        tpu.vector_store %arg12[%swap3A_535, %swap3A_536], %mul3A_532 {strides = array<i32>} : memref<128x128xf32, #tpu.memory_space<vmem>>, vector<16xf32>,
        %add3A_538 = arith.constant 4 : i32
        %add3A_539 = arith.addi %mul3A_123, %add3A_538 : i32
        %get3A_540 = arith.index_cast %add3A_539 : i32 to index
        %get3A_541 = arith.constant 64 : index
        %get3A_542 = tpu.vector_load %arg11[%get3A_540, %get3A_541] {strides = array<i32>} : memref<128x128xf32, #tpu.memory_space<vmem>>, vector<16xf32>,
        %mul3A_543 = arith.mulf %get3A_542, %gather3A_493 : vector<16xf32>
        %add3A_544 = arith.constant 4 : i32
        %add3A_545 = arith.addi %mul3A_123, %add3A_544 : i32
        %swap3A_546 = arith.index_cast %add3A_545 : i32 to index
        %swap3A_547 = arith.constant 64 : index
        %swap3A_548 = tpu.vector_load %arg12[%swap3A_546, %swap3A_547] {strides = array<i32>} : memref<128x128xf32, #tpu.memory_space<vmem>>, vector<16xf32>,
        tpu.vector_store %arg12[%swap3A_546, %swap3A_547], %mul3A_543 {strides = array<i32>} : memref<128x128xf32, #tpu.memory_space<vmem>>, vector<16xf32>,
        %add3A_549 = arith.constant 4 : i32
        %add3A_550 = arith.addi %mul3A_123, %add3A_549 : i32
        %get3A_551 = arith.index_cast %add3A_550 : i32 to index
        %get3A_552 = arith.constant 80 : index
        %get3A_553 = tpu.vector_load %arg11[%get3A_551, %get3A_552] {strides = array<i32>} : memref<128x128xf32, #tpu.memory_space<vmem>>, vector<16xf32>,
        %mul3A_554 = arith.mulf %get3A_553, %gather3A_493 : vector<16xf32>
        %add3A_555 = arith.constant 4 : i32
        %add3A_556 = arith.addi %mul3A_123, %add3A_555 : i32
        %swap3A_557 = arith.index_cast %add3A_556 : i32 to index
        %swap3A_558 = arith.constant 80 : index
        %swap3A_559 = tpu.vector_load %arg12[%swap3A_557, %swap3A_558] {strides = array<i32>} : memref<128x128xf32, #tpu.memory_space<vmem>>, vector<16xf32>,
        tpu.vector_store %arg12[%swap3A_557, %swap3A_558], %mul3A_554 {strides = array<i32>} : memref<128x128xf32, #tpu.memory_space<vmem>>, vector<16xf32>,
        %add3A_560 = arith.constant 4 : i32
        %add3A_561 = arith.addi %mul3A_123, %add3A_560 : i32
        %get3A_562 = arith.index_cast %add3A_561 : i32 to index
        %get3A_563 = arith.constant 96 : index
        %get3A_564 = tpu.vector_load %arg11[%get3A_562, %get3A_563] {strides = array<i32>} : memref<128x128xf32, #tpu.memory_space<vmem>>, vector<16xf32>,
        %mul3A_565 = arith.mulf %get3A_564, %gather3A_493 : vector<16xf32>
        %add3A_566 = arith.constant 4 : i32
        %add3A_567 = arith.addi %mul3A_123, %add3A_566 : i32
        %swap3A_568 = arith.index_cast %add3A_567 : i32 to index
        %swap3A_569 = arith.constant 96 : index
        %swap3A_570 = tpu.vector_load %arg12[%swap3A_568, %swap3A_569] {strides = array<i32>} : memref<128x128xf32, #tpu.memory_space<vmem>>, vector<16xf32>,
        tpu.vector_store %arg12[%swap3A_568, %swap3A_569], %mul3A_565 {strides = array<i32>} : memref<128x128xf32, #tpu.memory_space<vmem>>, vector<16xf32>,
        %add3A_571 = arith.constant 4 : i32
        %add3A_572 = arith.addi %mul3A_123, %add3A_571 : i32
        %get3A_573 = arith.index_cast %add3A_572 : i32 to index
        %get3A_574 = arith.constant 112 : index
        %get3A_575 = tpu.vector_load %arg11[%get3A_573, %get3A_574] {strides = array<i32>} : memref<128x128xf32, #tpu.memory_space<vmem>>, vector<16xf32>,
        %mul3A_576 = arith.mulf %get3A_575, %gather3A_493 : vector<16xf32>
        %add3A_577 = arith.constant 4 : i32
        %add3A_578 = arith.addi %mul3A_123, %add3A_577 : i32
        %swap3A_579 = arith.index_cast %add3A_578 : i32 to index
        %swap3A_580 = arith.constant 112 : index
        %swap3A_581 = tpu.vector_load %arg12[%swap3A_579, %swap3A_580] {strides = array<i32>} : memref<128x128xf32, #tpu.memory_space<vmem>>, vector<16xf32>,
        tpu.vector_store %arg12[%swap3A_579, %swap3A_580], %mul3A_576 {strides = array<i32>} : memref<128x128xf32, #tpu.memory_space<vmem>>, vector<16xf32>,
        %broadcast_in_dim3A_582 = arith.constant 5 : i32
        %broadcast_in_dim3A_583 = vector.broadcast %broadcast_in_dim3A_582 : i32 to vector<16x1xi32>
        %gather3A_584 = vector.shape_cast %broadcast_in_dim3A_583 : vector<16x1xi32> to vector<16xi32>
        %gather3A_585 = tpu.dynamic_gather %get3A_121[%gather3A_584] in [0] : vector<16xf32>, vector<16xi32> -> vector<16xf32>
        %add3A_586 = arith.constant 5 : i32
        %add3A_587 = arith.addi %mul3A_123, %add3A_586 : i32
        %get3A_588 = arith.index_cast %add3A_587 : i32 to index
        %get3A_589 = arith.constant 0 : index
        %get3A_590 = tpu.vector_load %arg11[%get3A_588, %get3A_589] {strides = array<i32>} : memref<128x128xf32, #tpu.memory_space<vmem>>, vector<16xf32>,
        %mul3A_591 = arith.mulf %get3A_590, %gather3A_585 : vector<16xf32>
        %add3A_592 = arith.constant 5 : i32
        %add3A_593 = arith.addi %mul3A_123, %add3A_592 : i32
        %swap3A_594 = arith.index_cast %add3A_593 : i32 to index
        %swap3A_595 = arith.constant 0 : index
        %swap3A_596 = tpu.vector_load %arg12[%swap3A_594, %swap3A_595] {strides = array<i32>} : memref<128x128xf32, #tpu.memory_space<vmem>>, vector<16xf32>,
        tpu.vector_store %arg12[%swap3A_594, %swap3A_595], %mul3A_591 {strides = array<i32>} : memref<128x128xf32, #tpu.memory_space<vmem>>, vector<16xf32>,
        %add3A_597 = arith.constant 5 : i32
        %add3A_598 = arith.addi %mul3A_123, %add3A_597 : i32
        %get3A_599 = arith.index_cast %add3A_598 : i32 to index
        %get3A_600 = arith.constant 16 : index
        %get3A_601 = tpu.vector_load %arg11[%get3A_599, %get3A_600] {strides = array<i32>} : memref<128x128xf32, #tpu.memory_space<vmem>>, vector<16xf32>,
        %mul3A_602 = arith.mulf %get3A_601, %gather3A_585 : vector<16xf32>
        %add3A_603 = arith.constant 5 : i32
        %add3A_604 = arith.addi %mul3A_123, %add3A_603 : i32
        %swap3A_605 = arith.index_cast %add3A_604 : i32 to index
        %swap3A_606 = arith.constant 16 : index
        %swap3A_607 = tpu.vector_load %arg12[%swap3A_605, %swap3A_606] {strides = array<i32>} : memref<128x128xf32, #tpu.memory_space<vmem>>, vector<16xf32>,
        tpu.vector_store %arg12[%swap3A_605, %swap3A_606], %mul3A_602 {strides = array<i32>} : memref<128x128xf32, #tpu.memory_space<vmem>>, vector<16xf32>,
        %add3A_608 = arith.constant 5 : i32
        %add3A_609 = arith.addi %mul3A_123, %add3A_608 : i32
        %get3A_610 = arith.index_cast %add3A_609 : i32 to index
        %get3A_611 = arith.constant 32 : index
        %get3A_612 = tpu.vector_load %arg11[%get3A_610, %get3A_611] {strides = array<i32>} : memref<128x128xf32, #tpu.memory_space<vmem>>, vector<16xf32>,
        %mul3A_613 = arith.mulf %get3A_612, %gather3A_585 : vector<16xf32>
        %add3A_614 = arith.constant 5 : i32
        %add3A_615 = arith.addi %mul3A_123, %add3A_614 : i32
        %swap3A_616 = arith.index_cast %add3A_615 : i32 to index
        %swap3A_617 = arith.constant 32 : index
        %swap3A_618 = tpu.vector_load %arg12[%swap3A_616, %swap3A_617] {strides = array<i32>} : memref<128x128xf32, #tpu.memory_space<vmem>>, vector<16xf32>,
        tpu.vector_store %arg12[%swap3A_616, %swap3A_617], %mul3A_613 {strides = array<i32>} : memref<128x128xf32, #tpu.memory_space<vmem>>, vector<16xf32>,
        %add3A_619 = arith.constant 5 : i32
        %add3A_620 = arith.addi %mul3A_123, %add3A_619 : i32
        %get3A_621 = arith.index_cast %add3A_620 : i32 to index
        %get3A_622 = arith.constant 48 : index
        %get3A_623 = tpu.vector_load %arg11[%get3A_621, %get3A_622] {strides = array<i32>} : memref<128x128xf32, #tpu.memory_space<vmem>>, vector<16xf32>,
        %mul3A_624 = arith.mulf %get3A_623, %gather3A_585 : vector<16xf32>
        %add3A_625 = arith.constant 5 : i32
        %add3A_626 = arith.addi %mul3A_123, %add3A_625 : i32
        %swap3A_627 = arith.index_cast %add3A_626 : i32 to index
        %swap3A_628 = arith.constant 48 : index
        %swap3A_629 = tpu.vector_load %arg12[%swap3A_627, %swap3A_628] {strides = array<i32>} : memref<128x128xf32, #tpu.memory_space<vmem>>, vector<16xf32>,
        tpu.vector_store %arg12[%swap3A_627, %swap3A_628], %mul3A_624 {strides = array<i32>} : memref<128x128xf32, #tpu.memory_space<vmem>>, vector<16xf32>,
        %add3A_630 = arith.constant 5 : i32
        %add3A_631 = arith.addi %mul3A_123, %add3A_630 : i32
        %get3A_632 = arith.index_cast %add3A_631 : i32 to index
        %get3A_633 = arith.constant 64 : index
        %get3A_634 = tpu.vector_load %arg11[%get3A_632, %get3A_633] {strides = array<i32>} : memref<128x128xf32, #tpu.memory_space<vmem>>, vector<16xf32>,
        %mul3A_635 = arith.mulf %get3A_634, %gather3A_585 : vector<16xf32>
        %add3A_636 = arith.constant 5 : i32
        %add3A_637 = arith.addi %mul3A_123, %add3A_636 : i32
        %swap3A_638 = arith.index_cast %add3A_637 : i32 to index
        %swap3A_639 = arith.constant 64 : index
        %swap3A_640 = tpu.vector_load %arg12[%swap3A_638, %swap3A_639] {strides = array<i32>} : memref<128x128xf32, #tpu.memory_space<vmem>>, vector<16xf32>,
        tpu.vector_store %arg12[%swap3A_638, %swap3A_639], %mul3A_635 {strides = array<i32>} : memref<128x128xf32, #tpu.memory_space<vmem>>, vector<16xf32>,
        %add3A_641 = arith.constant 5 : i32
        %add3A_642 = arith.addi %mul3A_123, %add3A_641 : i32
        %get3A_643 = arith.index_cast %add3A_642 : i32 to index
        %get3A_644 = arith.constant 80 : index
        %get3A_645 = tpu.vector_load %arg11[%get3A_643, %get3A_644] {strides = array<i32>} : memref<128x128xf32, #tpu.memory_space<vmem>>, vector<16xf32>,
        %mul3A_646 = arith.mulf %get3A_645, %gather3A_585 : vector<16xf32>
        %add3A_647 = arith.constant 5 : i32
        %add3A_648 = arith.addi %mul3A_123, %add3A_647 : i32
        %swap3A_649 = arith.index_cast %add3A_648 : i32 to index
        %swap3A_650 = arith.constant 80 : index
        %swap3A_651 = tpu.vector_load %arg12[%swap3A_649, %swap3A_650] {strides = array<i32>} : memref<128x128xf32, #tpu.memory_space<vmem>>, vector<16xf32>,
        tpu.vector_store %arg12[%swap3A_649, %swap3A_650], %mul3A_646 {strides = array<i32>} : memref<128x128xf32, #tpu.memory_space<vmem>>, vector<16xf32>,
        %add3A_652 = arith.constant 5 : i32
        %add3A_653 = arith.addi %mul3A_123, %add3A_652 : i32
        %get3A_654 = arith.index_cast %add3A_653 : i32 to index
        %get3A_655 = arith.constant 96 : index
        %get3A_656 = tpu.vector_load %arg11[%get3A_654, %get3A_655] {strides = array<i32>} : memref<128x128xf32, #tpu.memory_space<vmem>>, vector<16xf32>,
        %mul3A_657 = arith.mulf %get3A_656, %gather3A_585 : vector<16xf32>
        %add3A_658 = arith.constant 5 : i32
        %add3A_659 = arith.addi %mul3A_123, %add3A_658 : i32
        %swap3A_660 = arith.index_cast %add3A_659 : i32 to index
        %swap3A_661 = arith.constant 96 : index
        %swap3A_662 = tpu.vector_load %arg12[%swap3A_660, %swap3A_661] {strides = array<i32>} : memref<128x128xf32, #tpu.memory_space<vmem>>, vector<16xf32>,
        tpu.vector_store %arg12[%swap3A_660, %swap3A_661], %mul3A_657 {strides = array<i32>} : memref<128x128xf32, #tpu.memory_space<vmem>>, vector<16xf32>,
        %add3A_663 = arith.constant 5 : i32
        %add3A_664 = arith.addi %mul3A_123, %add3A_663 : i32
        %get3A_665 = arith.index_cast %add3A_664 : i32 to index
        %get3A_666 = arith.constant 112 : index
        %get3A_667 = tpu.vector_load %arg11[%get3A_665, %get3A_666] {strides = array<i32>} : memref<128x128xf32, #tpu.memory_space<vmem>>, vector<16xf32>,
        %mul3A_668 = arith.mulf %get3A_667, %gather3A_585 : vector<16xf32>
        %add3A_669 = arith.constant 5 : i32
        %add3A_670 = arith.addi %mul3A_123, %add3A_669 : i32
        %swap3A_671 = arith.index_cast %add3A_670 : i32 to index
        %swap3A_672 = arith.constant 112 : index
        %swap3A_673 = tpu.vector_load %arg12[%swap3A_671, %swap3A_672] {strides = array<i32>} : memref<128x128xf32, #tpu.memory_space<vmem>>, vector<16xf32>,
        tpu.vector_store %arg12[%swap3A_671, %swap3A_672], %mul3A_668 {strides = array<i32>} : memref<128x128xf32, #tpu.memory_space<vmem>>, vector<16xf32>,
        %broadcast_in_dim3A_674 = arith.constant 6 : i32
        %broadcast_in_dim3A_675 = vector.broadcast %broadcast_in_dim3A_674 : i32 to vector<16x1xi32>
        %gather3A_676 = vector.shape_cast %broadcast_in_dim3A_675 : vector<16x1xi32> to vector<16xi32>
        %gather3A_677 = tpu.dynamic_gather %get3A_121[%gather3A_676] in [0] : vector<16xf32>, vector<16xi32> -> vector<16xf32>
        %add3A_678 = arith.constant 6 : i32
        %add3A_679 = arith.addi %mul3A_123, %add3A_678 : i32
        %get3A_680 = arith.index_cast %add3A_679 : i32 to index
        %get3A_681 = arith.constant 0 : index
        %get3A_682 = tpu.vector_load %arg11[%get3A_680, %get3A_681] {strides = array<i32>} : memref<128x128xf32, #tpu.memory_space<vmem>>, vector<16xf32>,
        %mul3A_683 = arith.mulf %get3A_682, %gather3A_677 : vector<16xf32>
        %add3A_684 = arith.constant 6 : i32
        %add3A_685 = arith.addi %mul3A_123, %add3A_684 : i32
        %swap3A_686 = arith.index_cast %add3A_685 : i32 to index
        %swap3A_687 = arith.constant 0 : index
        %swap3A_688 = tpu.vector_load %arg12[%swap3A_686, %swap3A_687] {strides = array<i32>} : memref<128x128xf32, #tpu.memory_space<vmem>>, vector<16xf32>,
        tpu.vector_store %arg12[%swap3A_686, %swap3A_687], %mul3A_683 {strides = array<i32>} : memref<128x128xf32, #tpu.memory_space<vmem>>, vector<16xf32>,
        %add3A_689 = arith.constant 6 : i32
        %add3A_690 = arith.addi %mul3A_123, %add3A_689 : i32
        %get3A_691 = arith.index_cast %add3A_690 : i32 to index
        %get3A_692 = arith.constant 16 : index
        %get3A_693 = tpu.vector_load %arg11[%get3A_691, %get3A_692] {strides = array<i32>} : memref<128x128xf32, #tpu.memory_space<vmem>>, vector<16xf32>,
        %mul3A_694 = arith.mulf %get3A_693, %gather3A_677 : vector<16xf32>
        %add3A_695 = arith.constant 6 : i32
        %add3A_696 = arith.addi %mul3A_123, %add3A_695 : i32
        %swap3A_697 = arith.index_cast %add3A_696 : i32 to index
        %swap3A_698 = arith.constant 16 : index
        %swap3A_699 = tpu.vector_load %arg12[%swap3A_697, %swap3A_698] {strides = array<i32>} : memref<128x128xf32, #tpu.memory_space<vmem>>, vector<16xf32>,
        tpu.vector_store %arg12[%swap3A_697, %swap3A_698], %mul3A_694 {strides = array<i32>} : memref<128x128xf32, #tpu.memory_space<vmem>>, vector<16xf32>,
        %add3A_700 = arith.constant 6 : i32
        %add3A_701 = arith.addi %mul3A_123, %add3A_700 : i32
        %get3A_702 = arith.index_cast %add3A_701 : i32 to index
        %get3A_703 = arith.constant 32 : index
        %get3A_704 = tpu.vector_load %arg11[%get3A_702, %get3A_703] {strides = array<i32>} : memref<128x128xf32, #tpu.memory_space<vmem>>, vector<16xf32>,
        %mul3A_705 = arith.mulf %get3A_704, %gather3A_677 : vector<16xf32>
        %add3A_706 = arith.constant 6 : i32
        %add3A_707 = arith.addi %mul3A_123, %add3A_706 : i32
        %swap3A_708 = arith.index_cast %add3A_707 : i32 to index
        %swap3A_709 = arith.constant 32 : index
        %swap3A_710 = tpu.vector_load %arg12[%swap3A_708, %swap3A_709] {strides = array<i32>} : memref<128x128xf32, #tpu.memory_space<vmem>>, vector<16xf32>,
        tpu.vector_store %arg12[%swap3A_708, %swap3A_709], %mul3A_705 {strides = array<i32>} : memref<128x128xf32, #tpu.memory_space<vmem>>, vector<16xf32>,
        %add3A_711 = arith.constant 6 : i32
        %add3A_712 = arith.addi %mul3A_123, %add3A_711 : i32
        %get3A_713 = arith.index_cast %add3A_712 : i32 to index
        %get3A_714 = arith.constant 48 : index
        %get3A_715 = tpu.vector_load %arg11[%get3A_713, %get3A_714] {strides = array<i32>} : memref<128x128xf32, #tpu.memory_space<vmem>>, vector<16xf32>,
        %mul3A_716 = arith.mulf %get3A_715, %gather3A_677 : vector<16xf32>
        %add3A_717 = arith.constant 6 : i32
        %add3A_718 = arith.addi %mul3A_123, %add3A_717 : i32
        %swap3A_719 = arith.index_cast %add3A_718 : i32 to index
        %swap3A_720 = arith.constant 48 : index
        %swap3A_721 = tpu.vector_load %arg12[%swap3A_719, %swap3A_720] {strides = array<i32>} : memref<128x128xf32, #tpu.memory_space<vmem>>, vector<16xf32>,
        tpu.vector_store %arg12[%swap3A_719, %swap3A_720], %mul3A_716 {strides = array<i32>} : memref<128x128xf32, #tpu.memory_space<vmem>>, vector<16xf32>,
        %add3A_722 = arith.constant 6 : i32
        %add3A_723 = arith.addi %mul3A_123, %add3A_722 : i32
        %get3A_724 = arith.index_cast %add3A_723 : i32 to index
        %get3A_725 = arith.constant 64 : index
        %get3A_726 = tpu.vector_load %arg11[%get3A_724, %get3A_725] {strides = array<i32>} : memref<128x128xf32, #tpu.memory_space<vmem>>, vector<16xf32>,
        %mul3A_727 = arith.mulf %get3A_726, %gather3A_677 : vector<16xf32>
        %add3A_728 = arith.constant 6 : i32
        %add3A_729 = arith.addi %mul3A_123, %add3A_728 : i32
        %swap3A_730 = arith.index_cast %add3A_729 : i32 to index
        %swap3A_731 = arith.constant 64 : index
        %swap3A_732 = tpu.vector_load %arg12[%swap3A_730, %swap3A_731] {strides = array<i32>} : memref<128x128xf32, #tpu.memory_space<vmem>>, vector<16xf32>,
        tpu.vector_store %arg12[%swap3A_730, %swap3A_731], %mul3A_727 {strides = array<i32>} : memref<128x128xf32, #tpu.memory_space<vmem>>, vector<16xf32>,
        %add3A_733 = arith.constant 6 : i32
        %add3A_734 = arith.addi %mul3A_123, %add3A_733 : i32
        %get3A_735 = arith.index_cast %add3A_734 : i32 to index
        %get3A_736 = arith.constant 80 : index
        %get3A_737 = tpu.vector_load %arg11[%get3A_735, %get3A_736] {strides = array<i32>} : memref<128x128xf32, #tpu.memory_space<vmem>>, vector<16xf32>,
        %mul3A_738 = arith.mulf %get3A_737, %gather3A_677 : vector<16xf32>
        %add3A_739 = arith.constant 6 : i32
        %add3A_740 = arith.addi %mul3A_123, %add3A_739 : i32
        %swap3A_741 = arith.index_cast %add3A_740 : i32 to index
        %swap3A_742 = arith.constant 80 : index
        %swap3A_743 = tpu.vector_load %arg12[%swap3A_741, %swap3A_742] {strides = array<i32>} : memref<128x128xf32, #tpu.memory_space<vmem>>, vector<16xf32>,
        tpu.vector_store %arg12[%swap3A_741, %swap3A_742], %mul3A_738 {strides = array<i32>} : memref<128x128xf32, #tpu.memory_space<vmem>>, vector<16xf32>,
        %add3A_744 = arith.constant 6 : i32
        %add3A_745 = arith.addi %mul3A_123, %add3A_744 : i32
        %get3A_746 = arith.index_cast %add3A_745 : i32 to index
        %get3A_747 = arith.constant 96 : index
        %get3A_748 = tpu.vector_load %arg11[%get3A_746, %get3A_747] {strides = array<i32>} : memref<128x128xf32, #tpu.memory_space<vmem>>, vector<16xf32>,
        %mul3A_749 = arith.mulf %get3A_748, %gather3A_677 : vector<16xf32>
        %add3A_750 = arith.constant 6 : i32
        %add3A_751 = arith.addi %mul3A_123, %add3A_750 : i32
        %swap3A_752 = arith.index_cast %add3A_751 : i32 to index
        %swap3A_753 = arith.constant 96 : index
        %swap3A_754 = tpu.vector_load %arg12[%swap3A_752, %swap3A_753] {strides = array<i32>} : memref<128x128xf32, #tpu.memory_space<vmem>>, vector<16xf32>,
        tpu.vector_store %arg12[%swap3A_752, %swap3A_753], %mul3A_749 {strides = array<i32>} : memref<128x128xf32, #tpu.memory_space<vmem>>, vector<16xf32>,
        %add3A_755 = arith.constant 6 : i32
        %add3A_756 = arith.addi %mul3A_123, %add3A_755 : i32
        %get3A_757 = arith.index_cast %add3A_756 : i32 to index
        %get3A_758 = arith.constant 112 : index
        %get3A_759 = tpu.vector_load %arg11[%get3A_757, %get3A_758] {strides = array<i32>} : memref<128x128xf32, #tpu.memory_space<vmem>>, vector<16xf32>,
        %mul3A_760 = arith.mulf %get3A_759, %gather3A_677 : vector<16xf32>
        %add3A_761 = arith.constant 6 : i32
        %add3A_762 = arith.addi %mul3A_123, %add3A_761 : i32
        %swap3A_763 = arith.index_cast %add3A_762 : i32 to index
        %swap3A_764 = arith.constant 112 : index
        %swap3A_765 = tpu.vector_load %arg12[%swap3A_763, %swap3A_764] {strides = array<i32>} : memref<128x128xf32, #tpu.memory_space<vmem>>, vector<16xf32>,
        tpu.vector_store %arg12[%swap3A_763, %swap3A_764], %mul3A_760 {strides = array<i32>} : memref<128x128xf32, #tpu.memory_space<vmem>>, vector<16xf32>,
        %broadcast_in_dim3A_766 = arith.constant 7 : i32
        %broadcast_in_dim3A_767 = vector.broadcast %broadcast_in_dim3A_766 : i32 to vector<16x1xi32>
        %gather3A_768 = vector.shape_cast %broadcast_in_dim3A_767 : vector<16x1xi32> to vector<16xi32>
        %gather3A_769 = tpu.dynamic_gather %get3A_121[%gather3A_768] in [0] : vector<16xf32>, vector<16xi32> -> vector<16xf32>
        %add3A_770 = arith.constant 7 : i32
        %add3A_771 = arith.addi %mul3A_123, %add3A_770 : i32
        %get3A_772 = arith.index_cast %add3A_771 : i32 to index
        %get3A_773 = arith.constant 0 : index
        %get3A_774 = tpu.vector_load %arg11[%get3A_772, %get3A_773] {strides = array<i32>} : memref<128x128xf32, #tpu.memory_space<vmem>>, vector<16xf32>,
        %mul3A_775 = arith.mulf %get3A_774, %gather3A_769 : vector<16xf32>
        %add3A_776 = arith.constant 7 : i32
        %add3A_777 = arith.addi %mul3A_123, %add3A_776 : i32
        %swap3A_778 = arith.index_cast %add3A_777 : i32 to index
        %swap3A_779 = arith.constant 0 : index
        %swap3A_780 = tpu.vector_load %arg12[%swap3A_778, %swap3A_779] {strides = array<i32>} : memref<128x128xf32, #tpu.memory_space<vmem>>, vector<16xf32>,
        tpu.vector_store %arg12[%swap3A_778, %swap3A_779], %mul3A_775 {strides = array<i32>} : memref<128x128xf32, #tpu.memory_space<vmem>>, vector<16xf32>,
        %add3A_781 = arith.constant 7 : i32
        %add3A_782 = arith.addi %mul3A_123, %add3A_781 : i32
        %get3A_783 = arith.index_cast %add3A_782 : i32 to index
        %get3A_784 = arith.constant 16 : index
        %get3A_785 = tpu.vector_load %arg11[%get3A_783, %get3A_784] {strides = array<i32>} : memref<128x128xf32, #tpu.memory_space<vmem>>, vector<16xf32>,
        %mul3A_786 = arith.mulf %get3A_785, %gather3A_769 : vector<16xf32>
        %add3A_787 = arith.constant 7 : i32
        %add3A_788 = arith.addi %mul3A_123, %add3A_787 : i32
        %swap3A_789 = arith.index_cast %add3A_788 : i32 to index
        %swap3A_790 = arith.constant 16 : index
        %swap3A_791 = tpu.vector_load %arg12[%swap3A_789, %swap3A_790] {strides = array<i32>} : memref<128x128xf32, #tpu.memory_space<vmem>>, vector<16xf32>,
        tpu.vector_store %arg12[%swap3A_789, %swap3A_790], %mul3A_786 {strides = array<i32>} : memref<128x128xf32, #tpu.memory_space<vmem>>, vector<16xf32>,
        %add3A_792 = arith.constant 7 : i32
        %add3A_793 = arith.addi %mul3A_123, %add3A_792 : i32
        %get3A_794 = arith.index_cast %add3A_793 : i32 to index
        %get3A_795 = arith.constant 32 : index
        %get3A_796 = tpu.vector_load %arg11[%get3A_794, %get3A_795] {strides = array<i32>} : memref<128x128xf32, #tpu.memory_space<vmem>>, vector<16xf32>,
        %mul3A_797 = arith.mulf %get3A_796, %gather3A_769 : vector<16xf32>
        %add3A_798 = arith.constant 7 : i32
        %add3A_799 = arith.addi %mul3A_123, %add3A_798 : i32
        %swap3A_800 = arith.index_cast %add3A_799 : i32 to index
        %swap3A_801 = arith.constant 32 : index
        %swap3A_802 = tpu.vector_load %arg12[%swap3A_800, %swap3A_801] {strides = array<i32>} : memref<128x128xf32, #tpu.memory_space<vmem>>, vector<16xf32>,
        tpu.vector_store %arg12[%swap3A_800, %swap3A_801], %mul3A_797 {strides = array<i32>} : memref<128x128xf32, #tpu.memory_space<vmem>>, vector<16xf32>,
        %add3A_803 = arith.constant 7 : i32
        %add3A_804 = arith.addi %mul3A_123, %add3A_803 : i32
        %get3A_805 = arith.index_cast %add3A_804 : i32 to index
        %get3A_806 = arith.constant 48 : index
        %get3A_807 = tpu.vector_load %arg11[%get3A_805, %get3A_806] {strides = array<i32>} : memref<128x128xf32, #tpu.memory_space<vmem>>, vector<16xf32>,
        %mul3A_808 = arith.mulf %get3A_807, %gather3A_769 : vector<16xf32>
        %add3A_809 = arith.constant 7 : i32
        %add3A_810 = arith.addi %mul3A_123, %add3A_809 : i32
        %swap3A_811 = arith.index_cast %add3A_810 : i32 to index
        %swap3A_812 = arith.constant 48 : index
        %swap3A_813 = tpu.vector_load %arg12[%swap3A_811, %swap3A_812] {strides = array<i32>} : memref<128x128xf32, #tpu.memory_space<vmem>>, vector<16xf32>,
        tpu.vector_store %arg12[%swap3A_811, %swap3A_812], %mul3A_808 {strides = array<i32>} : memref<128x128xf32, #tpu.memory_space<vmem>>, vector<16xf32>,
        %add3A_814 = arith.constant 7 : i32
        %add3A_815 = arith.addi %mul3A_123, %add3A_814 : i32
        %get3A_816 = arith.index_cast %add3A_815 : i32 to index
        %get3A_817 = arith.constant 64 : index
        %get3A_818 = tpu.vector_load %arg11[%get3A_816, %get3A_817] {strides = array<i32>} : memref<128x128xf32, #tpu.memory_space<vmem>>, vector<16xf32>,
        %mul3A_819 = arith.mulf %get3A_818, %gather3A_769 : vector<16xf32>
        %add3A_820 = arith.constant 7 : i32
        %add3A_821 = arith.addi %mul3A_123, %add3A_820 : i32
        %swap3A_822 = arith.index_cast %add3A_821 : i32 to index
        %swap3A_823 = arith.constant 64 : index
        %swap3A_824 = tpu.vector_load %arg12[%swap3A_822, %swap3A_823] {strides = array<i32>} : memref<128x128xf32, #tpu.memory_space<vmem>>, vector<16xf32>,
        tpu.vector_store %arg12[%swap3A_822, %swap3A_823], %mul3A_819 {strides = array<i32>} : memref<128x128xf32, #tpu.memory_space<vmem>>, vector<16xf32>,
        %add3A_825 = arith.constant 7 : i32
        %add3A_826 = arith.addi %mul3A_123, %add3A_825 : i32
        %get3A_827 = arith.index_cast %add3A_826 : i32 to index
        %get3A_828 = arith.constant 80 : index
        %get3A_829 = tpu.vector_load %arg11[%get3A_827, %get3A_828] {strides = array<i32>} : memref<128x128xf32, #tpu.memory_space<vmem>>, vector<16xf32>,
        %mul3A_830 = arith.mulf %get3A_829, %gather3A_769 : vector<16xf32>
        %add3A_831 = arith.constant 7 : i32
        %add3A_832 = arith.addi %mul3A_123, %add3A_831 : i32
        %swap3A_833 = arith.index_cast %add3A_832 : i32 to index
        %swap3A_834 = arith.constant 80 : index
        %swap3A_835 = tpu.vector_load %arg12[%swap3A_833, %swap3A_834] {strides = array<i32>} : memref<128x128xf32, #tpu.memory_space<vmem>>, vector<16xf32>,
        tpu.vector_store %arg12[%swap3A_833, %swap3A_834], %mul3A_830 {strides = array<i32>} : memref<128x128xf32, #tpu.memory_space<vmem>>, vector<16xf32>,
        %add3A_836 = arith.constant 7 : i32
        %add3A_837 = arith.addi %mul3A_123, %add3A_836 : i32
        %get3A_838 = arith.index_cast %add3A_837 : i32 to index
        %get3A_839 = arith.constant 96 : index
        %get3A_840 = tpu.vector_load %arg11[%get3A_838, %get3A_839] {strides = array<i32>} : memref<128x128xf32, #tpu.memory_space<vmem>>, vector<16xf32>,
        %mul3A_841 = arith.mulf %get3A_840, %gather3A_769 : vector<16xf32>
        %add3A_842 = arith.constant 7 : i32
        %add3A_843 = arith.addi %mul3A_123, %add3A_842 : i32
        %swap3A_844 = arith.index_cast %add3A_843 : i32 to index
        %swap3A_845 = arith.constant 96 : index
        %swap3A_846 = tpu.vector_load %arg12[%swap3A_844, %swap3A_845] {strides = array<i32>} : memref<128x128xf32, #tpu.memory_space<vmem>>, vector<16xf32>,
        tpu.vector_store %arg12[%swap3A_844, %swap3A_845], %mul3A_841 {strides = array<i32>} : memref<128x128xf32, #tpu.memory_space<vmem>>, vector<16xf32>,
        %add3A_847 = arith.constant 7 : i32
        %add3A_848 = arith.addi %mul3A_123, %add3A_847 : i32
        %get3A_849 = arith.index_cast %add3A_848 : i32 to index
        %get3A_850 = arith.constant 112 : index
        %get3A_851 = tpu.vector_load %arg11[%get3A_849, %get3A_850] {strides = array<i32>} : memref<128x128xf32, #tpu.memory_space<vmem>>, vector<16xf32>,
        %mul3A_852 = arith.mulf %get3A_851, %gather3A_769 : vector<16xf32>
        %add3A_853 = arith.constant 7 : i32
        %add3A_854 = arith.addi %mul3A_123, %add3A_853 : i32
        %swap3A_855 = arith.index_cast %add3A_854 : i32 to index
        %swap3A_856 = arith.constant 112 : index
        %swap3A_857 = tpu.vector_load %arg12[%swap3A_855, %swap3A_856] {strides = array<i32>} : memref<128x128xf32, #tpu.memory_space<vmem>>, vector<16xf32>,
        tpu.vector_store %arg12[%swap3A_855, %swap3A_856], %mul3A_852 {strides = array<i32>} : memref<128x128xf32, #tpu.memory_space<vmem>>, vector<16xf32>,
        %broadcast_in_dim3A_858 = arith.constant 8 : i32
        %broadcast_in_dim3A_859 = vector.broadcast %broadcast_in_dim3A_858 : i32 to vector<16x1xi32>
        %gather3A_860 = vector.shape_cast %broadcast_in_dim3A_859 : vector<16x1xi32> to vector<16xi32>
        %gather3A_861 = tpu.dynamic_gather %get3A_121[%gather3A_860] in [0] : vector<16xf32>, vector<16xi32> -> vector<16xf32>
        %add3A_862 = arith.constant 8 : i32
        %add3A_863 = arith.addi %mul3A_123, %add3A_862 : i32
        %get3A_864 = arith.index_cast %add3A_863 : i32 to index
        %get3A_865 = arith.constant 0 : index
        %get3A_866 = tpu.vector_load %arg11[%get3A_864, %get3A_865] {strides = array<i32>} : memref<128x128xf32, #tpu.memory_space<vmem>>, vector<16xf32>,
        %mul3A_867 = arith.mulf %get3A_866, %gather3A_861 : vector<16xf32>
        %add3A_868 = arith.constant 8 : i32
        %add3A_869 = arith.addi %mul3A_123, %add3A_868 : i32
        %swap3A_870 = arith.index_cast %add3A_869 : i32 to index
        %swap3A_871 = arith.constant 0 : index
        %swap3A_872 = tpu.vector_load %arg12[%swap3A_870, %swap3A_871] {strides = array<i32>} : memref<128x128xf32, #tpu.memory_space<vmem>>, vector<16xf32>,
        tpu.vector_store %arg12[%swap3A_870, %swap3A_871], %mul3A_867 {strides = array<i32>} : memref<128x128xf32, #tpu.memory_space<vmem>>, vector<16xf32>,
        %add3A_873 = arith.constant 8 : i32
        %add3A_874 = arith.addi %mul3A_123, %add3A_873 : i32
        %get3A_875 = arith.index_cast %add3A_874 : i32 to index
        %get3A_876 = arith.constant 16 : index
        %get3A_877 = tpu.vector_load %arg11[%get3A_875, %get3A_876] {strides = array<i32>} : memref<128x128xf32, #tpu.memory_space<vmem>>, vector<16xf32>,
        %mul3A_878 = arith.mulf %get3A_877, %gather3A_861 : vector<16xf32>
        %add3A_879 = arith.constant 8 : i32
        %add3A_880 = arith.addi %mul3A_123, %add3A_879 : i32
        %swap3A_881 = arith.index_cast %add3A_880 : i32 to index
        %swap3A_882 = arith.constant 16 : index
        %swap3A_883 = tpu.vector_load %arg12[%swap3A_881, %swap3A_882] {strides = array<i32>} : memref<128x128xf32, #tpu.memory_space<vmem>>, vector<16xf32>,
        tpu.vector_store %arg12[%swap3A_881, %swap3A_882], %mul3A_878 {strides = array<i32>} : memref<128x128xf32, #tpu.memory_space<vmem>>, vector<16xf32>,
        %add3A_884 = arith.constant 8 : i32
        %add3A_885 = arith.addi %mul3A_123, %add3A_884 : i32
        %get3A_886 = arith.index_cast %add3A_885 : i32 to index
        %get3A_887 = arith.constant 32 : index
        %get3A_888 = tpu.vector_load %arg11[%get3A_886, %get3A_887] {strides = array<i32>} : memref<128x128xf32, #tpu.memory_space<vmem>>, vector<16xf32>,
        %mul3A_889 = arith.mulf %get3A_888, %gather3A_861 : vector<16xf32>
        %add3A_890 = arith.constant 8 : i32
        %add3A_891 = arith.addi %mul3A_123, %add3A_890 : i32
        %swap3A_892 = arith.index_cast %add3A_891 : i32 to index
        %swap3A_893 = arith.constant 32 : index
        %swap3A_894 = tpu.vector_load %arg12[%swap3A_892, %swap3A_893] {strides = array<i32>} : memref<128x128xf32, #tpu.memory_space<vmem>>, vector<16xf32>,
        tpu.vector_store %arg12[%swap3A_892, %swap3A_893], %mul3A_889 {strides = array<i32>} : memref<128x128xf32, #tpu.memory_space<vmem>>, vector<16xf32>,
        %add3A_895 = arith.constant 8 : i32
        %add3A_896 = arith.addi %mul3A_123, %add3A_895 : i32
        %get3A_897 = arith.index_cast %add3A_896 : i32 to index
        %get3A_898 = arith.constant 48 : index
        %get3A_899 = tpu.vector_load %arg11[%get3A_897, %get3A_898] {strides = array<i32>} : memref<128x128xf32, #tpu.memory_space<vmem>>, vector<16xf32>,
        %mul3A_900 = arith.mulf %get3A_899, %gather3A_861 : vector<16xf32>
        %add3A_901 = arith.constant 8 : i32
        %add3A_902 = arith.addi %mul3A_123, %add3A_901 : i32
        %swap3A_903 = arith.index_cast %add3A_902 : i32 to index
        %swap3A_904 = arith.constant 48 : index
        %swap3A_905 = tpu.vector_load %arg12[%swap3A_903, %swap3A_904] {strides = array<i32>} : memref<128x128xf32, #tpu.memory_space<vmem>>, vector<16xf32>,
        tpu.vector_store %arg12[%swap3A_903, %swap3A_904], %mul3A_900 {strides = array<i32>} : memref<128x128xf32, #tpu.memory_space<vmem>>, vector<16xf32>,
        %add3A_906 = arith.constant 8 : i32
        %add3A_907 = arith.addi %mul3A_123, %add3A_906 : i32
        %get3A_908 = arith.index_cast %add3A_907 : i32 to index
        %get3A_909 = arith.constant 64 : index
        %get3A_910 = tpu.vector_load %arg11[%get3A_908, %get3A_909] {strides = array<i32>} : memref<128x128xf32, #tpu.memory_space<vmem>>, vector<16xf32>,
        %mul3A_911 = arith.mulf %get3A_910, %gather3A_861 : vector<16xf32>
        %add3A_912 = arith.constant 8 : i32
        %add3A_913 = arith.addi %mul3A_123, %add3A_912 : i32
        %swap3A_914 = arith.index_cast %add3A_913 : i32 to index
        %swap3A_915 = arith.constant 64 : index
        %swap3A_916 = tpu.vector_load %arg12[%swap3A_914, %swap3A_915] {strides = array<i32>} : memref<128x128xf32, #tpu.memory_space<vmem>>, vector<16xf32>,
        tpu.vector_store %arg12[%swap3A_914, %swap3A_915], %mul3A_911 {strides = array<i32>} : memref<128x128xf32, #tpu.memory_space<vmem>>, vector<16xf32>,
        %add3A_917 = arith.constant 8 : i32
        %add3A_918 = arith.addi %mul3A_123, %add3A_917 : i32
        %get3A_919 = arith.index_cast %add3A_918 : i32 to index
        %get3A_920 = arith.constant 80 : index
        %get3A_921 = tpu.vector_load %arg11[%get3A_919, %get3A_920] {strides = array<i32>} : memref<128x128xf32, #tpu.memory_space<vmem>>, vector<16xf32>,
        %mul3A_922 = arith.mulf %get3A_921, %gather3A_861 : vector<16xf32>
        %add3A_923 = arith.constant 8 : i32
        %add3A_924 = arith.addi %mul3A_123, %add3A_923 : i32
        %swap3A_925 = arith.index_cast %add3A_924 : i32 to index
        %swap3A_926 = arith.constant 80 : index
        %swap3A_927 = tpu.vector_load %arg12[%swap3A_925, %swap3A_926] {strides = array<i32>} : memref<128x128xf32, #tpu.memory_space<vmem>>, vector<16xf32>,
        tpu.vector_store %arg12[%swap3A_925, %swap3A_926], %mul3A_922 {strides = array<i32>} : memref<128x128xf32, #tpu.memory_space<vmem>>, vector<16xf32>,
        %add3A_928 = arith.constant 8 : i32
        %add3A_929 = arith.addi %mul3A_123, %add3A_928 : i32
        %get3A_930 = arith.index_cast %add3A_929 : i32 to index
        %get3A_931 = arith.constant 96 : index
        %get3A_932 = tpu.vector_load %arg11[%get3A_930, %get3A_931] {strides = array<i32>} : memref<128x128xf32, #tpu.memory_space<vmem>>, vector<16xf32>,
        %mul3A_933 = arith.mulf %get3A_932, %gather3A_861 : vector<16xf32>
        %add3A_934 = arith.constant 8 : i32
        %add3A_935 = arith.addi %mul3A_123, %add3A_934 : i32
        %swap3A_936 = arith.index_cast %add3A_935 : i32 to index
        %swap3A_937 = arith.constant 96 : index
        %swap3A_938 = tpu.vector_load %arg12[%swap3A_936, %swap3A_937] {strides = array<i32>} : memref<128x128xf32, #tpu.memory_space<vmem>>, vector<16xf32>,
        tpu.vector_store %arg12[%swap3A_936, %swap3A_937], %mul3A_933 {strides = array<i32>} : memref<128x128xf32, #tpu.memory_space<vmem>>, vector<16xf32>,
        %add3A_939 = arith.constant 8 : i32
        %add3A_940 = arith.addi %mul3A_123, %add3A_939 : i32
        %get3A_941 = arith.index_cast %add3A_940 : i32 to index
        %get3A_942 = arith.constant 112 : index
        %get3A_943 = tpu.vector_load %arg11[%get3A_941, %get3A_942] {strides = array<i32>} : memref<128x128xf32, #tpu.memory_space<vmem>>, vector<16xf32>,
        %mul3A_944 = arith.mulf %get3A_943, %gather3A_861 : vector<16xf32>
        %add3A_945 = arith.constant 8 : i32
        %add3A_946 = arith.addi %mul3A_123, %add3A_945 : i32
        %swap3A_947 = arith.index_cast %add3A_946 : i32 to index
        %swap3A_948 = arith.constant 112 : index
        %swap3A_949 = tpu.vector_load %arg12[%swap3A_947, %swap3A_948] {strides = array<i32>} : memref<128x128xf32, #tpu.memory_space<vmem>>, vector<16xf32>,
        tpu.vector_store %arg12[%swap3A_947, %swap3A_948], %mul3A_944 {strides = array<i32>} : memref<128x128xf32, #tpu.memory_space<vmem>>, vector<16xf32>,
        %broadcast_in_dim3A_950 = arith.constant 9 : i32
        %broadcast_in_dim3A_951 = vector.broadcast %broadcast_in_dim3A_950 : i32 to vector<16x1xi32>
        %gather3A_952 = vector.shape_cast %broadcast_in_dim3A_951 : vector<16x1xi32> to vector<16xi32>
        %gather3A_953 = tpu.dynamic_gather %get3A_121[%gather3A_952] in [0] : vector<16xf32>, vector<16xi32> -> vector<16xf32>
        %add3A_954 = arith.constant 9 : i32
        %add3A_955 = arith.addi %mul3A_123, %add3A_954 : i32
        %get3A_956 = arith.index_cast %add3A_955 : i32 to index
        %get3A_957 = arith.constant 0 : index
        %get3A_958 = tpu.vector_load %arg11[%get3A_956, %get3A_957] {strides = array<i32>} : memref<128x128xf32, #tpu.memory_space<vmem>>, vector<16xf32>,
        %mul3A_959 = arith.mulf %get3A_958, %gather3A_953 : vector<16xf32>
        %add3A_960 = arith.constant 9 : i32
        %add3A_961 = arith.addi %mul3A_123, %add3A_960 : i32
        %swap3A_962 = arith.index_cast %add3A_961 : i32 to index
        %swap3A_963 = arith.constant 0 : index
        %swap3A_964 = tpu.vector_load %arg12[%swap3A_962, %swap3A_963] {strides = array<i32>} : memref<128x128xf32, #tpu.memory_space<vmem>>, vector<16xf32>,
        tpu.vector_store %arg12[%swap3A_962, %swap3A_963], %mul3A_959 {strides = array<i32>} : memref<128x128xf32, #tpu.memory_space<vmem>>, vector<16xf32>,
        %add3A_965 = arith.constant 9 : i32
        %add3A_966 = arith.addi %mul3A_123, %add3A_965 : i32
        %get3A_967 = arith.index_cast %add3A_966 : i32 to index
        %get3A_968 = arith.constant 16 : index
        %get3A_969 = tpu.vector_load %arg11[%get3A_967, %get3A_968] {strides = array<i32>} : memref<128x128xf32, #tpu.memory_space<vmem>>, vector<16xf32>,
        %mul3A_970 = arith.mulf %get3A_969, %gather3A_953 : vector<16xf32>
        %add3A_971 = arith.constant 9 : i32
        %add3A_972 = arith.addi %mul3A_123, %add3A_971 : i32
        %swap3A_973 = arith.index_cast %add3A_972 : i32 to index
        %swap3A_974 = arith.constant 16 : index
        %swap3A_975 = tpu.vector_load %arg12[%swap3A_973, %swap3A_974] {strides = array<i32>} : memref<128x128xf32, #tpu.memory_space<vmem>>, vector<16xf32>,
        tpu.vector_store %arg12[%swap3A_973, %swap3A_974], %mul3A_970 {strides = array<i32>} : memref<128x128xf32, #tpu.memory_space<vmem>>, vector<16xf32>,
        %add3A_976 = arith.constant 9 : i32
        %add3A_977 = arith.addi %mul3A_123, %add3A_976 : i32
        %get3A_978 = arith.index_cast %add3A_977 : i32 to index
        %get3A_979 = arith.constant 32 : index
        %get3A_980 = tpu.vector_load %arg11[%get3A_978, %get3A_979] {strides = array<i32>} : memref<128x128xf32, #tpu.memory_space<vmem>>, vector<16xf32>,
        %mul3A_981 = arith.mulf %get3A_980, %gather3A_953 : vector<16xf32>
        %add3A_982 = arith.constant 9 : i32
        %add3A_983 = arith.addi %mul3A_123, %add3A_982 : i32
        %swap3A_984 = arith.index_cast %add3A_983 : i32 to index
        %swap3A_985 = arith.constant 32 : index
        %swap3A_986 = tpu.vector_load %arg12[%swap3A_984, %swap3A_985] {strides = array<i32>} : memref<128x128xf32, #tpu.memory_space<vmem>>, vector<16xf32>,
        tpu.vector_store %arg12[%swap3A_984, %swap3A_985], %mul3A_981 {strides = array<i32>} : memref<128x128xf32, #tpu.memory_space<vmem>>, vector<16xf32>,
        %add3A_987 = arith.constant 9 : i32
        %add3A_988 = arith.addi %mul3A_123, %add3A_987 : i32
        %get3A_989 = arith.index_cast %add3A_988 : i32 to index
        %get3A_990 = arith.constant 48 : index
        %get3A_991 = tpu.vector_load %arg11[%get3A_989, %get3A_990] {strides = array<i32>} : memref<128x128xf32, #tpu.memory_space<vmem>>, vector<16xf32>,
        %mul3A_992 = arith.mulf %get3A_991, %gather3A_953 : vector<16xf32>
        %add3A_993 = arith.constant 9 : i32
        %add3A_994 = arith.addi %mul3A_123, %add3A_993 : i32
        %swap3A_995 = arith.index_cast %add3A_994 : i32 to index
        %swap3A_996 = arith.constant 48 : index
        %swap3A_997 = tpu.vector_load %arg12[%swap3A_995, %swap3A_996] {strides = array<i32>} : memref<128x128xf32, #tpu.memory_space<vmem>>, vector<16xf32>,
        tpu.vector_store %arg12[%swap3A_995, %swap3A_996], %mul3A_992 {strides = array<i32>} : memref<128x128xf32, #tpu.memory_space<vmem>>, vector<16xf32>,
        %add3A_998 = arith.constant 9 : i32
        %add3A_999 = arith.addi %mul3A_123, %add3A_998 : i32
        %get3A_1000 = arith.index_cast %add3A_999 : i32 to index
        %get3A_1001 = arith.constant 64 : index
        %get3A_1002 = tpu.vector_load %arg11[%get3A_1000, %get3A_1001] {strides = array<i32>} : memref<128x128xf32, #tpu.memory_space<vmem>>, vector<16xf32>,
        %mul3A_1003 = arith.mulf %get3A_1002, %gather3A_953 : vector<16xf32>
        %add3A_1004 = arith.constant 9 : i32
        %add3A_1005 = arith.addi %mul3A_123, %add3A_1004 : i32
        %swap3A_1006 = arith.index_cast %add3A_1005 : i32 to index
        %swap3A_1007 = arith.constant 64 : index
        %swap3A_1008 = tpu.vector_load %arg12[%swap3A_1006, %swap3A_1007] {strides = array<i32>} : memref<128x128xf32, #tpu.memory_space<vmem>>, vector<16xf32>,
        tpu.vector_store %arg12[%swap3A_1006, %swap3A_1007], %mul3A_1003 {strides = array<i32>} : memref<128x128xf32, #tpu.memory_space<vmem>>, vector<16xf32>,
        %add3A_1009 = arith.constant 9 : i32
        %add3A_1010 = arith.addi %mul3A_123, %add3A_1009 : i32
        %get3A_1011 = arith.index_cast %add3A_1010 : i32 to index
        %get3A_1012 = arith.constant 80 : index
        %get3A_1013 = tpu.vector_load %arg11[%get3A_1011, %get3A_1012] {strides = array<i32>} : memref<128x128xf32, #tpu.memory_space<vmem>>, vector<16xf32>,
        %mul3A_1014 = arith.mulf %get3A_1013, %gather3A_953 : vector<16xf32>
        %add3A_1015 = arith.constant 9 : i32
        %add3A_1016 = arith.addi %mul3A_123, %add3A_1015 : i32
        %swap3A_1017 = arith.index_cast %add3A_1016 : i32 to index
        %swap3A_1018 = arith.constant 80 : index
        %swap3A_1019 = tpu.vector_load %arg12[%swap3A_1017, %swap3A_1018] {strides = array<i32>} : memref<128x128xf32, #tpu.memory_space<vmem>>, vector<16xf32>,
        tpu.vector_store %arg12[%swap3A_1017, %swap3A_1018], %mul3A_1014 {strides = array<i32>} : memref<128x128xf32, #tpu.memory_space<vmem>>, vector<16xf32>,
        %add3A_1020 = arith.constant 9 : i32
        %add3A_1021 = arith.addi %mul3A_123, %add3A_1020 : i32
        %get3A_1022 = arith.index_cast %add3A_1021 : i32 to index
        %get3A_1023 = arith.constant 96 : index
        %get3A_1024 = tpu.vector_load %arg11[%get3A_1022, %get3A_1023] {strides = array<i32>} : memref<128x128xf32, #tpu.memory_space<vmem>>, vector<16xf32>,
        %mul3A_1025 = arith.mulf %get3A_1024, %gather3A_953 : vector<16xf32>
        %add3A_1026 = arith.constant 9 : i32
        %add3A_1027 = arith.addi %mul3A_123, %add3A_1026 : i32
        %swap3A_1028 = arith.index_cast %add3A_1027 : i32 to index
        %swap3A_1029 = arith.constant 96 : index
        %swap3A_1030 = tpu.vector_load %arg12[%swap3A_1028, %swap3A_1029] {strides = array<i32>} : memref<128x128xf32, #tpu.memory_space<vmem>>, vector<16xf32>,
        tpu.vector_store %arg12[%swap3A_1028, %swap3A_1029], %mul3A_1025 {strides = array<i32>} : memref<128x128xf32, #tpu.memory_space<vmem>>, vector<16xf32>,
        %add3A_1031 = arith.constant 9 : i32
        %add3A_1032 = arith.addi %mul3A_123, %add3A_1031 : i32
        %get3A_1033 = arith.index_cast %add3A_1032 : i32 to index
        %get3A_1034 = arith.constant 112 : index
        %get3A_1035 = tpu.vector_load %arg11[%get3A_1033, %get3A_1034] {strides = array<i32>} : memref<128x128xf32, #tpu.memory_space<vmem>>, vector<16xf32>,
        %mul3A_1036 = arith.mulf %get3A_1035, %gather3A_953 : vector<16xf32>
        %add3A_1037 = arith.constant 9 : i32
        %add3A_1038 = arith.addi %mul3A_123, %add3A_1037 : i32
        %swap3A_1039 = arith.index_cast %add3A_1038 : i32 to index
        %swap3A_1040 = arith.constant 112 : index
        %swap3A_1041 = tpu.vector_load %arg12[%swap3A_1039, %swap3A_1040] {strides = array<i32>} : memref<128x128xf32, #tpu.memory_space<vmem>>, vector<16xf32>,
        tpu.vector_store %arg12[%swap3A_1039, %swap3A_1040], %mul3A_1036 {strides = array<i32>} : memref<128x128xf32, #tpu.memory_space<vmem>>, vector<16xf32>,
        %broadcast_in_dim3A_1042 = arith.constant 10 : i32
        %broadcast_in_dim3A_1043 = vector.broadcast %broadcast_in_dim3A_1042 : i32 to vector<16x1xi32>
        %gather3A_1044 = vector.shape_cast %broadcast_in_dim3A_1043 : vector<16x1xi32> to vector<16xi32>
        %gather3A_1045 = tpu.dynamic_gather %get3A_121[%gather3A_1044] in [0] : vector<16xf32>, vector<16xi32> -> vector<16xf32>
        %add3A_1046 = arith.constant 10 : i32
        %add3A_1047 = arith.addi %mul3A_123, %add3A_1046 : i32
        %get3A_1048 = arith.index_cast %add3A_1047 : i32 to index
        %get3A_1049 = arith.constant 0 : index
        %get3A_1050 = tpu.vector_load %arg11[%get3A_1048, %get3A_1049] {strides = array<i32>} : memref<128x128xf32, #tpu.memory_space<vmem>>, vector<16xf32>,
        %mul3A_1051 = arith.mulf %get3A_1050, %gather3A_1045 : vector<16xf32>
        %add3A_1052 = arith.constant 10 : i32
        %add3A_1053 = arith.addi %mul3A_123, %add3A_1052 : i32
        %swap3A_1054 = arith.index_cast %add3A_1053 : i32 to index
        %swap3A_1055 = arith.constant 0 : index
        %swap3A_1056 = tpu.vector_load %arg12[%swap3A_1054, %swap3A_1055] {strides = array<i32>} : memref<128x128xf32, #tpu.memory_space<vmem>>, vector<16xf32>,
        tpu.vector_store %arg12[%swap3A_1054, %swap3A_1055], %mul3A_1051 {strides = array<i32>} : memref<128x128xf32, #tpu.memory_space<vmem>>, vector<16xf32>,
        %add3A_1057 = arith.constant 10 : i32
        %add3A_1058 = arith.addi %mul3A_123, %add3A_1057 : i32
        %get3A_1059 = arith.index_cast %add3A_1058 : i32 to index
        %get3A_1060 = arith.constant 16 : index
        %get3A_1061 = tpu.vector_load %arg11[%get3A_1059, %get3A_1060] {strides = array<i32>} : memref<128x128xf32, #tpu.memory_space<vmem>>, vector<16xf32>,
        %mul3A_1062 = arith.mulf %get3A_1061, %gather3A_1045 : vector<16xf32>
        %add3A_1063 = arith.constant 10 : i32
        %add3A_1064 = arith.addi %mul3A_123, %add3A_1063 : i32
        %swap3A_1065 = arith.index_cast %add3A_1064 : i32 to index
        %swap3A_1066 = arith.constant 16 : index
        %swap3A_1067 = tpu.vector_load %arg12[%swap3A_1065, %swap3A_1066] {strides = array<i32>} : memref<128x128xf32, #tpu.memory_space<vmem>>, vector<16xf32>,
        tpu.vector_store %arg12[%swap3A_1065, %swap3A_1066], %mul3A_1062 {strides = array<i32>} : memref<128x128xf32, #tpu.memory_space<vmem>>, vector<16xf32>,
        %add3A_1068 = arith.constant 10 : i32
        %add3A_1069 = arith.addi %mul3A_123, %add3A_1068 : i32
        %get3A_1070 = arith.index_cast %add3A_1069 : i32 to index
        %get3A_1071 = arith.constant 32 : index
        %get3A_1072 = tpu.vector_load %arg11[%get3A_1070, %get3A_1071] {strides = array<i32>} : memref<128x128xf32, #tpu.memory_space<vmem>>, vector<16xf32>,
        %mul3A_1073 = arith.mulf %get3A_1072, %gather3A_1045 : vector<16xf32>
        %add3A_1074 = arith.constant 10 : i32
        %add3A_1075 = arith.addi %mul3A_123, %add3A_1074 : i32
        %swap3A_1076 = arith.index_cast %add3A_1075 : i32 to index
        %swap3A_1077 = arith.constant 32 : index
        %swap3A_1078 = tpu.vector_load %arg12[%swap3A_1076, %swap3A_1077] {strides = array<i32>} : memref<128x128xf32, #tpu.memory_space<vmem>>, vector<16xf32>,
        tpu.vector_store %arg12[%swap3A_1076, %swap3A_1077], %mul3A_1073 {strides = array<i32>} : memref<128x128xf32, #tpu.memory_space<vmem>>, vector<16xf32>,
        %add3A_1079 = arith.constant 10 : i32
        %add3A_1080 = arith.addi %mul3A_123, %add3A_1079 : i32
        %get3A_1081 = arith.index_cast %add3A_1080 : i32 to index
        %get3A_1082 = arith.constant 48 : index
        %get3A_1083 = tpu.vector_load %arg11[%get3A_1081, %get3A_1082] {strides = array<i32>} : memref<128x128xf32, #tpu.memory_space<vmem>>, vector<16xf32>,
        %mul3A_1084 = arith.mulf %get3A_1083, %gather3A_1045 : vector<16xf32>
        %add3A_1085 = arith.constant 10 : i32
        %add3A_1086 = arith.addi %mul3A_123, %add3A_1085 : i32
        %swap3A_1087 = arith.index_cast %add3A_1086 : i32 to index
        %swap3A_1088 = arith.constant 48 : index
        %swap3A_1089 = tpu.vector_load %arg12[%swap3A_1087, %swap3A_1088] {strides = array<i32>} : memref<128x128xf32, #tpu.memory_space<vmem>>, vector<16xf32>,
        tpu.vector_store %arg12[%swap3A_1087, %swap3A_1088], %mul3A_1084 {strides = array<i32>} : memref<128x128xf32, #tpu.memory_space<vmem>>, vector<16xf32>,
        %add3A_1090 = arith.constant 10 : i32
        %add3A_1091 = arith.addi %mul3A_123, %add3A_1090 : i32
        %get3A_1092 = arith.index_cast %add3A_1091 : i32 to index
        %get3A_1093 = arith.constant 64 : index
        %get3A_1094 = tpu.vector_load %arg11[%get3A_1092, %get3A_1093] {strides = array<i32>} : memref<128x128xf32, #tpu.memory_space<vmem>>, vector<16xf32>,
        %mul3A_1095 = arith.mulf %get3A_1094, %gather3A_1045 : vector<16xf32>
        %add3A_1096 = arith.constant 10 : i32
        %add3A_1097 = arith.addi %mul3A_123, %add3A_1096 : i32
        %swap3A_1098 = arith.index_cast %add3A_1097 : i32 to index
        %swap3A_1099 = arith.constant 64 : index
        %swap3A_1100 = tpu.vector_load %arg12[%swap3A_1098, %swap3A_1099] {strides = array<i32>} : memref<128x128xf32, #tpu.memory_space<vmem>>, vector<16xf32>,
        tpu.vector_store %arg12[%swap3A_1098, %swap3A_1099], %mul3A_1095 {strides = array<i32>} : memref<128x128xf32, #tpu.memory_space<vmem>>, vector<16xf32>,
        %add3A_1101 = arith.constant 10 : i32
        %add3A_1102 = arith.addi %mul3A_123, %add3A_1101 : i32
        %get3A_1103 = arith.index_cast %add3A_1102 : i32 to index
        %get3A_1104 = arith.constant 80 : index
        %get3A_1105 = tpu.vector_load %arg11[%get3A_1103, %get3A_1104] {strides = array<i32>} : memref<128x128xf32, #tpu.memory_space<vmem>>, vector<16xf32>,
        %mul3A_1106 = arith.mulf %get3A_1105, %gather3A_1045 : vector<16xf32>
        %add3A_1107 = arith.constant 10 : i32
        %add3A_1108 = arith.addi %mul3A_123, %add3A_1107 : i32
        %swap3A_1109 = arith.index_cast %add3A_1108 : i32 to index
        %swap3A_1110 = arith.constant 80 : index
        %swap3A_1111 = tpu.vector_load %arg12[%swap3A_1109, %swap3A_1110] {strides = array<i32>} : memref<128x128xf32, #tpu.memory_space<vmem>>, vector<16xf32>,
        tpu.vector_store %arg12[%swap3A_1109, %swap3A_1110], %mul3A_1106 {strides = array<i32>} : memref<128x128xf32, #tpu.memory_space<vmem>>, vector<16xf32>,
        %add3A_1112 = arith.constant 10 : i32
        %add3A_1113 = arith.addi %mul3A_123, %add3A_1112 : i32
        %get3A_1114 = arith.index_cast %add3A_1113 : i32 to index
        %get3A_1115 = arith.constant 96 : index
        %get3A_1116 = tpu.vector_load %arg11[%get3A_1114, %get3A_1115] {strides = array<i32>} : memref<128x128xf32, #tpu.memory_space<vmem>>, vector<16xf32>,
        %mul3A_1117 = arith.mulf %get3A_1116, %gather3A_1045 : vector<16xf32>
        %add3A_1118 = arith.constant 10 : i32
        %add3A_1119 = arith.addi %mul3A_123, %add3A_1118 : i32
        %swap3A_1120 = arith.index_cast %add3A_1119 : i32 to index
        %swap3A_1121 = arith.constant 96 : index
        %swap3A_1122 = tpu.vector_load %arg12[%swap3A_1120, %swap3A_1121] {strides = array<i32>} : memref<128x128xf32, #tpu.memory_space<vmem>>, vector<16xf32>,
        tpu.vector_store %arg12[%swap3A_1120, %swap3A_1121], %mul3A_1117 {strides = array<i32>} : memref<128x128xf32, #tpu.memory_space<vmem>>, vector<16xf32>,
        %add3A_1123 = arith.constant 10 : i32
        %add3A_1124 = arith.addi %mul3A_123, %add3A_1123 : i32
        %get3A_1125 = arith.index_cast %add3A_1124 : i32 to index
        %get3A_1126 = arith.constant 112 : index
        %get3A_1127 = tpu.vector_load %arg11[%get3A_1125, %get3A_1126] {strides = array<i32>} : memref<128x128xf32, #tpu.memory_space<vmem>>, vector<16xf32>,
        %mul3A_1128 = arith.mulf %get3A_1127, %gather3A_1045 : vector<16xf32>
        %add3A_1129 = arith.constant 10 : i32
        %add3A_1130 = arith.addi %mul3A_123, %add3A_1129 : i32
        %swap3A_1131 = arith.index_cast %add3A_1130 : i32 to index
        %swap3A_1132 = arith.constant 112 : index
        %swap3A_1133 = tpu.vector_load %arg12[%swap3A_1131, %swap3A_1132] {strides = array<i32>} : memref<128x128xf32, #tpu.memory_space<vmem>>, vector<16xf32>,
        tpu.vector_store %arg12[%swap3A_1131, %swap3A_1132], %mul3A_1128 {strides = array<i32>} : memref<128x128xf32, #tpu.memory_space<vmem>>, vector<16xf32>,
        %broadcast_in_dim3A_1134 = arith.constant 11 : i32
        %broadcast_in_dim3A_1135 = vector.broadcast %broadcast_in_dim3A_1134 : i32 to vector<16x1xi32>
        %gather3A_1136 = vector.shape_cast %broadcast_in_dim3A_1135 : vector<16x1xi32> to vector<16xi32>
        %gather3A_1137 = tpu.dynamic_gather %get3A_121[%gather3A_1136] in [0] : vector<16xf32>, vector<16xi32> -> vector<16xf32>
        %add3A_1138 = arith.constant 11 : i32
        %add3A_1139 = arith.addi %mul3A_123, %add3A_1138 : i32
        %get3A_1140 = arith.index_cast %add3A_1139 : i32 to index
        %get3A_1141 = arith.constant 0 : index
        %get3A_1142 = tpu.vector_load %arg11[%get3A_1140, %get3A_1141] {strides = array<i32>} : memref<128x128xf32, #tpu.memory_space<vmem>>, vector<16xf32>,
        %mul3A_1143 = arith.mulf %get3A_1142, %gather3A_1137 : vector<16xf32>
        %add3A_1144 = arith.constant 11 : i32
        %add3A_1145 = arith.addi %mul3A_123, %add3A_1144 : i32
        %swap3A_1146 = arith.index_cast %add3A_1145 : i32 to index
        %swap3A_1147 = arith.constant 0 : index
        %swap3A_1148 = tpu.vector_load %arg12[%swap3A_1146, %swap3A_1147] {strides = array<i32>} : memref<128x128xf32, #tpu.memory_space<vmem>>, vector<16xf32>,
        tpu.vector_store %arg12[%swap3A_1146, %swap3A_1147], %mul3A_1143 {strides = array<i32>} : memref<128x128xf32, #tpu.memory_space<vmem>>, vector<16xf32>,
        %add3A_1149 = arith.constant 11 : i32
        %add3A_1150 = arith.addi %mul3A_123, %add3A_1149 : i32
        %get3A_1151 = arith.index_cast %add3A_1150 : i32 to index
        %get3A_1152 = arith.constant 16 : index
        %get3A_1153 = tpu.vector_load %arg11[%get3A_1151, %get3A_1152] {strides = array<i32>} : memref<128x128xf32, #tpu.memory_space<vmem>>, vector<16xf32>,
        %mul3A_1154 = arith.mulf %get3A_1153, %gather3A_1137 : vector<16xf32>
        %add3A_1155 = arith.constant 11 : i32
        %add3A_1156 = arith.addi %mul3A_123, %add3A_1155 : i32
        %swap3A_1157 = arith.index_cast %add3A_1156 : i32 to index
        %swap3A_1158 = arith.constant 16 : index
        %swap3A_1159 = tpu.vector_load %arg12[%swap3A_1157, %swap3A_1158] {strides = array<i32>} : memref<128x128xf32, #tpu.memory_space<vmem>>, vector<16xf32>,
        tpu.vector_store %arg12[%swap3A_1157, %swap3A_1158], %mul3A_1154 {strides = array<i32>} : memref<128x128xf32, #tpu.memory_space<vmem>>, vector<16xf32>,
        %add3A_1160 = arith.constant 11 : i32
        %add3A_1161 = arith.addi %mul3A_123, %add3A_1160 : i32
        %get3A_1162 = arith.index_cast %add3A_1161 : i32 to index
        %get3A_1163 = arith.constant 32 : index
        %get3A_1164 = tpu.vector_load %arg11[%get3A_1162, %get3A_1163] {strides = array<i32>} : memref<128x128xf32, #tpu.memory_space<vmem>>, vector<16xf32>,
        %mul3A_1165 = arith.mulf %get3A_1164, %gather3A_1137 : vector<16xf32>
        %add3A_1166 = arith.constant 11 : i32
        %add3A_1167 = arith.addi %mul3A_123, %add3A_1166 : i32
        %swap3A_1168 = arith.index_cast %add3A_1167 : i32 to index
        %swap3A_1169 = arith.constant 32 : index
        %swap3A_1170 = tpu.vector_load %arg12[%swap3A_1168, %swap3A_1169] {strides = array<i32>} : memref<128x128xf32, #tpu.memory_space<vmem>>, vector<16xf32>,
        tpu.vector_store %arg12[%swap3A_1168, %swap3A_1169], %mul3A_1165 {strides = array<i32>} : memref<128x128xf32, #tpu.memory_space<vmem>>, vector<16xf32>,
        %add3A_1171 = arith.constant 11 : i32
        %add3A_1172 = arith.addi %mul3A_123, %add3A_1171 : i32
        %get3A_1173 = arith.index_cast %add3A_1172 : i32 to index
        %get3A_1174 = arith.constant 48 : index
        %get3A_1175 = tpu.vector_load %arg11[%get3A_1173, %get3A_1174] {strides = array<i32>} : memref<128x128xf32, #tpu.memory_space<vmem>>, vector<16xf32>,
        %mul3A_1176 = arith.mulf %get3A_1175, %gather3A_1137 : vector<16xf32>
        %add3A_1177 = arith.constant 11 : i32
        %add3A_1178 = arith.addi %mul3A_123, %add3A_1177 : i32
        %swap3A_1179 = arith.index_cast %add3A_1178 : i32 to index
        %swap3A_1180 = arith.constant 48 : index
        %swap3A_1181 = tpu.vector_load %arg12[%swap3A_1179, %swap3A_1180] {strides = array<i32>} : memref<128x128xf32, #tpu.memory_space<vmem>>, vector<16xf32>,
        tpu.vector_store %arg12[%swap3A_1179, %swap3A_1180], %mul3A_1176 {strides = array<i32>} : memref<128x128xf32, #tpu.memory_space<vmem>>, vector<16xf32>,
        %add3A_1182 = arith.constant 11 : i32
        %add3A_1183 = arith.addi %mul3A_123, %add3A_1182 : i32
        %get3A_1184 = arith.index_cast %add3A_1183 : i32 to index
        %get3A_1185 = arith.constant 64 : index
        %get3A_1186 = tpu.vector_load %arg11[%get3A_1184, %get3A_1185] {strides = array<i32>} : memref<128x128xf32, #tpu.memory_space<vmem>>, vector<16xf32>,
        %mul3A_1187 = arith.mulf %get3A_1186, %gather3A_1137 : vector<16xf32>
        %add3A_1188 = arith.constant 11 : i32
        %add3A_1189 = arith.addi %mul3A_123, %add3A_1188 : i32
        %swap3A_1190 = arith.index_cast %add3A_1189 : i32 to index
        %swap3A_1191 = arith.constant 64 : index
        %swap3A_1192 = tpu.vector_load %arg12[%swap3A_1190, %swap3A_1191] {strides = array<i32>} : memref<128x128xf32, #tpu.memory_space<vmem>>, vector<16xf32>,
        tpu.vector_store %arg12[%swap3A_1190, %swap3A_1191], %mul3A_1187 {strides = array<i32>} : memref<128x128xf32, #tpu.memory_space<vmem>>, vector<16xf32>,
        %add3A_1193 = arith.constant 11 : i32
        %add3A_1194 = arith.addi %mul3A_123, %add3A_1193 : i32
        %get3A_1195 = arith.index_cast %add3A_1194 : i32 to index
        %get3A_1196 = arith.constant 80 : index
        %get3A_1197 = tpu.vector_load %arg11[%get3A_1195, %get3A_1196] {strides = array<i32>} : memref<128x128xf32, #tpu.memory_space<vmem>>, vector<16xf32>,
        %mul3A_1198 = arith.mulf %get3A_1197, %gather3A_1137 : vector<16xf32>
        %add3A_1199 = arith.constant 11 : i32
        %add3A_1200 = arith.addi %mul3A_123, %add3A_1199 : i32
        %swap3A_1201 = arith.index_cast %add3A_1200 : i32 to index
        %swap3A_1202 = arith.constant 80 : index
        %swap3A_1203 = tpu.vector_load %arg12[%swap3A_1201, %swap3A_1202] {strides = array<i32>} : memref<128x128xf32, #tpu.memory_space<vmem>>, vector<16xf32>,
        tpu.vector_store %arg12[%swap3A_1201, %swap3A_1202], %mul3A_1198 {strides = array<i32>} : memref<128x128xf32, #tpu.memory_space<vmem>>, vector<16xf32>,
        %add3A_1204 = arith.constant 11 : i32
        %add3A_1205 = arith.addi %mul3A_123, %add3A_1204 : i32
        %get3A_1206 = arith.index_cast %add3A_1205 : i32 to index
        %get3A_1207 = arith.constant 96 : index
        %get3A_1208 = tpu.vector_load %arg11[%get3A_1206, %get3A_1207] {strides = array<i32>} : memref<128x128xf32, #tpu.memory_space<vmem>>, vector<16xf32>,
        %mul3A_1209 = arith.mulf %get3A_1208, %gather3A_1137 : vector<16xf32>
        %add3A_1210 = arith.constant 11 : i32
        %add3A_1211 = arith.addi %mul3A_123, %add3A_1210 : i32
        %swap3A_1212 = arith.index_cast %add3A_1211 : i32 to index
        %swap3A_1213 = arith.constant 96 : index
        %swap3A_1214 = tpu.vector_load %arg12[%swap3A_1212, %swap3A_1213] {strides = array<i32>} : memref<128x128xf32, #tpu.memory_space<vmem>>, vector<16xf32>,
        tpu.vector_store %arg12[%swap3A_1212, %swap3A_1213], %mul3A_1209 {strides = array<i32>} : memref<128x128xf32, #tpu.memory_space<vmem>>, vector<16xf32>,
        %add3A_1215 = arith.constant 11 : i32
        %add3A_1216 = arith.addi %mul3A_123, %add3A_1215 : i32
        %get3A_1217 = arith.index_cast %add3A_1216 : i32 to index
        %get3A_1218 = arith.constant 112 : index
        %get3A_1219 = tpu.vector_load %arg11[%get3A_1217, %get3A_1218] {strides = array<i32>} : memref<128x128xf32, #tpu.memory_space<vmem>>, vector<16xf32>,
        %mul3A_1220 = arith.mulf %get3A_1219, %gather3A_1137 : vector<16xf32>
        %add3A_1221 = arith.constant 11 : i32
        %add3A_1222 = arith.addi %mul3A_123, %add3A_1221 : i32
        %swap3A_1223 = arith.index_cast %add3A_1222 : i32 to index
        %swap3A_1224 = arith.constant 112 : index
        %swap3A_1225 = tpu.vector_load %arg12[%swap3A_1223, %swap3A_1224] {strides = array<i32>} : memref<128x128xf32, #tpu.memory_space<vmem>>, vector<16xf32>,
        tpu.vector_store %arg12[%swap3A_1223, %swap3A_1224], %mul3A_1220 {strides = array<i32>} : memref<128x128xf32, #tpu.memory_space<vmem>>, vector<16xf32>,
        %broadcast_in_dim3A_1226 = arith.constant 12 : i32
        %broadcast_in_dim3A_1227 = vector.broadcast %broadcast_in_dim3A_1226 : i32 to vector<16x1xi32>
        %gather3A_1228 = vector.shape_cast %broadcast_in_dim3A_1227 : vector<16x1xi32> to vector<16xi32>
        %gather3A_1229 = tpu.dynamic_gather %get3A_121[%gather3A_1228] in [0] : vector<16xf32>, vector<16xi32> -> vector<16xf32>
        %add3A_1230 = arith.constant 12 : i32
        %add3A_1231 = arith.addi %mul3A_123, %add3A_1230 : i32
        %get3A_1232 = arith.index_cast %add3A_1231 : i32 to index
        %get3A_1233 = arith.constant 0 : index
        %get3A_1234 = tpu.vector_load %arg11[%get3A_1232, %get3A_1233] {strides = array<i32>} : memref<128x128xf32, #tpu.memory_space<vmem>>, vector<16xf32>,
        %mul3A_1235 = arith.mulf %get3A_1234, %gather3A_1229 : vector<16xf32>
        %add3A_1236 = arith.constant 12 : i32
        %add3A_1237 = arith.addi %mul3A_123, %add3A_1236 : i32
        %swap3A_1238 = arith.index_cast %add3A_1237 : i32 to index
        %swap3A_1239 = arith.constant 0 : index
        %swap3A_1240 = tpu.vector_load %arg12[%swap3A_1238, %swap3A_1239] {strides = array<i32>} : memref<128x128xf32, #tpu.memory_space<vmem>>, vector<16xf32>,
        tpu.vector_store %arg12[%swap3A_1238, %swap3A_1239], %mul3A_1235 {strides = array<i32>} : memref<128x128xf32, #tpu.memory_space<vmem>>, vector<16xf32>,
        %add3A_1241 = arith.constant 12 : i32
        %add3A_1242 = arith.addi %mul3A_123, %add3A_1241 : i32
        %get3A_1243 = arith.index_cast %add3A_1242 : i32 to index
        %get3A_1244 = arith.constant 16 : index
        %get3A_1245 = tpu.vector_load %arg11[%get3A_1243, %get3A_1244] {strides = array<i32>} : memref<128x128xf32, #tpu.memory_space<vmem>>, vector<16xf32>,
        %mul3A_1246 = arith.mulf %get3A_1245, %gather3A_1229 : vector<16xf32>
        %add3A_1247 = arith.constant 12 : i32
        %add3A_1248 = arith.addi %mul3A_123, %add3A_1247 : i32
        %swap3A_1249 = arith.index_cast %add3A_1248 : i32 to index
        %swap3A_1250 = arith.constant 16 : index
        %swap3A_1251 = tpu.vector_load %arg12[%swap3A_1249, %swap3A_1250] {strides = array<i32>} : memref<128x128xf32, #tpu.memory_space<vmem>>, vector<16xf32>,
        tpu.vector_store %arg12[%swap3A_1249, %swap3A_1250], %mul3A_1246 {strides = array<i32>} : memref<128x128xf32, #tpu.memory_space<vmem>>, vector<16xf32>,
        %add3A_1252 = arith.constant 12 : i32
        %add3A_1253 = arith.addi %mul3A_123, %add3A_1252 : i32
        %get3A_1254 = arith.index_cast %add3A_1253 : i32 to index
        %get3A_1255 = arith.constant 32 : index
        %get3A_1256 = tpu.vector_load %arg11[%get3A_1254, %get3A_1255] {strides = array<i32>} : memref<128x128xf32, #tpu.memory_space<vmem>>, vector<16xf32>,
        %mul3A_1257 = arith.mulf %get3A_1256, %gather3A_1229 : vector<16xf32>
        %add3A_1258 = arith.constant 12 : i32
        %add3A_1259 = arith.addi %mul3A_123, %add3A_1258 : i32
        %swap3A_1260 = arith.index_cast %add3A_1259 : i32 to index
        %swap3A_1261 = arith.constant 32 : index
        %swap3A_1262 = tpu.vector_load %arg12[%swap3A_1260, %swap3A_1261] {strides = array<i32>} : memref<128x128xf32, #tpu.memory_space<vmem>>, vector<16xf32>,
        tpu.vector_store %arg12[%swap3A_1260, %swap3A_1261], %mul3A_1257 {strides = array<i32>} : memref<128x128xf32, #tpu.memory_space<vmem>>, vector<16xf32>,
        %add3A_1263 = arith.constant 12 : i32
        %add3A_1264 = arith.addi %mul3A_123, %add3A_1263 : i32
        %get3A_1265 = arith.index_cast %add3A_1264 : i32 to index
        %get3A_1266 = arith.constant 48 : index
        %get3A_1267 = tpu.vector_load %arg11[%get3A_1265, %get3A_1266] {strides = array<i32>} : memref<128x128xf32, #tpu.memory_space<vmem>>, vector<16xf32>,
        %mul3A_1268 = arith.mulf %get3A_1267, %gather3A_1229 : vector<16xf32>
        %add3A_1269 = arith.constant 12 : i32
        %add3A_1270 = arith.addi %mul3A_123, %add3A_1269 : i32
        %swap3A_1271 = arith.index_cast %add3A_1270 : i32 to index
        %swap3A_1272 = arith.constant 48 : index
        %swap3A_1273 = tpu.vector_load %arg12[%swap3A_1271, %swap3A_1272] {strides = array<i32>} : memref<128x128xf32, #tpu.memory_space<vmem>>, vector<16xf32>,
        tpu.vector_store %arg12[%swap3A_1271, %swap3A_1272], %mul3A_1268 {strides = array<i32>} : memref<128x128xf32, #tpu.memory_space<vmem>>, vector<16xf32>,
        %add3A_1274 = arith.constant 12 : i32
        %add3A_1275 = arith.addi %mul3A_123, %add3A_1274 : i32
        %get3A_1276 = arith.index_cast %add3A_1275 : i32 to index
        %get3A_1277 = arith.constant 64 : index
        %get3A_1278 = tpu.vector_load %arg11[%get3A_1276, %get3A_1277] {strides = array<i32>} : memref<128x128xf32, #tpu.memory_space<vmem>>, vector<16xf32>,
        %mul3A_1279 = arith.mulf %get3A_1278, %gather3A_1229 : vector<16xf32>
        %add3A_1280 = arith.constant 12 : i32
        %add3A_1281 = arith.addi %mul3A_123, %add3A_1280 : i32
        %swap3A_1282 = arith.index_cast %add3A_1281 : i32 to index
        %swap3A_1283 = arith.constant 64 : index
        %swap3A_1284 = tpu.vector_load %arg12[%swap3A_1282, %swap3A_1283] {strides = array<i32>} : memref<128x128xf32, #tpu.memory_space<vmem>>, vector<16xf32>,
        tpu.vector_store %arg12[%swap3A_1282, %swap3A_1283], %mul3A_1279 {strides = array<i32>} : memref<128x128xf32, #tpu.memory_space<vmem>>, vector<16xf32>,
        %add3A_1285 = arith.constant 12 : i32
        %add3A_1286 = arith.addi %mul3A_123, %add3A_1285 : i32
        %get3A_1287 = arith.index_cast %add3A_1286 : i32 to index
        %get3A_1288 = arith.constant 80 : index
        %get3A_1289 = tpu.vector_load %arg11[%get3A_1287, %get3A_1288] {strides = array<i32>} : memref<128x128xf32, #tpu.memory_space<vmem>>, vector<16xf32>,
        %mul3A_1290 = arith.mulf %get3A_1289, %gather3A_1229 : vector<16xf32>
        %add3A_1291 = arith.constant 12 : i32
        %add3A_1292 = arith.addi %mul3A_123, %add3A_1291 : i32
        %swap3A_1293 = arith.index_cast %add3A_1292 : i32 to index
        %swap3A_1294 = arith.constant 80 : index
        %swap3A_1295 = tpu.vector_load %arg12[%swap3A_1293, %swap3A_1294] {strides = array<i32>} : memref<128x128xf32, #tpu.memory_space<vmem>>, vector<16xf32>,
        tpu.vector_store %arg12[%swap3A_1293, %swap3A_1294], %mul3A_1290 {strides = array<i32>} : memref<128x128xf32, #tpu.memory_space<vmem>>, vector<16xf32>,
        %add3A_1296 = arith.constant 12 : i32
        %add3A_1297 = arith.addi %mul3A_123, %add3A_1296 : i32
        %get3A_1298 = arith.index_cast %add3A_1297 : i32 to index
        %get3A_1299 = arith.constant 96 : index
        %get3A_1300 = tpu.vector_load %arg11[%get3A_1298, %get3A_1299] {strides = array<i32>} : memref<128x128xf32, #tpu.memory_space<vmem>>, vector<16xf32>,
        %mul3A_1301 = arith.mulf %get3A_1300, %gather3A_1229 : vector<16xf32>
        %add3A_1302 = arith.constant 12 : i32
        %add3A_1303 = arith.addi %mul3A_123, %add3A_1302 : i32
        %swap3A_1304 = arith.index_cast %add3A_1303 : i32 to index
        %swap3A_1305 = arith.constant 96 : index
        %swap3A_1306 = tpu.vector_load %arg12[%swap3A_1304, %swap3A_1305] {strides = array<i32>} : memref<128x128xf32, #tpu.memory_space<vmem>>, vector<16xf32>,
        tpu.vector_store %arg12[%swap3A_1304, %swap3A_1305], %mul3A_1301 {strides = array<i32>} : memref<128x128xf32, #tpu.memory_space<vmem>>, vector<16xf32>,
        %add3A_1307 = arith.constant 12 : i32
        %add3A_1308 = arith.addi %mul3A_123, %add3A_1307 : i32
        %get3A_1309 = arith.index_cast %add3A_1308 : i32 to index
        %get3A_1310 = arith.constant 112 : index
        %get3A_1311 = tpu.vector_load %arg11[%get3A_1309, %get3A_1310] {strides = array<i32>} : memref<128x128xf32, #tpu.memory_space<vmem>>, vector<16xf32>,
        %mul3A_1312 = arith.mulf %get3A_1311, %gather3A_1229 : vector<16xf32>
        %add3A_1313 = arith.constant 12 : i32
        %add3A_1314 = arith.addi %mul3A_123, %add3A_1313 : i32
        %swap3A_1315 = arith.index_cast %add3A_1314 : i32 to index
        %swap3A_1316 = arith.constant 112 : index
        %swap3A_1317 = tpu.vector_load %arg12[%swap3A_1315, %swap3A_1316] {strides = array<i32>} : memref<128x128xf32, #tpu.memory_space<vmem>>, vector<16xf32>,
        tpu.vector_store %arg12[%swap3A_1315, %swap3A_1316], %mul3A_1312 {strides = array<i32>} : memref<128x128xf32, #tpu.memory_space<vmem>>, vector<16xf32>,
        %broadcast_in_dim3A_1318 = arith.constant 13 : i32
        %broadcast_in_dim3A_1319 = vector.broadcast %broadcast_in_dim3A_1318 : i32 to vector<16x1xi32>
        %gather3A_1320 = vector.shape_cast %broadcast_in_dim3A_1319 : vector<16x1xi32> to vector<16xi32>
        %gather3A_1321 = tpu.dynamic_gather %get3A_121[%gather3A_1320] in [0] : vector<16xf32>, vector<16xi32> -> vector<16xf32>
        %add3A_1322 = arith.constant 13 : i32
        %add3A_1323 = arith.addi %mul3A_123, %add3A_1322 : i32
        %get3A_1324 = arith.index_cast %add3A_1323 : i32 to index
        %get3A_1325 = arith.constant 0 : index
        %get3A_1326 = tpu.vector_load %arg11[%get3A_1324, %get3A_1325] {strides = array<i32>} : memref<128x128xf32, #tpu.memory_space<vmem>>, vector<16xf32>,
        %mul3A_1327 = arith.mulf %get3A_1326, %gather3A_1321 : vector<16xf32>
        %add3A_1328 = arith.constant 13 : i32
        %add3A_1329 = arith.addi %mul3A_123, %add3A_1328 : i32
        %swap3A_1330 = arith.index_cast %add3A_1329 : i32 to index
        %swap3A_1331 = arith.constant 0 : index
        %swap3A_1332 = tpu.vector_load %arg12[%swap3A_1330, %swap3A_1331] {strides = array<i32>} : memref<128x128xf32, #tpu.memory_space<vmem>>, vector<16xf32>,
        tpu.vector_store %arg12[%swap3A_1330, %swap3A_1331], %mul3A_1327 {strides = array<i32>} : memref<128x128xf32, #tpu.memory_space<vmem>>, vector<16xf32>,
        %add3A_1333 = arith.constant 13 : i32
        %add3A_1334 = arith.addi %mul3A_123, %add3A_1333 : i32
        %get3A_1335 = arith.index_cast %add3A_1334 : i32 to index
        %get3A_1336 = arith.constant 16 : index
        %get3A_1337 = tpu.vector_load %arg11[%get3A_1335, %get3A_1336] {strides = array<i32>} : memref<128x128xf32, #tpu.memory_space<vmem>>, vector<16xf32>,
        %mul3A_1338 = arith.mulf %get3A_1337, %gather3A_1321 : vector<16xf32>
        %add3A_1339 = arith.constant 13 : i32
        %add3A_1340 = arith.addi %mul3A_123, %add3A_1339 : i32
        %swap3A_1341 = arith.index_cast %add3A_1340 : i32 to index
        %swap3A_1342 = arith.constant 16 : index
        %swap3A_1343 = tpu.vector_load %arg12[%swap3A_1341, %swap3A_1342] {strides = array<i32>} : memref<128x128xf32, #tpu.memory_space<vmem>>, vector<16xf32>,
        tpu.vector_store %arg12[%swap3A_1341, %swap3A_1342], %mul3A_1338 {strides = array<i32>} : memref<128x128xf32, #tpu.memory_space<vmem>>, vector<16xf32>,
        %add3A_1344 = arith.constant 13 : i32
        %add3A_1345 = arith.addi %mul3A_123, %add3A_1344 : i32
        %get3A_1346 = arith.index_cast %add3A_1345 : i32 to index
        %get3A_1347 = arith.constant 32 : index
        %get3A_1348 = tpu.vector_load %arg11[%get3A_1346, %get3A_1347] {strides = array<i32>} : memref<128x128xf32, #tpu.memory_space<vmem>>, vector<16xf32>,
        %mul3A_1349 = arith.mulf %get3A_1348, %gather3A_1321 : vector<16xf32>
        %add3A_1350 = arith.constant 13 : i32
        %add3A_1351 = arith.addi %mul3A_123, %add3A_1350 : i32
        %swap3A_1352 = arith.index_cast %add3A_1351 : i32 to index
        %swap3A_1353 = arith.constant 32 : index
        %swap3A_1354 = tpu.vector_load %arg12[%swap3A_1352, %swap3A_1353] {strides = array<i32>} : memref<128x128xf32, #tpu.memory_space<vmem>>, vector<16xf32>,
        tpu.vector_store %arg12[%swap3A_1352, %swap3A_1353], %mul3A_1349 {strides = array<i32>} : memref<128x128xf32, #tpu.memory_space<vmem>>, vector<16xf32>,
        %add3A_1355 = arith.constant 13 : i32
        %add3A_1356 = arith.addi %mul3A_123, %add3A_1355 : i32
        %get3A_1357 = arith.index_cast %add3A_1356 : i32 to index
        %get3A_1358 = arith.constant 48 : index
        %get3A_1359 = tpu.vector_load %arg11[%get3A_1357, %get3A_1358] {strides = array<i32>} : memref<128x128xf32, #tpu.memory_space<vmem>>, vector<16xf32>,
        %mul3A_1360 = arith.mulf %get3A_1359, %gather3A_1321 : vector<16xf32>
        %add3A_1361 = arith.constant 13 : i32
        %add3A_1362 = arith.addi %mul3A_123, %add3A_1361 : i32
        %swap3A_1363 = arith.index_cast %add3A_1362 : i32 to index
        %swap3A_1364 = arith.constant 48 : index
        %swap3A_1365 = tpu.vector_load %arg12[%swap3A_1363, %swap3A_1364] {strides = array<i32>} : memref<128x128xf32, #tpu.memory_space<vmem>>, vector<16xf32>,
        tpu.vector_store %arg12[%swap3A_1363, %swap3A_1364], %mul3A_1360 {strides = array<i32>} : memref<128x128xf32, #tpu.memory_space<vmem>>, vector<16xf32>,
        %add3A_1366 = arith.constant 13 : i32
        %add3A_1367 = arith.addi %mul3A_123, %add3A_1366 : i32
        %get3A_1368 = arith.index_cast %add3A_1367 : i32 to index
        %get3A_1369 = arith.constant 64 : index
        %get3A_1370 = tpu.vector_load %arg11[%get3A_1368, %get3A_1369] {strides = array<i32>} : memref<128x128xf32, #tpu.memory_space<vmem>>, vector<16xf32>,
        %mul3A_1371 = arith.mulf %get3A_1370, %gather3A_1321 : vector<16xf32>
        %add3A_1372 = arith.constant 13 : i32
        %add3A_1373 = arith.addi %mul3A_123, %add3A_1372 : i32
        %swap3A_1374 = arith.index_cast %add3A_1373 : i32 to index
        %swap3A_1375 = arith.constant 64 : index
        %swap3A_1376 = tpu.vector_load %arg12[%swap3A_1374, %swap3A_1375] {strides = array<i32>} : memref<128x128xf32, #tpu.memory_space<vmem>>, vector<16xf32>,
        tpu.vector_store %arg12[%swap3A_1374, %swap3A_1375], %mul3A_1371 {strides = array<i32>} : memref<128x128xf32, #tpu.memory_space<vmem>>, vector<16xf32>,
        %add3A_1377 = arith.constant 13 : i32
        %add3A_1378 = arith.addi %mul3A_123, %add3A_1377 : i32
        %get3A_1379 = arith.index_cast %add3A_1378 : i32 to index
        %get3A_1380 = arith.constant 80 : index
        %get3A_1381 = tpu.vector_load %arg11[%get3A_1379, %get3A_1380] {strides = array<i32>} : memref<128x128xf32, #tpu.memory_space<vmem>>, vector<16xf32>,
        %mul3A_1382 = arith.mulf %get3A_1381, %gather3A_1321 : vector<16xf32>
        %add3A_1383 = arith.constant 13 : i32
        %add3A_1384 = arith.addi %mul3A_123, %add3A_1383 : i32
        %swap3A_1385 = arith.index_cast %add3A_1384 : i32 to index
        %swap3A_1386 = arith.constant 80 : index
        %swap3A_1387 = tpu.vector_load %arg12[%swap3A_1385, %swap3A_1386] {strides = array<i32>} : memref<128x128xf32, #tpu.memory_space<vmem>>, vector<16xf32>,
        tpu.vector_store %arg12[%swap3A_1385, %swap3A_1386], %mul3A_1382 {strides = array<i32>} : memref<128x128xf32, #tpu.memory_space<vmem>>, vector<16xf32>,
        %add3A_1388 = arith.constant 13 : i32
        %add3A_1389 = arith.addi %mul3A_123, %add3A_1388 : i32
        %get3A_1390 = arith.index_cast %add3A_1389 : i32 to index
        %get3A_1391 = arith.constant 96 : index
        %get3A_1392 = tpu.vector_load %arg11[%get3A_1390, %get3A_1391] {strides = array<i32>} : memref<128x128xf32, #tpu.memory_space<vmem>>, vector<16xf32>,
        %mul3A_1393 = arith.mulf %get3A_1392, %gather3A_1321 : vector<16xf32>
        %add3A_1394 = arith.constant 13 : i32
        %add3A_1395 = arith.addi %mul3A_123, %add3A_1394 : i32
        %swap3A_1396 = arith.index_cast %add3A_1395 : i32 to index
        %swap3A_1397 = arith.constant 96 : index
        %swap3A_1398 = tpu.vector_load %arg12[%swap3A_1396, %swap3A_1397] {strides = array<i32>} : memref<128x128xf32, #tpu.memory_space<vmem>>, vector<16xf32>,
        tpu.vector_store %arg12[%swap3A_1396, %swap3A_1397], %mul3A_1393 {strides = array<i32>} : memref<128x128xf32, #tpu.memory_space<vmem>>, vector<16xf32>,
        %add3A_1399 = arith.constant 13 : i32
        %add3A_1400 = arith.addi %mul3A_123, %add3A_1399 : i32
        %get3A_1401 = arith.index_cast %add3A_1400 : i32 to index
        %get3A_1402 = arith.constant 112 : index
        %get3A_1403 = tpu.vector_load %arg11[%get3A_1401, %get3A_1402] {strides = array<i32>} : memref<128x128xf32, #tpu.memory_space<vmem>>, vector<16xf32>,
        %mul3A_1404 = arith.mulf %get3A_1403, %gather3A_1321 : vector<16xf32>
        %add3A_1405 = arith.constant 13 : i32
        %add3A_1406 = arith.addi %mul3A_123, %add3A_1405 : i32
        %swap3A_1407 = arith.index_cast %add3A_1406 : i32 to index
        %swap3A_1408 = arith.constant 112 : index
        %swap3A_1409 = tpu.vector_load %arg12[%swap3A_1407, %swap3A_1408] {strides = array<i32>} : memref<128x128xf32, #tpu.memory_space<vmem>>, vector<16xf32>,
        tpu.vector_store %arg12[%swap3A_1407, %swap3A_1408], %mul3A_1404 {strides = array<i32>} : memref<128x128xf32, #tpu.memory_space<vmem>>, vector<16xf32>,
        %broadcast_in_dim3A_1410 = arith.constant 14 : i32
        %broadcast_in_dim3A_1411 = vector.broadcast %broadcast_in_dim3A_1410 : i32 to vector<16x1xi32>
        %gather3A_1412 = vector.shape_cast %broadcast_in_dim3A_1411 : vector<16x1xi32> to vector<16xi32>
        %gather3A_1413 = tpu.dynamic_gather %get3A_121[%gather3A_1412] in [0] : vector<16xf32>, vector<16xi32> -> vector<16xf32>
        %add3A_1414 = arith.constant 14 : i32
        %add3A_1415 = arith.addi %mul3A_123, %add3A_1414 : i32
        %get3A_1416 = arith.index_cast %add3A_1415 : i32 to index
        %get3A_1417 = arith.constant 0 : index
        %get3A_1418 = tpu.vector_load %arg11[%get3A_1416, %get3A_1417] {strides = array<i32>} : memref<128x128xf32, #tpu.memory_space<vmem>>, vector<16xf32>,
        %mul3A_1419 = arith.mulf %get3A_1418, %gather3A_1413 : vector<16xf32>
        %add3A_1420 = arith.constant 14 : i32
        %add3A_1421 = arith.addi %mul3A_123, %add3A_1420 : i32
        %swap3A_1422 = arith.index_cast %add3A_1421 : i32 to index
        %swap3A_1423 = arith.constant 0 : index
        %swap3A_1424 = tpu.vector_load %arg12[%swap3A_1422, %swap3A_1423] {strides = array<i32>} : memref<128x128xf32, #tpu.memory_space<vmem>>, vector<16xf32>,
        tpu.vector_store %arg12[%swap3A_1422, %swap3A_1423], %mul3A_1419 {strides = array<i32>} : memref<128x128xf32, #tpu.memory_space<vmem>>, vector<16xf32>,
        %add3A_1425 = arith.constant 14 : i32
        %add3A_1426 = arith.addi %mul3A_123, %add3A_1425 : i32
        %get3A_1427 = arith.index_cast %add3A_1426 : i32 to index
        %get3A_1428 = arith.constant 16 : index
        %get3A_1429 = tpu.vector_load %arg11[%get3A_1427, %get3A_1428] {strides = array<i32>} : memref<128x128xf32, #tpu.memory_space<vmem>>, vector<16xf32>,
        %mul3A_1430 = arith.mulf %get3A_1429, %gather3A_1413 : vector<16xf32>
        %add3A_1431 = arith.constant 14 : i32
        %add3A_1432 = arith.addi %mul3A_123, %add3A_1431 : i32
        %swap3A_1433 = arith.index_cast %add3A_1432 : i32 to index
        %swap3A_1434 = arith.constant 16 : index
        %swap3A_1435 = tpu.vector_load %arg12[%swap3A_1433, %swap3A_1434] {strides = array<i32>} : memref<128x128xf32, #tpu.memory_space<vmem>>, vector<16xf32>,
        tpu.vector_store %arg12[%swap3A_1433, %swap3A_1434], %mul3A_1430 {strides = array<i32>} : memref<128x128xf32, #tpu.memory_space<vmem>>, vector<16xf32>,
        %add3A_1436 = arith.constant 14 : i32
        %add3A_1437 = arith.addi %mul3A_123, %add3A_1436 : i32
        %get3A_1438 = arith.index_cast %add3A_1437 : i32 to index
        %get3A_1439 = arith.constant 32 : index
        %get3A_1440 = tpu.vector_load %arg11[%get3A_1438, %get3A_1439] {strides = array<i32>} : memref<128x128xf32, #tpu.memory_space<vmem>>, vector<16xf32>,
        %mul3A_1441 = arith.mulf %get3A_1440, %gather3A_1413 : vector<16xf32>
        %add3A_1442 = arith.constant 14 : i32
        %add3A_1443 = arith.addi %mul3A_123, %add3A_1442 : i32
        %swap3A_1444 = arith.index_cast %add3A_1443 : i32 to index
        %swap3A_1445 = arith.constant 32 : index
        %swap3A_1446 = tpu.vector_load %arg12[%swap3A_1444, %swap3A_1445] {strides = array<i32>} : memref<128x128xf32, #tpu.memory_space<vmem>>, vector<16xf32>,
        tpu.vector_store %arg12[%swap3A_1444, %swap3A_1445], %mul3A_1441 {strides = array<i32>} : memref<128x128xf32, #tpu.memory_space<vmem>>, vector<16xf32>,
        %add3A_1447 = arith.constant 14 : i32
        %add3A_1448 = arith.addi %mul3A_123, %add3A_1447 : i32
        %get3A_1449 = arith.index_cast %add3A_1448 : i32 to index
        %get3A_1450 = arith.constant 48 : index
        %get3A_1451 = tpu.vector_load %arg11[%get3A_1449, %get3A_1450] {strides = array<i32>} : memref<128x128xf32, #tpu.memory_space<vmem>>, vector<16xf32>,
        %mul3A_1452 = arith.mulf %get3A_1451, %gather3A_1413 : vector<16xf32>
        %add3A_1453 = arith.constant 14 : i32
        %add3A_1454 = arith.addi %mul3A_123, %add3A_1453 : i32
        %swap3A_1455 = arith.index_cast %add3A_1454 : i32 to index
        %swap3A_1456 = arith.constant 48 : index
        %swap3A_1457 = tpu.vector_load %arg12[%swap3A_1455, %swap3A_1456] {strides = array<i32>} : memref<128x128xf32, #tpu.memory_space<vmem>>, vector<16xf32>,
        tpu.vector_store %arg12[%swap3A_1455, %swap3A_1456], %mul3A_1452 {strides = array<i32>} : memref<128x128xf32, #tpu.memory_space<vmem>>, vector<16xf32>,
        %add3A_1458 = arith.constant 14 : i32
        %add3A_1459 = arith.addi %mul3A_123, %add3A_1458 : i32
        %get3A_1460 = arith.index_cast %add3A_1459 : i32 to index
        %get3A_1461 = arith.constant 64 : index
        %get3A_1462 = tpu.vector_load %arg11[%get3A_1460, %get3A_1461] {strides = array<i32>} : memref<128x128xf32, #tpu.memory_space<vmem>>, vector<16xf32>,
        %mul3A_1463 = arith.mulf %get3A_1462, %gather3A_1413 : vector<16xf32>
        %add3A_1464 = arith.constant 14 : i32
        %add3A_1465 = arith.addi %mul3A_123, %add3A_1464 : i32
        %swap3A_1466 = arith.index_cast %add3A_1465 : i32 to index
        %swap3A_1467 = arith.constant 64 : index
        %swap3A_1468 = tpu.vector_load %arg12[%swap3A_1466, %swap3A_1467] {strides = array<i32>} : memref<128x128xf32, #tpu.memory_space<vmem>>, vector<16xf32>,
        tpu.vector_store %arg12[%swap3A_1466, %swap3A_1467], %mul3A_1463 {strides = array<i32>} : memref<128x128xf32, #tpu.memory_space<vmem>>, vector<16xf32>,
        %add3A_1469 = arith.constant 14 : i32
        %add3A_1470 = arith.addi %mul3A_123, %add3A_1469 : i32
        %get3A_1471 = arith.index_cast %add3A_1470 : i32 to index
        %get3A_1472 = arith.constant 80 : index
        %get3A_1473 = tpu.vector_load %arg11[%get3A_1471, %get3A_1472] {strides = array<i32>} : memref<128x128xf32, #tpu.memory_space<vmem>>, vector<16xf32>,
        %mul3A_1474 = arith.mulf %get3A_1473, %gather3A_1413 : vector<16xf32>
        %add3A_1475 = arith.constant 14 : i32
        %add3A_1476 = arith.addi %mul3A_123, %add3A_1475 : i32
        %swap3A_1477 = arith.index_cast %add3A_1476 : i32 to index
        %swap3A_1478 = arith.constant 80 : index
        %swap3A_1479 = tpu.vector_load %arg12[%swap3A_1477, %swap3A_1478] {strides = array<i32>} : memref<128x128xf32, #tpu.memory_space<vmem>>, vector<16xf32>,
        tpu.vector_store %arg12[%swap3A_1477, %swap3A_1478], %mul3A_1474 {strides = array<i32>} : memref<128x128xf32, #tpu.memory_space<vmem>>, vector<16xf32>,
        %add3A_1480 = arith.constant 14 : i32
        %add3A_1481 = arith.addi %mul3A_123, %add3A_1480 : i32
        %get3A_1482 = arith.index_cast %add3A_1481 : i32 to index
        %get3A_1483 = arith.constant 96 : index
        %get3A_1484 = tpu.vector_load %arg11[%get3A_1482, %get3A_1483] {strides = array<i32>} : memref<128x128xf32, #tpu.memory_space<vmem>>, vector<16xf32>,
        %mul3A_1485 = arith.mulf %get3A_1484, %gather3A_1413 : vector<16xf32>
        %add3A_1486 = arith.constant 14 : i32
        %add3A_1487 = arith.addi %mul3A_123, %add3A_1486 : i32
        %swap3A_1488 = arith.index_cast %add3A_1487 : i32 to index
        %swap3A_1489 = arith.constant 96 : index
        %swap3A_1490 = tpu.vector_load %arg12[%swap3A_1488, %swap3A_1489] {strides = array<i32>} : memref<128x128xf32, #tpu.memory_space<vmem>>, vector<16xf32>,
        tpu.vector_store %arg12[%swap3A_1488, %swap3A_1489], %mul3A_1485 {strides = array<i32>} : memref<128x128xf32, #tpu.memory_space<vmem>>, vector<16xf32>,
        %add3A_1491 = arith.constant 14 : i32
        %add3A_1492 = arith.addi %mul3A_123, %add3A_1491 : i32
        %get3A_1493 = arith.index_cast %add3A_1492 : i32 to index
        %get3A_1494 = arith.constant 112 : index
        %get3A_1495 = tpu.vector_load %arg11[%get3A_1493, %get3A_1494] {strides = array<i32>} : memref<128x128xf32, #tpu.memory_space<vmem>>, vector<16xf32>,
        %mul3A_1496 = arith.mulf %get3A_1495, %gather3A_1413 : vector<16xf32>
        %add3A_1497 = arith.constant 14 : i32
        %add3A_1498 = arith.addi %mul3A_123, %add3A_1497 : i32
        %swap3A_1499 = arith.index_cast %add3A_1498 : i32 to index
        %swap3A_1500 = arith.constant 112 : index
        %swap3A_1501 = tpu.vector_load %arg12[%swap3A_1499, %swap3A_1500] {strides = array<i32>} : memref<128x128xf32, #tpu.memory_space<vmem>>, vector<16xf32>,
        tpu.vector_store %arg12[%swap3A_1499, %swap3A_1500], %mul3A_1496 {strides = array<i32>} : memref<128x128xf32, #tpu.memory_space<vmem>>, vector<16xf32>,
        %broadcast_in_dim3A_1502 = arith.constant 15 : i32
        %broadcast_in_dim3A_1503 = vector.broadcast %broadcast_in_dim3A_1502 : i32 to vector<16x1xi32>
        %gather3A_1504 = vector.shape_cast %broadcast_in_dim3A_1503 : vector<16x1xi32> to vector<16xi32>
        %gather3A_1505 = tpu.dynamic_gather %get3A_121[%gather3A_1504] in [0] : vector<16xf32>, vector<16xi32> -> vector<16xf32>
        %add3A_1506 = arith.constant 15 : i32
        %add3A_1507 = arith.addi %mul3A_123, %add3A_1506 : i32
        %get3A_1508 = arith.index_cast %add3A_1507 : i32 to index
        %get3A_1509 = arith.constant 0 : index
        %get3A_1510 = tpu.vector_load %arg11[%get3A_1508, %get3A_1509] {strides = array<i32>} : memref<128x128xf32, #tpu.memory_space<vmem>>, vector<16xf32>,
        %mul3A_1511 = arith.mulf %get3A_1510, %gather3A_1505 : vector<16xf32>
        %add3A_1512 = arith.constant 15 : i32
        %add3A_1513 = arith.addi %mul3A_123, %add3A_1512 : i32
        %swap3A_1514 = arith.index_cast %add3A_1513 : i32 to index
        %swap3A_1515 = arith.constant 0 : index
        %swap3A_1516 = tpu.vector_load %arg12[%swap3A_1514, %swap3A_1515] {strides = array<i32>} : memref<128x128xf32, #tpu.memory_space<vmem>>, vector<16xf32>,
        tpu.vector_store %arg12[%swap3A_1514, %swap3A_1515], %mul3A_1511 {strides = array<i32>} : memref<128x128xf32, #tpu.memory_space<vmem>>, vector<16xf32>,
        %add3A_1517 = arith.constant 15 : i32
        %add3A_1518 = arith.addi %mul3A_123, %add3A_1517 : i32
        %get3A_1519 = arith.index_cast %add3A_1518 : i32 to index
        %get3A_1520 = arith.constant 16 : index
        %get3A_1521 = tpu.vector_load %arg11[%get3A_1519, %get3A_1520] {strides = array<i32>} : memref<128x128xf32, #tpu.memory_space<vmem>>, vector<16xf32>,
        %mul3A_1522 = arith.mulf %get3A_1521, %gather3A_1505 : vector<16xf32>
        %add3A_1523 = arith.constant 15 : i32
        %add3A_1524 = arith.addi %mul3A_123, %add3A_1523 : i32
        %swap3A_1525 = arith.index_cast %add3A_1524 : i32 to index
        %swap3A_1526 = arith.constant 16 : index
        %swap3A_1527 = tpu.vector_load %arg12[%swap3A_1525, %swap3A_1526] {strides = array<i32>} : memref<128x128xf32, #tpu.memory_space<vmem>>, vector<16xf32>,
        tpu.vector_store %arg12[%swap3A_1525, %swap3A_1526], %mul3A_1522 {strides = array<i32>} : memref<128x128xf32, #tpu.memory_space<vmem>>, vector<16xf32>,
        %add3A_1528 = arith.constant 15 : i32
        %add3A_1529 = arith.addi %mul3A_123, %add3A_1528 : i32
        %get3A_1530 = arith.index_cast %add3A_1529 : i32 to index
        %get3A_1531 = arith.constant 32 : index
        %get3A_1532 = tpu.vector_load %arg11[%get3A_1530, %get3A_1531] {strides = array<i32>} : memref<128x128xf32, #tpu.memory_space<vmem>>, vector<16xf32>,
        %mul3A_1533 = arith.mulf %get3A_1532, %gather3A_1505 : vector<16xf32>
        %add3A_1534 = arith.constant 15 : i32
        %add3A_1535 = arith.addi %mul3A_123, %add3A_1534 : i32
        %swap3A_1536 = arith.index_cast %add3A_1535 : i32 to index
        %swap3A_1537 = arith.constant 32 : index
        %swap3A_1538 = tpu.vector_load %arg12[%swap3A_1536, %swap3A_1537] {strides = array<i32>} : memref<128x128xf32, #tpu.memory_space<vmem>>, vector<16xf32>,
        tpu.vector_store %arg12[%swap3A_1536, %swap3A_1537], %mul3A_1533 {strides = array<i32>} : memref<128x128xf32, #tpu.memory_space<vmem>>, vector<16xf32>,
        %add3A_1539 = arith.constant 15 : i32
        %add3A_1540 = arith.addi %mul3A_123, %add3A_1539 : i32
        %get3A_1541 = arith.index_cast %add3A_1540 : i32 to index
        %get3A_1542 = arith.constant 48 : index
        %get3A_1543 = tpu.vector_load %arg11[%get3A_1541, %get3A_1542] {strides = array<i32>} : memref<128x128xf32, #tpu.memory_space<vmem>>, vector<16xf32>,
        %mul3A_1544 = arith.mulf %get3A_1543, %gather3A_1505 : vector<16xf32>
        %add3A_1545 = arith.constant 15 : i32
        %add3A_1546 = arith.addi %mul3A_123, %add3A_1545 : i32
        %swap3A_1547 = arith.index_cast %add3A_1546 : i32 to index
        %swap3A_1548 = arith.constant 48 : index
        %swap3A_1549 = tpu.vector_load %arg12[%swap3A_1547, %swap3A_1548] {strides = array<i32>} : memref<128x128xf32, #tpu.memory_space<vmem>>, vector<16xf32>,
        tpu.vector_store %arg12[%swap3A_1547, %swap3A_1548], %mul3A_1544 {strides = array<i32>} : memref<128x128xf32, #tpu.memory_space<vmem>>, vector<16xf32>,
        %add3A_1550 = arith.constant 15 : i32
        %add3A_1551 = arith.addi %mul3A_123, %add3A_1550 : i32
        %get3A_1552 = arith.index_cast %add3A_1551 : i32 to index
        %get3A_1553 = arith.constant 64 : index
        %get3A_1554 = tpu.vector_load %arg11[%get3A_1552, %get3A_1553] {strides = array<i32>} : memref<128x128xf32, #tpu.memory_space<vmem>>, vector<16xf32>,
        %mul3A_1555 = arith.mulf %get3A_1554, %gather3A_1505 : vector<16xf32>
        %add3A_1556 = arith.constant 15 : i32
        %add3A_1557 = arith.addi %mul3A_123, %add3A_1556 : i32
        %swap3A_1558 = arith.index_cast %add3A_1557 : i32 to index
        %swap3A_1559 = arith.constant 64 : index
        %swap3A_1560 = tpu.vector_load %arg12[%swap3A_1558, %swap3A_1559] {strides = array<i32>} : memref<128x128xf32, #tpu.memory_space<vmem>>, vector<16xf32>,
        tpu.vector_store %arg12[%swap3A_1558, %swap3A_1559], %mul3A_1555 {strides = array<i32>} : memref<128x128xf32, #tpu.memory_space<vmem>>, vector<16xf32>,
        %add3A_1561 = arith.constant 15 : i32
        %add3A_1562 = arith.addi %mul3A_123, %add3A_1561 : i32
        %get3A_1563 = arith.index_cast %add3A_1562 : i32 to index
        %get3A_1564 = arith.constant 80 : index
        %get3A_1565 = tpu.vector_load %arg11[%get3A_1563, %get3A_1564] {strides = array<i32>} : memref<128x128xf32, #tpu.memory_space<vmem>>, vector<16xf32>,
        %mul3A_1566 = arith.mulf %get3A_1565, %gather3A_1505 : vector<16xf32>
        %add3A_1567 = arith.constant 15 : i32
        %add3A_1568 = arith.addi %mul3A_123, %add3A_1567 : i32
        %swap3A_1569 = arith.index_cast %add3A_1568 : i32 to index
        %swap3A_1570 = arith.constant 80 : index
        %swap3A_1571 = tpu.vector_load %arg12[%swap3A_1569, %swap3A_1570] {strides = array<i32>} : memref<128x128xf32, #tpu.memory_space<vmem>>, vector<16xf32>,
        tpu.vector_store %arg12[%swap3A_1569, %swap3A_1570], %mul3A_1566 {strides = array<i32>} : memref<128x128xf32, #tpu.memory_space<vmem>>, vector<16xf32>,
        %add3A_1572 = arith.constant 15 : i32
        %add3A_1573 = arith.addi %mul3A_123, %add3A_1572 : i32
        %get3A_1574 = arith.index_cast %add3A_1573 : i32 to index
        %get3A_1575 = arith.constant 96 : index
        %get3A_1576 = tpu.vector_load %arg11[%get3A_1574, %get3A_1575] {strides = array<i32>} : memref<128x128xf32, #tpu.memory_space<vmem>>, vector<16xf32>,
        %mul3A_1577 = arith.mulf %get3A_1576, %gather3A_1505 : vector<16xf32>
        %add3A_1578 = arith.constant 15 : i32
        %add3A_1579 = arith.addi %mul3A_123, %add3A_1578 : i32
        %swap3A_1580 = arith.index_cast %add3A_1579 : i32 to index
        %swap3A_1581 = arith.constant 96 : index
        %swap3A_1582 = tpu.vector_load %arg12[%swap3A_1580, %swap3A_1581] {strides = array<i32>} : memref<128x128xf32, #tpu.memory_space<vmem>>, vector<16xf32>,
        tpu.vector_store %arg12[%swap3A_1580, %swap3A_1581], %mul3A_1577 {strides = array<i32>} : memref<128x128xf32, #tpu.memory_space<vmem>>, vector<16xf32>,
        %add3A_1583 = arith.constant 15 : i32
        %add3A_1584 = arith.addi %mul3A_123, %add3A_1583 : i32
        %get3A_1585 = arith.index_cast %add3A_1584 : i32 to index
        %get3A_1586 = arith.constant 112 : index
        %get3A_1587 = tpu.vector_load %arg11[%get3A_1585, %get3A_1586] {strides = array<i32>} : memref<128x128xf32, #tpu.memory_space<vmem>>, vector<16xf32>,
        %mul3A_1588 = arith.mulf %get3A_1587, %gather3A_1505 : vector<16xf32>
        %add3A_1589 = arith.constant 15 : i32
        %add3A_1590 = arith.addi %mul3A_123, %add3A_1589 : i32
        %swap3A_1591 = arith.index_cast %add3A_1590 : i32 to index
        %swap3A_1592 = arith.constant 112 : index
        %swap3A_1593 = tpu.vector_load %arg12[%swap3A_1591, %swap3A_1592] {strides = array<i32>} : memref<128x128xf32, #tpu.memory_space<vmem>>, vector<16xf32>,
        tpu.vector_store %arg12[%swap3A_1591, %swap3A_1592], %mul3A_1588 {strides = array<i32>} : memref<128x128xf32, #tpu.memory_space<vmem>>, vector<16xf32>,
        %scan3A_1594 = arith.constant 0 : i32
        scf.yield %scan3A_1594 : i32
      }
      %scan3A_98 = arith.constant 4 : i32
      %dma_wait3A_99 = arith.constant 1 : i32
      %dma_wait3A_100 = arith.constant 64 : i32
      %dma_wait3A_101 = arith.constant 0 : i32
      %dma_wait3A_102 = tpu.memref_slice %arg11[%dma_wait3A_100, %dma_wait3A_101] : memref<128x128xf32, #tpu.memory_space<vmem>> -> memref<64x128xf32, #tpu.memory_space<vmem>>
      %dma_wait3A_103 = arith.constant 64 : i32
      %dma_wait3A_104 = tpu.memref_slice %arg7[%dma_wait3A_99, %dma_wait3A_103] : memref<4x128xi32, #tpu.memory_space<vmem>> -> memref<1x64xi32, #tpu.memory_space<vmem>>
      %dma_wait3A_105 = tpu.memref_squeeze %dma_wait3A_104 : memref<1x64xi32, #tpu.memory_space<vmem>> -> memref<64xi32, #tpu.memory_space<vmem>>
      %dma_wait3A_106 = arith.constant 0 : i32
      %dma_wait3A_107 = arith.constant 0 : i32
      %dma_wait3A_108 = tpu.memref_slice %arg2[%dma_wait3A_106, %dma_wait3A_107] : memref<10000x128xf32, #tpu.memory_space<hbm>> -> memref<10000x128xf32, #tpu.memory_space<hbm>>
      tpu.wait_indirect_dma semaphore(%arg16 : memref<!tpu.dma_semaphore, #tpu.memory_space<semaphore_mem>>) src(%dma_wait3A_108 : memref<10000x128xf32, #tpu.memory_space<hbm>>) dst(%dma_wait3A_102 : memref<64x128xf32, #tpu.memory_space<vmem>>)
      %scan3A_109 = arith.constant 0 : i32
      %scan3A_110 = arith.constant 4 : i32
      %scan3A_111 = arith.constant 4 : i32
      %scan3A_112 = arith.addi %scan3A_110, %scan3A_111 : i32
      %scan3A_113 = arith.constant 1 : i32
      %scan3A_114 = scf.for %scan3A_117 = %scan3A_110 to %scan3A_112 step %scan3A_113 iter_args(%scan3A_118 = %scan3A_109) -> (i32)  : i32 {
        %mul3A_119 = arith.constant 16 : i32
        %mul3A_120 = arith.muli %scan3A_117, %mul3A_119 : i32
        %get3A = arith.index_cast %mul3A_120 : i32 to index
        %get3A_121 = tpu.vector_load %arg10[%get3A] {strides = array<i32>} : memref<128xf32, #tpu.memory_space<vmem>>, vector<16xf32>,
        %mul3A_122 = arith.constant 16 : i32
        %mul3A_123 = arith.muli %scan3A_117, %mul3A_122 : i32
        %broadcast_in_dim3A_124 = arith.constant 0 : i32
        %broadcast_in_dim3A_125 = vector.broadcast %broadcast_in_dim3A_124 : i32 to vector<16x1xi32>
        %gather3A = vector.shape_cast %broadcast_in_dim3A_125 : vector<16x1xi32> to vector<16xi32>
        %gather3A_126 = tpu.dynamic_gather %get3A_121[%gather3A] in [0] : vector<16xf32>, vector<16xi32> -> vector<16xf32>
        %add3A_127 = arith.constant 0 : i32
        %add3A_128 = arith.addi %mul3A_123, %add3A_127 : i32
        %get3A_129 = arith.index_cast %add3A_128 : i32 to index
        %get3A_130 = arith.constant 0 : index
        %get3A_131 = tpu.vector_load %arg11[%get3A_129, %get3A_130] {strides = array<i32>} : memref<128x128xf32, #tpu.memory_space<vmem>>, vector<16xf32>,
        %mul3A_132 = arith.mulf %get3A_131, %gather3A_126 : vector<16xf32>
        %add3A_133 = arith.constant 0 : i32
        %add3A_134 = arith.addi %mul3A_123, %add3A_133 : i32
        %swap3A = arith.index_cast %add3A_134 : i32 to index
        %swap3A_135 = arith.constant 0 : index
        %swap3A_136 = tpu.vector_load %arg12[%swap3A, %swap3A_135] {strides = array<i32>} : memref<128x128xf32, #tpu.memory_space<vmem>>, vector<16xf32>,
        tpu.vector_store %arg12[%swap3A, %swap3A_135], %mul3A_132 {strides = array<i32>} : memref<128x128xf32, #tpu.memory_space<vmem>>, vector<16xf32>,
        %add3A_137 = arith.constant 0 : i32
        %add3A_138 = arith.addi %mul3A_123, %add3A_137 : i32
        %get3A_139 = arith.index_cast %add3A_138 : i32 to index
        %get3A_140 = arith.constant 16 : index
        %get3A_141 = tpu.vector_load %arg11[%get3A_139, %get3A_140] {strides = array<i32>} : memref<128x128xf32, #tpu.memory_space<vmem>>, vector<16xf32>,
        %mul3A_142 = arith.mulf %get3A_141, %gather3A_126 : vector<16xf32>
        %add3A_143 = arith.constant 0 : i32
        %add3A_144 = arith.addi %mul3A_123, %add3A_143 : i32
        %swap3A_145 = arith.index_cast %add3A_144 : i32 to index
        %swap3A_146 = arith.constant 16 : index
        %swap3A_147 = tpu.vector_load %arg12[%swap3A_145, %swap3A_146] {strides = array<i32>} : memref<128x128xf32, #tpu.memory_space<vmem>>, vector<16xf32>,
        tpu.vector_store %arg12[%swap3A_145, %swap3A_146], %mul3A_142 {strides = array<i32>} : memref<128x128xf32, #tpu.memory_space<vmem>>, vector<16xf32>,
        %add3A_148 = arith.constant 0 : i32
        %add3A_149 = arith.addi %mul3A_123, %add3A_148 : i32
        %get3A_150 = arith.index_cast %add3A_149 : i32 to index
        %get3A_151 = arith.constant 32 : index
        %get3A_152 = tpu.vector_load %arg11[%get3A_150, %get3A_151] {strides = array<i32>} : memref<128x128xf32, #tpu.memory_space<vmem>>, vector<16xf32>,
        %mul3A_153 = arith.mulf %get3A_152, %gather3A_126 : vector<16xf32>
        %add3A_154 = arith.constant 0 : i32
        %add3A_155 = arith.addi %mul3A_123, %add3A_154 : i32
        %swap3A_156 = arith.index_cast %add3A_155 : i32 to index
        %swap3A_157 = arith.constant 32 : index
        %swap3A_158 = tpu.vector_load %arg12[%swap3A_156, %swap3A_157] {strides = array<i32>} : memref<128x128xf32, #tpu.memory_space<vmem>>, vector<16xf32>,
        tpu.vector_store %arg12[%swap3A_156, %swap3A_157], %mul3A_153 {strides = array<i32>} : memref<128x128xf32, #tpu.memory_space<vmem>>, vector<16xf32>,
        %add3A_159 = arith.constant 0 : i32
        %add3A_160 = arith.addi %mul3A_123, %add3A_159 : i32
        %get3A_161 = arith.index_cast %add3A_160 : i32 to index
        %get3A_162 = arith.constant 48 : index
        %get3A_163 = tpu.vector_load %arg11[%get3A_161, %get3A_162] {strides = array<i32>} : memref<128x128xf32, #tpu.memory_space<vmem>>, vector<16xf32>,
        %mul3A_164 = arith.mulf %get3A_163, %gather3A_126 : vector<16xf32>
        %add3A_165 = arith.constant 0 : i32
        %add3A_166 = arith.addi %mul3A_123, %add3A_165 : i32
        %swap3A_167 = arith.index_cast %add3A_166 : i32 to index
        %swap3A_168 = arith.constant 48 : index
        %swap3A_169 = tpu.vector_load %arg12[%swap3A_167, %swap3A_168] {strides = array<i32>} : memref<128x128xf32, #tpu.memory_space<vmem>>, vector<16xf32>,
        tpu.vector_store %arg12[%swap3A_167, %swap3A_168], %mul3A_164 {strides = array<i32>} : memref<128x128xf32, #tpu.memory_space<vmem>>, vector<16xf32>,
        %add3A_170 = arith.constant 0 : i32
        %add3A_171 = arith.addi %mul3A_123, %add3A_170 : i32
        %get3A_172 = arith.index_cast %add3A_171 : i32 to index
        %get3A_173 = arith.constant 64 : index
        %get3A_174 = tpu.vector_load %arg11[%get3A_172, %get3A_173] {strides = array<i32>} : memref<128x128xf32, #tpu.memory_space<vmem>>, vector<16xf32>,
        %mul3A_175 = arith.mulf %get3A_174, %gather3A_126 : vector<16xf32>
        %add3A_176 = arith.constant 0 : i32
        %add3A_177 = arith.addi %mul3A_123, %add3A_176 : i32
        %swap3A_178 = arith.index_cast %add3A_177 : i32 to index
        %swap3A_179 = arith.constant 64 : index
        %swap3A_180 = tpu.vector_load %arg12[%swap3A_178, %swap3A_179] {strides = array<i32>} : memref<128x128xf32, #tpu.memory_space<vmem>>, vector<16xf32>,
        tpu.vector_store %arg12[%swap3A_178, %swap3A_179], %mul3A_175 {strides = array<i32>} : memref<128x128xf32, #tpu.memory_space<vmem>>, vector<16xf32>,
        %add3A_181 = arith.constant 0 : i32
        %add3A_182 = arith.addi %mul3A_123, %add3A_181 : i32
        %get3A_183 = arith.index_cast %add3A_182 : i32 to index
        %get3A_184 = arith.constant 80 : index
        %get3A_185 = tpu.vector_load %arg11[%get3A_183, %get3A_184] {strides = array<i32>} : memref<128x128xf32, #tpu.memory_space<vmem>>, vector<16xf32>,
        %mul3A_186 = arith.mulf %get3A_185, %gather3A_126 : vector<16xf32>
        %add3A_187 = arith.constant 0 : i32
        %add3A_188 = arith.addi %mul3A_123, %add3A_187 : i32
        %swap3A_189 = arith.index_cast %add3A_188 : i32 to index
        %swap3A_190 = arith.constant 80 : index
        %swap3A_191 = tpu.vector_load %arg12[%swap3A_189, %swap3A_190] {strides = array<i32>} : memref<128x128xf32, #tpu.memory_space<vmem>>, vector<16xf32>,
        tpu.vector_store %arg12[%swap3A_189, %swap3A_190], %mul3A_186 {strides = array<i32>} : memref<128x128xf32, #tpu.memory_space<vmem>>, vector<16xf32>,
        %add3A_192 = arith.constant 0 : i32
        %add3A_193 = arith.addi %mul3A_123, %add3A_192 : i32
        %get3A_194 = arith.index_cast %add3A_193 : i32 to index
        %get3A_195 = arith.constant 96 : index
        %get3A_196 = tpu.vector_load %arg11[%get3A_194, %get3A_195] {strides = array<i32>} : memref<128x128xf32, #tpu.memory_space<vmem>>, vector<16xf32>,
        %mul3A_197 = arith.mulf %get3A_196, %gather3A_126 : vector<16xf32>
        %add3A_198 = arith.constant 0 : i32
        %add3A_199 = arith.addi %mul3A_123, %add3A_198 : i32
        %swap3A_200 = arith.index_cast %add3A_199 : i32 to index
        %swap3A_201 = arith.constant 96 : index
        %swap3A_202 = tpu.vector_load %arg12[%swap3A_200, %swap3A_201] {strides = array<i32>} : memref<128x128xf32, #tpu.memory_space<vmem>>, vector<16xf32>,
        tpu.vector_store %arg12[%swap3A_200, %swap3A_201], %mul3A_197 {strides = array<i32>} : memref<128x128xf32, #tpu.memory_space<vmem>>, vector<16xf32>,
        %add3A_203 = arith.constant 0 : i32
        %add3A_204 = arith.addi %mul3A_123, %add3A_203 : i32
        %get3A_205 = arith.index_cast %add3A_204 : i32 to index
        %get3A_206 = arith.constant 112 : index
        %get3A_207 = tpu.vector_load %arg11[%get3A_205, %get3A_206] {strides = array<i32>} : memref<128x128xf32, #tpu.memory_space<vmem>>, vector<16xf32>,
        %mul3A_208 = arith.mulf %get3A_207, %gather3A_126 : vector<16xf32>
        %add3A_209 = arith.constant 0 : i32
        %add3A_210 = arith.addi %mul3A_123, %add3A_209 : i32
        %swap3A_211 = arith.index_cast %add3A_210 : i32 to index
        %swap3A_212 = arith.constant 112 : index
        %swap3A_213 = tpu.vector_load %arg12[%swap3A_211, %swap3A_212] {strides = array<i32>} : memref<128x128xf32, #tpu.memory_space<vmem>>, vector<16xf32>,
        tpu.vector_store %arg12[%swap3A_211, %swap3A_212], %mul3A_208 {strides = array<i32>} : memref<128x128xf32, #tpu.memory_space<vmem>>, vector<16xf32>,
        %broadcast_in_dim3A_214 = arith.constant 1 : i32
        %broadcast_in_dim3A_215 = vector.broadcast %broadcast_in_dim3A_214 : i32 to vector<16x1xi32>
        %gather3A_216 = vector.shape_cast %broadcast_in_dim3A_215 : vector<16x1xi32> to vector<16xi32>
        %gather3A_217 = tpu.dynamic_gather %get3A_121[%gather3A_216] in [0] : vector<16xf32>, vector<16xi32> -> vector<16xf32>
        %add3A_218 = arith.constant 1 : i32
        %add3A_219 = arith.addi %mul3A_123, %add3A_218 : i32
        %get3A_220 = arith.index_cast %add3A_219 : i32 to index
        %get3A_221 = arith.constant 0 : index
        %get3A_222 = tpu.vector_load %arg11[%get3A_220, %get3A_221] {strides = array<i32>} : memref<128x128xf32, #tpu.memory_space<vmem>>, vector<16xf32>,
        %mul3A_223 = arith.mulf %get3A_222, %gather3A_217 : vector<16xf32>
        %add3A_224 = arith.constant 1 : i32
        %add3A_225 = arith.addi %mul3A_123, %add3A_224 : i32
        %swap3A_226 = arith.index_cast %add3A_225 : i32 to index
        %swap3A_227 = arith.constant 0 : index
        %swap3A_228 = tpu.vector_load %arg12[%swap3A_226, %swap3A_227] {strides = array<i32>} : memref<128x128xf32, #tpu.memory_space<vmem>>, vector<16xf32>,
        tpu.vector_store %arg12[%swap3A_226, %swap3A_227], %mul3A_223 {strides = array<i32>} : memref<128x128xf32, #tpu.memory_space<vmem>>, vector<16xf32>,
        %add3A_229 = arith.constant 1 : i32
        %add3A_230 = arith.addi %mul3A_123, %add3A_229 : i32
        %get3A_231 = arith.index_cast %add3A_230 : i32 to index
        %get3A_232 = arith.constant 16 : index
        %get3A_233 = tpu.vector_load %arg11[%get3A_231, %get3A_232] {strides = array<i32>} : memref<128x128xf32, #tpu.memory_space<vmem>>, vector<16xf32>,
        %mul3A_234 = arith.mulf %get3A_233, %gather3A_217 : vector<16xf32>
        %add3A_235 = arith.constant 1 : i32
        %add3A_236 = arith.addi %mul3A_123, %add3A_235 : i32
        %swap3A_237 = arith.index_cast %add3A_236 : i32 to index
        %swap3A_238 = arith.constant 16 : index
        %swap3A_239 = tpu.vector_load %arg12[%swap3A_237, %swap3A_238] {strides = array<i32>} : memref<128x128xf32, #tpu.memory_space<vmem>>, vector<16xf32>,
        tpu.vector_store %arg12[%swap3A_237, %swap3A_238], %mul3A_234 {strides = array<i32>} : memref<128x128xf32, #tpu.memory_space<vmem>>, vector<16xf32>,
        %add3A_240 = arith.constant 1 : i32
        %add3A_241 = arith.addi %mul3A_123, %add3A_240 : i32
        %get3A_242 = arith.index_cast %add3A_241 : i32 to index
        %get3A_243 = arith.constant 32 : index
        %get3A_244 = tpu.vector_load %arg11[%get3A_242, %get3A_243] {strides = array<i32>} : memref<128x128xf32, #tpu.memory_space<vmem>>, vector<16xf32>,
        %mul3A_245 = arith.mulf %get3A_244, %gather3A_217 : vector<16xf32>
        %add3A_246 = arith.constant 1 : i32
        %add3A_247 = arith.addi %mul3A_123, %add3A_246 : i32
        %swap3A_248 = arith.index_cast %add3A_247 : i32 to index
        %swap3A_249 = arith.constant 32 : index
        %swap3A_250 = tpu.vector_load %arg12[%swap3A_248, %swap3A_249] {strides = array<i32>} : memref<128x128xf32, #tpu.memory_space<vmem>>, vector<16xf32>,
        tpu.vector_store %arg12[%swap3A_248, %swap3A_249], %mul3A_245 {strides = array<i32>} : memref<128x128xf32, #tpu.memory_space<vmem>>, vector<16xf32>,
        %add3A_251 = arith.constant 1 : i32
        %add3A_252 = arith.addi %mul3A_123, %add3A_251 : i32
        %get3A_253 = arith.index_cast %add3A_252 : i32 to index
        %get3A_254 = arith.constant 48 : index
        %get3A_255 = tpu.vector_load %arg11[%get3A_253, %get3A_254] {strides = array<i32>} : memref<128x128xf32, #tpu.memory_space<vmem>>, vector<16xf32>,
        %mul3A_256 = arith.mulf %get3A_255, %gather3A_217 : vector<16xf32>
        %add3A_257 = arith.constant 1 : i32
        %add3A_258 = arith.addi %mul3A_123, %add3A_257 : i32
        %swap3A_259 = arith.index_cast %add3A_258 : i32 to index
        %swap3A_260 = arith.constant 48 : index
        %swap3A_261 = tpu.vector_load %arg12[%swap3A_259, %swap3A_260] {strides = array<i32>} : memref<128x128xf32, #tpu.memory_space<vmem>>, vector<16xf32>,
        tpu.vector_store %arg12[%swap3A_259, %swap3A_260], %mul3A_256 {strides = array<i32>} : memref<128x128xf32, #tpu.memory_space<vmem>>, vector<16xf32>,
        %add3A_262 = arith.constant 1 : i32
        %add3A_263 = arith.addi %mul3A_123, %add3A_262 : i32
        %get3A_264 = arith.index_cast %add3A_263 : i32 to index
        %get3A_265 = arith.constant 64 : index
        %get3A_266 = tpu.vector_load %arg11[%get3A_264, %get3A_265] {strides = array<i32>} : memref<128x128xf32, #tpu.memory_space<vmem>>, vector<16xf32>,
        %mul3A_267 = arith.mulf %get3A_266, %gather3A_217 : vector<16xf32>
        %add3A_268 = arith.constant 1 : i32
        %add3A_269 = arith.addi %mul3A_123, %add3A_268 : i32
        %swap3A_270 = arith.index_cast %add3A_269 : i32 to index
        %swap3A_271 = arith.constant 64 : index
        %swap3A_272 = tpu.vector_load %arg12[%swap3A_270, %swap3A_271] {strides = array<i32>} : memref<128x128xf32, #tpu.memory_space<vmem>>, vector<16xf32>,
        tpu.vector_store %arg12[%swap3A_270, %swap3A_271], %mul3A_267 {strides = array<i32>} : memref<128x128xf32, #tpu.memory_space<vmem>>, vector<16xf32>,
        %add3A_273 = arith.constant 1 : i32
        %add3A_274 = arith.addi %mul3A_123, %add3A_273 : i32
        %get3A_275 = arith.index_cast %add3A_274 : i32 to index
        %get3A_276 = arith.constant 80 : index
        %get3A_277 = tpu.vector_load %arg11[%get3A_275, %get3A_276] {strides = array<i32>} : memref<128x128xf32, #tpu.memory_space<vmem>>, vector<16xf32>,
        %mul3A_278 = arith.mulf %get3A_277, %gather3A_217 : vector<16xf32>
        %add3A_279 = arith.constant 1 : i32
        %add3A_280 = arith.addi %mul3A_123, %add3A_279 : i32
        %swap3A_281 = arith.index_cast %add3A_280 : i32 to index
        %swap3A_282 = arith.constant 80 : index
        %swap3A_283 = tpu.vector_load %arg12[%swap3A_281, %swap3A_282] {strides = array<i32>} : memref<128x128xf32, #tpu.memory_space<vmem>>, vector<16xf32>,
        tpu.vector_store %arg12[%swap3A_281, %swap3A_282], %mul3A_278 {strides = array<i32>} : memref<128x128xf32, #tpu.memory_space<vmem>>, vector<16xf32>,
        %add3A_284 = arith.constant 1 : i32
        %add3A_285 = arith.addi %mul3A_123, %add3A_284 : i32
        %get3A_286 = arith.index_cast %add3A_285 : i32 to index
        %get3A_287 = arith.constant 96 : index
        %get3A_288 = tpu.vector_load %arg11[%get3A_286, %get3A_287] {strides = array<i32>} : memref<128x128xf32, #tpu.memory_space<vmem>>, vector<16xf32>,
        %mul3A_289 = arith.mulf %get3A_288, %gather3A_217 : vector<16xf32>
        %add3A_290 = arith.constant 1 : i32
        %add3A_291 = arith.addi %mul3A_123, %add3A_290 : i32
        %swap3A_292 = arith.index_cast %add3A_291 : i32 to index
        %swap3A_293 = arith.constant 96 : index
        %swap3A_294 = tpu.vector_load %arg12[%swap3A_292, %swap3A_293] {strides = array<i32>} : memref<128x128xf32, #tpu.memory_space<vmem>>, vector<16xf32>,
        tpu.vector_store %arg12[%swap3A_292, %swap3A_293], %mul3A_289 {strides = array<i32>} : memref<128x128xf32, #tpu.memory_space<vmem>>, vector<16xf32>,
        %add3A_295 = arith.constant 1 : i32
        %add3A_296 = arith.addi %mul3A_123, %add3A_295 : i32
        %get3A_297 = arith.index_cast %add3A_296 : i32 to index
        %get3A_298 = arith.constant 112 : index
        %get3A_299 = tpu.vector_load %arg11[%get3A_297, %get3A_298] {strides = array<i32>} : memref<128x128xf32, #tpu.memory_space<vmem>>, vector<16xf32>,
        %mul3A_300 = arith.mulf %get3A_299, %gather3A_217 : vector<16xf32>
        %add3A_301 = arith.constant 1 : i32
        %add3A_302 = arith.addi %mul3A_123, %add3A_301 : i32
        %swap3A_303 = arith.index_cast %add3A_302 : i32 to index
        %swap3A_304 = arith.constant 112 : index
        %swap3A_305 = tpu.vector_load %arg12[%swap3A_303, %swap3A_304] {strides = array<i32>} : memref<128x128xf32, #tpu.memory_space<vmem>>, vector<16xf32>,
        tpu.vector_store %arg12[%swap3A_303, %swap3A_304], %mul3A_300 {strides = array<i32>} : memref<128x128xf32, #tpu.memory_space<vmem>>, vector<16xf32>,
        %broadcast_in_dim3A_306 = arith.constant 2 : i32
        %broadcast_in_dim3A_307 = vector.broadcast %broadcast_in_dim3A_306 : i32 to vector<16x1xi32>
        %gather3A_308 = vector.shape_cast %broadcast_in_dim3A_307 : vector<16x1xi32> to vector<16xi32>
        %gather3A_309 = tpu.dynamic_gather %get3A_121[%gather3A_308] in [0] : vector<16xf32>, vector<16xi32> -> vector<16xf32>
        %add3A_310 = arith.constant 2 : i32
        %add3A_311 = arith.addi %mul3A_123, %add3A_310 : i32
        %get3A_312 = arith.index_cast %add3A_311 : i32 to index
        %get3A_313 = arith.constant 0 : index
        %get3A_314 = tpu.vector_load %arg11[%get3A_312, %get3A_313] {strides = array<i32>} : memref<128x128xf32, #tpu.memory_space<vmem>>, vector<16xf32>,
        %mul3A_315 = arith.mulf %get3A_314, %gather3A_309 : vector<16xf32>
        %add3A_316 = arith.constant 2 : i32
        %add3A_317 = arith.addi %mul3A_123, %add3A_316 : i32
        %swap3A_318 = arith.index_cast %add3A_317 : i32 to index
        %swap3A_319 = arith.constant 0 : index
        %swap3A_320 = tpu.vector_load %arg12[%swap3A_318, %swap3A_319] {strides = array<i32>} : memref<128x128xf32, #tpu.memory_space<vmem>>, vector<16xf32>,
        tpu.vector_store %arg12[%swap3A_318, %swap3A_319], %mul3A_315 {strides = array<i32>} : memref<128x128xf32, #tpu.memory_space<vmem>>, vector<16xf32>,
        %add3A_321 = arith.constant 2 : i32
        %add3A_322 = arith.addi %mul3A_123, %add3A_321 : i32
        %get3A_323 = arith.index_cast %add3A_322 : i32 to index
        %get3A_324 = arith.constant 16 : index
        %get3A_325 = tpu.vector_load %arg11[%get3A_323, %get3A_324] {strides = array<i32>} : memref<128x128xf32, #tpu.memory_space<vmem>>, vector<16xf32>,
        %mul3A_326 = arith.mulf %get3A_325, %gather3A_309 : vector<16xf32>
        %add3A_327 = arith.constant 2 : i32
        %add3A_328 = arith.addi %mul3A_123, %add3A_327 : i32
        %swap3A_329 = arith.index_cast %add3A_328 : i32 to index
        %swap3A_330 = arith.constant 16 : index
        %swap3A_331 = tpu.vector_load %arg12[%swap3A_329, %swap3A_330] {strides = array<i32>} : memref<128x128xf32, #tpu.memory_space<vmem>>, vector<16xf32>,
        tpu.vector_store %arg12[%swap3A_329, %swap3A_330], %mul3A_326 {strides = array<i32>} : memref<128x128xf32, #tpu.memory_space<vmem>>, vector<16xf32>,
        %add3A_332 = arith.constant 2 : i32
        %add3A_333 = arith.addi %mul3A_123, %add3A_332 : i32
        %get3A_334 = arith.index_cast %add3A_333 : i32 to index
        %get3A_335 = arith.constant 32 : index
        %get3A_336 = tpu.vector_load %arg11[%get3A_334, %get3A_335] {strides = array<i32>} : memref<128x128xf32, #tpu.memory_space<vmem>>, vector<16xf32>,
        %mul3A_337 = arith.mulf %get3A_336, %gather3A_309 : vector<16xf32>
        %add3A_338 = arith.constant 2 : i32
        %add3A_339 = arith.addi %mul3A_123, %add3A_338 : i32
        %swap3A_340 = arith.index_cast %add3A_339 : i32 to index
        %swap3A_341 = arith.constant 32 : index
        %swap3A_342 = tpu.vector_load %arg12[%swap3A_340, %swap3A_341] {strides = array<i32>} : memref<128x128xf32, #tpu.memory_space<vmem>>, vector<16xf32>,
        tpu.vector_store %arg12[%swap3A_340, %swap3A_341], %mul3A_337 {strides = array<i32>} : memref<128x128xf32, #tpu.memory_space<vmem>>, vector<16xf32>,
        %add3A_343 = arith.constant 2 : i32
        %add3A_344 = arith.addi %mul3A_123, %add3A_343 : i32
        %get3A_345 = arith.index_cast %add3A_344 : i32 to index
        %get3A_346 = arith.constant 48 : index
        %get3A_347 = tpu.vector_load %arg11[%get3A_345, %get3A_346] {strides = array<i32>} : memref<128x128xf32, #tpu.memory_space<vmem>>, vector<16xf32>,
        %mul3A_348 = arith.mulf %get3A_347, %gather3A_309 : vector<16xf32>
        %add3A_349 = arith.constant 2 : i32
        %add3A_350 = arith.addi %mul3A_123, %add3A_349 : i32
        %swap3A_351 = arith.index_cast %add3A_350 : i32 to index
        %swap3A_352 = arith.constant 48 : index
        %swap3A_353 = tpu.vector_load %arg12[%swap3A_351, %swap3A_352] {strides = array<i32>} : memref<128x128xf32, #tpu.memory_space<vmem>>, vector<16xf32>,
        tpu.vector_store %arg12[%swap3A_351, %swap3A_352], %mul3A_348 {strides = array<i32>} : memref<128x128xf32, #tpu.memory_space<vmem>>, vector<16xf32>,
        %add3A_354 = arith.constant 2 : i32
        %add3A_355 = arith.addi %mul3A_123, %add3A_354 : i32
        %get3A_356 = arith.index_cast %add3A_355 : i32 to index
        %get3A_357 = arith.constant 64 : index
        %get3A_358 = tpu.vector_load %arg11[%get3A_356, %get3A_357] {strides = array<i32>} : memref<128x128xf32, #tpu.memory_space<vmem>>, vector<16xf32>,
        %mul3A_359 = arith.mulf %get3A_358, %gather3A_309 : vector<16xf32>
        %add3A_360 = arith.constant 2 : i32
        %add3A_361 = arith.addi %mul3A_123, %add3A_360 : i32
        %swap3A_362 = arith.index_cast %add3A_361 : i32 to index
        %swap3A_363 = arith.constant 64 : index
        %swap3A_364 = tpu.vector_load %arg12[%swap3A_362, %swap3A_363] {strides = array<i32>} : memref<128x128xf32, #tpu.memory_space<vmem>>, vector<16xf32>,
        tpu.vector_store %arg12[%swap3A_362, %swap3A_363], %mul3A_359 {strides = array<i32>} : memref<128x128xf32, #tpu.memory_space<vmem>>, vector<16xf32>,
        %add3A_365 = arith.constant 2 : i32
        %add3A_366 = arith.addi %mul3A_123, %add3A_365 : i32
        %get3A_367 = arith.index_cast %add3A_366 : i32 to index
        %get3A_368 = arith.constant 80 : index
        %get3A_369 = tpu.vector_load %arg11[%get3A_367, %get3A_368] {strides = array<i32>} : memref<128x128xf32, #tpu.memory_space<vmem>>, vector<16xf32>,
        %mul3A_370 = arith.mulf %get3A_369, %gather3A_309 : vector<16xf32>
        %add3A_371 = arith.constant 2 : i32
        %add3A_372 = arith.addi %mul3A_123, %add3A_371 : i32
        %swap3A_373 = arith.index_cast %add3A_372 : i32 to index
        %swap3A_374 = arith.constant 80 : index
        %swap3A_375 = tpu.vector_load %arg12[%swap3A_373, %swap3A_374] {strides = array<i32>} : memref<128x128xf32, #tpu.memory_space<vmem>>, vector<16xf32>,
        tpu.vector_store %arg12[%swap3A_373, %swap3A_374], %mul3A_370 {strides = array<i32>} : memref<128x128xf32, #tpu.memory_space<vmem>>, vector<16xf32>,
        %add3A_376 = arith.constant 2 : i32
        %add3A_377 = arith.addi %mul3A_123, %add3A_376 : i32
        %get3A_378 = arith.index_cast %add3A_377 : i32 to index
        %get3A_379 = arith.constant 96 : index
        %get3A_380 = tpu.vector_load %arg11[%get3A_378, %get3A_379] {strides = array<i32>} : memref<128x128xf32, #tpu.memory_space<vmem>>, vector<16xf32>,
        %mul3A_381 = arith.mulf %get3A_380, %gather3A_309 : vector<16xf32>
        %add3A_382 = arith.constant 2 : i32
        %add3A_383 = arith.addi %mul3A_123, %add3A_382 : i32
        %swap3A_384 = arith.index_cast %add3A_383 : i32 to index
        %swap3A_385 = arith.constant 96 : index
        %swap3A_386 = tpu.vector_load %arg12[%swap3A_384, %swap3A_385] {strides = array<i32>} : memref<128x128xf32, #tpu.memory_space<vmem>>, vector<16xf32>,
        tpu.vector_store %arg12[%swap3A_384, %swap3A_385], %mul3A_381 {strides = array<i32>} : memref<128x128xf32, #tpu.memory_space<vmem>>, vector<16xf32>,
        %add3A_387 = arith.constant 2 : i32
        %add3A_388 = arith.addi %mul3A_123, %add3A_387 : i32
        %get3A_389 = arith.index_cast %add3A_388 : i32 to index
        %get3A_390 = arith.constant 112 : index
        %get3A_391 = tpu.vector_load %arg11[%get3A_389, %get3A_390] {strides = array<i32>} : memref<128x128xf32, #tpu.memory_space<vmem>>, vector<16xf32>,
        %mul3A_392 = arith.mulf %get3A_391, %gather3A_309 : vector<16xf32>
        %add3A_393 = arith.constant 2 : i32
        %add3A_394 = arith.addi %mul3A_123, %add3A_393 : i32
        %swap3A_395 = arith.index_cast %add3A_394 : i32 to index
        %swap3A_396 = arith.constant 112 : index
        %swap3A_397 = tpu.vector_load %arg12[%swap3A_395, %swap3A_396] {strides = array<i32>} : memref<128x128xf32, #tpu.memory_space<vmem>>, vector<16xf32>,
        tpu.vector_store %arg12[%swap3A_395, %swap3A_396], %mul3A_392 {strides = array<i32>} : memref<128x128xf32, #tpu.memory_space<vmem>>, vector<16xf32>,
        %broadcast_in_dim3A_398 = arith.constant 3 : i32
        %broadcast_in_dim3A_399 = vector.broadcast %broadcast_in_dim3A_398 : i32 to vector<16x1xi32>
        %gather3A_400 = vector.shape_cast %broadcast_in_dim3A_399 : vector<16x1xi32> to vector<16xi32>
        %gather3A_401 = tpu.dynamic_gather %get3A_121[%gather3A_400] in [0] : vector<16xf32>, vector<16xi32> -> vector<16xf32>
        %add3A_402 = arith.constant 3 : i32
        %add3A_403 = arith.addi %mul3A_123, %add3A_402 : i32
        %get3A_404 = arith.index_cast %add3A_403 : i32 to index
        %get3A_405 = arith.constant 0 : index
        %get3A_406 = tpu.vector_load %arg11[%get3A_404, %get3A_405] {strides = array<i32>} : memref<128x128xf32, #tpu.memory_space<vmem>>, vector<16xf32>,
        %mul3A_407 = arith.mulf %get3A_406, %gather3A_401 : vector<16xf32>
        %add3A_408 = arith.constant 3 : i32
        %add3A_409 = arith.addi %mul3A_123, %add3A_408 : i32
        %swap3A_410 = arith.index_cast %add3A_409 : i32 to index
        %swap3A_411 = arith.constant 0 : index
        %swap3A_412 = tpu.vector_load %arg12[%swap3A_410, %swap3A_411] {strides = array<i32>} : memref<128x128xf32, #tpu.memory_space<vmem>>, vector<16xf32>,
        tpu.vector_store %arg12[%swap3A_410, %swap3A_411], %mul3A_407 {strides = array<i32>} : memref<128x128xf32, #tpu.memory_space<vmem>>, vector<16xf32>,
        %add3A_413 = arith.constant 3 : i32
        %add3A_414 = arith.addi %mul3A_123, %add3A_413 : i32
        %get3A_415 = arith.index_cast %add3A_414 : i32 to index
        %get3A_416 = arith.constant 16 : index
        %get3A_417 = tpu.vector_load %arg11[%get3A_415, %get3A_416] {strides = array<i32>} : memref<128x128xf32, #tpu.memory_space<vmem>>, vector<16xf32>,
        %mul3A_418 = arith.mulf %get3A_417, %gather3A_401 : vector<16xf32>
        %add3A_419 = arith.constant 3 : i32
        %add3A_420 = arith.addi %mul3A_123, %add3A_419 : i32
        %swap3A_421 = arith.index_cast %add3A_420 : i32 to index
        %swap3A_422 = arith.constant 16 : index
        %swap3A_423 = tpu.vector_load %arg12[%swap3A_421, %swap3A_422] {strides = array<i32>} : memref<128x128xf32, #tpu.memory_space<vmem>>, vector<16xf32>,
        tpu.vector_store %arg12[%swap3A_421, %swap3A_422], %mul3A_418 {strides = array<i32>} : memref<128x128xf32, #tpu.memory_space<vmem>>, vector<16xf32>,
        %add3A_424 = arith.constant 3 : i32
        %add3A_425 = arith.addi %mul3A_123, %add3A_424 : i32
        %get3A_426 = arith.index_cast %add3A_425 : i32 to index
        %get3A_427 = arith.constant 32 : index
        %get3A_428 = tpu.vector_load %arg11[%get3A_426, %get3A_427] {strides = array<i32>} : memref<128x128xf32, #tpu.memory_space<vmem>>, vector<16xf32>,
        %mul3A_429 = arith.mulf %get3A_428, %gather3A_401 : vector<16xf32>
        %add3A_430 = arith.constant 3 : i32
        %add3A_431 = arith.addi %mul3A_123, %add3A_430 : i32
        %swap3A_432 = arith.index_cast %add3A_431 : i32 to index
        %swap3A_433 = arith.constant 32 : index
        %swap3A_434 = tpu.vector_load %arg12[%swap3A_432, %swap3A_433] {strides = array<i32>} : memref<128x128xf32, #tpu.memory_space<vmem>>, vector<16xf32>,
        tpu.vector_store %arg12[%swap3A_432, %swap3A_433], %mul3A_429 {strides = array<i32>} : memref<128x128xf32, #tpu.memory_space<vmem>>, vector<16xf32>,
        %add3A_435 = arith.constant 3 : i32
        %add3A_436 = arith.addi %mul3A_123, %add3A_435 : i32
        %get3A_437 = arith.index_cast %add3A_436 : i32 to index
        %get3A_438 = arith.constant 48 : index
        %get3A_439 = tpu.vector_load %arg11[%get3A_437, %get3A_438] {strides = array<i32>} : memref<128x128xf32, #tpu.memory_space<vmem>>, vector<16xf32>,
        %mul3A_440 = arith.mulf %get3A_439, %gather3A_401 : vector<16xf32>
        %add3A_441 = arith.constant 3 : i32
        %add3A_442 = arith.addi %mul3A_123, %add3A_441 : i32
        %swap3A_443 = arith.index_cast %add3A_442 : i32 to index
        %swap3A_444 = arith.constant 48 : index
        %swap3A_445 = tpu.vector_load %arg12[%swap3A_443, %swap3A_444] {strides = array<i32>} : memref<128x128xf32, #tpu.memory_space<vmem>>, vector<16xf32>,
        tpu.vector_store %arg12[%swap3A_443, %swap3A_444], %mul3A_440 {strides = array<i32>} : memref<128x128xf32, #tpu.memory_space<vmem>>, vector<16xf32>,
        %add3A_446 = arith.constant 3 : i32
        %add3A_447 = arith.addi %mul3A_123, %add3A_446 : i32
        %get3A_448 = arith.index_cast %add3A_447 : i32 to index
        %get3A_449 = arith.constant 64 : index
        %get3A_450 = tpu.vector_load %arg11[%get3A_448, %get3A_449] {strides = array<i32>} : memref<128x128xf32, #tpu.memory_space<vmem>>, vector<16xf32>,
        %mul3A_451 = arith.mulf %get3A_450, %gather3A_401 : vector<16xf32>
        %add3A_452 = arith.constant 3 : i32
        %add3A_453 = arith.addi %mul3A_123, %add3A_452 : i32
        %swap3A_454 = arith.index_cast %add3A_453 : i32 to index
        %swap3A_455 = arith.constant 64 : index
        %swap3A_456 = tpu.vector_load %arg12[%swap3A_454, %swap3A_455] {strides = array<i32>} : memref<128x128xf32, #tpu.memory_space<vmem>>, vector<16xf32>,
        tpu.vector_store %arg12[%swap3A_454, %swap3A_455], %mul3A_451 {strides = array<i32>} : memref<128x128xf32, #tpu.memory_space<vmem>>, vector<16xf32>,
        %add3A_457 = arith.constant 3 : i32
        %add3A_458 = arith.addi %mul3A_123, %add3A_457 : i32
        %get3A_459 = arith.index_cast %add3A_458 : i32 to index
        %get3A_460 = arith.constant 80 : index
        %get3A_461 = tpu.vector_load %arg11[%get3A_459, %get3A_460] {strides = array<i32>} : memref<128x128xf32, #tpu.memory_space<vmem>>, vector<16xf32>,
        %mul3A_462 = arith.mulf %get3A_461, %gather3A_401 : vector<16xf32>
        %add3A_463 = arith.constant 3 : i32
        %add3A_464 = arith.addi %mul3A_123, %add3A_463 : i32
        %swap3A_465 = arith.index_cast %add3A_464 : i32 to index
        %swap3A_466 = arith.constant 80 : index
        %swap3A_467 = tpu.vector_load %arg12[%swap3A_465, %swap3A_466] {strides = array<i32>} : memref<128x128xf32, #tpu.memory_space<vmem>>, vector<16xf32>,
        tpu.vector_store %arg12[%swap3A_465, %swap3A_466], %mul3A_462 {strides = array<i32>} : memref<128x128xf32, #tpu.memory_space<vmem>>, vector<16xf32>,
        %add3A_468 = arith.constant 3 : i32
        %add3A_469 = arith.addi %mul3A_123, %add3A_468 : i32
        %get3A_470 = arith.index_cast %add3A_469 : i32 to index
        %get3A_471 = arith.constant 96 : index
        %get3A_472 = tpu.vector_load %arg11[%get3A_470, %get3A_471] {strides = array<i32>} : memref<128x128xf32, #tpu.memory_space<vmem>>, vector<16xf32>,
        %mul3A_473 = arith.mulf %get3A_472, %gather3A_401 : vector<16xf32>
        %add3A_474 = arith.constant 3 : i32
        %add3A_475 = arith.addi %mul3A_123, %add3A_474 : i32
        %swap3A_476 = arith.index_cast %add3A_475 : i32 to index
        %swap3A_477 = arith.constant 96 : index
        %swap3A_478 = tpu.vector_load %arg12[%swap3A_476, %swap3A_477] {strides = array<i32>} : memref<128x128xf32, #tpu.memory_space<vmem>>, vector<16xf32>,
        tpu.vector_store %arg12[%swap3A_476, %swap3A_477], %mul3A_473 {strides = array<i32>} : memref<128x128xf32, #tpu.memory_space<vmem>>, vector<16xf32>,
        %add3A_479 = arith.constant 3 : i32
        %add3A_480 = arith.addi %mul3A_123, %add3A_479 : i32
        %get3A_481 = arith.index_cast %add3A_480 : i32 to index
        %get3A_482 = arith.constant 112 : index
        %get3A_483 = tpu.vector_load %arg11[%get3A_481, %get3A_482] {strides = array<i32>} : memref<128x128xf32, #tpu.memory_space<vmem>>, vector<16xf32>,
        %mul3A_484 = arith.mulf %get3A_483, %gather3A_401 : vector<16xf32>
        %add3A_485 = arith.constant 3 : i32
        %add3A_486 = arith.addi %mul3A_123, %add3A_485 : i32
        %swap3A_487 = arith.index_cast %add3A_486 : i32 to index
        %swap3A_488 = arith.constant 112 : index
        %swap3A_489 = tpu.vector_load %arg12[%swap3A_487, %swap3A_488] {strides = array<i32>} : memref<128x128xf32, #tpu.memory_space<vmem>>, vector<16xf32>,
        tpu.vector_store %arg12[%swap3A_487, %swap3A_488], %mul3A_484 {strides = array<i32>} : memref<128x128xf32, #tpu.memory_space<vmem>>, vector<16xf32>,
        %broadcast_in_dim3A_490 = arith.constant 4 : i32
        %broadcast_in_dim3A_491 = vector.broadcast %broadcast_in_dim3A_490 : i32 to vector<16x1xi32>
        %gather3A_492 = vector.shape_cast %broadcast_in_dim3A_491 : vector<16x1xi32> to vector<16xi32>
        %gather3A_493 = tpu.dynamic_gather %get3A_121[%gather3A_492] in [0] : vector<16xf32>, vector<16xi32> -> vector<16xf32>
        %add3A_494 = arith.constant 4 : i32
        %add3A_495 = arith.addi %mul3A_123, %add3A_494 : i32
        %get3A_496 = arith.index_cast %add3A_495 : i32 to index
        %get3A_497 = arith.constant 0 : index
        %get3A_498 = tpu.vector_load %arg11[%get3A_496, %get3A_497] {strides = array<i32>} : memref<128x128xf32, #tpu.memory_space<vmem>>, vector<16xf32>,
        %mul3A_499 = arith.mulf %get3A_498, %gather3A_493 : vector<16xf32>
        %add3A_500 = arith.constant 4 : i32
        %add3A_501 = arith.addi %mul3A_123, %add3A_500 : i32
        %swap3A_502 = arith.index_cast %add3A_501 : i32 to index
        %swap3A_503 = arith.constant 0 : index
        %swap3A_504 = tpu.vector_load %arg12[%swap3A_502, %swap3A_503] {strides = array<i32>} : memref<128x128xf32, #tpu.memory_space<vmem>>, vector<16xf32>,
        tpu.vector_store %arg12[%swap3A_502, %swap3A_503], %mul3A_499 {strides = array<i32>} : memref<128x128xf32, #tpu.memory_space<vmem>>, vector<16xf32>,
        %add3A_505 = arith.constant 4 : i32
        %add3A_506 = arith.addi %mul3A_123, %add3A_505 : i32
        %get3A_507 = arith.index_cast %add3A_506 : i32 to index
        %get3A_508 = arith.constant 16 : index
        %get3A_509 = tpu.vector_load %arg11[%get3A_507, %get3A_508] {strides = array<i32>} : memref<128x128xf32, #tpu.memory_space<vmem>>, vector<16xf32>,
        %mul3A_510 = arith.mulf %get3A_509, %gather3A_493 : vector<16xf32>
        %add3A_511 = arith.constant 4 : i32
        %add3A_512 = arith.addi %mul3A_123, %add3A_511 : i32
        %swap3A_513 = arith.index_cast %add3A_512 : i32 to index
        %swap3A_514 = arith.constant 16 : index
        %swap3A_515 = tpu.vector_load %arg12[%swap3A_513, %swap3A_514] {strides = array<i32>} : memref<128x128xf32, #tpu.memory_space<vmem>>, vector<16xf32>,
        tpu.vector_store %arg12[%swap3A_513, %swap3A_514], %mul3A_510 {strides = array<i32>} : memref<128x128xf32, #tpu.memory_space<vmem>>, vector<16xf32>,
        %add3A_516 = arith.constant 4 : i32
        %add3A_517 = arith.addi %mul3A_123, %add3A_516 : i32
        %get3A_518 = arith.index_cast %add3A_517 : i32 to index
        %get3A_519 = arith.constant 32 : index
        %get3A_520 = tpu.vector_load %arg11[%get3A_518, %get3A_519] {strides = array<i32>} : memref<128x128xf32, #tpu.memory_space<vmem>>, vector<16xf32>,
        %mul3A_521 = arith.mulf %get3A_520, %gather3A_493 : vector<16xf32>
        %add3A_522 = arith.constant 4 : i32
        %add3A_523 = arith.addi %mul3A_123, %add3A_522 : i32
        %swap3A_524 = arith.index_cast %add3A_523 : i32 to index
        %swap3A_525 = arith.constant 32 : index
        %swap3A_526 = tpu.vector_load %arg12[%swap3A_524, %swap3A_525] {strides = array<i32>} : memref<128x128xf32, #tpu.memory_space<vmem>>, vector<16xf32>,
        tpu.vector_store %arg12[%swap3A_524, %swap3A_525], %mul3A_521 {strides = array<i32>} : memref<128x128xf32, #tpu.memory_space<vmem>>, vector<16xf32>,
        %add3A_527 = arith.constant 4 : i32
        %add3A_528 = arith.addi %mul3A_123, %add3A_527 : i32
        %get3A_529 = arith.index_cast %add3A_528 : i32 to index
        %get3A_530 = arith.constant 48 : index
        %get3A_531 = tpu.vector_load %arg11[%get3A_529, %get3A_530] {strides = array<i32>} : memref<128x128xf32, #tpu.memory_space<vmem>>, vector<16xf32>,
        %mul3A_532 = arith.mulf %get3A_531, %gather3A_493 : vector<16xf32>
        %add3A_533 = arith.constant 4 : i32
        %add3A_534 = arith.addi %mul3A_123, %add3A_533 : i32
        %swap3A_535 = arith.index_cast %add3A_534 : i32 to index
        %swap3A_536 = arith.constant 48 : index
        %swap3A_537 = tpu.vector_load %arg12[%swap3A_535, %swap3A_536] {strides = array<i32>} : memref<128x128xf32, #tpu.memory_space<vmem>>, vector<16xf32>,
        tpu.vector_store %arg12[%swap3A_535, %swap3A_536], %mul3A_532 {strides = array<i32>} : memref<128x128xf32, #tpu.memory_space<vmem>>, vector<16xf32>,
        %add3A_538 = arith.constant 4 : i32
        %add3A_539 = arith.addi %mul3A_123, %add3A_538 : i32
        %get3A_540 = arith.index_cast %add3A_539 : i32 to index
        %get3A_541 = arith.constant 64 : index
        %get3A_542 = tpu.vector_load %arg11[%get3A_540, %get3A_541] {strides = array<i32>} : memref<128x128xf32, #tpu.memory_space<vmem>>, vector<16xf32>,
        %mul3A_543 = arith.mulf %get3A_542, %gather3A_493 : vector<16xf32>
        %add3A_544 = arith.constant 4 : i32
        %add3A_545 = arith.addi %mul3A_123, %add3A_544 : i32
        %swap3A_546 = arith.index_cast %add3A_545 : i32 to index
        %swap3A_547 = arith.constant 64 : index
        %swap3A_548 = tpu.vector_load %arg12[%swap3A_546, %swap3A_547] {strides = array<i32>} : memref<128x128xf32, #tpu.memory_space<vmem>>, vector<16xf32>,
        tpu.vector_store %arg12[%swap3A_546, %swap3A_547], %mul3A_543 {strides = array<i32>} : memref<128x128xf32, #tpu.memory_space<vmem>>, vector<16xf32>,
        %add3A_549 = arith.constant 4 : i32
        %add3A_550 = arith.addi %mul3A_123, %add3A_549 : i32
        %get3A_551 = arith.index_cast %add3A_550 : i32 to index
        %get3A_552 = arith.constant 80 : index
        %get3A_553 = tpu.vector_load %arg11[%get3A_551, %get3A_552] {strides = array<i32>} : memref<128x128xf32, #tpu.memory_space<vmem>>, vector<16xf32>,
        %mul3A_554 = arith.mulf %get3A_553, %gather3A_493 : vector<16xf32>
        %add3A_555 = arith.constant 4 : i32
        %add3A_556 = arith.addi %mul3A_123, %add3A_555 : i32
        %swap3A_557 = arith.index_cast %add3A_556 : i32 to index
        %swap3A_558 = arith.constant 80 : index
        %swap3A_559 = tpu.vector_load %arg12[%swap3A_557, %swap3A_558] {strides = array<i32>} : memref<128x128xf32, #tpu.memory_space<vmem>>, vector<16xf32>,
        tpu.vector_store %arg12[%swap3A_557, %swap3A_558], %mul3A_554 {strides = array<i32>} : memref<128x128xf32, #tpu.memory_space<vmem>>, vector<16xf32>,
        %add3A_560 = arith.constant 4 : i32
        %add3A_561 = arith.addi %mul3A_123, %add3A_560 : i32
        %get3A_562 = arith.index_cast %add3A_561 : i32 to index
        %get3A_563 = arith.constant 96 : index
        %get3A_564 = tpu.vector_load %arg11[%get3A_562, %get3A_563] {strides = array<i32>} : memref<128x128xf32, #tpu.memory_space<vmem>>, vector<16xf32>,
        %mul3A_565 = arith.mulf %get3A_564, %gather3A_493 : vector<16xf32>
        %add3A_566 = arith.constant 4 : i32
        %add3A_567 = arith.addi %mul3A_123, %add3A_566 : i32
        %swap3A_568 = arith.index_cast %add3A_567 : i32 to index
        %swap3A_569 = arith.constant 96 : index
        %swap3A_570 = tpu.vector_load %arg12[%swap3A_568, %swap3A_569] {strides = array<i32>} : memref<128x128xf32, #tpu.memory_space<vmem>>, vector<16xf32>,
        tpu.vector_store %arg12[%swap3A_568, %swap3A_569], %mul3A_565 {strides = array<i32>} : memref<128x128xf32, #tpu.memory_space<vmem>>, vector<16xf32>,
        %add3A_571 = arith.constant 4 : i32
        %add3A_572 = arith.addi %mul3A_123, %add3A_571 : i32
        %get3A_573 = arith.index_cast %add3A_572 : i32 to index
        %get3A_574 = arith.constant 112 : index
        %get3A_575 = tpu.vector_load %arg11[%get3A_573, %get3A_574] {strides = array<i32>} : memref<128x128xf32, #tpu.memory_space<vmem>>, vector<16xf32>,
        %mul3A_576 = arith.mulf %get3A_575, %gather3A_493 : vector<16xf32>
        %add3A_577 = arith.constant 4 : i32
        %add3A_578 = arith.addi %mul3A_123, %add3A_577 : i32
        %swap3A_579 = arith.index_cast %add3A_578 : i32 to index
        %swap3A_580 = arith.constant 112 : index
        %swap3A_581 = tpu.vector_load %arg12[%swap3A_579, %swap3A_580] {strides = array<i32>} : memref<128x128xf32, #tpu.memory_space<vmem>>, vector<16xf32>,
        tpu.vector_store %arg12[%swap3A_579, %swap3A_580], %mul3A_576 {strides = array<i32>} : memref<128x128xf32, #tpu.memory_space<vmem>>, vector<16xf32>,
        %broadcast_in_dim3A_582 = arith.constant 5 : i32
        %broadcast_in_dim3A_583 = vector.broadcast %broadcast_in_dim3A_582 : i32 to vector<16x1xi32>
        %gather3A_584 = vector.shape_cast %broadcast_in_dim3A_583 : vector<16x1xi32> to vector<16xi32>
        %gather3A_585 = tpu.dynamic_gather %get3A_121[%gather3A_584] in [0] : vector<16xf32>, vector<16xi32> -> vector<16xf32>
        %add3A_586 = arith.constant 5 : i32
        %add3A_587 = arith.addi %mul3A_123, %add3A_586 : i32
        %get3A_588 = arith.index_cast %add3A_587 : i32 to index
        %get3A_589 = arith.constant 0 : index
        %get3A_590 = tpu.vector_load %arg11[%get3A_588, %get3A_589] {strides = array<i32>} : memref<128x128xf32, #tpu.memory_space<vmem>>, vector<16xf32>,
        %mul3A_591 = arith.mulf %get3A_590, %gather3A_585 : vector<16xf32>
        %add3A_592 = arith.constant 5 : i32
        %add3A_593 = arith.addi %mul3A_123, %add3A_592 : i32
        %swap3A_594 = arith.index_cast %add3A_593 : i32 to index
        %swap3A_595 = arith.constant 0 : index
        %swap3A_596 = tpu.vector_load %arg12[%swap3A_594, %swap3A_595] {strides = array<i32>} : memref<128x128xf32, #tpu.memory_space<vmem>>, vector<16xf32>,
        tpu.vector_store %arg12[%swap3A_594, %swap3A_595], %mul3A_591 {strides = array<i32>} : memref<128x128xf32, #tpu.memory_space<vmem>>, vector<16xf32>,
        %add3A_597 = arith.constant 5 : i32
        %add3A_598 = arith.addi %mul3A_123, %add3A_597 : i32
        %get3A_599 = arith.index_cast %add3A_598 : i32 to index
        %get3A_600 = arith.constant 16 : index
        %get3A_601 = tpu.vector_load %arg11[%get3A_599, %get3A_600] {strides = array<i32>} : memref<128x128xf32, #tpu.memory_space<vmem>>, vector<16xf32>,
        %mul3A_602 = arith.mulf %get3A_601, %gather3A_585 : vector<16xf32>
        %add3A_603 = arith.constant 5 : i32
        %add3A_604 = arith.addi %mul3A_123, %add3A_603 : i32
        %swap3A_605 = arith.index_cast %add3A_604 : i32 to index
        %swap3A_606 = arith.constant 16 : index
        %swap3A_607 = tpu.vector_load %arg12[%swap3A_605, %swap3A_606] {strides = array<i32>} : memref<128x128xf32, #tpu.memory_space<vmem>>, vector<16xf32>,
        tpu.vector_store %arg12[%swap3A_605, %swap3A_606], %mul3A_602 {strides = array<i32>} : memref<128x128xf32, #tpu.memory_space<vmem>>, vector<16xf32>,
        %add3A_608 = arith.constant 5 : i32
        %add3A_609 = arith.addi %mul3A_123, %add3A_608 : i32
        %get3A_610 = arith.index_cast %add3A_609 : i32 to index
        %get3A_611 = arith.constant 32 : index
        %get3A_612 = tpu.vector_load %arg11[%get3A_610, %get3A_611] {strides = array<i32>} : memref<128x128xf32, #tpu.memory_space<vmem>>, vector<16xf32>,
        %mul3A_613 = arith.mulf %get3A_612, %gather3A_585 : vector<16xf32>
        %add3A_614 = arith.constant 5 : i32
        %add3A_615 = arith.addi %mul3A_123, %add3A_614 : i32
        %swap3A_616 = arith.index_cast %add3A_615 : i32 to index
        %swap3A_617 = arith.constant 32 : index
        %swap3A_618 = tpu.vector_load %arg12[%swap3A_616, %swap3A_617] {strides = array<i32>} : memref<128x128xf32, #tpu.memory_space<vmem>>, vector<16xf32>,
        tpu.vector_store %arg12[%swap3A_616, %swap3A_617], %mul3A_613 {strides = array<i32>} : memref<128x128xf32, #tpu.memory_space<vmem>>, vector<16xf32>,
        %add3A_619 = arith.constant 5 : i32
        %add3A_620 = arith.addi %mul3A_123, %add3A_619 : i32
        %get3A_621 = arith.index_cast %add3A_620 : i32 to index
        %get3A_622 = arith.constant 48 : index
        %get3A_623 = tpu.vector_load %arg11[%get3A_621, %get3A_622] {strides = array<i32>} : memref<128x128xf32, #tpu.memory_space<vmem>>, vector<16xf32>,
        %mul3A_624 = arith.mulf %get3A_623, %gather3A_585 : vector<16xf32>
        %add3A_625 = arith.constant 5 : i32
        %add3A_626 = arith.addi %mul3A_123, %add3A_625 : i32
        %swap3A_627 = arith.index_cast %add3A_626 : i32 to index
        %swap3A_628 = arith.constant 48 : index
        %swap3A_629 = tpu.vector_load %arg12[%swap3A_627, %swap3A_628] {strides = array<i32>} : memref<128x128xf32, #tpu.memory_space<vmem>>, vector<16xf32>,
        tpu.vector_store %arg12[%swap3A_627, %swap3A_628], %mul3A_624 {strides = array<i32>} : memref<128x128xf32, #tpu.memory_space<vmem>>, vector<16xf32>,
        %add3A_630 = arith.constant 5 : i32
        %add3A_631 = arith.addi %mul3A_123, %add3A_630 : i32
        %get3A_632 = arith.index_cast %add3A_631 : i32 to index
        %get3A_633 = arith.constant 64 : index
        %get3A_634 = tpu.vector_load %arg11[%get3A_632, %get3A_633] {strides = array<i32>} : memref<128x128xf32, #tpu.memory_space<vmem>>, vector<16xf32>,
        %mul3A_635 = arith.mulf %get3A_634, %gather3A_585 : vector<16xf32>
        %add3A_636 = arith.constant 5 : i32
        %add3A_637 = arith.addi %mul3A_123, %add3A_636 : i32
        %swap3A_638 = arith.index_cast %add3A_637 : i32 to index
        %swap3A_639 = arith.constant 64 : index
        %swap3A_640 = tpu.vector_load %arg12[%swap3A_638, %swap3A_639] {strides = array<i32>} : memref<128x128xf32, #tpu.memory_space<vmem>>, vector<16xf32>,
        tpu.vector_store %arg12[%swap3A_638, %swap3A_639], %mul3A_635 {strides = array<i32>} : memref<128x128xf32, #tpu.memory_space<vmem>>, vector<16xf32>,
        %add3A_641 = arith.constant 5 : i32
        %add3A_642 = arith.addi %mul3A_123, %add3A_641 : i32
        %get3A_643 = arith.index_cast %add3A_642 : i32 to index
        %get3A_644 = arith.constant 80 : index
        %get3A_645 = tpu.vector_load %arg11[%get3A_643, %get3A_644] {strides = array<i32>} : memref<128x128xf32, #tpu.memory_space<vmem>>, vector<16xf32>,
        %mul3A_646 = arith.mulf %get3A_645, %gather3A_585 : vector<16xf32>
        %add3A_647 = arith.constant 5 : i32
        %add3A_648 = arith.addi %mul3A_123, %add3A_647 : i32
        %swap3A_649 = arith.index_cast %add3A_648 : i32 to index
        %swap3A_650 = arith.constant 80 : index
        %swap3A_651 = tpu.vector_load %arg12[%swap3A_649, %swap3A_650] {strides = array<i32>} : memref<128x128xf32, #tpu.memory_space<vmem>>, vector<16xf32>,
        tpu.vector_store %arg12[%swap3A_649, %swap3A_650], %mul3A_646 {strides = array<i32>} : memref<128x128xf32, #tpu.memory_space<vmem>>, vector<16xf32>,
        %add3A_652 = arith.constant 5 : i32
        %add3A_653 = arith.addi %mul3A_123, %add3A_652 : i32
        %get3A_654 = arith.index_cast %add3A_653 : i32 to index
        %get3A_655 = arith.constant 96 : index
        %get3A_656 = tpu.vector_load %arg11[%get3A_654, %get3A_655] {strides = array<i32>} : memref<128x128xf32, #tpu.memory_space<vmem>>, vector<16xf32>,
        %mul3A_657 = arith.mulf %get3A_656, %gather3A_585 : vector<16xf32>
        %add3A_658 = arith.constant 5 : i32
        %add3A_659 = arith.addi %mul3A_123, %add3A_658 : i32
        %swap3A_660 = arith.index_cast %add3A_659 : i32 to index
        %swap3A_661 = arith.constant 96 : index
        %swap3A_662 = tpu.vector_load %arg12[%swap3A_660, %swap3A_661] {strides = array<i32>} : memref<128x128xf32, #tpu.memory_space<vmem>>, vector<16xf32>,
        tpu.vector_store %arg12[%swap3A_660, %swap3A_661], %mul3A_657 {strides = array<i32>} : memref<128x128xf32, #tpu.memory_space<vmem>>, vector<16xf32>,
        %add3A_663 = arith.constant 5 : i32
        %add3A_664 = arith.addi %mul3A_123, %add3A_663 : i32
        %get3A_665 = arith.index_cast %add3A_664 : i32 to index
        %get3A_666 = arith.constant 112 : index
        %get3A_667 = tpu.vector_load %arg11[%get3A_665, %get3A_666] {strides = array<i32>} : memref<128x128xf32, #tpu.memory_space<vmem>>, vector<16xf32>,
        %mul3A_668 = arith.mulf %get3A_667, %gather3A_585 : vector<16xf32>
        %add3A_669 = arith.constant 5 : i32
        %add3A_670 = arith.addi %mul3A_123, %add3A_669 : i32
        %swap3A_671 = arith.index_cast %add3A_670 : i32 to index
        %swap3A_672 = arith.constant 112 : index
        %swap3A_673 = tpu.vector_load %arg12[%swap3A_671, %swap3A_672] {strides = array<i32>} : memref<128x128xf32, #tpu.memory_space<vmem>>, vector<16xf32>,
        tpu.vector_store %arg12[%swap3A_671, %swap3A_672], %mul3A_668 {strides = array<i32>} : memref<128x128xf32, #tpu.memory_space<vmem>>, vector<16xf32>,
        %broadcast_in_dim3A_674 = arith.constant 6 : i32
        %broadcast_in_dim3A_675 = vector.broadcast %broadcast_in_dim3A_674 : i32 to vector<16x1xi32>
        %gather3A_676 = vector.shape_cast %broadcast_in_dim3A_675 : vector<16x1xi32> to vector<16xi32>
        %gather3A_677 = tpu.dynamic_gather %get3A_121[%gather3A_676] in [0] : vector<16xf32>, vector<16xi32> -> vector<16xf32>
        %add3A_678 = arith.constant 6 : i32
        %add3A_679 = arith.addi %mul3A_123, %add3A_678 : i32
        %get3A_680 = arith.index_cast %add3A_679 : i32 to index
        %get3A_681 = arith.constant 0 : index
        %get3A_682 = tpu.vector_load %arg11[%get3A_680, %get3A_681] {strides = array<i32>} : memref<128x128xf32, #tpu.memory_space<vmem>>, vector<16xf32>,
        %mul3A_683 = arith.mulf %get3A_682, %gather3A_677 : vector<16xf32>
        %add3A_684 = arith.constant 6 : i32
        %add3A_685 = arith.addi %mul3A_123, %add3A_684 : i32
        %swap3A_686 = arith.index_cast %add3A_685 : i32 to index
        %swap3A_687 = arith.constant 0 : index
        %swap3A_688 = tpu.vector_load %arg12[%swap3A_686, %swap3A_687] {strides = array<i32>} : memref<128x128xf32, #tpu.memory_space<vmem>>, vector<16xf32>,
        tpu.vector_store %arg12[%swap3A_686, %swap3A_687], %mul3A_683 {strides = array<i32>} : memref<128x128xf32, #tpu.memory_space<vmem>>, vector<16xf32>,
        %add3A_689 = arith.constant 6 : i32
        %add3A_690 = arith.addi %mul3A_123, %add3A_689 : i32
        %get3A_691 = arith.index_cast %add3A_690 : i32 to index
        %get3A_692 = arith.constant 16 : index
        %get3A_693 = tpu.vector_load %arg11[%get3A_691, %get3A_692] {strides = array<i32>} : memref<128x128xf32, #tpu.memory_space<vmem>>, vector<16xf32>,
        %mul3A_694 = arith.mulf %get3A_693, %gather3A_677 : vector<16xf32>
        %add3A_695 = arith.constant 6 : i32
        %add3A_696 = arith.addi %mul3A_123, %add3A_695 : i32
        %swap3A_697 = arith.index_cast %add3A_696 : i32 to index
        %swap3A_698 = arith.constant 16 : index
        %swap3A_699 = tpu.vector_load %arg12[%swap3A_697, %swap3A_698] {strides = array<i32>} : memref<128x128xf32, #tpu.memory_space<vmem>>, vector<16xf32>,
        tpu.vector_store %arg12[%swap3A_697, %swap3A_698], %mul3A_694 {strides = array<i32>} : memref<128x128xf32, #tpu.memory_space<vmem>>, vector<16xf32>,
        %add3A_700 = arith.constant 6 : i32
        %add3A_701 = arith.addi %mul3A_123, %add3A_700 : i32
        %get3A_702 = arith.index_cast %add3A_701 : i32 to index
        %get3A_703 = arith.constant 32 : index
        %get3A_704 = tpu.vector_load %arg11[%get3A_702, %get3A_703] {strides = array<i32>} : memref<128x128xf32, #tpu.memory_space<vmem>>, vector<16xf32>,
        %mul3A_705 = arith.mulf %get3A_704, %gather3A_677 : vector<16xf32>
        %add3A_706 = arith.constant 6 : i32
        %add3A_707 = arith.addi %mul3A_123, %add3A_706 : i32
        %swap3A_708 = arith.index_cast %add3A_707 : i32 to index
        %swap3A_709 = arith.constant 32 : index
        %swap3A_710 = tpu.vector_load %arg12[%swap3A_708, %swap3A_709] {strides = array<i32>} : memref<128x128xf32, #tpu.memory_space<vmem>>, vector<16xf32>,
        tpu.vector_store %arg12[%swap3A_708, %swap3A_709], %mul3A_705 {strides = array<i32>} : memref<128x128xf32, #tpu.memory_space<vmem>>, vector<16xf32>,
        %add3A_711 = arith.constant 6 : i32
        %add3A_712 = arith.addi %mul3A_123, %add3A_711 : i32
        %get3A_713 = arith.index_cast %add3A_712 : i32 to index
        %get3A_714 = arith.constant 48 : index
        %get3A_715 = tpu.vector_load %arg11[%get3A_713, %get3A_714] {strides = array<i32>} : memref<128x128xf32, #tpu.memory_space<vmem>>, vector<16xf32>,
        %mul3A_716 = arith.mulf %get3A_715, %gather3A_677 : vector<16xf32>
        %add3A_717 = arith.constant 6 : i32
        %add3A_718 = arith.addi %mul3A_123, %add3A_717 : i32
        %swap3A_719 = arith.index_cast %add3A_718 : i32 to index
        %swap3A_720 = arith.constant 48 : index
        %swap3A_721 = tpu.vector_load %arg12[%swap3A_719, %swap3A_720] {strides = array<i32>} : memref<128x128xf32, #tpu.memory_space<vmem>>, vector<16xf32>,
        tpu.vector_store %arg12[%swap3A_719, %swap3A_720], %mul3A_716 {strides = array<i32>} : memref<128x128xf32, #tpu.memory_space<vmem>>, vector<16xf32>,
        %add3A_722 = arith.constant 6 : i32
        %add3A_723 = arith.addi %mul3A_123, %add3A_722 : i32
        %get3A_724 = arith.index_cast %add3A_723 : i32 to index
        %get3A_725 = arith.constant 64 : index
        %get3A_726 = tpu.vector_load %arg11[%get3A_724, %get3A_725] {strides = array<i32>} : memref<128x128xf32, #tpu.memory_space<vmem>>, vector<16xf32>,
        %mul3A_727 = arith.mulf %get3A_726, %gather3A_677 : vector<16xf32>
        %add3A_728 = arith.constant 6 : i32
        %add3A_729 = arith.addi %mul3A_123, %add3A_728 : i32
        %swap3A_730 = arith.index_cast %add3A_729 : i32 to index
        %swap3A_731 = arith.constant 64 : index
        %swap3A_732 = tpu.vector_load %arg12[%swap3A_730, %swap3A_731] {strides = array<i32>} : memref<128x128xf32, #tpu.memory_space<vmem>>, vector<16xf32>,
        tpu.vector_store %arg12[%swap3A_730, %swap3A_731], %mul3A_727 {strides = array<i32>} : memref<128x128xf32, #tpu.memory_space<vmem>>, vector<16xf32>,
        %add3A_733 = arith.constant 6 : i32
        %add3A_734 = arith.addi %mul3A_123, %add3A_733 : i32
        %get3A_735 = arith.index_cast %add3A_734 : i32 to index
        %get3A_736 = arith.constant 80 : index
        %get3A_737 = tpu.vector_load %arg11[%get3A_735, %get3A_736] {strides = array<i32>} : memref<128x128xf32, #tpu.memory_space<vmem>>, vector<16xf32>,
        %mul3A_738 = arith.mulf %get3A_737, %gather3A_677 : vector<16xf32>
        %add3A_739 = arith.constant 6 : i32
        %add3A_740 = arith.addi %mul3A_123, %add3A_739 : i32
        %swap3A_741 = arith.index_cast %add3A_740 : i32 to index
        %swap3A_742 = arith.constant 80 : index
        %swap3A_743 = tpu.vector_load %arg12[%swap3A_741, %swap3A_742] {strides = array<i32>} : memref<128x128xf32, #tpu.memory_space<vmem>>, vector<16xf32>,
        tpu.vector_store %arg12[%swap3A_741, %swap3A_742], %mul3A_738 {strides = array<i32>} : memref<128x128xf32, #tpu.memory_space<vmem>>, vector<16xf32>,
        %add3A_744 = arith.constant 6 : i32
        %add3A_745 = arith.addi %mul3A_123, %add3A_744 : i32
        %get3A_746 = arith.index_cast %add3A_745 : i32 to index
        %get3A_747 = arith.constant 96 : index
        %get3A_748 = tpu.vector_load %arg11[%get3A_746, %get3A_747] {strides = array<i32>} : memref<128x128xf32, #tpu.memory_space<vmem>>, vector<16xf32>,
        %mul3A_749 = arith.mulf %get3A_748, %gather3A_677 : vector<16xf32>
        %add3A_750 = arith.constant 6 : i32
        %add3A_751 = arith.addi %mul3A_123, %add3A_750 : i32
        %swap3A_752 = arith.index_cast %add3A_751 : i32 to index
        %swap3A_753 = arith.constant 96 : index
        %swap3A_754 = tpu.vector_load %arg12[%swap3A_752, %swap3A_753] {strides = array<i32>} : memref<128x128xf32, #tpu.memory_space<vmem>>, vector<16xf32>,
        tpu.vector_store %arg12[%swap3A_752, %swap3A_753], %mul3A_749 {strides = array<i32>} : memref<128x128xf32, #tpu.memory_space<vmem>>, vector<16xf32>,
        %add3A_755 = arith.constant 6 : i32
        %add3A_756 = arith.addi %mul3A_123, %add3A_755 : i32
        %get3A_757 = arith.index_cast %add3A_756 : i32 to index
        %get3A_758 = arith.constant 112 : index
        %get3A_759 = tpu.vector_load %arg11[%get3A_757, %get3A_758] {strides = array<i32>} : memref<128x128xf32, #tpu.memory_space<vmem>>, vector<16xf32>,
        %mul3A_760 = arith.mulf %get3A_759, %gather3A_677 : vector<16xf32>
        %add3A_761 = arith.constant 6 : i32
        %add3A_762 = arith.addi %mul3A_123, %add3A_761 : i32
        %swap3A_763 = arith.index_cast %add3A_762 : i32 to index
        %swap3A_764 = arith.constant 112 : index
        %swap3A_765 = tpu.vector_load %arg12[%swap3A_763, %swap3A_764] {strides = array<i32>} : memref<128x128xf32, #tpu.memory_space<vmem>>, vector<16xf32>,
        tpu.vector_store %arg12[%swap3A_763, %swap3A_764], %mul3A_760 {strides = array<i32>} : memref<128x128xf32, #tpu.memory_space<vmem>>, vector<16xf32>,
        %broadcast_in_dim3A_766 = arith.constant 7 : i32
        %broadcast_in_dim3A_767 = vector.broadcast %broadcast_in_dim3A_766 : i32 to vector<16x1xi32>
        %gather3A_768 = vector.shape_cast %broadcast_in_dim3A_767 : vector<16x1xi32> to vector<16xi32>
        %gather3A_769 = tpu.dynamic_gather %get3A_121[%gather3A_768] in [0] : vector<16xf32>, vector<16xi32> -> vector<16xf32>
        %add3A_770 = arith.constant 7 : i32
        %add3A_771 = arith.addi %mul3A_123, %add3A_770 : i32
        %get3A_772 = arith.index_cast %add3A_771 : i32 to index
        %get3A_773 = arith.constant 0 : index
        %get3A_774 = tpu.vector_load %arg11[%get3A_772, %get3A_773] {strides = array<i32>} : memref<128x128xf32, #tpu.memory_space<vmem>>, vector<16xf32>,
        %mul3A_775 = arith.mulf %get3A_774, %gather3A_769 : vector<16xf32>
        %add3A_776 = arith.constant 7 : i32
        %add3A_777 = arith.addi %mul3A_123, %add3A_776 : i32
        %swap3A_778 = arith.index_cast %add3A_777 : i32 to index
        %swap3A_779 = arith.constant 0 : index
        %swap3A_780 = tpu.vector_load %arg12[%swap3A_778, %swap3A_779] {strides = array<i32>} : memref<128x128xf32, #tpu.memory_space<vmem>>, vector<16xf32>,
        tpu.vector_store %arg12[%swap3A_778, %swap3A_779], %mul3A_775 {strides = array<i32>} : memref<128x128xf32, #tpu.memory_space<vmem>>, vector<16xf32>,
        %add3A_781 = arith.constant 7 : i32
        %add3A_782 = arith.addi %mul3A_123, %add3A_781 : i32
        %get3A_783 = arith.index_cast %add3A_782 : i32 to index
        %get3A_784 = arith.constant 16 : index
        %get3A_785 = tpu.vector_load %arg11[%get3A_783, %get3A_784] {strides = array<i32>} : memref<128x128xf32, #tpu.memory_space<vmem>>, vector<16xf32>,
        %mul3A_786 = arith.mulf %get3A_785, %gather3A_769 : vector<16xf32>
        %add3A_787 = arith.constant 7 : i32
        %add3A_788 = arith.addi %mul3A_123, %add3A_787 : i32
        %swap3A_789 = arith.index_cast %add3A_788 : i32 to index
        %swap3A_790 = arith.constant 16 : index
        %swap3A_791 = tpu.vector_load %arg12[%swap3A_789, %swap3A_790] {strides = array<i32>} : memref<128x128xf32, #tpu.memory_space<vmem>>, vector<16xf32>,
        tpu.vector_store %arg12[%swap3A_789, %swap3A_790], %mul3A_786 {strides = array<i32>} : memref<128x128xf32, #tpu.memory_space<vmem>>, vector<16xf32>,
        %add3A_792 = arith.constant 7 : i32
        %add3A_793 = arith.addi %mul3A_123, %add3A_792 : i32
        %get3A_794 = arith.index_cast %add3A_793 : i32 to index
        %get3A_795 = arith.constant 32 : index
        %get3A_796 = tpu.vector_load %arg11[%get3A_794, %get3A_795] {strides = array<i32>} : memref<128x128xf32, #tpu.memory_space<vmem>>, vector<16xf32>,
        %mul3A_797 = arith.mulf %get3A_796, %gather3A_769 : vector<16xf32>
        %add3A_798 = arith.constant 7 : i32
        %add3A_799 = arith.addi %mul3A_123, %add3A_798 : i32
        %swap3A_800 = arith.index_cast %add3A_799 : i32 to index
        %swap3A_801 = arith.constant 32 : index
        %swap3A_802 = tpu.vector_load %arg12[%swap3A_800, %swap3A_801] {strides = array<i32>} : memref<128x128xf32, #tpu.memory_space<vmem>>, vector<16xf32>,
        tpu.vector_store %arg12[%swap3A_800, %swap3A_801], %mul3A_797 {strides = array<i32>} : memref<128x128xf32, #tpu.memory_space<vmem>>, vector<16xf32>,
        %add3A_803 = arith.constant 7 : i32
        %add3A_804 = arith.addi %mul3A_123, %add3A_803 : i32
        %get3A_805 = arith.index_cast %add3A_804 : i32 to index
        %get3A_806 = arith.constant 48 : index
        %get3A_807 = tpu.vector_load %arg11[%get3A_805, %get3A_806] {strides = array<i32>} : memref<128x128xf32, #tpu.memory_space<vmem>>, vector<16xf32>,
        %mul3A_808 = arith.mulf %get3A_807, %gather3A_769 : vector<16xf32>
        %add3A_809 = arith.constant 7 : i32
        %add3A_810 = arith.addi %mul3A_123, %add3A_809 : i32
        %swap3A_811 = arith.index_cast %add3A_810 : i32 to index
        %swap3A_812 = arith.constant 48 : index
        %swap3A_813 = tpu.vector_load %arg12[%swap3A_811, %swap3A_812] {strides = array<i32>} : memref<128x128xf32, #tpu.memory_space<vmem>>, vector<16xf32>,
        tpu.vector_store %arg12[%swap3A_811, %swap3A_812], %mul3A_808 {strides = array<i32>} : memref<128x128xf32, #tpu.memory_space<vmem>>, vector<16xf32>,
        %add3A_814 = arith.constant 7 : i32
        %add3A_815 = arith.addi %mul3A_123, %add3A_814 : i32
        %get3A_816 = arith.index_cast %add3A_815 : i32 to index
        %get3A_817 = arith.constant 64 : index
        %get3A_818 = tpu.vector_load %arg11[%get3A_816, %get3A_817] {strides = array<i32>} : memref<128x128xf32, #tpu.memory_space<vmem>>, vector<16xf32>,
        %mul3A_819 = arith.mulf %get3A_818, %gather3A_769 : vector<16xf32>
        %add3A_820 = arith.constant 7 : i32
        %add3A_821 = arith.addi %mul3A_123, %add3A_820 : i32
        %swap3A_822 = arith.index_cast %add3A_821 : i32 to index
        %swap3A_823 = arith.constant 64 : index
        %swap3A_824 = tpu.vector_load %arg12[%swap3A_822, %swap3A_823] {strides = array<i32>} : memref<128x128xf32, #tpu.memory_space<vmem>>, vector<16xf32>,
        tpu.vector_store %arg12[%swap3A_822, %swap3A_823], %mul3A_819 {strides = array<i32>} : memref<128x128xf32, #tpu.memory_space<vmem>>, vector<16xf32>,
        %add3A_825 = arith.constant 7 : i32
        %add3A_826 = arith.addi %mul3A_123, %add3A_825 : i32
        %get3A_827 = arith.index_cast %add3A_826 : i32 to index
        %get3A_828 = arith.constant 80 : index
        %get3A_829 = tpu.vector_load %arg11[%get3A_827, %get3A_828] {strides = array<i32>} : memref<128x128xf32, #tpu.memory_space<vmem>>, vector<16xf32>,
        %mul3A_830 = arith.mulf %get3A_829, %gather3A_769 : vector<16xf32>
        %add3A_831 = arith.constant 7 : i32
        %add3A_832 = arith.addi %mul3A_123, %add3A_831 : i32
        %swap3A_833 = arith.index_cast %add3A_832 : i32 to index
        %swap3A_834 = arith.constant 80 : index
        %swap3A_835 = tpu.vector_load %arg12[%swap3A_833, %swap3A_834] {strides = array<i32>} : memref<128x128xf32, #tpu.memory_space<vmem>>, vector<16xf32>,
        tpu.vector_store %arg12[%swap3A_833, %swap3A_834], %mul3A_830 {strides = array<i32>} : memref<128x128xf32, #tpu.memory_space<vmem>>, vector<16xf32>,
        %add3A_836 = arith.constant 7 : i32
        %add3A_837 = arith.addi %mul3A_123, %add3A_836 : i32
        %get3A_838 = arith.index_cast %add3A_837 : i32 to index
        %get3A_839 = arith.constant 96 : index
        %get3A_840 = tpu.vector_load %arg11[%get3A_838, %get3A_839] {strides = array<i32>} : memref<128x128xf32, #tpu.memory_space<vmem>>, vector<16xf32>,
        %mul3A_841 = arith.mulf %get3A_840, %gather3A_769 : vector<16xf32>
        %add3A_842 = arith.constant 7 : i32
        %add3A_843 = arith.addi %mul3A_123, %add3A_842 : i32
        %swap3A_844 = arith.index_cast %add3A_843 : i32 to index
        %swap3A_845 = arith.constant 96 : index
        %swap3A_846 = tpu.vector_load %arg12[%swap3A_844, %swap3A_845] {strides = array<i32>} : memref<128x128xf32, #tpu.memory_space<vmem>>, vector<16xf32>,
        tpu.vector_store %arg12[%swap3A_844, %swap3A_845], %mul3A_841 {strides = array<i32>} : memref<128x128xf32, #tpu.memory_space<vmem>>, vector<16xf32>,
        %add3A_847 = arith.constant 7 : i32
        %add3A_848 = arith.addi %mul3A_123, %add3A_847 : i32
        %get3A_849 = arith.index_cast %add3A_848 : i32 to index
        %get3A_850 = arith.constant 112 : index
        %get3A_851 = tpu.vector_load %arg11[%get3A_849, %get3A_850] {strides = array<i32>} : memref<128x128xf32, #tpu.memory_space<vmem>>, vector<16xf32>,
        %mul3A_852 = arith.mulf %get3A_851, %gather3A_769 : vector<16xf32>
        %add3A_853 = arith.constant 7 : i32
        %add3A_854 = arith.addi %mul3A_123, %add3A_853 : i32
        %swap3A_855 = arith.index_cast %add3A_854 : i32 to index
        %swap3A_856 = arith.constant 112 : index
        %swap3A_857 = tpu.vector_load %arg12[%swap3A_855, %swap3A_856] {strides = array<i32>} : memref<128x128xf32, #tpu.memory_space<vmem>>, vector<16xf32>,
        tpu.vector_store %arg12[%swap3A_855, %swap3A_856], %mul3A_852 {strides = array<i32>} : memref<128x128xf32, #tpu.memory_space<vmem>>, vector<16xf32>,
        %broadcast_in_dim3A_858 = arith.constant 8 : i32
        %broadcast_in_dim3A_859 = vector.broadcast %broadcast_in_dim3A_858 : i32 to vector<16x1xi32>
        %gather3A_860 = vector.shape_cast %broadcast_in_dim3A_859 : vector<16x1xi32> to vector<16xi32>
        %gather3A_861 = tpu.dynamic_gather %get3A_121[%gather3A_860] in [0] : vector<16xf32>, vector<16xi32> -> vector<16xf32>
        %add3A_862 = arith.constant 8 : i32
        %add3A_863 = arith.addi %mul3A_123, %add3A_862 : i32
        %get3A_864 = arith.index_cast %add3A_863 : i32 to index
        %get3A_865 = arith.constant 0 : index
        %get3A_866 = tpu.vector_load %arg11[%get3A_864, %get3A_865] {strides = array<i32>} : memref<128x128xf32, #tpu.memory_space<vmem>>, vector<16xf32>,
        %mul3A_867 = arith.mulf %get3A_866, %gather3A_861 : vector<16xf32>
        %add3A_868 = arith.constant 8 : i32
        %add3A_869 = arith.addi %mul3A_123, %add3A_868 : i32
        %swap3A_870 = arith.index_cast %add3A_869 : i32 to index
        %swap3A_871 = arith.constant 0 : index
        %swap3A_872 = tpu.vector_load %arg12[%swap3A_870, %swap3A_871] {strides = array<i32>} : memref<128x128xf32, #tpu.memory_space<vmem>>, vector<16xf32>,
        tpu.vector_store %arg12[%swap3A_870, %swap3A_871], %mul3A_867 {strides = array<i32>} : memref<128x128xf32, #tpu.memory_space<vmem>>, vector<16xf32>,
        %add3A_873 = arith.constant 8 : i32
        %add3A_874 = arith.addi %mul3A_123, %add3A_873 : i32
        %get3A_875 = arith.index_cast %add3A_874 : i32 to index
        %get3A_876 = arith.constant 16 : index
        %get3A_877 = tpu.vector_load %arg11[%get3A_875, %get3A_876] {strides = array<i32>} : memref<128x128xf32, #tpu.memory_space<vmem>>, vector<16xf32>,
        %mul3A_878 = arith.mulf %get3A_877, %gather3A_861 : vector<16xf32>
        %add3A_879 = arith.constant 8 : i32
        %add3A_880 = arith.addi %mul3A_123, %add3A_879 : i32
        %swap3A_881 = arith.index_cast %add3A_880 : i32 to index
        %swap3A_882 = arith.constant 16 : index
        %swap3A_883 = tpu.vector_load %arg12[%swap3A_881, %swap3A_882] {strides = array<i32>} : memref<128x128xf32, #tpu.memory_space<vmem>>, vector<16xf32>,
        tpu.vector_store %arg12[%swap3A_881, %swap3A_882], %mul3A_878 {strides = array<i32>} : memref<128x128xf32, #tpu.memory_space<vmem>>, vector<16xf32>,
        %add3A_884 = arith.constant 8 : i32
        %add3A_885 = arith.addi %mul3A_123, %add3A_884 : i32
        %get3A_886 = arith.index_cast %add3A_885 : i32 to index
        %get3A_887 = arith.constant 32 : index
        %get3A_888 = tpu.vector_load %arg11[%get3A_886, %get3A_887] {strides = array<i32>} : memref<128x128xf32, #tpu.memory_space<vmem>>, vector<16xf32>,
        %mul3A_889 = arith.mulf %get3A_888, %gather3A_861 : vector<16xf32>
        %add3A_890 = arith.constant 8 : i32
        %add3A_891 = arith.addi %mul3A_123, %add3A_890 : i32
        %swap3A_892 = arith.index_cast %add3A_891 : i32 to index
        %swap3A_893 = arith.constant 32 : index
        %swap3A_894 = tpu.vector_load %arg12[%swap3A_892, %swap3A_893] {strides = array<i32>} : memref<128x128xf32, #tpu.memory_space<vmem>>, vector<16xf32>,
        tpu.vector_store %arg12[%swap3A_892, %swap3A_893], %mul3A_889 {strides = array<i32>} : memref<128x128xf32, #tpu.memory_space<vmem>>, vector<16xf32>,
        %add3A_895 = arith.constant 8 : i32
        %add3A_896 = arith.addi %mul3A_123, %add3A_895 : i32
        %get3A_897 = arith.index_cast %add3A_896 : i32 to index
        %get3A_898 = arith.constant 48 : index
        %get3A_899 = tpu.vector_load %arg11[%get3A_897, %get3A_898] {strides = array<i32>} : memref<128x128xf32, #tpu.memory_space<vmem>>, vector<16xf32>,
        %mul3A_900 = arith.mulf %get3A_899, %gather3A_861 : vector<16xf32>
        %add3A_901 = arith.constant 8 : i32
        %add3A_902 = arith.addi %mul3A_123, %add3A_901 : i32
        %swap3A_903 = arith.index_cast %add3A_902 : i32 to index
        %swap3A_904 = arith.constant 48 : index
        %swap3A_905 = tpu.vector_load %arg12[%swap3A_903, %swap3A_904] {strides = array<i32>} : memref<128x128xf32, #tpu.memory_space<vmem>>, vector<16xf32>,
        tpu.vector_store %arg12[%swap3A_903, %swap3A_904], %mul3A_900 {strides = array<i32>} : memref<128x128xf32, #tpu.memory_space<vmem>>, vector<16xf32>,
        %add3A_906 = arith.constant 8 : i32
        %add3A_907 = arith.addi %mul3A_123, %add3A_906 : i32
        %get3A_908 = arith.index_cast %add3A_907 : i32 to index
        %get3A_909 = arith.constant 64 : index
        %get3A_910 = tpu.vector_load %arg11[%get3A_908, %get3A_909] {strides = array<i32>} : memref<128x128xf32, #tpu.memory_space<vmem>>, vector<16xf32>,
        %mul3A_911 = arith.mulf %get3A_910, %gather3A_861 : vector<16xf32>
        %add3A_912 = arith.constant 8 : i32
        %add3A_913 = arith.addi %mul3A_123, %add3A_912 : i32
        %swap3A_914 = arith.index_cast %add3A_913 : i32 to index
        %swap3A_915 = arith.constant 64 : index
        %swap3A_916 = tpu.vector_load %arg12[%swap3A_914, %swap3A_915] {strides = array<i32>} : memref<128x128xf32, #tpu.memory_space<vmem>>, vector<16xf32>,
        tpu.vector_store %arg12[%swap3A_914, %swap3A_915], %mul3A_911 {strides = array<i32>} : memref<128x128xf32, #tpu.memory_space<vmem>>, vector<16xf32>,
        %add3A_917 = arith.constant 8 : i32
        %add3A_918 = arith.addi %mul3A_123, %add3A_917 : i32
        %get3A_919 = arith.index_cast %add3A_918 : i32 to index
        %get3A_920 = arith.constant 80 : index
        %get3A_921 = tpu.vector_load %arg11[%get3A_919, %get3A_920] {strides = array<i32>} : memref<128x128xf32, #tpu.memory_space<vmem>>, vector<16xf32>,
        %mul3A_922 = arith.mulf %get3A_921, %gather3A_861 : vector<16xf32>
        %add3A_923 = arith.constant 8 : i32
        %add3A_924 = arith.addi %mul3A_123, %add3A_923 : i32
        %swap3A_925 = arith.index_cast %add3A_924 : i32 to index
        %swap3A_926 = arith.constant 80 : index
        %swap3A_927 = tpu.vector_load %arg12[%swap3A_925, %swap3A_926] {strides = array<i32>} : memref<128x128xf32, #tpu.memory_space<vmem>>, vector<16xf32>,
        tpu.vector_store %arg12[%swap3A_925, %swap3A_926], %mul3A_922 {strides = array<i32>} : memref<128x128xf32, #tpu.memory_space<vmem>>, vector<16xf32>,
        %add3A_928 = arith.constant 8 : i32
        %add3A_929 = arith.addi %mul3A_123, %add3A_928 : i32
        %get3A_930 = arith.index_cast %add3A_929 : i32 to index
        %get3A_931 = arith.constant 96 : index
        %get3A_932 = tpu.vector_load %arg11[%get3A_930, %get3A_931] {strides = array<i32>} : memref<128x128xf32, #tpu.memory_space<vmem>>, vector<16xf32>,
        %mul3A_933 = arith.mulf %get3A_932, %gather3A_861 : vector<16xf32>
        %add3A_934 = arith.constant 8 : i32
        %add3A_935 = arith.addi %mul3A_123, %add3A_934 : i32
        %swap3A_936 = arith.index_cast %add3A_935 : i32 to index
        %swap3A_937 = arith.constant 96 : index
        %swap3A_938 = tpu.vector_load %arg12[%swap3A_936, %swap3A_937] {strides = array<i32>} : memref<128x128xf32, #tpu.memory_space<vmem>>, vector<16xf32>,
        tpu.vector_store %arg12[%swap3A_936, %swap3A_937], %mul3A_933 {strides = array<i32>} : memref<128x128xf32, #tpu.memory_space<vmem>>, vector<16xf32>,
        %add3A_939 = arith.constant 8 : i32
        %add3A_940 = arith.addi %mul3A_123, %add3A_939 : i32
        %get3A_941 = arith.index_cast %add3A_940 : i32 to index
        %get3A_942 = arith.constant 112 : index
        %get3A_943 = tpu.vector_load %arg11[%get3A_941, %get3A_942] {strides = array<i32>} : memref<128x128xf32, #tpu.memory_space<vmem>>, vector<16xf32>,
        %mul3A_944 = arith.mulf %get3A_943, %gather3A_861 : vector<16xf32>
        %add3A_945 = arith.constant 8 : i32
        %add3A_946 = arith.addi %mul3A_123, %add3A_945 : i32
        %swap3A_947 = arith.index_cast %add3A_946 : i32 to index
        %swap3A_948 = arith.constant 112 : index
        %swap3A_949 = tpu.vector_load %arg12[%swap3A_947, %swap3A_948] {strides = array<i32>} : memref<128x128xf32, #tpu.memory_space<vmem>>, vector<16xf32>,
        tpu.vector_store %arg12[%swap3A_947, %swap3A_948], %mul3A_944 {strides = array<i32>} : memref<128x128xf32, #tpu.memory_space<vmem>>, vector<16xf32>,
        %broadcast_in_dim3A_950 = arith.constant 9 : i32
        %broadcast_in_dim3A_951 = vector.broadcast %broadcast_in_dim3A_950 : i32 to vector<16x1xi32>
        %gather3A_952 = vector.shape_cast %broadcast_in_dim3A_951 : vector<16x1xi32> to vector<16xi32>
        %gather3A_953 = tpu.dynamic_gather %get3A_121[%gather3A_952] in [0] : vector<16xf32>, vector<16xi32> -> vector<16xf32>
        %add3A_954 = arith.constant 9 : i32
        %add3A_955 = arith.addi %mul3A_123, %add3A_954 : i32
        %get3A_956 = arith.index_cast %add3A_955 : i32 to index
        %get3A_957 = arith.constant 0 : index
        %get3A_958 = tpu.vector_load %arg11[%get3A_956, %get3A_957] {strides = array<i32>} : memref<128x128xf32, #tpu.memory_space<vmem>>, vector<16xf32>,
        %mul3A_959 = arith.mulf %get3A_958, %gather3A_953 : vector<16xf32>
        %add3A_960 = arith.constant 9 : i32
        %add3A_961 = arith.addi %mul3A_123, %add3A_960 : i32
        %swap3A_962 = arith.index_cast %add3A_961 : i32 to index
        %swap3A_963 = arith.constant 0 : index
        %swap3A_964 = tpu.vector_load %arg12[%swap3A_962, %swap3A_963] {strides = array<i32>} : memref<128x128xf32, #tpu.memory_space<vmem>>, vector<16xf32>,
        tpu.vector_store %arg12[%swap3A_962, %swap3A_963], %mul3A_959 {strides = array<i32>} : memref<128x128xf32, #tpu.memory_space<vmem>>, vector<16xf32>,
        %add3A_965 = arith.constant 9 : i32
        %add3A_966 = arith.addi %mul3A_123, %add3A_965 : i32
        %get3A_967 = arith.index_cast %add3A_966 : i32 to index
        %get3A_968 = arith.constant 16 : index
        %get3A_969 = tpu.vector_load %arg11[%get3A_967, %get3A_968] {strides = array<i32>} : memref<128x128xf32, #tpu.memory_space<vmem>>, vector<16xf32>,
        %mul3A_970 = arith.mulf %get3A_969, %gather3A_953 : vector<16xf32>
        %add3A_971 = arith.constant 9 : i32
        %add3A_972 = arith.addi %mul3A_123, %add3A_971 : i32
        %swap3A_973 = arith.index_cast %add3A_972 : i32 to index
        %swap3A_974 = arith.constant 16 : index
        %swap3A_975 = tpu.vector_load %arg12[%swap3A_973, %swap3A_974] {strides = array<i32>} : memref<128x128xf32, #tpu.memory_space<vmem>>, vector<16xf32>,
        tpu.vector_store %arg12[%swap3A_973, %swap3A_974], %mul3A_970 {strides = array<i32>} : memref<128x128xf32, #tpu.memory_space<vmem>>, vector<16xf32>,
        %add3A_976 = arith.constant 9 : i32
        %add3A_977 = arith.addi %mul3A_123, %add3A_976 : i32
        %get3A_978 = arith.index_cast %add3A_977 : i32 to index
        %get3A_979 = arith.constant 32 : index
        %get3A_980 = tpu.vector_load %arg11[%get3A_978, %get3A_979] {strides = array<i32>} : memref<128x128xf32, #tpu.memory_space<vmem>>, vector<16xf32>,
        %mul3A_981 = arith.mulf %get3A_980, %gather3A_953 : vector<16xf32>
        %add3A_982 = arith.constant 9 : i32
        %add3A_983 = arith.addi %mul3A_123, %add3A_982 : i32
        %swap3A_984 = arith.index_cast %add3A_983 : i32 to index
        %swap3A_985 = arith.constant 32 : index
        %swap3A_986 = tpu.vector_load %arg12[%swap3A_984, %swap3A_985] {strides = array<i32>} : memref<128x128xf32, #tpu.memory_space<vmem>>, vector<16xf32>,
        tpu.vector_store %arg12[%swap3A_984, %swap3A_985], %mul3A_981 {strides = array<i32>} : memref<128x128xf32, #tpu.memory_space<vmem>>, vector<16xf32>,
        %add3A_987 = arith.constant 9 : i32
        %add3A_988 = arith.addi %mul3A_123, %add3A_987 : i32
        %get3A_989 = arith.index_cast %add3A_988 : i32 to index
        %get3A_990 = arith.constant 48 : index
        %get3A_991 = tpu.vector_load %arg11[%get3A_989, %get3A_990] {strides = array<i32>} : memref<128x128xf32, #tpu.memory_space<vmem>>, vector<16xf32>,
        %mul3A_992 = arith.mulf %get3A_991, %gather3A_953 : vector<16xf32>
        %add3A_993 = arith.constant 9 : i32
        %add3A_994 = arith.addi %mul3A_123, %add3A_993 : i32
        %swap3A_995 = arith.index_cast %add3A_994 : i32 to index
        %swap3A_996 = arith.constant 48 : index
        %swap3A_997 = tpu.vector_load %arg12[%swap3A_995, %swap3A_996] {strides = array<i32>} : memref<128x128xf32, #tpu.memory_space<vmem>>, vector<16xf32>,
        tpu.vector_store %arg12[%swap3A_995, %swap3A_996], %mul3A_992 {strides = array<i32>} : memref<128x128xf32, #tpu.memory_space<vmem>>, vector<16xf32>,
        %add3A_998 = arith.constant 9 : i32
        %add3A_999 = arith.addi %mul3A_123, %add3A_998 : i32
        %get3A_1000 = arith.index_cast %add3A_999 : i32 to index
        %get3A_1001 = arith.constant 64 : index
        %get3A_1002 = tpu.vector_load %arg11[%get3A_1000, %get3A_1001] {strides = array<i32>} : memref<128x128xf32, #tpu.memory_space<vmem>>, vector<16xf32>,
        %mul3A_1003 = arith.mulf %get3A_1002, %gather3A_953 : vector<16xf32>
        %add3A_1004 = arith.constant 9 : i32
        %add3A_1005 = arith.addi %mul3A_123, %add3A_1004 : i32
        %swap3A_1006 = arith.index_cast %add3A_1005 : i32 to index
        %swap3A_1007 = arith.constant 64 : index
        %swap3A_1008 = tpu.vector_load %arg12[%swap3A_1006, %swap3A_1007] {strides = array<i32>} : memref<128x128xf32, #tpu.memory_space<vmem>>, vector<16xf32>,
        tpu.vector_store %arg12[%swap3A_1006, %swap3A_1007], %mul3A_1003 {strides = array<i32>} : memref<128x128xf32, #tpu.memory_space<vmem>>, vector<16xf32>,
        %add3A_1009 = arith.constant 9 : i32
        %add3A_1010 = arith.addi %mul3A_123, %add3A_1009 : i32
        %get3A_1011 = arith.index_cast %add3A_1010 : i32 to index
        %get3A_1012 = arith.constant 80 : index
        %get3A_1013 = tpu.vector_load %arg11[%get3A_1011, %get3A_1012] {strides = array<i32>} : memref<128x128xf32, #tpu.memory_space<vmem>>, vector<16xf32>,
        %mul3A_1014 = arith.mulf %get3A_1013, %gather3A_953 : vector<16xf32>
        %add3A_1015 = arith.constant 9 : i32
        %add3A_1016 = arith.addi %mul3A_123, %add3A_1015 : i32
        %swap3A_1017 = arith.index_cast %add3A_1016 : i32 to index
        %swap3A_1018 = arith.constant 80 : index
        %swap3A_1019 = tpu.vector_load %arg12[%swap3A_1017, %swap3A_1018] {strides = array<i32>} : memref<128x128xf32, #tpu.memory_space<vmem>>, vector<16xf32>,
        tpu.vector_store %arg12[%swap3A_1017, %swap3A_1018], %mul3A_1014 {strides = array<i32>} : memref<128x128xf32, #tpu.memory_space<vmem>>, vector<16xf32>,
        %add3A_1020 = arith.constant 9 : i32
        %add3A_1021 = arith.addi %mul3A_123, %add3A_1020 : i32
        %get3A_1022 = arith.index_cast %add3A_1021 : i32 to index
        %get3A_1023 = arith.constant 96 : index
        %get3A_1024 = tpu.vector_load %arg11[%get3A_1022, %get3A_1023] {strides = array<i32>} : memref<128x128xf32, #tpu.memory_space<vmem>>, vector<16xf32>,
        %mul3A_1025 = arith.mulf %get3A_1024, %gather3A_953 : vector<16xf32>
        %add3A_1026 = arith.constant 9 : i32
        %add3A_1027 = arith.addi %mul3A_123, %add3A_1026 : i32
        %swap3A_1028 = arith.index_cast %add3A_1027 : i32 to index
        %swap3A_1029 = arith.constant 96 : index
        %swap3A_1030 = tpu.vector_load %arg12[%swap3A_1028, %swap3A_1029] {strides = array<i32>} : memref<128x128xf32, #tpu.memory_space<vmem>>, vector<16xf32>,
        tpu.vector_store %arg12[%swap3A_1028, %swap3A_1029], %mul3A_1025 {strides = array<i32>} : memref<128x128xf32, #tpu.memory_space<vmem>>, vector<16xf32>,
        %add3A_1031 = arith.constant 9 : i32
        %add3A_1032 = arith.addi %mul3A_123, %add3A_1031 : i32
        %get3A_1033 = arith.index_cast %add3A_1032 : i32 to index
        %get3A_1034 = arith.constant 112 : index
        %get3A_1035 = tpu.vector_load %arg11[%get3A_1033, %get3A_1034] {strides = array<i32>} : memref<128x128xf32, #tpu.memory_space<vmem>>, vector<16xf32>,
        %mul3A_1036 = arith.mulf %get3A_1035, %gather3A_953 : vector<16xf32>
        %add3A_1037 = arith.constant 9 : i32
        %add3A_1038 = arith.addi %mul3A_123, %add3A_1037 : i32
        %swap3A_1039 = arith.index_cast %add3A_1038 : i32 to index
        %swap3A_1040 = arith.constant 112 : index
        %swap3A_1041 = tpu.vector_load %arg12[%swap3A_1039, %swap3A_1040] {strides = array<i32>} : memref<128x128xf32, #tpu.memory_space<vmem>>, vector<16xf32>,
        tpu.vector_store %arg12[%swap3A_1039, %swap3A_1040], %mul3A_1036 {strides = array<i32>} : memref<128x128xf32, #tpu.memory_space<vmem>>, vector<16xf32>,
        %broadcast_in_dim3A_1042 = arith.constant 10 : i32
        %broadcast_in_dim3A_1043 = vector.broadcast %broadcast_in_dim3A_1042 : i32 to vector<16x1xi32>
        %gather3A_1044 = vector.shape_cast %broadcast_in_dim3A_1043 : vector<16x1xi32> to vector<16xi32>
        %gather3A_1045 = tpu.dynamic_gather %get3A_121[%gather3A_1044] in [0] : vector<16xf32>, vector<16xi32> -> vector<16xf32>
        %add3A_1046 = arith.constant 10 : i32
        %add3A_1047 = arith.addi %mul3A_123, %add3A_1046 : i32
        %get3A_1048 = arith.index_cast %add3A_1047 : i32 to index
        %get3A_1049 = arith.constant 0 : index
        %get3A_1050 = tpu.vector_load %arg11[%get3A_1048, %get3A_1049] {strides = array<i32>} : memref<128x128xf32, #tpu.memory_space<vmem>>, vector<16xf32>,
        %mul3A_1051 = arith.mulf %get3A_1050, %gather3A_1045 : vector<16xf32>
        %add3A_1052 = arith.constant 10 : i32
        %add3A_1053 = arith.addi %mul3A_123, %add3A_1052 : i32
        %swap3A_1054 = arith.index_cast %add3A_1053 : i32 to index
        %swap3A_1055 = arith.constant 0 : index
        %swap3A_1056 = tpu.vector_load %arg12[%swap3A_1054, %swap3A_1055] {strides = array<i32>} : memref<128x128xf32, #tpu.memory_space<vmem>>, vector<16xf32>,
        tpu.vector_store %arg12[%swap3A_1054, %swap3A_1055], %mul3A_1051 {strides = array<i32>} : memref<128x128xf32, #tpu.memory_space<vmem>>, vector<16xf32>,
        %add3A_1057 = arith.constant 10 : i32
        %add3A_1058 = arith.addi %mul3A_123, %add3A_1057 : i32
        %get3A_1059 = arith.index_cast %add3A_1058 : i32 to index
        %get3A_1060 = arith.constant 16 : index
        %get3A_1061 = tpu.vector_load %arg11[%get3A_1059, %get3A_1060] {strides = array<i32>} : memref<128x128xf32, #tpu.memory_space<vmem>>, vector<16xf32>,
        %mul3A_1062 = arith.mulf %get3A_1061, %gather3A_1045 : vector<16xf32>
        %add3A_1063 = arith.constant 10 : i32
        %add3A_1064 = arith.addi %mul3A_123, %add3A_1063 : i32
        %swap3A_1065 = arith.index_cast %add3A_1064 : i32 to index
        %swap3A_1066 = arith.constant 16 : index
        %swap3A_1067 = tpu.vector_load %arg12[%swap3A_1065, %swap3A_1066] {strides = array<i32>} : memref<128x128xf32, #tpu.memory_space<vmem>>, vector<16xf32>,
        tpu.vector_store %arg12[%swap3A_1065, %swap3A_1066], %mul3A_1062 {strides = array<i32>} : memref<128x128xf32, #tpu.memory_space<vmem>>, vector<16xf32>,
        %add3A_1068 = arith.constant 10 : i32
        %add3A_1069 = arith.addi %mul3A_123, %add3A_1068 : i32
        %get3A_1070 = arith.index_cast %add3A_1069 : i32 to index
        %get3A_1071 = arith.constant 32 : index
        %get3A_1072 = tpu.vector_load %arg11[%get3A_1070, %get3A_1071] {strides = array<i32>} : memref<128x128xf32, #tpu.memory_space<vmem>>, vector<16xf32>,
        %mul3A_1073 = arith.mulf %get3A_1072, %gather3A_1045 : vector<16xf32>
        %add3A_1074 = arith.constant 10 : i32
        %add3A_1075 = arith.addi %mul3A_123, %add3A_1074 : i32
        %swap3A_1076 = arith.index_cast %add3A_1075 : i32 to index
        %swap3A_1077 = arith.constant 32 : index
        %swap3A_1078 = tpu.vector_load %arg12[%swap3A_1076, %swap3A_1077] {strides = array<i32>} : memref<128x128xf32, #tpu.memory_space<vmem>>, vector<16xf32>,
        tpu.vector_store %arg12[%swap3A_1076, %swap3A_1077], %mul3A_1073 {strides = array<i32>} : memref<128x128xf32, #tpu.memory_space<vmem>>, vector<16xf32>,
        %add3A_1079 = arith.constant 10 : i32
        %add3A_1080 = arith.addi %mul3A_123, %add3A_1079 : i32
        %get3A_1081 = arith.index_cast %add3A_1080 : i32 to index
        %get3A_1082 = arith.constant 48 : index
        %get3A_1083 = tpu.vector_load %arg11[%get3A_1081, %get3A_1082] {strides = array<i32>} : memref<128x128xf32, #tpu.memory_space<vmem>>, vector<16xf32>,
        %mul3A_1084 = arith.mulf %get3A_1083, %gather3A_1045 : vector<16xf32>
        %add3A_1085 = arith.constant 10 : i32
        %add3A_1086 = arith.addi %mul3A_123, %add3A_1085 : i32
        %swap3A_1087 = arith.index_cast %add3A_1086 : i32 to index
        %swap3A_1088 = arith.constant 48 : index
        %swap3A_1089 = tpu.vector_load %arg12[%swap3A_1087, %swap3A_1088] {strides = array<i32>} : memref<128x128xf32, #tpu.memory_space<vmem>>, vector<16xf32>,
        tpu.vector_store %arg12[%swap3A_1087, %swap3A_1088], %mul3A_1084 {strides = array<i32>} : memref<128x128xf32, #tpu.memory_space<vmem>>, vector<16xf32>,
        %add3A_1090 = arith.constant 10 : i32
        %add3A_1091 = arith.addi %mul3A_123, %add3A_1090 : i32
        %get3A_1092 = arith.index_cast %add3A_1091 : i32 to index
        %get3A_1093 = arith.constant 64 : index
        %get3A_1094 = tpu.vector_load %arg11[%get3A_1092, %get3A_1093] {strides = array<i32>} : memref<128x128xf32, #tpu.memory_space<vmem>>, vector<16xf32>,
        %mul3A_1095 = arith.mulf %get3A_1094, %gather3A_1045 : vector<16xf32>
        %add3A_1096 = arith.constant 10 : i32
        %add3A_1097 = arith.addi %mul3A_123, %add3A_1096 : i32
        %swap3A_1098 = arith.index_cast %add3A_1097 : i32 to index
        %swap3A_1099 = arith.constant 64 : index
        %swap3A_1100 = tpu.vector_load %arg12[%swap3A_1098, %swap3A_1099] {strides = array<i32>} : memref<128x128xf32, #tpu.memory_space<vmem>>, vector<16xf32>,
        tpu.vector_store %arg12[%swap3A_1098, %swap3A_1099], %mul3A_1095 {strides = array<i32>} : memref<128x128xf32, #tpu.memory_space<vmem>>, vector<16xf32>,
        %add3A_1101 = arith.constant 10 : i32
        %add3A_1102 = arith.addi %mul3A_123, %add3A_1101 : i32
        %get3A_1103 = arith.index_cast %add3A_1102 : i32 to index
        %get3A_1104 = arith.constant 80 : index
        %get3A_1105 = tpu.vector_load %arg11[%get3A_1103, %get3A_1104] {strides = array<i32>} : memref<128x128xf32, #tpu.memory_space<vmem>>, vector<16xf32>,
        %mul3A_1106 = arith.mulf %get3A_1105, %gather3A_1045 : vector<16xf32>
        %add3A_1107 = arith.constant 10 : i32
        %add3A_1108 = arith.addi %mul3A_123, %add3A_1107 : i32
        %swap3A_1109 = arith.index_cast %add3A_1108 : i32 to index
        %swap3A_1110 = arith.constant 80 : index
        %swap3A_1111 = tpu.vector_load %arg12[%swap3A_1109, %swap3A_1110] {strides = array<i32>} : memref<128x128xf32, #tpu.memory_space<vmem>>, vector<16xf32>,
        tpu.vector_store %arg12[%swap3A_1109, %swap3A_1110], %mul3A_1106 {strides = array<i32>} : memref<128x128xf32, #tpu.memory_space<vmem>>, vector<16xf32>,
        %add3A_1112 = arith.constant 10 : i32
        %add3A_1113 = arith.addi %mul3A_123, %add3A_1112 : i32
        %get3A_1114 = arith.index_cast %add3A_1113 : i32 to index
        %get3A_1115 = arith.constant 96 : index
        %get3A_1116 = tpu.vector_load %arg11[%get3A_1114, %get3A_1115] {strides = array<i32>} : memref<128x128xf32, #tpu.memory_space<vmem>>, vector<16xf32>,
        %mul3A_1117 = arith.mulf %get3A_1116, %gather3A_1045 : vector<16xf32>
        %add3A_1118 = arith.constant 10 : i32
        %add3A_1119 = arith.addi %mul3A_123, %add3A_1118 : i32
        %swap3A_1120 = arith.index_cast %add3A_1119 : i32 to index
        %swap3A_1121 = arith.constant 96 : index
        %swap3A_1122 = tpu.vector_load %arg12[%swap3A_1120, %swap3A_1121] {strides = array<i32>} : memref<128x128xf32, #tpu.memory_space<vmem>>, vector<16xf32>,
        tpu.vector_store %arg12[%swap3A_1120, %swap3A_1121], %mul3A_1117 {strides = array<i32>} : memref<128x128xf32, #tpu.memory_space<vmem>>, vector<16xf32>,
        %add3A_1123 = arith.constant 10 : i32
        %add3A_1124 = arith.addi %mul3A_123, %add3A_1123 : i32
        %get3A_1125 = arith.index_cast %add3A_1124 : i32 to index
        %get3A_1126 = arith.constant 112 : index
        %get3A_1127 = tpu.vector_load %arg11[%get3A_1125, %get3A_1126] {strides = array<i32>} : memref<128x128xf32, #tpu.memory_space<vmem>>, vector<16xf32>,
        %mul3A_1128 = arith.mulf %get3A_1127, %gather3A_1045 : vector<16xf32>
        %add3A_1129 = arith.constant 10 : i32
        %add3A_1130 = arith.addi %mul3A_123, %add3A_1129 : i32
        %swap3A_1131 = arith.index_cast %add3A_1130 : i32 to index
        %swap3A_1132 = arith.constant 112 : index
        %swap3A_1133 = tpu.vector_load %arg12[%swap3A_1131, %swap3A_1132] {strides = array<i32>} : memref<128x128xf32, #tpu.memory_space<vmem>>, vector<16xf32>,
        tpu.vector_store %arg12[%swap3A_1131, %swap3A_1132], %mul3A_1128 {strides = array<i32>} : memref<128x128xf32, #tpu.memory_space<vmem>>, vector<16xf32>,
        %broadcast_in_dim3A_1134 = arith.constant 11 : i32
        %broadcast_in_dim3A_1135 = vector.broadcast %broadcast_in_dim3A_1134 : i32 to vector<16x1xi32>
        %gather3A_1136 = vector.shape_cast %broadcast_in_dim3A_1135 : vector<16x1xi32> to vector<16xi32>
        %gather3A_1137 = tpu.dynamic_gather %get3A_121[%gather3A_1136] in [0] : vector<16xf32>, vector<16xi32> -> vector<16xf32>
        %add3A_1138 = arith.constant 11 : i32
        %add3A_1139 = arith.addi %mul3A_123, %add3A_1138 : i32
        %get3A_1140 = arith.index_cast %add3A_1139 : i32 to index
        %get3A_1141 = arith.constant 0 : index
        %get3A_1142 = tpu.vector_load %arg11[%get3A_1140, %get3A_1141] {strides = array<i32>} : memref<128x128xf32, #tpu.memory_space<vmem>>, vector<16xf32>,
        %mul3A_1143 = arith.mulf %get3A_1142, %gather3A_1137 : vector<16xf32>
        %add3A_1144 = arith.constant 11 : i32
        %add3A_1145 = arith.addi %mul3A_123, %add3A_1144 : i32
        %swap3A_1146 = arith.index_cast %add3A_1145 : i32 to index
        %swap3A_1147 = arith.constant 0 : index
        %swap3A_1148 = tpu.vector_load %arg12[%swap3A_1146, %swap3A_1147] {strides = array<i32>} : memref<128x128xf32, #tpu.memory_space<vmem>>, vector<16xf32>,
        tpu.vector_store %arg12[%swap3A_1146, %swap3A_1147], %mul3A_1143 {strides = array<i32>} : memref<128x128xf32, #tpu.memory_space<vmem>>, vector<16xf32>,
        %add3A_1149 = arith.constant 11 : i32
        %add3A_1150 = arith.addi %mul3A_123, %add3A_1149 : i32
        %get3A_1151 = arith.index_cast %add3A_1150 : i32 to index
        %get3A_1152 = arith.constant 16 : index
        %get3A_1153 = tpu.vector_load %arg11[%get3A_1151, %get3A_1152] {strides = array<i32>} : memref<128x128xf32, #tpu.memory_space<vmem>>, vector<16xf32>,
        %mul3A_1154 = arith.mulf %get3A_1153, %gather3A_1137 : vector<16xf32>
        %add3A_1155 = arith.constant 11 : i32
        %add3A_1156 = arith.addi %mul3A_123, %add3A_1155 : i32
        %swap3A_1157 = arith.index_cast %add3A_1156 : i32 to index
        %swap3A_1158 = arith.constant 16 : index
        %swap3A_1159 = tpu.vector_load %arg12[%swap3A_1157, %swap3A_1158] {strides = array<i32>} : memref<128x128xf32, #tpu.memory_space<vmem>>, vector<16xf32>,
        tpu.vector_store %arg12[%swap3A_1157, %swap3A_1158], %mul3A_1154 {strides = array<i32>} : memref<128x128xf32, #tpu.memory_space<vmem>>, vector<16xf32>,
        %add3A_1160 = arith.constant 11 : i32
        %add3A_1161 = arith.addi %mul3A_123, %add3A_1160 : i32
        %get3A_1162 = arith.index_cast %add3A_1161 : i32 to index
        %get3A_1163 = arith.constant 32 : index
        %get3A_1164 = tpu.vector_load %arg11[%get3A_1162, %get3A_1163] {strides = array<i32>} : memref<128x128xf32, #tpu.memory_space<vmem>>, vector<16xf32>,
        %mul3A_1165 = arith.mulf %get3A_1164, %gather3A_1137 : vector<16xf32>
        %add3A_1166 = arith.constant 11 : i32
        %add3A_1167 = arith.addi %mul3A_123, %add3A_1166 : i32
        %swap3A_1168 = arith.index_cast %add3A_1167 : i32 to index
        %swap3A_1169 = arith.constant 32 : index
        %swap3A_1170 = tpu.vector_load %arg12[%swap3A_1168, %swap3A_1169] {strides = array<i32>} : memref<128x128xf32, #tpu.memory_space<vmem>>, vector<16xf32>,
        tpu.vector_store %arg12[%swap3A_1168, %swap3A_1169], %mul3A_1165 {strides = array<i32>} : memref<128x128xf32, #tpu.memory_space<vmem>>, vector<16xf32>,
        %add3A_1171 = arith.constant 11 : i32
        %add3A_1172 = arith.addi %mul3A_123, %add3A_1171 : i32
        %get3A_1173 = arith.index_cast %add3A_1172 : i32 to index
        %get3A_1174 = arith.constant 48 : index
        %get3A_1175 = tpu.vector_load %arg11[%get3A_1173, %get3A_1174] {strides = array<i32>} : memref<128x128xf32, #tpu.memory_space<vmem>>, vector<16xf32>,
        %mul3A_1176 = arith.mulf %get3A_1175, %gather3A_1137 : vector<16xf32>
        %add3A_1177 = arith.constant 11 : i32
        %add3A_1178 = arith.addi %mul3A_123, %add3A_1177 : i32
        %swap3A_1179 = arith.index_cast %add3A_1178 : i32 to index
        %swap3A_1180 = arith.constant 48 : index
        %swap3A_1181 = tpu.vector_load %arg12[%swap3A_1179, %swap3A_1180] {strides = array<i32>} : memref<128x128xf32, #tpu.memory_space<vmem>>, vector<16xf32>,
        tpu.vector_store %arg12[%swap3A_1179, %swap3A_1180], %mul3A_1176 {strides = array<i32>} : memref<128x128xf32, #tpu.memory_space<vmem>>, vector<16xf32>,
        %add3A_1182 = arith.constant 11 : i32
        %add3A_1183 = arith.addi %mul3A_123, %add3A_1182 : i32
        %get3A_1184 = arith.index_cast %add3A_1183 : i32 to index
        %get3A_1185 = arith.constant 64 : index
        %get3A_1186 = tpu.vector_load %arg11[%get3A_1184, %get3A_1185] {strides = array<i32>} : memref<128x128xf32, #tpu.memory_space<vmem>>, vector<16xf32>,
        %mul3A_1187 = arith.mulf %get3A_1186, %gather3A_1137 : vector<16xf32>
        %add3A_1188 = arith.constant 11 : i32
        %add3A_1189 = arith.addi %mul3A_123, %add3A_1188 : i32
        %swap3A_1190 = arith.index_cast %add3A_1189 : i32 to index
        %swap3A_1191 = arith.constant 64 : index
        %swap3A_1192 = tpu.vector_load %arg12[%swap3A_1190, %swap3A_1191] {strides = array<i32>} : memref<128x128xf32, #tpu.memory_space<vmem>>, vector<16xf32>,
        tpu.vector_store %arg12[%swap3A_1190, %swap3A_1191], %mul3A_1187 {strides = array<i32>} : memref<128x128xf32, #tpu.memory_space<vmem>>, vector<16xf32>,
        %add3A_1193 = arith.constant 11 : i32
        %add3A_1194 = arith.addi %mul3A_123, %add3A_1193 : i32
        %get3A_1195 = arith.index_cast %add3A_1194 : i32 to index
        %get3A_1196 = arith.constant 80 : index
        %get3A_1197 = tpu.vector_load %arg11[%get3A_1195, %get3A_1196] {strides = array<i32>} : memref<128x128xf32, #tpu.memory_space<vmem>>, vector<16xf32>,
        %mul3A_1198 = arith.mulf %get3A_1197, %gather3A_1137 : vector<16xf32>
        %add3A_1199 = arith.constant 11 : i32
        %add3A_1200 = arith.addi %mul3A_123, %add3A_1199 : i32
        %swap3A_1201 = arith.index_cast %add3A_1200 : i32 to index
        %swap3A_1202 = arith.constant 80 : index
        %swap3A_1203 = tpu.vector_load %arg12[%swap3A_1201, %swap3A_1202] {strides = array<i32>} : memref<128x128xf32, #tpu.memory_space<vmem>>, vector<16xf32>,
        tpu.vector_store %arg12[%swap3A_1201, %swap3A_1202], %mul3A_1198 {strides = array<i32>} : memref<128x128xf32, #tpu.memory_space<vmem>>, vector<16xf32>,
        %add3A_1204 = arith.constant 11 : i32
        %add3A_1205 = arith.addi %mul3A_123, %add3A_1204 : i32
        %get3A_1206 = arith.index_cast %add3A_1205 : i32 to index
        %get3A_1207 = arith.constant 96 : index
        %get3A_1208 = tpu.vector_load %arg11[%get3A_1206, %get3A_1207] {strides = array<i32>} : memref<128x128xf32, #tpu.memory_space<vmem>>, vector<16xf32>,
        %mul3A_1209 = arith.mulf %get3A_1208, %gather3A_1137 : vector<16xf32>
        %add3A_1210 = arith.constant 11 : i32
        %add3A_1211 = arith.addi %mul3A_123, %add3A_1210 : i32
        %swap3A_1212 = arith.index_cast %add3A_1211 : i32 to index
        %swap3A_1213 = arith.constant 96 : index
        %swap3A_1214 = tpu.vector_load %arg12[%swap3A_1212, %swap3A_1213] {strides = array<i32>} : memref<128x128xf32, #tpu.memory_space<vmem>>, vector<16xf32>,
        tpu.vector_store %arg12[%swap3A_1212, %swap3A_1213], %mul3A_1209 {strides = array<i32>} : memref<128x128xf32, #tpu.memory_space<vmem>>, vector<16xf32>,
        %add3A_1215 = arith.constant 11 : i32
        %add3A_1216 = arith.addi %mul3A_123, %add3A_1215 : i32
        %get3A_1217 = arith.index_cast %add3A_1216 : i32 to index
        %get3A_1218 = arith.constant 112 : index
        %get3A_1219 = tpu.vector_load %arg11[%get3A_1217, %get3A_1218] {strides = array<i32>} : memref<128x128xf32, #tpu.memory_space<vmem>>, vector<16xf32>,
        %mul3A_1220 = arith.mulf %get3A_1219, %gather3A_1137 : vector<16xf32>
        %add3A_1221 = arith.constant 11 : i32
        %add3A_1222 = arith.addi %mul3A_123, %add3A_1221 : i32
        %swap3A_1223 = arith.index_cast %add3A_1222 : i32 to index
        %swap3A_1224 = arith.constant 112 : index
        %swap3A_1225 = tpu.vector_load %arg12[%swap3A_1223, %swap3A_1224] {strides = array<i32>} : memref<128x128xf32, #tpu.memory_space<vmem>>, vector<16xf32>,
        tpu.vector_store %arg12[%swap3A_1223, %swap3A_1224], %mul3A_1220 {strides = array<i32>} : memref<128x128xf32, #tpu.memory_space<vmem>>, vector<16xf32>,
        %broadcast_in_dim3A_1226 = arith.constant 12 : i32
        %broadcast_in_dim3A_1227 = vector.broadcast %broadcast_in_dim3A_1226 : i32 to vector<16x1xi32>
        %gather3A_1228 = vector.shape_cast %broadcast_in_dim3A_1227 : vector<16x1xi32> to vector<16xi32>
        %gather3A_1229 = tpu.dynamic_gather %get3A_121[%gather3A_1228] in [0] : vector<16xf32>, vector<16xi32> -> vector<16xf32>
        %add3A_1230 = arith.constant 12 : i32
        %add3A_1231 = arith.addi %mul3A_123, %add3A_1230 : i32
        %get3A_1232 = arith.index_cast %add3A_1231 : i32 to index
        %get3A_1233 = arith.constant 0 : index
        %get3A_1234 = tpu.vector_load %arg11[%get3A_1232, %get3A_1233] {strides = array<i32>} : memref<128x128xf32, #tpu.memory_space<vmem>>, vector<16xf32>,
        %mul3A_1235 = arith.mulf %get3A_1234, %gather3A_1229 : vector<16xf32>
        %add3A_1236 = arith.constant 12 : i32
        %add3A_1237 = arith.addi %mul3A_123, %add3A_1236 : i32
        %swap3A_1238 = arith.index_cast %add3A_1237 : i32 to index
        %swap3A_1239 = arith.constant 0 : index
        %swap3A_1240 = tpu.vector_load %arg12[%swap3A_1238, %swap3A_1239] {strides = array<i32>} : memref<128x128xf32, #tpu.memory_space<vmem>>, vector<16xf32>,
        tpu.vector_store %arg12[%swap3A_1238, %swap3A_1239], %mul3A_1235 {strides = array<i32>} : memref<128x128xf32, #tpu.memory_space<vmem>>, vector<16xf32>,
        %add3A_1241 = arith.constant 12 : i32
        %add3A_1242 = arith.addi %mul3A_123, %add3A_1241 : i32
        %get3A_1243 = arith.index_cast %add3A_1242 : i32 to index
        %get3A_1244 = arith.constant 16 : index
        %get3A_1245 = tpu.vector_load %arg11[%get3A_1243, %get3A_1244] {strides = array<i32>} : memref<128x128xf32, #tpu.memory_space<vmem>>, vector<16xf32>,
        %mul3A_1246 = arith.mulf %get3A_1245, %gather3A_1229 : vector<16xf32>
        %add3A_1247 = arith.constant 12 : i32
        %add3A_1248 = arith.addi %mul3A_123, %add3A_1247 : i32
        %swap3A_1249 = arith.index_cast %add3A_1248 : i32 to index
        %swap3A_1250 = arith.constant 16 : index
        %swap3A_1251 = tpu.vector_load %arg12[%swap3A_1249, %swap3A_1250] {strides = array<i32>} : memref<128x128xf32, #tpu.memory_space<vmem>>, vector<16xf32>,
        tpu.vector_store %arg12[%swap3A_1249, %swap3A_1250], %mul3A_1246 {strides = array<i32>} : memref<128x128xf32, #tpu.memory_space<vmem>>, vector<16xf32>,
        %add3A_1252 = arith.constant 12 : i32
        %add3A_1253 = arith.addi %mul3A_123, %add3A_1252 : i32
        %get3A_1254 = arith.index_cast %add3A_1253 : i32 to index
        %get3A_1255 = arith.constant 32 : index
        %get3A_1256 = tpu.vector_load %arg11[%get3A_1254, %get3A_1255] {strides = array<i32>} : memref<128x128xf32, #tpu.memory_space<vmem>>, vector<16xf32>,
        %mul3A_1257 = arith.mulf %get3A_1256, %gather3A_1229 : vector<16xf32>
        %add3A_1258 = arith.constant 12 : i32
        %add3A_1259 = arith.addi %mul3A_123, %add3A_1258 : i32
        %swap3A_1260 = arith.index_cast %add3A_1259 : i32 to index
        %swap3A_1261 = arith.constant 32 : index
        %swap3A_1262 = tpu.vector_load %arg12[%swap3A_1260, %swap3A_1261] {strides = array<i32>} : memref<128x128xf32, #tpu.memory_space<vmem>>, vector<16xf32>,
        tpu.vector_store %arg12[%swap3A_1260, %swap3A_1261], %mul3A_1257 {strides = array<i32>} : memref<128x128xf32, #tpu.memory_space<vmem>>, vector<16xf32>,
        %add3A_1263 = arith.constant 12 : i32
        %add3A_1264 = arith.addi %mul3A_123, %add3A_1263 : i32
        %get3A_1265 = arith.index_cast %add3A_1264 : i32 to index
        %get3A_1266 = arith.constant 48 : index
        %get3A_1267 = tpu.vector_load %arg11[%get3A_1265, %get3A_1266] {strides = array<i32>} : memref<128x128xf32, #tpu.memory_space<vmem>>, vector<16xf32>,
        %mul3A_1268 = arith.mulf %get3A_1267, %gather3A_1229 : vector<16xf32>
        %add3A_1269 = arith.constant 12 : i32
        %add3A_1270 = arith.addi %mul3A_123, %add3A_1269 : i32
        %swap3A_1271 = arith.index_cast %add3A_1270 : i32 to index
        %swap3A_1272 = arith.constant 48 : index
        %swap3A_1273 = tpu.vector_load %arg12[%swap3A_1271, %swap3A_1272] {strides = array<i32>} : memref<128x128xf32, #tpu.memory_space<vmem>>, vector<16xf32>,
        tpu.vector_store %arg12[%swap3A_1271, %swap3A_1272], %mul3A_1268 {strides = array<i32>} : memref<128x128xf32, #tpu.memory_space<vmem>>, vector<16xf32>,
        %add3A_1274 = arith.constant 12 : i32
        %add3A_1275 = arith.addi %mul3A_123, %add3A_1274 : i32
        %get3A_1276 = arith.index_cast %add3A_1275 : i32 to index
        %get3A_1277 = arith.constant 64 : index
        %get3A_1278 = tpu.vector_load %arg11[%get3A_1276, %get3A_1277] {strides = array<i32>} : memref<128x128xf32, #tpu.memory_space<vmem>>, vector<16xf32>,
        %mul3A_1279 = arith.mulf %get3A_1278, %gather3A_1229 : vector<16xf32>
        %add3A_1280 = arith.constant 12 : i32
        %add3A_1281 = arith.addi %mul3A_123, %add3A_1280 : i32
        %swap3A_1282 = arith.index_cast %add3A_1281 : i32 to index
        %swap3A_1283 = arith.constant 64 : index
        %swap3A_1284 = tpu.vector_load %arg12[%swap3A_1282, %swap3A_1283] {strides = array<i32>} : memref<128x128xf32, #tpu.memory_space<vmem>>, vector<16xf32>,
        tpu.vector_store %arg12[%swap3A_1282, %swap3A_1283], %mul3A_1279 {strides = array<i32>} : memref<128x128xf32, #tpu.memory_space<vmem>>, vector<16xf32>,
        %add3A_1285 = arith.constant 12 : i32
        %add3A_1286 = arith.addi %mul3A_123, %add3A_1285 : i32
        %get3A_1287 = arith.index_cast %add3A_1286 : i32 to index
        %get3A_1288 = arith.constant 80 : index
        %get3A_1289 = tpu.vector_load %arg11[%get3A_1287, %get3A_1288] {strides = array<i32>} : memref<128x128xf32, #tpu.memory_space<vmem>>, vector<16xf32>,
        %mul3A_1290 = arith.mulf %get3A_1289, %gather3A_1229 : vector<16xf32>
        %add3A_1291 = arith.constant 12 : i32
        %add3A_1292 = arith.addi %mul3A_123, %add3A_1291 : i32
        %swap3A_1293 = arith.index_cast %add3A_1292 : i32 to index
        %swap3A_1294 = arith.constant 80 : index
        %swap3A_1295 = tpu.vector_load %arg12[%swap3A_1293, %swap3A_1294] {strides = array<i32>} : memref<128x128xf32, #tpu.memory_space<vmem>>, vector<16xf32>,
        tpu.vector_store %arg12[%swap3A_1293, %swap3A_1294], %mul3A_1290 {strides = array<i32>} : memref<128x128xf32, #tpu.memory_space<vmem>>, vector<16xf32>,
        %add3A_1296 = arith.constant 12 : i32
        %add3A_1297 = arith.addi %mul3A_123, %add3A_1296 : i32
        %get3A_1298 = arith.index_cast %add3A_1297 : i32 to index
        %get3A_1299 = arith.constant 96 : index
        %get3A_1300 = tpu.vector_load %arg11[%get3A_1298, %get3A_1299] {strides = array<i32>} : memref<128x128xf32, #tpu.memory_space<vmem>>, vector<16xf32>,
        %mul3A_1301 = arith.mulf %get3A_1300, %gather3A_1229 : vector<16xf32>
        %add3A_1302 = arith.constant 12 : i32
        %add3A_1303 = arith.addi %mul3A_123, %add3A_1302 : i32
        %swap3A_1304 = arith.index_cast %add3A_1303 : i32 to index
        %swap3A_1305 = arith.constant 96 : index
        %swap3A_1306 = tpu.vector_load %arg12[%swap3A_1304, %swap3A_1305] {strides = array<i32>} : memref<128x128xf32, #tpu.memory_space<vmem>>, vector<16xf32>,
        tpu.vector_store %arg12[%swap3A_1304, %swap3A_1305], %mul3A_1301 {strides = array<i32>} : memref<128x128xf32, #tpu.memory_space<vmem>>, vector<16xf32>,
        %add3A_1307 = arith.constant 12 : i32
        %add3A_1308 = arith.addi %mul3A_123, %add3A_1307 : i32
        %get3A_1309 = arith.index_cast %add3A_1308 : i32 to index
        %get3A_1310 = arith.constant 112 : index
        %get3A_1311 = tpu.vector_load %arg11[%get3A_1309, %get3A_1310] {strides = array<i32>} : memref<128x128xf32, #tpu.memory_space<vmem>>, vector<16xf32>,
        %mul3A_1312 = arith.mulf %get3A_1311, %gather3A_1229 : vector<16xf32>
        %add3A_1313 = arith.constant 12 : i32
        %add3A_1314 = arith.addi %mul3A_123, %add3A_1313 : i32
        %swap3A_1315 = arith.index_cast %add3A_1314 : i32 to index
        %swap3A_1316 = arith.constant 112 : index
        %swap3A_1317 = tpu.vector_load %arg12[%swap3A_1315, %swap3A_1316] {strides = array<i32>} : memref<128x128xf32, #tpu.memory_space<vmem>>, vector<16xf32>,
        tpu.vector_store %arg12[%swap3A_1315, %swap3A_1316], %mul3A_1312 {strides = array<i32>} : memref<128x128xf32, #tpu.memory_space<vmem>>, vector<16xf32>,
        %broadcast_in_dim3A_1318 = arith.constant 13 : i32
        %broadcast_in_dim3A_1319 = vector.broadcast %broadcast_in_dim3A_1318 : i32 to vector<16x1xi32>
        %gather3A_1320 = vector.shape_cast %broadcast_in_dim3A_1319 : vector<16x1xi32> to vector<16xi32>
        %gather3A_1321 = tpu.dynamic_gather %get3A_121[%gather3A_1320] in [0] : vector<16xf32>, vector<16xi32> -> vector<16xf32>
        %add3A_1322 = arith.constant 13 : i32
        %add3A_1323 = arith.addi %mul3A_123, %add3A_1322 : i32
        %get3A_1324 = arith.index_cast %add3A_1323 : i32 to index
        %get3A_1325 = arith.constant 0 : index
        %get3A_1326 = tpu.vector_load %arg11[%get3A_1324, %get3A_1325] {strides = array<i32>} : memref<128x128xf32, #tpu.memory_space<vmem>>, vector<16xf32>,
        %mul3A_1327 = arith.mulf %get3A_1326, %gather3A_1321 : vector<16xf32>
        %add3A_1328 = arith.constant 13 : i32
        %add3A_1329 = arith.addi %mul3A_123, %add3A_1328 : i32
        %swap3A_1330 = arith.index_cast %add3A_1329 : i32 to index
        %swap3A_1331 = arith.constant 0 : index
        %swap3A_1332 = tpu.vector_load %arg12[%swap3A_1330, %swap3A_1331] {strides = array<i32>} : memref<128x128xf32, #tpu.memory_space<vmem>>, vector<16xf32>,
        tpu.vector_store %arg12[%swap3A_1330, %swap3A_1331], %mul3A_1327 {strides = array<i32>} : memref<128x128xf32, #tpu.memory_space<vmem>>, vector<16xf32>,
        %add3A_1333 = arith.constant 13 : i32
        %add3A_1334 = arith.addi %mul3A_123, %add3A_1333 : i32
        %get3A_1335 = arith.index_cast %add3A_1334 : i32 to index
        %get3A_1336 = arith.constant 16 : index
        %get3A_1337 = tpu.vector_load %arg11[%get3A_1335, %get3A_1336] {strides = array<i32>} : memref<128x128xf32, #tpu.memory_space<vmem>>, vector<16xf32>,
        %mul3A_1338 = arith.mulf %get3A_1337, %gather3A_1321 : vector<16xf32>
        %add3A_1339 = arith.constant 13 : i32
        %add3A_1340 = arith.addi %mul3A_123, %add3A_1339 : i32
        %swap3A_1341 = arith.index_cast %add3A_1340 : i32 to index
        %swap3A_1342 = arith.constant 16 : index
        %swap3A_1343 = tpu.vector_load %arg12[%swap3A_1341, %swap3A_1342] {strides = array<i32>} : memref<128x128xf32, #tpu.memory_space<vmem>>, vector<16xf32>,
        tpu.vector_store %arg12[%swap3A_1341, %swap3A_1342], %mul3A_1338 {strides = array<i32>} : memref<128x128xf32, #tpu.memory_space<vmem>>, vector<16xf32>,
        %add3A_1344 = arith.constant 13 : i32
        %add3A_1345 = arith.addi %mul3A_123, %add3A_1344 : i32
        %get3A_1346 = arith.index_cast %add3A_1345 : i32 to index
        %get3A_1347 = arith.constant 32 : index
        %get3A_1348 = tpu.vector_load %arg11[%get3A_1346, %get3A_1347] {strides = array<i32>} : memref<128x128xf32, #tpu.memory_space<vmem>>, vector<16xf32>,
        %mul3A_1349 = arith.mulf %get3A_1348, %gather3A_1321 : vector<16xf32>
        %add3A_1350 = arith.constant 13 : i32
        %add3A_1351 = arith.addi %mul3A_123, %add3A_1350 : i32
        %swap3A_1352 = arith.index_cast %add3A_1351 : i32 to index
        %swap3A_1353 = arith.constant 32 : index
        %swap3A_1354 = tpu.vector_load %arg12[%swap3A_1352, %swap3A_1353] {strides = array<i32>} : memref<128x128xf32, #tpu.memory_space<vmem>>, vector<16xf32>,
        tpu.vector_store %arg12[%swap3A_1352, %swap3A_1353], %mul3A_1349 {strides = array<i32>} : memref<128x128xf32, #tpu.memory_space<vmem>>, vector<16xf32>,
        %add3A_1355 = arith.constant 13 : i32
        %add3A_1356 = arith.addi %mul3A_123, %add3A_1355 : i32
        %get3A_1357 = arith.index_cast %add3A_1356 : i32 to index
        %get3A_1358 = arith.constant 48 : index
        %get3A_1359 = tpu.vector_load %arg11[%get3A_1357, %get3A_1358] {strides = array<i32>} : memref<128x128xf32, #tpu.memory_space<vmem>>, vector<16xf32>,
        %mul3A_1360 = arith.mulf %get3A_1359, %gather3A_1321 : vector<16xf32>
        %add3A_1361 = arith.constant 13 : i32
        %add3A_1362 = arith.addi %mul3A_123, %add3A_1361 : i32
        %swap3A_1363 = arith.index_cast %add3A_1362 : i32 to index
        %swap3A_1364 = arith.constant 48 : index
        %swap3A_1365 = tpu.vector_load %arg12[%swap3A_1363, %swap3A_1364] {strides = array<i32>} : memref<128x128xf32, #tpu.memory_space<vmem>>, vector<16xf32>,
        tpu.vector_store %arg12[%swap3A_1363, %swap3A_1364], %mul3A_1360 {strides = array<i32>} : memref<128x128xf32, #tpu.memory_space<vmem>>, vector<16xf32>,
        %add3A_1366 = arith.constant 13 : i32
        %add3A_1367 = arith.addi %mul3A_123, %add3A_1366 : i32
        %get3A_1368 = arith.index_cast %add3A_1367 : i32 to index
        %get3A_1369 = arith.constant 64 : index
        %get3A_1370 = tpu.vector_load %arg11[%get3A_1368, %get3A_1369] {strides = array<i32>} : memref<128x128xf32, #tpu.memory_space<vmem>>, vector<16xf32>,
        %mul3A_1371 = arith.mulf %get3A_1370, %gather3A_1321 : vector<16xf32>
        %add3A_1372 = arith.constant 13 : i32
        %add3A_1373 = arith.addi %mul3A_123, %add3A_1372 : i32
        %swap3A_1374 = arith.index_cast %add3A_1373 : i32 to index
        %swap3A_1375 = arith.constant 64 : index
        %swap3A_1376 = tpu.vector_load %arg12[%swap3A_1374, %swap3A_1375] {strides = array<i32>} : memref<128x128xf32, #tpu.memory_space<vmem>>, vector<16xf32>,
        tpu.vector_store %arg12[%swap3A_1374, %swap3A_1375], %mul3A_1371 {strides = array<i32>} : memref<128x128xf32, #tpu.memory_space<vmem>>, vector<16xf32>,
        %add3A_1377 = arith.constant 13 : i32
        %add3A_1378 = arith.addi %mul3A_123, %add3A_1377 : i32
        %get3A_1379 = arith.index_cast %add3A_1378 : i32 to index
        %get3A_1380 = arith.constant 80 : index
        %get3A_1381 = tpu.vector_load %arg11[%get3A_1379, %get3A_1380] {strides = array<i32>} : memref<128x128xf32, #tpu.memory_space<vmem>>, vector<16xf32>,
        %mul3A_1382 = arith.mulf %get3A_1381, %gather3A_1321 : vector<16xf32>
        %add3A_1383 = arith.constant 13 : i32
        %add3A_1384 = arith.addi %mul3A_123, %add3A_1383 : i32
        %swap3A_1385 = arith.index_cast %add3A_1384 : i32 to index
        %swap3A_1386 = arith.constant 80 : index
        %swap3A_1387 = tpu.vector_load %arg12[%swap3A_1385, %swap3A_1386] {strides = array<i32>} : memref<128x128xf32, #tpu.memory_space<vmem>>, vector<16xf32>,
        tpu.vector_store %arg12[%swap3A_1385, %swap3A_1386], %mul3A_1382 {strides = array<i32>} : memref<128x128xf32, #tpu.memory_space<vmem>>, vector<16xf32>,
        %add3A_1388 = arith.constant 13 : i32
        %add3A_1389 = arith.addi %mul3A_123, %add3A_1388 : i32
        %get3A_1390 = arith.index_cast %add3A_1389 : i32 to index
        %get3A_1391 = arith.constant 96 : index
        %get3A_1392 = tpu.vector_load %arg11[%get3A_1390, %get3A_1391] {strides = array<i32>} : memref<128x128xf32, #tpu.memory_space<vmem>>, vector<16xf32>,
        %mul3A_1393 = arith.mulf %get3A_1392, %gather3A_1321 : vector<16xf32>
        %add3A_1394 = arith.constant 13 : i32
        %add3A_1395 = arith.addi %mul3A_123, %add3A_1394 : i32
        %swap3A_1396 = arith.index_cast %add3A_1395 : i32 to index
        %swap3A_1397 = arith.constant 96 : index
        %swap3A_1398 = tpu.vector_load %arg12[%swap3A_1396, %swap3A_1397] {strides = array<i32>} : memref<128x128xf32, #tpu.memory_space<vmem>>, vector<16xf32>,
        tpu.vector_store %arg12[%swap3A_1396, %swap3A_1397], %mul3A_1393 {strides = array<i32>} : memref<128x128xf32, #tpu.memory_space<vmem>>, vector<16xf32>,
        %add3A_1399 = arith.constant 13 : i32
        %add3A_1400 = arith.addi %mul3A_123, %add3A_1399 : i32
        %get3A_1401 = arith.index_cast %add3A_1400 : i32 to index
        %get3A_1402 = arith.constant 112 : index
        %get3A_1403 = tpu.vector_load %arg11[%get3A_1401, %get3A_1402] {strides = array<i32>} : memref<128x128xf32, #tpu.memory_space<vmem>>, vector<16xf32>,
        %mul3A_1404 = arith.mulf %get3A_1403, %gather3A_1321 : vector<16xf32>
        %add3A_1405 = arith.constant 13 : i32
        %add3A_1406 = arith.addi %mul3A_123, %add3A_1405 : i32
        %swap3A_1407 = arith.index_cast %add3A_1406 : i32 to index
        %swap3A_1408 = arith.constant 112 : index
        %swap3A_1409 = tpu.vector_load %arg12[%swap3A_1407, %swap3A_1408] {strides = array<i32>} : memref<128x128xf32, #tpu.memory_space<vmem>>, vector<16xf32>,
        tpu.vector_store %arg12[%swap3A_1407, %swap3A_1408], %mul3A_1404 {strides = array<i32>} : memref<128x128xf32, #tpu.memory_space<vmem>>, vector<16xf32>,
        %broadcast_in_dim3A_1410 = arith.constant 14 : i32
        %broadcast_in_dim3A_1411 = vector.broadcast %broadcast_in_dim3A_1410 : i32 to vector<16x1xi32>
        %gather3A_1412 = vector.shape_cast %broadcast_in_dim3A_1411 : vector<16x1xi32> to vector<16xi32>
        %gather3A_1413 = tpu.dynamic_gather %get3A_121[%gather3A_1412] in [0] : vector<16xf32>, vector<16xi32> -> vector<16xf32>
        %add3A_1414 = arith.constant 14 : i32
        %add3A_1415 = arith.addi %mul3A_123, %add3A_1414 : i32
        %get3A_1416 = arith.index_cast %add3A_1415 : i32 to index
        %get3A_1417 = arith.constant 0 : index
        %get3A_1418 = tpu.vector_load %arg11[%get3A_1416, %get3A_1417] {strides = array<i32>} : memref<128x128xf32, #tpu.memory_space<vmem>>, vector<16xf32>,
        %mul3A_1419 = arith.mulf %get3A_1418, %gather3A_1413 : vector<16xf32>
        %add3A_1420 = arith.constant 14 : i32
        %add3A_1421 = arith.addi %mul3A_123, %add3A_1420 : i32
        %swap3A_1422 = arith.index_cast %add3A_1421 : i32 to index
        %swap3A_1423 = arith.constant 0 : index
        %swap3A_1424 = tpu.vector_load %arg12[%swap3A_1422, %swap3A_1423] {strides = array<i32>} : memref<128x128xf32, #tpu.memory_space<vmem>>, vector<16xf32>,
        tpu.vector_store %arg12[%swap3A_1422, %swap3A_1423], %mul3A_1419 {strides = array<i32>} : memref<128x128xf32, #tpu.memory_space<vmem>>, vector<16xf32>,
        %add3A_1425 = arith.constant 14 : i32
        %add3A_1426 = arith.addi %mul3A_123, %add3A_1425 : i32
        %get3A_1427 = arith.index_cast %add3A_1426 : i32 to index
        %get3A_1428 = arith.constant 16 : index
        %get3A_1429 = tpu.vector_load %arg11[%get3A_1427, %get3A_1428] {strides = array<i32>} : memref<128x128xf32, #tpu.memory_space<vmem>>, vector<16xf32>,
        %mul3A_1430 = arith.mulf %get3A_1429, %gather3A_1413 : vector<16xf32>
        %add3A_1431 = arith.constant 14 : i32
        %add3A_1432 = arith.addi %mul3A_123, %add3A_1431 : i32
        %swap3A_1433 = arith.index_cast %add3A_1432 : i32 to index
        %swap3A_1434 = arith.constant 16 : index
        %swap3A_1435 = tpu.vector_load %arg12[%swap3A_1433, %swap3A_1434] {strides = array<i32>} : memref<128x128xf32, #tpu.memory_space<vmem>>, vector<16xf32>,
        tpu.vector_store %arg12[%swap3A_1433, %swap3A_1434], %mul3A_1430 {strides = array<i32>} : memref<128x128xf32, #tpu.memory_space<vmem>>, vector<16xf32>,
        %add3A_1436 = arith.constant 14 : i32
        %add3A_1437 = arith.addi %mul3A_123, %add3A_1436 : i32
        %get3A_1438 = arith.index_cast %add3A_1437 : i32 to index
        %get3A_1439 = arith.constant 32 : index
        %get3A_1440 = tpu.vector_load %arg11[%get3A_1438, %get3A_1439] {strides = array<i32>} : memref<128x128xf32, #tpu.memory_space<vmem>>, vector<16xf32>,
        %mul3A_1441 = arith.mulf %get3A_1440, %gather3A_1413 : vector<16xf32>
        %add3A_1442 = arith.constant 14 : i32
        %add3A_1443 = arith.addi %mul3A_123, %add3A_1442 : i32
        %swap3A_1444 = arith.index_cast %add3A_1443 : i32 to index
        %swap3A_1445 = arith.constant 32 : index
        %swap3A_1446 = tpu.vector_load %arg12[%swap3A_1444, %swap3A_1445] {strides = array<i32>} : memref<128x128xf32, #tpu.memory_space<vmem>>, vector<16xf32>,
        tpu.vector_store %arg12[%swap3A_1444, %swap3A_1445], %mul3A_1441 {strides = array<i32>} : memref<128x128xf32, #tpu.memory_space<vmem>>, vector<16xf32>,
        %add3A_1447 = arith.constant 14 : i32
        %add3A_1448 = arith.addi %mul3A_123, %add3A_1447 : i32
        %get3A_1449 = arith.index_cast %add3A_1448 : i32 to index
        %get3A_1450 = arith.constant 48 : index
        %get3A_1451 = tpu.vector_load %arg11[%get3A_1449, %get3A_1450] {strides = array<i32>} : memref<128x128xf32, #tpu.memory_space<vmem>>, vector<16xf32>,
        %mul3A_1452 = arith.mulf %get3A_1451, %gather3A_1413 : vector<16xf32>
        %add3A_1453 = arith.constant 14 : i32
        %add3A_1454 = arith.addi %mul3A_123, %add3A_1453 : i32
        %swap3A_1455 = arith.index_cast %add3A_1454 : i32 to index
        %swap3A_1456 = arith.constant 48 : index
        %swap3A_1457 = tpu.vector_load %arg12[%swap3A_1455, %swap3A_1456] {strides = array<i32>} : memref<128x128xf32, #tpu.memory_space<vmem>>, vector<16xf32>,
        tpu.vector_store %arg12[%swap3A_1455, %swap3A_1456], %mul3A_1452 {strides = array<i32>} : memref<128x128xf32, #tpu.memory_space<vmem>>, vector<16xf32>,
        %add3A_1458 = arith.constant 14 : i32
        %add3A_1459 = arith.addi %mul3A_123, %add3A_1458 : i32
        %get3A_1460 = arith.index_cast %add3A_1459 : i32 to index
        %get3A_1461 = arith.constant 64 : index
        %get3A_1462 = tpu.vector_load %arg11[%get3A_1460, %get3A_1461] {strides = array<i32>} : memref<128x128xf32, #tpu.memory_space<vmem>>, vector<16xf32>,
        %mul3A_1463 = arith.mulf %get3A_1462, %gather3A_1413 : vector<16xf32>
        %add3A_1464 = arith.constant 14 : i32
        %add3A_1465 = arith.addi %mul3A_123, %add3A_1464 : i32
        %swap3A_1466 = arith.index_cast %add3A_1465 : i32 to index
        %swap3A_1467 = arith.constant 64 : index
        %swap3A_1468 = tpu.vector_load %arg12[%swap3A_1466, %swap3A_1467] {strides = array<i32>} : memref<128x128xf32, #tpu.memory_space<vmem>>, vector<16xf32>,
        tpu.vector_store %arg12[%swap3A_1466, %swap3A_1467], %mul3A_1463 {strides = array<i32>} : memref<128x128xf32, #tpu.memory_space<vmem>>, vector<16xf32>,
        %add3A_1469 = arith.constant 14 : i32
        %add3A_1470 = arith.addi %mul3A_123, %add3A_1469 : i32
        %get3A_1471 = arith.index_cast %add3A_1470 : i32 to index
        %get3A_1472 = arith.constant 80 : index
        %get3A_1473 = tpu.vector_load %arg11[%get3A_1471, %get3A_1472] {strides = array<i32>} : memref<128x128xf32, #tpu.memory_space<vmem>>, vector<16xf32>,
        %mul3A_1474 = arith.mulf %get3A_1473, %gather3A_1413 : vector<16xf32>
        %add3A_1475 = arith.constant 14 : i32
        %add3A_1476 = arith.addi %mul3A_123, %add3A_1475 : i32
        %swap3A_1477 = arith.index_cast %add3A_1476 : i32 to index
        %swap3A_1478 = arith.constant 80 : index
        %swap3A_1479 = tpu.vector_load %arg12[%swap3A_1477, %swap3A_1478] {strides = array<i32>} : memref<128x128xf32, #tpu.memory_space<vmem>>, vector<16xf32>,
        tpu.vector_store %arg12[%swap3A_1477, %swap3A_1478], %mul3A_1474 {strides = array<i32>} : memref<128x128xf32, #tpu.memory_space<vmem>>, vector<16xf32>,
        %add3A_1480 = arith.constant 14 : i32
        %add3A_1481 = arith.addi %mul3A_123, %add3A_1480 : i32
        %get3A_1482 = arith.index_cast %add3A_1481 : i32 to index
        %get3A_1483 = arith.constant 96 : index
        %get3A_1484 = tpu.vector_load %arg11[%get3A_1482, %get3A_1483] {strides = array<i32>} : memref<128x128xf32, #tpu.memory_space<vmem>>, vector<16xf32>,
        %mul3A_1485 = arith.mulf %get3A_1484, %gather3A_1413 : vector<16xf32>
        %add3A_1486 = arith.constant 14 : i32
        %add3A_1487 = arith.addi %mul3A_123, %add3A_1486 : i32
        %swap3A_1488 = arith.index_cast %add3A_1487 : i32 to index
        %swap3A_1489 = arith.constant 96 : index
        %swap3A_1490 = tpu.vector_load %arg12[%swap3A_1488, %swap3A_1489] {strides = array<i32>} : memref<128x128xf32, #tpu.memory_space<vmem>>, vector<16xf32>,
        tpu.vector_store %arg12[%swap3A_1488, %swap3A_1489], %mul3A_1485 {strides = array<i32>} : memref<128x128xf32, #tpu.memory_space<vmem>>, vector<16xf32>,
        %add3A_1491 = arith.constant 14 : i32
        %add3A_1492 = arith.addi %mul3A_123, %add3A_1491 : i32
        %get3A_1493 = arith.index_cast %add3A_1492 : i32 to index
        %get3A_1494 = arith.constant 112 : index
        %get3A_1495 = tpu.vector_load %arg11[%get3A_1493, %get3A_1494] {strides = array<i32>} : memref<128x128xf32, #tpu.memory_space<vmem>>, vector<16xf32>,
        %mul3A_1496 = arith.mulf %get3A_1495, %gather3A_1413 : vector<16xf32>
        %add3A_1497 = arith.constant 14 : i32
        %add3A_1498 = arith.addi %mul3A_123, %add3A_1497 : i32
        %swap3A_1499 = arith.index_cast %add3A_1498 : i32 to index
        %swap3A_1500 = arith.constant 112 : index
        %swap3A_1501 = tpu.vector_load %arg12[%swap3A_1499, %swap3A_1500] {strides = array<i32>} : memref<128x128xf32, #tpu.memory_space<vmem>>, vector<16xf32>,
        tpu.vector_store %arg12[%swap3A_1499, %swap3A_1500], %mul3A_1496 {strides = array<i32>} : memref<128x128xf32, #tpu.memory_space<vmem>>, vector<16xf32>,
        %broadcast_in_dim3A_1502 = arith.constant 15 : i32
        %broadcast_in_dim3A_1503 = vector.broadcast %broadcast_in_dim3A_1502 : i32 to vector<16x1xi32>
        %gather3A_1504 = vector.shape_cast %broadcast_in_dim3A_1503 : vector<16x1xi32> to vector<16xi32>
        %gather3A_1505 = tpu.dynamic_gather %get3A_121[%gather3A_1504] in [0] : vector<16xf32>, vector<16xi32> -> vector<16xf32>
        %add3A_1506 = arith.constant 15 : i32
        %add3A_1507 = arith.addi %mul3A_123, %add3A_1506 : i32
        %get3A_1508 = arith.index_cast %add3A_1507 : i32 to index
        %get3A_1509 = arith.constant 0 : index
        %get3A_1510 = tpu.vector_load %arg11[%get3A_1508, %get3A_1509] {strides = array<i32>} : memref<128x128xf32, #tpu.memory_space<vmem>>, vector<16xf32>,
        %mul3A_1511 = arith.mulf %get3A_1510, %gather3A_1505 : vector<16xf32>
        %add3A_1512 = arith.constant 15 : i32
        %add3A_1513 = arith.addi %mul3A_123, %add3A_1512 : i32
        %swap3A_1514 = arith.index_cast %add3A_1513 : i32 to index
        %swap3A_1515 = arith.constant 0 : index
        %swap3A_1516 = tpu.vector_load %arg12[%swap3A_1514, %swap3A_1515] {strides = array<i32>} : memref<128x128xf32, #tpu.memory_space<vmem>>, vector<16xf32>,
        tpu.vector_store %arg12[%swap3A_1514, %swap3A_1515], %mul3A_1511 {strides = array<i32>} : memref<128x128xf32, #tpu.memory_space<vmem>>, vector<16xf32>,
        %add3A_1517 = arith.constant 15 : i32
        %add3A_1518 = arith.addi %mul3A_123, %add3A_1517 : i32
        %get3A_1519 = arith.index_cast %add3A_1518 : i32 to index
        %get3A_1520 = arith.constant 16 : index
        %get3A_1521 = tpu.vector_load %arg11[%get3A_1519, %get3A_1520] {strides = array<i32>} : memref<128x128xf32, #tpu.memory_space<vmem>>, vector<16xf32>,
        %mul3A_1522 = arith.mulf %get3A_1521, %gather3A_1505 : vector<16xf32>
        %add3A_1523 = arith.constant 15 : i32
        %add3A_1524 = arith.addi %mul3A_123, %add3A_1523 : i32
        %swap3A_1525 = arith.index_cast %add3A_1524 : i32 to index
        %swap3A_1526 = arith.constant 16 : index
        %swap3A_1527 = tpu.vector_load %arg12[%swap3A_1525, %swap3A_1526] {strides = array<i32>} : memref<128x128xf32, #tpu.memory_space<vmem>>, vector<16xf32>,
        tpu.vector_store %arg12[%swap3A_1525, %swap3A_1526], %mul3A_1522 {strides = array<i32>} : memref<128x128xf32, #tpu.memory_space<vmem>>, vector<16xf32>,
        %add3A_1528 = arith.constant 15 : i32
        %add3A_1529 = arith.addi %mul3A_123, %add3A_1528 : i32
        %get3A_1530 = arith.index_cast %add3A_1529 : i32 to index
        %get3A_1531 = arith.constant 32 : index
        %get3A_1532 = tpu.vector_load %arg11[%get3A_1530, %get3A_1531] {strides = array<i32>} : memref<128x128xf32, #tpu.memory_space<vmem>>, vector<16xf32>,
        %mul3A_1533 = arith.mulf %get3A_1532, %gather3A_1505 : vector<16xf32>
        %add3A_1534 = arith.constant 15 : i32
        %add3A_1535 = arith.addi %mul3A_123, %add3A_1534 : i32
        %swap3A_1536 = arith.index_cast %add3A_1535 : i32 to index
        %swap3A_1537 = arith.constant 32 : index
        %swap3A_1538 = tpu.vector_load %arg12[%swap3A_1536, %swap3A_1537] {strides = array<i32>} : memref<128x128xf32, #tpu.memory_space<vmem>>, vector<16xf32>,
        tpu.vector_store %arg12[%swap3A_1536, %swap3A_1537], %mul3A_1533 {strides = array<i32>} : memref<128x128xf32, #tpu.memory_space<vmem>>, vector<16xf32>,
        %add3A_1539 = arith.constant 15 : i32
        %add3A_1540 = arith.addi %mul3A_123, %add3A_1539 : i32
        %get3A_1541 = arith.index_cast %add3A_1540 : i32 to index
        %get3A_1542 = arith.constant 48 : index
        %get3A_1543 = tpu.vector_load %arg11[%get3A_1541, %get3A_1542] {strides = array<i32>} : memref<128x128xf32, #tpu.memory_space<vmem>>, vector<16xf32>,
        %mul3A_1544 = arith.mulf %get3A_1543, %gather3A_1505 : vector<16xf32>
        %add3A_1545 = arith.constant 15 : i32
        %add3A_1546 = arith.addi %mul3A_123, %add3A_1545 : i32
        %swap3A_1547 = arith.index_cast %add3A_1546 : i32 to index
        %swap3A_1548 = arith.constant 48 : index
        %swap3A_1549 = tpu.vector_load %arg12[%swap3A_1547, %swap3A_1548] {strides = array<i32>} : memref<128x128xf32, #tpu.memory_space<vmem>>, vector<16xf32>,
        tpu.vector_store %arg12[%swap3A_1547, %swap3A_1548], %mul3A_1544 {strides = array<i32>} : memref<128x128xf32, #tpu.memory_space<vmem>>, vector<16xf32>,
        %add3A_1550 = arith.constant 15 : i32
        %add3A_1551 = arith.addi %mul3A_123, %add3A_1550 : i32
        %get3A_1552 = arith.index_cast %add3A_1551 : i32 to index
        %get3A_1553 = arith.constant 64 : index
        %get3A_1554 = tpu.vector_load %arg11[%get3A_1552, %get3A_1553] {strides = array<i32>} : memref<128x128xf32, #tpu.memory_space<vmem>>, vector<16xf32>,
        %mul3A_1555 = arith.mulf %get3A_1554, %gather3A_1505 : vector<16xf32>
        %add3A_1556 = arith.constant 15 : i32
        %add3A_1557 = arith.addi %mul3A_123, %add3A_1556 : i32
        %swap3A_1558 = arith.index_cast %add3A_1557 : i32 to index
        %swap3A_1559 = arith.constant 64 : index
        %swap3A_1560 = tpu.vector_load %arg12[%swap3A_1558, %swap3A_1559] {strides = array<i32>} : memref<128x128xf32, #tpu.memory_space<vmem>>, vector<16xf32>,
        tpu.vector_store %arg12[%swap3A_1558, %swap3A_1559], %mul3A_1555 {strides = array<i32>} : memref<128x128xf32, #tpu.memory_space<vmem>>, vector<16xf32>,
        %add3A_1561 = arith.constant 15 : i32
        %add3A_1562 = arith.addi %mul3A_123, %add3A_1561 : i32
        %get3A_1563 = arith.index_cast %add3A_1562 : i32 to index
        %get3A_1564 = arith.constant 80 : index
        %get3A_1565 = tpu.vector_load %arg11[%get3A_1563, %get3A_1564] {strides = array<i32>} : memref<128x128xf32, #tpu.memory_space<vmem>>, vector<16xf32>,
        %mul3A_1566 = arith.mulf %get3A_1565, %gather3A_1505 : vector<16xf32>
        %add3A_1567 = arith.constant 15 : i32
        %add3A_1568 = arith.addi %mul3A_123, %add3A_1567 : i32
        %swap3A_1569 = arith.index_cast %add3A_1568 : i32 to index
        %swap3A_1570 = arith.constant 80 : index
        %swap3A_1571 = tpu.vector_load %arg12[%swap3A_1569, %swap3A_1570] {strides = array<i32>} : memref<128x128xf32, #tpu.memory_space<vmem>>, vector<16xf32>,
        tpu.vector_store %arg12[%swap3A_1569, %swap3A_1570], %mul3A_1566 {strides = array<i32>} : memref<128x128xf32, #tpu.memory_space<vmem>>, vector<16xf32>,
        %add3A_1572 = arith.constant 15 : i32
        %add3A_1573 = arith.addi %mul3A_123, %add3A_1572 : i32
        %get3A_1574 = arith.index_cast %add3A_1573 : i32 to index
        %get3A_1575 = arith.constant 96 : index
        %get3A_1576 = tpu.vector_load %arg11[%get3A_1574, %get3A_1575] {strides = array<i32>} : memref<128x128xf32, #tpu.memory_space<vmem>>, vector<16xf32>,
        %mul3A_1577 = arith.mulf %get3A_1576, %gather3A_1505 : vector<16xf32>
        %add3A_1578 = arith.constant 15 : i32
        %add3A_1579 = arith.addi %mul3A_123, %add3A_1578 : i32
        %swap3A_1580 = arith.index_cast %add3A_1579 : i32 to index
        %swap3A_1581 = arith.constant 96 : index
        %swap3A_1582 = tpu.vector_load %arg12[%swap3A_1580, %swap3A_1581] {strides = array<i32>} : memref<128x128xf32, #tpu.memory_space<vmem>>, vector<16xf32>,
        tpu.vector_store %arg12[%swap3A_1580, %swap3A_1581], %mul3A_1577 {strides = array<i32>} : memref<128x128xf32, #tpu.memory_space<vmem>>, vector<16xf32>,
        %add3A_1583 = arith.constant 15 : i32
        %add3A_1584 = arith.addi %mul3A_123, %add3A_1583 : i32
        %get3A_1585 = arith.index_cast %add3A_1584 : i32 to index
        %get3A_1586 = arith.constant 112 : index
        %get3A_1587 = tpu.vector_load %arg11[%get3A_1585, %get3A_1586] {strides = array<i32>} : memref<128x128xf32, #tpu.memory_space<vmem>>, vector<16xf32>,
        %mul3A_1588 = arith.mulf %get3A_1587, %gather3A_1505 : vector<16xf32>
        %add3A_1589 = arith.constant 15 : i32
        %add3A_1590 = arith.addi %mul3A_123, %add3A_1589 : i32
        %swap3A_1591 = arith.index_cast %add3A_1590 : i32 to index
        %swap3A_1592 = arith.constant 112 : index
        %swap3A_1593 = tpu.vector_load %arg12[%swap3A_1591, %swap3A_1592] {strides = array<i32>} : memref<128x128xf32, #tpu.memory_space<vmem>>, vector<16xf32>,
        tpu.vector_store %arg12[%swap3A_1591, %swap3A_1592], %mul3A_1588 {strides = array<i32>} : memref<128x128xf32, #tpu.memory_space<vmem>>, vector<16xf32>,
        %scan3A_1594 = arith.constant 0 : i32
        scf.yield %scan3A_1594 : i32
      }
      %scan3A_115 = arith.constant 4 : i32
      %run_scoped3A = arith.constant 0 : i32
      "tpu.region"() ({
        %run_scoped3A_117 = tpu.sem_alloc : memref<!tpu.dma_semaphore, #tpu.memory_space<semaphore_mem>>
        %dma_start3A_118 = arith.constant 0 : i32
        %dma_start3A_119 = tpu.memref_slice %arg7[%run_scoped3A, %dma_start3A_118] : memref<4x128xi32, #tpu.memory_space<vmem>> -> memref<1x128xi32, #tpu.memory_space<vmem>>
        %dma_start3A_120 = tpu.memref_squeeze %dma_start3A_119 : memref<1x128xi32, #tpu.memory_space<vmem>> -> memref<128xi32, #tpu.memory_space<vmem>>
        %dma_start3A_121 = arith.constant 0 : i32
        %dma_start3A_122 = arith.constant 0 : i32
        %dma_start3A_123 = tpu.memref_slice %arg13[%dma_start3A_121, %dma_start3A_122] : memref<10240x128xf32, #tpu.memory_space<vmem_shared>> -> memref<10240x128xf32, #tpu.memory_space<vmem_shared>>
        tpu.enqueue_indirect_dma source(%arg12 : memref<128x128xf32, #tpu.memory_space<vmem>>) target(%dma_start3A_123 : memref<10240x128xf32, #tpu.memory_space<vmem_shared>>) offsets(%dma_start3A_120 : memref<128xi32, #tpu.memory_space<vmem>>) semaphore(%run_scoped3A_117 : memref<!tpu.dma_semaphore, #tpu.memory_space<semaphore_mem>>) {add = true}
        %dma_wait3A_124 = arith.constant 0 : i32
        %dma_wait3A_125 = tpu.memref_slice %arg7[%run_scoped3A, %dma_wait3A_124] : memref<4x128xi32, #tpu.memory_space<vmem>> -> memref<1x128xi32, #tpu.memory_space<vmem>>
        %dma_wait3A_126 = tpu.memref_squeeze %dma_wait3A_125 : memref<1x128xi32, #tpu.memory_space<vmem>> -> memref<128xi32, #tpu.memory_space<vmem>>
        %dma_wait3A_127 = arith.constant 0 : i32
        %dma_wait3A_128 = arith.constant 0 : i32
        %dma_wait3A_129 = tpu.memref_slice %arg13[%dma_wait3A_127, %dma_wait3A_128] : memref<10240x128xf32, #tpu.memory_space<vmem_shared>> -> memref<10240x128xf32, #tpu.memory_space<vmem_shared>>
        tpu.wait_indirect_dma semaphore(%run_scoped3A_117 : memref<!tpu.dma_semaphore, #tpu.memory_space<semaphore_mem>>) src(%arg12 : memref<128x128xf32, #tpu.memory_space<vmem>>) dst(%dma_wait3A_129 : memref<10240x128xf32, #tpu.memory_space<vmem_shared>>)
        tpu.yield
      }) : () -> ()
      %scan3A_116 = arith.constant 0 : i32
      scf.yield %scan3A_116 : i32
    }
    %scan3A_26 = arith.constant 79 : i32
    %barrier3A_27 = arith.constant 0 : index
    tpu.barrier barrier_id(%barrier3A_27)
    "tpu.region"() ({
      %run_scoped3A = tpu.sem_alloc : memref<!tpu.dma_semaphore, #tpu.memory_space<semaphore_mem>>
      %dma_start3A = arith.constant 0 : i32
      %dma_start3A_28 = tpu.memref_slice %arg6[%arg0, %mul3A_7, %dma_start3A] : memref<2x10240x128xf32, #tpu.memory_space<hbm>> -> memref<1x640x128xf32, #tpu.memory_space<hbm>>
      %dma_start3A_29 = tpu.memref_squeeze %dma_start3A_28 : memref<1x640x128xf32, #tpu.memory_space<hbm>> -> memref<640x128xf32, #tpu.memory_space<hbm>>
      %dma_start3A_30 = arith.constant 0 : i32
      %dma_start3A_31 = tpu.memref_slice %arg13[%mul3A_7, %dma_start3A_30] : memref<10240x128xf32, #tpu.memory_space<vmem_shared>> -> memref<640x128xf32, #tpu.memory_space<vmem_shared>>
      tpu.enqueue_dma source(%dma_start3A_31 : memref<640x128xf32, #tpu.memory_space<vmem_shared>>) target(%dma_start3A_29 : memref<640x128xf32, #tpu.memory_space<hbm>>) target_semaphore(%run_scoped3A : memref<!tpu.dma_semaphore, #tpu.memory_space<semaphore_mem>>)
      %dma_wait3A = arith.constant 0 : i32
      %dma_wait3A_32 = tpu.memref_slice %arg6[%arg0, %mul3A_7, %dma_wait3A] : memref<2x10240x128xf32, #tpu.memory_space<hbm>> -> memref<1x640x128xf32, #tpu.memory_space<hbm>>
      %dma_wait3A_33 = tpu.memref_squeeze %dma_wait3A_32 : memref<1x640x128xf32, #tpu.memory_space<hbm>> -> memref<640x128xf32, #tpu.memory_space<hbm>>
      %dma_wait3A_34 = arith.constant 0 : i32
      %dma_wait3A_35 = tpu.memref_slice %arg13[%mul3A_7, %dma_wait3A_34] : memref<10240x128xf32, #tpu.memory_space<vmem_shared>> -> memref<640x128xf32, #tpu.memory_space<vmem_shared>>
      tpu.wait_dma2 semaphore(%run_scoped3A : memref<!tpu.dma_semaphore, #tpu.memory_space<semaphore_mem>>) src(%dma_wait3A_35 : memref<640x128xf32, #tpu.memory_space<vmem_shared>>) dst(%dma_wait3A_33 : memref<640x128xf32, #tpu.memory_space<hbm>>)
      tpu.yield
    }) : () -> ()
    return
  }
}

module attributes {stable_mosaic.version = 14 : i64} {
  func.func @_prolog_body(%arg0: memref<10000x128xf32, #tpu.memory_space<vmem>>, %arg1: memref<128x128xf32, #tpu.memory_space<vmem>>, %arg2: memref<1x128xf32, #tpu.memory_space<vmem>>, %arg3: memref<1x128xf32, #tpu.memory_space<vmem>>, %arg4: memref<10000x128xf32, #tpu.memory_space<vmem>>, %arg5: memref<10000x1xf32, #tpu.memory_space<vmem>>, %arg6: memref<10000x1xf32, #tpu.memory_space<vmem>>) attributes {dimension_semantics = [], scalar_prefetch = 0 : i64, scratch_operands = 0 : i64, tpu.core_type = #tpu.core_type<tc>} {
    %get3A = arith.constant 0 : index
    %get3A_0 = arith.constant 0 : index
    %get3A_1 = vector.load %arg0[%get3A, %get3A_0] : memref<10000x128xf32, #tpu.memory_space<vmem>>, vector<10000x128xf32>
    %iota3A = tpu.iota {dimensions = array<i32: 1>} : vector<10000x128xi32>
    %eq3A = arith.constant 0 : i32
    %eq3A_2 = vector.broadcast %eq3A : i32 to vector<10000x128xi32>
    %eq3A_3 = arith.cmpi eq, %iota3A, %eq3A_2 : vector<10000x128xi32>
    %slice3A = vector.extract_strided_slice %get3A_1 {offsets = [0, 0], sizes = [10000, 1], strides = [1, 1]} : vector<10000x128xf32> to vector<10000x1xf32>
    %jit3A = arith.constant 0.000000e+00 : f32
    %broadcast_in_dim3A = vector.broadcast %jit3A : f32 to vector<10000x128xf32>
    %select_n3A = arith.select %eq3A_3, %broadcast_in_dim3A, %get3A_1 : vector<10000x128xi1>, vector<10000x128xf32>
    %mul3A = arith.mulf %select_n3A, %select_n3A : vector<10000x128xf32>
    %reduce_sum3A = arith.constant dense<0.000000e+00> : vector<10000xf32>
    %reduce_sum3A_4 = vector.multi_reduction <add>, %mul3A, %reduce_sum3A [1] : vector<10000x128xf32> to vector<10000xf32>
    %broadcast_in_dim3A_5 = vector.shape_cast %reduce_sum3A_4 : vector<10000xf32> to vector<10000x1xf32>
    %sqrt3A = math.sqrt %broadcast_in_dim3A_5 : vector<10000x1xf32>
    %max3A = arith.constant 1.000000e-15 : f32
    %max3A_6 = vector.broadcast %max3A : f32 to vector<10000x1xf32>
    %max3A_7 = arith.maximumf %sqrt3A, %max3A_6 : vector<10000x1xf32>
    %div3A = arith.constant 1.000000e+00 : f32
    %div3A_8 = vector.broadcast %div3A : f32 to vector<10000x1xf32>
    %div3A_9 = arith.divf %slice3A, %div3A_8 : vector<10000x1xf32>
    %max3A_10 = arith.constant 1.00000012 : f32
    %max3A_11 = vector.broadcast %max3A_10 : f32 to vector<10000x1xf32>
    %max3A_12 = arith.maximumf %div3A_9, %max3A_11 : vector<10000x1xf32>
    %mul3A_13 = arith.mulf %max3A_12, %max3A_12 : vector<10000x1xf32>
    %sub3A = arith.constant 1.000000e+00 : f32
    %sub3A_14 = vector.broadcast %sub3A : f32 to vector<10000x1xf32>
    %sub3A_15 = arith.subf %mul3A_13, %sub3A_14 : vector<10000x1xf32>
    %max3A_16 = arith.constant 1.000000e-15 : f32
    %max3A_17 = vector.broadcast %max3A_16 : f32 to vector<10000x1xf32>
    %max3A_18 = arith.maximumf %sub3A_15, %max3A_17 : vector<10000x1xf32>
    %sqrt3A_19 = math.sqrt %max3A_18 : vector<10000x1xf32>
    %add3A = arith.addf %max3A_12, %sqrt3A_19 : vector<10000x1xf32>
    %log3A = math.log %add3A : vector<10000x1xf32>
    %mul3A_20 = arith.constant 1.000000e+00 : f32
    %mul3A_21 = vector.broadcast %mul3A_20 : f32 to vector<10000x1xf32>
    %mul3A_22 = arith.mulf %mul3A_21, %log3A : vector<10000x1xf32>
    %div3A_23 = arith.divf %mul3A_22, %max3A_7 : vector<10000x1xf32>
    %mul3A_24 = vector.broadcast %div3A_23 : vector<10000x1xf32> to vector<10000x128xf32>
    %mul3A_25 = arith.mulf %get3A_1, %mul3A_24 : vector<10000x128xf32>
    %jit3A_26 = arith.constant 0.000000e+00 : f32
    %broadcast_in_dim3A_27 = vector.broadcast %jit3A_26 : f32 to vector<10000x128xf32>
    %select_n3A_28 = arith.select %eq3A_3, %broadcast_in_dim3A_27, %mul3A_25 : vector<10000x128xi1>, vector<10000x128xf32>
    %get3A_29 = arith.constant 0 : index
    %get3A_30 = arith.constant 0 : index
    %get3A_31 = vector.load %arg1[%get3A_29, %get3A_30] : memref<128x128xf32, #tpu.memory_space<vmem>>, vector<128x128xf32>
    %dot_general3A = arith.constant dense<0.000000e+00> : vector<10000x128xf32>
    %dot_general3A_32 = tpu.matmul %select_n3A_28, %get3A_31, %dot_general3A {dimension_numbers = #tpu.dot_dimension_numbers<[1], [1], [0], [0], [0, 0, 1, 0], [], []>, transpose_lhs_hint = false} : vector<10000x128xf32>, vector<128x128xf32>, vector<10000x128xf32> -> vector<10000x128xf32>
    %swap3A = arith.constant 0 : index
    %swap3A_33 = arith.constant 0 : index
    %swap3A_34 = vector.load %arg4[%swap3A, %swap3A_33] : memref<10000x128xf32, #tpu.memory_space<vmem>>, vector<10000x128xf32>
    tpu.vector_store %arg4[%swap3A, %swap3A_33], %dot_general3A_32 {strides = array<i32>} : memref<10000x128xf32, #tpu.memory_space<vmem>>, vector<10000x128xf32>,
    %get3A_35 = arith.constant 0 : index
    %get3A_36 = arith.constant 0 : index
    %get3A_37 = vector.load %arg2[%get3A_35, %get3A_36] : memref<1x128xf32, #tpu.memory_space<vmem>>, vector<1x128xf32>
    %mul3A_38 = vector.broadcast %get3A_37 : vector<1x128xf32> to vector<10000x128xf32>
    %mul3A_39 = arith.mulf %dot_general3A_32, %mul3A_38 : vector<10000x128xf32>
    %reduce_sum3A_40 = arith.constant dense<0.000000e+00> : vector<10000xf32>
    %reduce_sum3A_41 = vector.multi_reduction <add>, %mul3A_39, %reduce_sum3A_40 [1] : vector<10000x128xf32> to vector<10000xf32>
    %broadcast_in_dim3A_42 = vector.shape_cast %reduce_sum3A_41 : vector<10000xf32> to vector<10000x1xf32>
    %swap3A_43 = arith.constant 0 : index
    %swap3A_44 = arith.constant 0 : index
    %swap3A_45 = vector.load %arg5[%swap3A_43, %swap3A_44] : memref<10000x1xf32, #tpu.memory_space<vmem>>, vector<10000x1xf32>
    tpu.vector_store %arg5[%swap3A_43, %swap3A_44], %broadcast_in_dim3A_42 {strides = array<i32>} : memref<10000x1xf32, #tpu.memory_space<vmem>>, vector<10000x1xf32>,
    %get3A_46 = arith.constant 0 : index
    %get3A_47 = arith.constant 0 : index
    %get3A_48 = vector.load %arg3[%get3A_46, %get3A_47] : memref<1x128xf32, #tpu.memory_space<vmem>>, vector<1x128xf32>
    %mul3A_49 = vector.broadcast %get3A_48 : vector<1x128xf32> to vector<10000x128xf32>
    %mul3A_50 = arith.mulf %dot_general3A_32, %mul3A_49 : vector<10000x128xf32>
    %reduce_sum3A_51 = arith.constant dense<0.000000e+00> : vector<10000xf32>
    %reduce_sum3A_52 = vector.multi_reduction <add>, %mul3A_50, %reduce_sum3A_51 [1] : vector<10000x128xf32> to vector<10000xf32>
    %broadcast_in_dim3A_53 = vector.shape_cast %reduce_sum3A_52 : vector<10000xf32> to vector<10000x1xf32>
    %swap3A_54 = arith.constant 0 : index
    %swap3A_55 = arith.constant 0 : index
    %swap3A_56 = vector.load %arg6[%swap3A_54, %swap3A_55] : memref<10000x1xf32, #tpu.memory_space<vmem>>, vector<10000x1xf32>
    tpu.vector_store %arg6[%swap3A_54, %swap3A_55], %broadcast_in_dim3A_53 {strides = array<i32>} : memref<10000x1xf32, #tpu.memory_space<vmem>>, vector<10000x1xf32>,
    return
  }
}

module attributes {stable_mosaic.version = 14 : i64} {
  func.func @_epilog_body(%arg0: memref<2x10240x128xf32, #tpu.memory_space<vmem>>, %arg1: memref<1x128xf32, #tpu.memory_space<vmem>>, %arg2: memref<1x128xf32, #tpu.memory_space<vmem>>, %arg3: memref<10000x128xf32, #tpu.memory_space<vmem>>) attributes {dimension_semantics = [], scalar_prefetch = 0 : i64, scratch_operands = 0 : i64, tpu.core_type = #tpu.core_type<tc>} {
    %get3A = arith.constant 0 : index
    %get3A_0 = arith.constant 0 : index
    %get3A_1 = arith.constant 0 : index
    %get3A_2 = vector.load %arg0[%get3A, %get3A_0, %get3A_1] : memref<2x10240x128xf32, #tpu.memory_space<vmem>>, vector<1x10000x128xf32>
    %get3A_3 = vector.shape_cast %get3A_2 : vector<1x10000x128xf32> to vector<10000x128xf32>
    %get3A_4 = arith.constant 1 : index
    %get3A_5 = arith.constant 0 : index
    %get3A_6 = arith.constant 0 : index
    %get3A_7 = vector.load %arg0[%get3A_4, %get3A_5, %get3A_6] : memref<2x10240x128xf32, #tpu.memory_space<vmem>>, vector<1x10000x128xf32>
    %get3A_8 = vector.shape_cast %get3A_7 : vector<1x10000x128xf32> to vector<10000x128xf32>
    %add3A = arith.addf %get3A_3, %get3A_8 : vector<10000x128xf32>
    %mul3A = arith.constant 0.00999999977 : f32
    %mul3A_9 = vector.broadcast %mul3A : f32 to vector<10000x128xf32>
    %mul3A_10 = arith.mulf %add3A, %mul3A_9 : vector<10000x128xf32>
    %iota3A = tpu.iota {dimensions = array<i32: 1>} : vector<10000x128xi32>
    %eq3A = arith.constant 0 : i32
    %eq3A_11 = vector.broadcast %eq3A : i32 to vector<10000x128xi32>
    %eq3A_12 = arith.cmpi eq, %iota3A, %eq3A_11 : vector<10000x128xi32>
    %slice3A = vector.extract_strided_slice %mul3A_10 {offsets = [0, 0], sizes = [10000, 1], strides = [1, 1]} : vector<10000x128xf32> to vector<10000x1xf32>
    %reduce_sum3A = arith.constant dense<0.000000e+00> : vector<10000xf32>
    %reduce_sum3A_13 = vector.multi_reduction <add>, %mul3A_10, %reduce_sum3A [1] : vector<10000x128xf32> to vector<10000xf32>
    %broadcast_in_dim3A = vector.shape_cast %reduce_sum3A_13 : vector<10000xf32> to vector<10000x1xf32>
    %sub3A = arith.subf %broadcast_in_dim3A, %slice3A : vector<10000x1xf32>
    %div3A = arith.constant 1.270000e+02 : f32
    %div3A_14 = vector.broadcast %div3A : f32 to vector<10000x1xf32>
    %div3A_15 = arith.divf %sub3A, %div3A_14 : vector<10000x1xf32>
    %sub3A_16 = vector.broadcast %div3A_15 : vector<10000x1xf32> to vector<10000x128xf32>
    %sub3A_17 = arith.subf %mul3A_10, %sub3A_16 : vector<10000x128xf32>
    %jit3A = arith.constant 0.000000e+00 : f32
    %broadcast_in_dim3A_18 = vector.broadcast %jit3A : f32 to vector<10000x128xf32>
    %select_n3A = arith.select %eq3A_12, %broadcast_in_dim3A_18, %sub3A_17 : vector<10000x128xi1>, vector<10000x128xf32>
    %mul3A_19 = arith.mulf %select_n3A, %select_n3A : vector<10000x128xf32>
    %reduce_sum3A_20 = arith.constant dense<0.000000e+00> : vector<10000xf32>
    %reduce_sum3A_21 = vector.multi_reduction <add>, %mul3A_19, %reduce_sum3A_20 [1] : vector<10000x128xf32> to vector<10000xf32>
    %broadcast_in_dim3A_22 = vector.shape_cast %reduce_sum3A_21 : vector<10000xf32> to vector<10000x1xf32>
    %div3A_23 = arith.constant 1.270000e+02 : f32
    %div3A_24 = vector.broadcast %div3A_23 : f32 to vector<10000x1xf32>
    %div3A_25 = arith.divf %broadcast_in_dim3A_22, %div3A_24 : vector<10000x1xf32>
    %add3A_26 = arith.constant 9.99999974E-6 : f32
    %add3A_27 = vector.broadcast %add3A_26 : f32 to vector<10000x1xf32>
    %add3A_28 = arith.addf %div3A_25, %add3A_27 : vector<10000x1xf32>
    %sqrt3A = math.sqrt %add3A_28 : vector<10000x1xf32>
    %div3A_29 = vector.broadcast %sqrt3A : vector<10000x1xf32> to vector<10000x128xf32>
    %div3A_30 = arith.divf %select_n3A, %div3A_29 : vector<10000x128xf32>
    %get3A_31 = arith.constant 0 : index
    %get3A_32 = arith.constant 0 : index
    %get3A_33 = vector.load %arg1[%get3A_31, %get3A_32] : memref<1x128xf32, #tpu.memory_space<vmem>>, vector<1x128xf32>
    %mul3A_34 = vector.broadcast %get3A_33 : vector<1x128xf32> to vector<10000x128xf32>
    %mul3A_35 = arith.mulf %div3A_30, %mul3A_34 : vector<10000x128xf32>
    %get3A_36 = arith.constant 0 : index
    %get3A_37 = arith.constant 0 : index
    %get3A_38 = vector.load %arg2[%get3A_36, %get3A_37] : memref<1x128xf32, #tpu.memory_space<vmem>>, vector<1x128xf32>
    %add3A_39 = vector.broadcast %get3A_38 : vector<1x128xf32> to vector<10000x128xf32>
    %add3A_40 = arith.addf %mul3A_35, %add3A_39 : vector<10000x128xf32>
    %jit3A_41 = arith.constant 0.000000e+00 : f32
    %broadcast_in_dim3A_42 = vector.broadcast %jit3A_41 : f32 to vector<10000x128xf32>
    %select_n3A_43 = arith.select %eq3A_12, %broadcast_in_dim3A_42, %add3A_40 : vector<10000x128xi1>, vector<10000x128xf32>
    %mul3A_44 = arith.mulf %select_n3A_43, %select_n3A_43 : vector<10000x128xf32>
    %reduce_sum3A_45 = arith.constant dense<0.000000e+00> : vector<10000xf32>
    %reduce_sum3A_46 = vector.multi_reduction <add>, %mul3A_44, %reduce_sum3A_45 [1] : vector<10000x128xf32> to vector<10000xf32>
    %broadcast_in_dim3A_47 = vector.shape_cast %reduce_sum3A_46 : vector<10000xf32> to vector<10000x1xf32>
    %sqrt3A_48 = math.sqrt %broadcast_in_dim3A_47 : vector<10000x1xf32>
    %max3A = arith.constant 1.000000e-15 : f32
    %max3A_49 = vector.broadcast %max3A : f32 to vector<10000x1xf32>
    %max3A_50 = arith.maximumf %sqrt3A_48, %max3A_49 : vector<10000x1xf32>
    %div3A_51 = arith.constant 1.000000e+00 : f32
    %div3A_52 = vector.broadcast %div3A_51 : f32 to vector<10000x1xf32>
    %div3A_53 = arith.divf %max3A_50, %div3A_52 : vector<10000x1xf32>
    %exp3A = math.exp %div3A_53 : vector<10000x1xf32>
    %div3A_54 = arith.constant 1.000000e+00 : f32
    %div3A_55 = vector.broadcast %div3A_54 : f32 to vector<10000x1xf32>
    %div3A_56 = arith.divf %div3A_55, %exp3A : vector<10000x1xf32>
    %add3A_57 = arith.addf %exp3A, %div3A_56 : vector<10000x1xf32>
    %mul3A_58 = arith.constant 5.000000e-01 : f32
    %mul3A_59 = vector.broadcast %mul3A_58 : f32 to vector<10000x1xf32>
    %mul3A_60 = arith.mulf %mul3A_59, %add3A_57 : vector<10000x1xf32>
    %sub3A_61 = arith.subf %exp3A, %div3A_56 : vector<10000x1xf32>
    %mul3A_62 = arith.constant 5.000000e-01 : f32
    %mul3A_63 = vector.broadcast %mul3A_62 : f32 to vector<10000x1xf32>
    %mul3A_64 = arith.mulf %mul3A_63, %sub3A_61 : vector<10000x1xf32>
    %mul3A_65 = arith.constant 1.000000e+00 : f32
    %mul3A_66 = vector.broadcast %mul3A_65 : f32 to vector<10000x1xf32>
    %mul3A_67 = arith.mulf %mul3A_66, %mul3A_60 : vector<10000x1xf32>
    %mul3A_68 = arith.constant 1.000000e+00 : f32
    %mul3A_69 = vector.broadcast %mul3A_68 : f32 to vector<10000x1xf32>
    %mul3A_70 = arith.mulf %mul3A_69, %mul3A_64 : vector<10000x1xf32>
    %mul3A_71 = vector.broadcast %mul3A_70 : vector<10000x1xf32> to vector<10000x128xf32>
    %mul3A_72 = arith.mulf %mul3A_71, %select_n3A_43 : vector<10000x128xf32>
    %div3A_73 = vector.broadcast %max3A_50 : vector<10000x1xf32> to vector<10000x128xf32>
    %div3A_74 = arith.divf %mul3A_72, %div3A_73 : vector<10000x128xf32>
    %broadcast_in_dim3A_75 = vector.shape_cast %mul3A_67 : vector<10000x1xf32> to vector<10000x1xf32>
    %broadcast_in_dim3A_76 = vector.broadcast %broadcast_in_dim3A_75 : vector<10000x1xf32> to vector<10000x128xf32>
    %select_n3A_77 = arith.select %eq3A_12, %broadcast_in_dim3A_76, %div3A_74 : vector<10000x128xi1>, vector<10000x128xf32>
    %jit3A_78 = arith.constant 0.000000e+00 : f32
    %broadcast_in_dim3A_79 = vector.broadcast %jit3A_78 : f32 to vector<10000x128xf32>
    %select_n3A_80 = arith.select %eq3A_12, %broadcast_in_dim3A_79, %select_n3A_77 : vector<10000x128xi1>, vector<10000x128xf32>
    %mul3A_81 = arith.mulf %select_n3A_80, %select_n3A_80 : vector<10000x128xf32>
    %reduce_sum3A_82 = arith.constant dense<0.000000e+00> : vector<10000xf32>
    %reduce_sum3A_83 = vector.multi_reduction <add>, %mul3A_81, %reduce_sum3A_82 [1] : vector<10000x128xf32> to vector<10000xf32>
    %broadcast_in_dim3A_84 = vector.shape_cast %reduce_sum3A_83 : vector<10000xf32> to vector<10000x1xf32>
    %add3A_85 = arith.constant 1.000000e+00 : f32
    %add3A_86 = vector.broadcast %add3A_85 : f32 to vector<10000x1xf32>
    %add3A_87 = arith.addf %add3A_86, %broadcast_in_dim3A_84 : vector<10000x1xf32>
    %max3A_88 = arith.constant 1.000000e-07 : f32
    %max3A_89 = vector.broadcast %max3A_88 : f32 to vector<10000x1xf32>
    %max3A_90 = arith.maximumf %add3A_87, %max3A_89 : vector<10000x1xf32>
    %sqrt3A_91 = math.sqrt %max3A_90 : vector<10000x1xf32>
    %mul3A_92 = arith.constant 1.000000e+00 : f32
    %mul3A_93 = vector.broadcast %mul3A_92 : f32 to vector<10000x128xf32>
    %mul3A_94 = arith.mulf %mul3A_93, %select_n3A_77 : vector<10000x128xf32>
    %add3A_95 = arith.constant 1.000000e+00 : f32
    %add3A_96 = vector.broadcast %add3A_95 : f32 to vector<10000x1xf32>
    %add3A_97 = arith.addf %sqrt3A_91, %add3A_96 : vector<10000x1xf32>
    %div3A_98 = vector.broadcast %add3A_97 : vector<10000x1xf32> to vector<10000x128xf32>
    %div3A_99 = arith.divf %mul3A_94, %div3A_98 : vector<10000x128xf32>
    %jit3A_100 = arith.constant 0.000000e+00 : f32
    %broadcast_in_dim3A_101 = vector.broadcast %jit3A_100 : f32 to vector<10000x128xf32>
    %select_n3A_102 = arith.select %eq3A_12, %broadcast_in_dim3A_101, %div3A_99 : vector<10000x128xi1>, vector<10000x128xf32>
    %neg3A = arith.constant 0.000000e+00 : f32
    %neg3A_103 = vector.broadcast %neg3A : f32 to vector<10000x128xf32>
    %neg3A_104 = arith.subf %neg3A_103, %select_n3A_102 : vector<10000x128xf32>
    %exp3A_105 = math.exp %neg3A_104 : vector<10000x128xf32>
    %add3A_106 = arith.constant 1.000000e+00 : f32
    %add3A_107 = vector.broadcast %add3A_106 : f32 to vector<10000x128xf32>
    %add3A_108 = arith.addf %add3A_107, %exp3A_105 : vector<10000x128xf32>
    %div3A_109 = arith.divf %select_n3A_102, %add3A_108 : vector<10000x128xf32>
    %mul3A_110 = arith.mulf %div3A_109, %div3A_109 : vector<10000x128xf32>
    %reduce_sum3A_111 = arith.constant dense<0.000000e+00> : vector<10000xf32>
    %reduce_sum3A_112 = vector.multi_reduction <add>, %mul3A_110, %reduce_sum3A_111 [1] : vector<10000x128xf32> to vector<10000xf32>
    %broadcast_in_dim3A_113 = vector.shape_cast %reduce_sum3A_112 : vector<10000xf32> to vector<10000x1xf32>
    %sub3A_114 = arith.constant 1.000000e+00 : f32
    %sub3A_115 = vector.broadcast %sub3A_114 : f32 to vector<10000x1xf32>
    %sub3A_116 = arith.subf %sub3A_115, %broadcast_in_dim3A_113 : vector<10000x1xf32>
    %div3A_117 = arith.constant 1.000000e+00 : f32
    %div3A_118 = vector.broadcast %div3A_117 : f32 to vector<10000x1xf32>
    %div3A_119 = arith.divf %div3A_118, %sub3A_116 : vector<10000x1xf32>
    %add3A_120 = arith.constant 1.000000e+00 : f32
    %add3A_121 = vector.broadcast %add3A_120 : f32 to vector<10000x1xf32>
    %add3A_122 = arith.addf %add3A_121, %broadcast_in_dim3A_113 : vector<10000x1xf32>
    %mul3A_123 = arith.mulf %add3A_122, %div3A_119 : vector<10000x1xf32>
    %mul3A_124 = arith.constant 2.000000e+00 : f32
    %mul3A_125 = vector.broadcast %mul3A_124 : f32 to vector<10000x128xf32>
    %mul3A_126 = arith.mulf %mul3A_125, %div3A_109 : vector<10000x128xf32>
    %mul3A_127 = vector.broadcast %div3A_119 : vector<10000x1xf32> to vector<10000x128xf32>
    %mul3A_128 = arith.mulf %mul3A_126, %mul3A_127 : vector<10000x128xf32>
    %broadcast_in_dim3A_129 = vector.shape_cast %mul3A_123 : vector<10000x1xf32> to vector<10000x1xf32>
    %broadcast_in_dim3A_130 = vector.broadcast %broadcast_in_dim3A_129 : vector<10000x1xf32> to vector<10000x128xf32>
    %select_n3A_131 = arith.select %eq3A_12, %broadcast_in_dim3A_130, %mul3A_128 : vector<10000x128xi1>, vector<10000x128xf32>
    %swap3A = arith.constant 0 : index
    %swap3A_132 = arith.constant 0 : index
    %swap3A_133 = vector.load %arg3[%swap3A, %swap3A_132] : memref<10000x128xf32, #tpu.memory_space<vmem>>, vector<10000x128xf32>
    tpu.vector_store %arg3[%swap3A, %swap3A_132], %select_n3A_131 {strides = array<i32>} : memref<10000x128xf32, #tpu.memory_space<vmem>>, vector<10000x128xf32>,
    return
  }
}

</mosaic_0001>

<sc_bundles>
// kernel: kernel.5.cloned.1.call-start
scs
__scs_entry_jumppad:
0x0: {  	(pc) =	sbr.rel $0x88, $3  }
0x1: {  	(tag) =	ssettag $0x0;
	lr =	simm.s32 $0x1  }
0x2: {  	[smem:$0x3F97] =	sst lr;
	_ =	strace $0xD0000000  }
0x3: {  	_ = 	snop  }
0x4: {  	_ = 	snop  }
0x5: {  	_ = 	snop  }
0x6: {  	_ = 	snop  }
0x7: {  	_ = 	snop  }
__scs_overlays_trampoline_lowered:
0x8: {  	[smem:$0x3FA6] =	sst s0  }
0x9: {  	[smem:$0x3FA7] =	sst s1  }
0xa: {  	[smem:$0x3FA8] =	sst s2  }
0xb: {  	[smem:$0x3FA9] =	sst s3  }
0xc: {  	[smem:$0x3FAA] =	sst s4  }
0xd: {  	[smem:$0x3FAB] =	sst s5  }
0xe: {  	[smem:$0x3FAC] =	sst s6  }
0xf: {  	[smem:$0x3FAD] =	sst s7  }
0x10: {  	[smem:$0x3FAE] =	sst s8  }
0x11: {  	[smem:$0x3FAF] =	sst s9;
	s0 =	simm.s32 @!p0 $0x0  }
0x12: {  	s1 =	sld [smem:$0x3F95];
	s0 =	simm.s32 @p0 $0x1  }
0x13: {  	[smem:$0x3FB0] =	sst s0;
	s0 =	simm.s32 @!p1 $0x0  }
0x14: {  	s2 =	sld [smem:$0x3F94];
	s0 =	simm.s32 @p1 $0x1  }
0x15: {  	[smem:$0x3FB1] =	sst s0;
	s0 =	simm.s32 @!p2 $0x0  }
0x16: {  	s3 =	sld [smem:$0x3FDB];
	s0 =	simm.s32 @p2 $0x1  }
0x17: {  	s4 =	simm.s32 $0x1BF5;
	[smem:$0x3FB3] =	sst s0  }
0x18: {  	s0 =	sld [smem:$0x3F96];
	_ =	swait.ge [sflag:s4], $0x0  }
0x19: {  	s7 =	sld [smem:$0x3F97]  }
0x1a: {  	s8 =	sadd.s32 $0xFFFFE003, lr  }
0x1b: {  	s9 =	sadd.s32 $0xFFFFFEF7, lr;
	s5 =	simm.s32 $0xFFFFFFFF;
	p2 =	slt.u32 s8, $0xFFFFF086  }
0x1c: {  	p1 =	slt.u32 s9, $0xF7A;
	s5 =	simm.s32 @!p2 $0x0  }
0x1d: {  	s5 =	simm.s32 @p1 $0x1;
	p0 =	seq.s32 s7, s2  }
0x1e: {  	s7 =	smul.u32 @!p0 $0xF7A, s2;
	p2 =	seq.s32 @!p0 s5, $0x0  }
0x1f: {  	s9 =	smul.u32 $0xF7A, s1;
	s8 =	simm.s32 @!p0 $0x1BF5;
	p2 =	por !p2, p0  }
0x20: {  	[sflag:s8] =	ssyncset.s32 @!p0 $0xFFFFF086;
	s6 =	sadd.s32 @!p0 s3, s7;
	s7 =	simm.s32 @!p0 $0x108  }
0x21: {  	s3 =	sadd.s32 s3, s9;
	s6 =	sadd.s32 @!p0 $0x88, s6;
	s7 =	simm.s32 @p2 $0x1082  }
0x22: {  	[simem:s7], [sflag:s8] =	dma.local @!p0 [hbm:s6], $0xF7A  }
0x23: {  	s9 =	sor.u32 $0xD0000000, s2;
	s6 =	simm.s32 $0x108;
	_ =	swait.ge @!p0 [sflag:s8], $0x0  }
0x24: {  	s3 =	sadd.s32 $0x88, s3;
	s6 =	simm.s32 @!p1 $0x1082;
	[sflag:s4] =	ssyncset.s32 $0xFFFFF086  }
0x25: {  	[simem:s6], [sflag:s4] =	dma.local [hbm:s3], $0xF7A  }
0x26: {  	[smem:$0x3F97] =	sst s1;
	(tag) =	ssettag s2;
	_ =	strace s9  }
0x27: {  	s1 =	sld [smem:$0x3FA7]  }
0x28: {  	s2 =	sld [smem:$0x3FA8]  }
0x29: {  	s4 =	sld [smem:$0x3FAA]  }
0x2a: {  	p0 =	seq.s32 s5, $0x0;
	s5 =	sld [smem:$0x3FAB]  }
0x2b: {  	s6 =	sld [smem:$0x3FAC]  }
0x2c: {  	s7 =	sld [smem:$0x3FAD]  }
0x2d: {  	s3 =	simm.s32 $0x108;
	s8 =	sld [smem:$0x3FAE]  }
0x2e: {  	s3 =	simm.s32 @!p0 $0x1082;
	s9 =	sld [smem:$0x3FAF]  }
0x2f: {  	lr =	sadd.s32 s0, s3;
	s0 =	sld [smem:$0x3FA6]  }
0x30: {  	s3 =	sld [smem:$0x3FA9]  }
0x31: {  	[smem:$0x3FB2] =	sst s10  }
0x32: {  	s10 =	sld [smem:$0x3FB0];
	_ =	sdelay $0x3  }
0x33: {  	p0 =	seq.s32 s10, $0x1;
	s10 =	sld [smem:$0x3FB2];
	_ =	sdelay $0x3  }
0x34: {  	[smem:$0x3FB2] =	sst s10  }
0x35: {  	s10 =	sld [smem:$0x3FB1];
	_ =	sdelay $0x3  }
0x36: {  	p1 =	seq.s32 s10, $0x1;
	s10 =	sld [smem:$0x3FB2];
	_ =	sdelay $0x3  }
0x37: {  	[smem:$0x3FB2] =	sst s10  }
0x38: {  	s10 =	sld [smem:$0x3FB3]  }
0x39: {  	_ = 	snop;
	(pc) =	sbr.ind lr, $3  }
0x3a: {  	_ = 	snop  }
0x3b: {  	_ = 	snop  }
0x3c: {  	p2 =	seq.s32 s10, $0x1;
	s10 =	sld [smem:$0x3FB2]  }
0x3d: {  	_ =	shalt  }
0x3e: {  	_ =	shalt  }
0x3f: {  	_ =	shalt  }
0x40: {  	_ =	shalt  }
0x41: {  	_ =	shalt  }
0x42: {  	_ =	shalt  }
0x43: {  	_ =	shalt  }
0x44: {  	_ =	shalt  }
0x45: {  	_ =	shalt  }
0x46: {  	_ =	shalt  }
0x47: {  	_ =	shalt  }
0x48: {  	_ =	shalt  }
0x49: {  	_ =	shalt  }
0x4a: {  	_ =	shalt  }
0x4b: {  	_ =	shalt  }
0x4c: {  	_ =	shalt  }
0x4d: {  	_ =	shalt  }
0x4e: {  	_ =	shalt  }
0x4f: {  	_ =	shalt  }
0x50: {  	_ =	shalt  }
0x51: {  	_ =	shalt  }
0x52: {  	_ =	shalt  }
0x53: {  	_ =	shalt  }
0x54: {  	_ =	shalt  }
0x55: {  	_ =	shalt  }
0x56: {  	_ =	shalt  }
0x57: {  	_ =	shalt  }
0x58: {  	_ =	shalt  }
0x59: {  	_ =	shalt  }
0x5a: {  	_ =	shalt  }
0x5b: {  	_ =	shalt  }
0x5c: {  	_ =	shalt  }
0x5d: {  	_ =	shalt  }
0x5e: {  	_ =	shalt  }
0x5f: {  	_ =	shalt  }
0x60: {  	_ =	shalt  }
0x61: {  	_ =	shalt  }
0x62: {  	_ =	shalt  }
0x63: {  	_ =	shalt  }
0x64: {  	_ =	shalt  }
0x65: {  	_ =	shalt  }
0x66: {  	_ =	shalt  }
0x67: {  	_ =	shalt  }
0x68: {  	_ =	shalt  }
0x69: {  	_ =	shalt  }
0x6a: {  	_ =	shalt  }
0x6b: {  	_ =	shalt  }
0x6c: {  	_ =	shalt  }
0x6d: {  	_ =	shalt  }
0x6e: {  	_ =	shalt  }
0x6f: {  	_ =	shalt  }
0x70: {  	_ =	shalt  }
0x71: {  	_ =	shalt  }
0x72: {  	_ =	shalt  }
0x73: {  	_ =	shalt  }
0x74: {  	_ =	shalt  }
0x75: {  	_ =	shalt  }
0x76: {  	_ =	shalt  }
0x77: {  	_ =	shalt  }
0x78: {  	_ =	shalt  }
0x79: {  	_ =	shalt  }
0x7a: {  	_ =	shalt  }
0x7b: {  	_ =	shalt  }
0x7c: {  	_ =	shalt  }
0x7d: {  	_ =	shalt  }
0x7e: {  	_ =	shalt  }
0x7f: {  	_ =	shalt  }
0x80: {  	_ =	shalt  }
0x81: {  	_ =	shalt  }
0x82: {  	_ =	shalt  }
0x83: {  	_ =	shalt  }
0x84: {  	_ =	shalt  }
0x85: {  	_ =	shalt  }
0x86: {  	_ =	shalt  }
0x87: {  	_ =	shalt  }
.Lfunc_end0:
.L_simem_size_0:
called_computation_lowered:
.L_overlay_start_0:
0x88: {  	s2 =	sld [smem:$0x3FD9]  }
0x89: {  	s3 =	sld [smem:$0x3FFE];
	_ =	sdelay $0x1  }
0x8a: {  	s1 =	srdreg.scid  }
0x8b: {  	s0 =	sand.u32 $0x1, s1  }
0x8c: {  	s14 =	sshll.u32 s0, $0xA;
	s2 =	sadd.s32 s3, s2  }
0x8d: {  	s2 =	sadd.s32 s2, s14  }
0x8e: {  	[smem:$0x3FBE] =	sst s2  }
0x8f: {  	_ = 	snop  }
0x90: {  	s2 =	sld [smem:$0x3FD0];
	_ =	sdelay $0x2  }
0x91: {  	s15 =	simm.s32 $0xA;
	s4 =	simm.s32 $0x10  }
0x92: {  	[smem:s4], [sflag:s15] =	dma.local [hbm:s2], $0x1  }
0x93: {  	_ =	swait.eq [sflag:s15], $0x1  }
0x94: {  	s16 =	sld [smem:$0x10];
	[sflag:s15] =	ssyncset.done $0x0  }
0x95: {  	s17 =	sld [smem:$0x11];
	[sflag:s15] =	ssyncadd.s32 $0xFFFFFFFF  }
0x96: {  	s18 =	sld [smem:$0x14];
	(tm) =	ssettm $0x1  }
0x97: {  	s5 =	sld [smem:$0x3FFB];
	_ =	sdelay $0x3  }
0x98: {  	_ =	strace s5  }
0x99: {  	s5 =	sld [smem:$0x3FFC];
	_ =	sdelay $0x3  }
0x9a: {  	_ =	strace s5  }
0x9b: {  	s5 =	sld [smem:$0x3FFD];
	_ =	sdelay $0x3  }
0x9c: {  	_ =	strace s5  }
0x9d: {  	_ =	strace $0x8FFFFFFF  }
0x9e: {  	s19 =	sld [smem:$0x3FDB];
	_ =	sdelay $0x1  }
0x9f: {  	s6 =	simm.s32 $_scs_section_size  }
0xa0: {  	s7 =	simm.s32 $_size__tile_overlayer_lowered;
	s8 =	simm.s32 $_tile_overlayer_lowered  }
0xa1: {  	s22 =	simm.s32 $0x1BFF;
	s21 =	sshll.u32 s8, $0x1;
	s5 =	sadd.s32 s6, s19  }
0xa2: {  	s9 =	simm.s32 $0x0;
	s20 =	sshll.u32 s7, $0x1;
	s7 =	sadd.s32 s21, s5  }
0xa3: {  	[timem:s9], [sflag:s22] =	dma.local [hbm:s7], s20  }
0xa4: {  	_ =	swait.ge [sflag:s22], s20  }
0xa5: {  	s6 =	ssub.s32 $0x0, s20;
	[sflag:s22] =	ssyncset.done $0x0  }
0xa6: {  	[sflag:s22] =	ssyncadd.s32 s6;
	_ =	sdelay $0x1  }
0xa7: {  	s23 =	simm.s32 $0x1B8B  }
0xa8: {  	_ =	swait.ge [sflag:s23], $0x1  }
0xa9: {  	[sflag:s23] =	ssyncset.done $0x0  }
0xaa: {  	s25 =	simm.s32 $0x1B8E;
	s24 =	sld [smem:$0x3FFE];
	[sflag:s23] =	ssyncadd.s32 $0xFFFFFFFF  }
0xab: {  	s26 =	simm.s32 $execute0_lowered;
	[smem:$0x3FD2] =	sst s25  }
0xac: {  	s7 =	sshll.u32 s26, $0x1;
	_ =	strace $0x80000046;
	[dreg:$0x1] =	wrdreg $0xFFFFFFFF  }
0xad: {  	s28 =	simm.s32 $_size_execute0_lowered;
	s5 =	sadd.s32 s5, s7;
	[dreg:$0x0] =	wrdreg $0x0  }
0xae: {  	s7 =	sshll.u32 s28, $0x1;
	[dreg:$0x2] =	wrdreg s5  }
0xaf: {  	[dreg:$0x3] =	wrdreg s7  }
0xb0: {  	[dreg:$0x4] =	wrdreg $0xC0  }
0xb1: {  	_ =	task [dreg:s9], $0x5FFFF  }
0xb2: {  	[dreg:$0x1] =	wrdreg $0xFFFFFFFF  }
0xb3: {  	[dreg:$0x0] =	wrdreg $0x60  }
0xb4: {  	[dreg:$0x2] =	wrdreg s16  }
0xb5: {  	[dreg:$0x3] =	wrdreg s18  }
0xb6: {  	[dreg:$0x4] =	wrdreg s17  }
0xb7: {  	[dreg:$0x5] =	wrdreg s24  }
0xb8: {  	[dreg:$0x6] =	wrdreg $0x83800  }
0xb9: {  	[dreg:$0x7] =	wrdreg $0x9  }
0xba: {  	_ =	task.clear_ibuf [dreg:s9], $0x8FFFF;
	_ =	strace $0x90000046  }
0xbb: {  	s29 =	simm.s32 $0x9;
	_ =	strace $0x80000048  }
0xbc: {  	_ =	swait.ge [sflag:s29], $0x1  }
0xbd: {  	[sflag:s29] =	ssyncadd.s32 $0xFFFFFFFF  }
0xbe: {  	_ =	strace $0x90000048  }
0xbf: {  	_ =	sfence  }
0xc0: {  	s30 =	sld [smem:$0x0];
	_ =	sdelay $0x2  }
0xc1: {  	s31 =	sshll.u32 s1, $0xD;
	s1 =	sshrl.u32 s1, $0x2  }
0xc2: {  	s3 =	sand.u32 $0x4000, s31;
	s1 =	sadd.s32 s1, s30  }
0xc3: {  	s0 =	sor.u32 s3, s0;
	s1 =	sshll.u32 s1, $0x11  }
0xc4: {  	s0 =	sor.u32 s1, s0  }
0xc5: {  	s0 =	sadd.s32 $0x8F2B, s0  }
0xc6: {  	[sflag:s0] =	ssyncadd.remote.s32 $0x1  }
0xc7: {  	_ =	sfence.sel $0xFFFF  }
0xc8: {  	[dreg:$0x0] =	wrdreg $0xFFFFFFFF;
	(pc) =	sbr.abs _section_cstart, $3  }
0xc9: {  	[dreg:$0x1] =	wrdreg $0xFFFFFFFF  }
0xca: {  	_ =	task.clear_ibuf [dreg:s9], $0x2FFFF;
	_ =	strace $0x9FFFFFFF  }
0xcb: {  	(tm) =	ssettm $0x7FFFFFFF  }
tec
execute0_lowered:
.L_overlay_start_1:
0x0: {  	(tag) =	ssettag $0x1  }
0x1: {  	s0 =	rddreg [dreg:$0x0]  }
0x2: {  	s1 =	rddreg [dreg:$0x1]  }
0x3: {  	s3 =	rddreg [dreg:$0x2]  }
0x4: {  	s2 =	srdreg.scid;
	s5 =	rddreg [dreg:$0x3]  }
0x5: {  	s11 =	stileid.u32;
	s6 =	rddreg [dreg:$0x4];
	s7 =	simm.s32 $0x0  }
0x6: {  	s16 =	simm.s32 $0x380;
	s17 =	simm.s32 $0x4;
	s18 =	simm.s32 $0x40  }
0x7: {  	s19 =	simm.s32 $0x80;
	s20 =	simm.s32 $0xC0;
	s21 =	simm.s32 $0x2380  }
0x8: {  	s22 =	simm.s32 $0x200;
	s23 =	simm.s32 $0x280;
	s24 =	simm.s32 $0x1  }
0x9: {  	s28 =	simm.s32 $0x4380;
	s29 =	simm.s32 $0x0;
	s8 =	smul.u32 $0x14000, s11  }
0xa: {  	s30 =	simm.s32 $0x0;
	s2 =	sand.u32 $0x1, s2;
	s25 =	smul.u32 $0x50000, s11  }
0xb: {  	[smem:$0x7FF] =	sst s7;
	s4 =	smul.u32 $0x140000, s2;
	s9 =	ssub.s32 $0x2, s2  }
0xc: {  	_ =	strace $0x80000047;
	s2 =	sshll.u32 s2, $0x4;
	s10 =	sshrl.u32 s9, $0x1  }
0xd: {  	s2 =	sor.u32 s11, s2;
	s4 =	sadd.s32 s8, s4;
	s8 =	sshrl.u32 s25, $0x2  }
0xe: {  	s9 =	ssub.s32 s9, s10;
	s13 =	smul.u32 $0x4F, s2;
	s25 =	simm.s32 $0x2  }
0xf: {  	s4 =	sshrl.u32 s4, $0x3;
	s8 =	sadd.s32 s8, s6;
	s15 =	smax.u32 s9, $0x1  }
0x10: {  	s4 =	sadd.s32 s4, s5;
	s26 =	sadd.s32 $0x4000, s8;
	s31 =	sadd.s32 $0x8000, s8  }
0x11: {  	s11 =	sadd.s32 $0xC000, s8;
	s12 =	sadd.s32 $0x10000, s8;
	[dreg:$0x6] =	wrdreg s26  }
0x12: {  	v0 =	vimm.f32 $0.0e+00;
	v49 =	vimm.s32 $0x1;
	[dreg:$0x7] =	wrdreg s31;
	s14 =	sadd.s32 $0x27800, s4;
	s26 =	simm.s32 $0x3  }
.LBB2_1:
0x13: {  	s2 =	simm.s32 $0x0;
	s4 =	simm.s32 $0x200  }
.LBB2_2:
0x14: {  	p0 =	sne.s32 s4, $0xFE00;
	[tilespmem:s2+$0x3F0] =	vst v0  }
0x15: {  	[tilespmem:s2+$0x380] =	vst v0  }
0x16: {  	[tilespmem:s2+$0x390] =	vst v0  }
.Ltmp0:
0x17: {  	[tilespmem:s2+$0x3A0] =	vst v0;
	(pc) =	sbr.rel @p0 .LBB2_2-.Ltmp0, $4  }
0x18: {  	[tilespmem:s2+$0x3B0] =	vst v0  }
0x19: {  	[tilespmem:s2+$0x3C0] =	vst v0  }
0x1a: {  	[tilespmem:s2+$0x3D0] =	vst v0  }
0x1b: {  	[tilespmem:s2+$0x3E0] =	vst v0;
	s2 =	sshra.s32 s4, $0x2;
	s4 =	sadd.s32 $0x200, s4  }
0x1c: {  	[tilespmem:s2+$0x3F0] =	vst v0  }
0x1d: {  	[tilespmem:s2+$0x380] =	vst v0  }
0x1e: {  	[tilespmem:s2+$0x390] =	vst v0  }
0x1f: {  	[tilespmem:s2+$0x3A0] =	vst v0  }
0x20: {  	[tilespmem:s2+$0x3B0] =	vst v0  }
0x21: {  	[tilespmem:s2+$0x3C0] =	vst v0  }
0x22: {  	[tilespmem:s2+$0x3D0] =	vst v0  }
0x23: {  	[tilespmem:s2+$0x3E0] =	vst v0  }
0x24: {  	[spmem:s8] =	stream.linear.scatter [tilespmem:s16], [sflag:$0x4], $0x4000, $0x38;
	[tilespmem:$0x1C380] =	vst v63  }
0x25: {  	_ =	swait.ge [sflag:s17], $0x4000  }
0x26: {  	[sflag:s17] =	ssyncset.done $0x0  }
0x27: {  	s9 =	rddreg [dreg:$0x6];
	[sflag:s17] =	ssyncadd.s32 $0xFFFFC000  }
0x28: {  	[spmem:s9] =	stream.linear.scatter [tilespmem:s16], [sflag:$0x4], $0x4000, $0x38;
	[tilespmem:$0x1C380] =	vst v63  }
0x29: {  	_ =	swait.ge [sflag:s17], $0x4000  }
0x2a: {  	[sflag:s17] =	ssyncset.done $0x0  }
0x2b: {  	s10 =	rddreg [dreg:$0x7];
	[sflag:s17] =	ssyncadd.s32 $0xFFFFC000  }
0x2c: {  	[spmem:s10] =	stream.linear.scatter [tilespmem:s16], [sflag:$0x4], $0x4000, $0x38;
	[tilespmem:$0x1C380] =	vst v63  }
0x2d: {  	_ =	swait.ge [sflag:s17], $0x4000  }
0x2e: {  	[sflag:s17] =	ssyncset.done $0x0  }
0x2f: {  	[sflag:s17] =	ssyncadd.s32 $0xFFFFC000  }
0x30: {  	[spmem:s11] =	stream.linear.scatter [tilespmem:s16], [sflag:$0x4], $0x4000, $0x38;
	[tilespmem:$0x1C380] =	vst v63  }
0x31: {  	_ =	swait.ge [sflag:s17], $0x4000  }
0x32: {  	[sflag:s17] =	ssyncset.done $0x0  }
0x33: {  	[sflag:s17] =	ssyncadd.s32 $0xFFFFC000  }
0x34: {  	[spmem:s12] =	stream.linear.scatter [tilespmem:s16], [sflag:$0x4], $0x4000, $0x38;
	[tilespmem:$0x1C380] =	vst v63  }
0x35: {  	_ =	swait.ge [sflag:s17], $0x4000  }
0x36: {  	[sflag:s17] =	ssyncset.done $0x0  }
0x37: {  	[sflag:s17] =	ssyncadd.s32 $0xFFFFC000  }
0x38: {  	s31 =	simm.s32 $0x0;
	[bflag:$0x0] =	sbarrier.arrive $0xFFFF  }
.LBB2_4:
0x39: {  	s2 =	sadd.s32 s13, s31  }
0x3a: {  	s2 =	sshll.u32 s2, $0x6  }
0x3b: {  	s2 =	sadd.s32 s5, s2  }
0x3c: {  	[tilespmem:s30], [sflag:$0x4] =	stream.linear.gather [hbm4b:s2+s30], $0x200, $0x38;
	[tilespmem:$0x1C380] =	vst v63  }
0x3d: {  	_ =	swait.ge [sflag:s17], $0x200  }
0x3e: {  	[sflag:s17] =	ssyncset.done $0x0  }
0x3f: {  	[sflag:s17] =	ssyncadd.s32 $0xFFFFFE00  }
0x40: {  	[tilespmem:s16], [sflag:$0x2] =	stream.indirect.gather [hbm4b:s0+s18], $0x80, s19, s18, $0xb8;
	[tilespmem:$0x1C380] =	vst v63  }
0x41: {  	_ = 	snop  }
0x42: {  	[tilespmem:s21], [sflag:$0x3] =	stream.indirect.gather [hbm4b:s0+s18], $0x80, s20, s18, $0xb8;
	[tilespmem:$0x1C380] =	vst v63  }
0x43: {  	_ = 	snop  }
0x44: {  	[tilespmem:s22], [sflag:$0x1] =	stream.indirect.gather [hbm4b:s1+s19], $0x1, s30, s19, $0xb8;
	[tilespmem:$0x1C380] =	vst v63  }
0x45: {  	_ = 	snop  }
0x46: {  	[tilespmem:s23], [sflag:$0x1] =	stream.indirect.gather [hbm4b:s3+s19], $0x1, s19, s19, $0xb8;
	[tilespmem:$0x1C380] =	vst v63  }
0x47: {  	_ =	swait.ge [sflag:s24], $0x80  }
0x48: {  	[sflag:s24] =	ssyncset.done $0x0  }
0x49: {  	[sflag:s24] =	ssyncadd.s32 $0xFFFFFF80  }
0x4a: {  	_ =	swait.ge [sflag:s24], $0x80  }
0x4b: {  	[sflag:s24] =	ssyncset.done $0x0  }
0x4c: {  	[sflag:s24] =	ssyncadd.s32 $0xFFFFFF80  }
0x4d: {  	v0 =	vld [tilespmem:$0x200]  }
0x4e: {  	v1 =	vld [tilespmem:$0x280];
	_ =	sdelay $0x1  }
0x4f: {  	v2 =	vld [tilespmem:$0x100];
	_ =	sdelay $0x2  }
0x50: {  	v0 =	vadd.f32 v1, v0;
	_ =	sdelay $0x1  }
0x51: {  	v0 =	vadd.f32 v2, v0;
	_ =	sdelay $0x1  }
0x52: {  	v0 =	vsub.f32 $0.0e+00, v0;
	_ =	sdelay $0x1  }
0x53: {  	v0 =	vmul.f32 $1.442695020e+00, v0  }
0x54: {  	v45 =	vld [tilespmem:$0x210]  }
0x55: {  	v46 =	vld [tilespmem:$0x290];
	(erf) = vpow2.f32 v0;
	_ =	sdelay $0x1  }
0x56: {  	v47 =	vld [tilespmem:$0x110];
	_ =	sdelay $0x2  }
0x57: {  	v0 =	vadd.f32 v46, v45;
	_ =	sdelay $0x1  }
0x58: {  	v0 =	vadd.f32 v47, v0;
	_ =	sdelay $0x1  }
0x59: {  	v0 =	vsub.f32 $0.0e+00, v0;
	v48 =	vpop (erf)  }
0x5a: {  	v1 =	vadd.f32 $1.000000000e+00, v48  }
0x5b: {  	v0 =	vmul.f32 $1.442695020e+00, v0  }
0x5c: {  	v50 =	vld [tilespmem:$0x220];
	(erf) = vrcp.f32 v1  }
0x5d: {  	v51 =	vld [tilespmem:$0x2A0];
	(erf) = vpow2.f32 v0;
	_ =	sdelay $0x1  }
0x5e: {  	v52 =	vld [tilespmem:$0x120];
	_ =	sdelay $0x2  }
0x5f: {  	v0 =	vadd.f32 v51, v50;
	_ =	sdelay $0x1  }
0x60: {  	v0 =	vadd.f32 v52, v0  }
0x61: {  	v53 =	vpop (erf)  }
0x62: {  	v0 =	vsub.f32 $0.0e+00, v0;
	v54 =	vpop (erf)  }
0x63: {  	v2 =	vadd.f32 $1.000000000e+00, v54  }
0x64: {  	v0 =	vmul.f32 $1.442695020e+00, v0  }
0x65: {  	v55 =	vld [tilespmem:$0x230];
	(erf) = vrcp.f32 v2  }
0x66: {  	v56 =	vld [tilespmem:$0x2B0];
	(erf) = vpow2.f32 v0;
	_ =	sdelay $0x1  }
0x67: {  	v3 =	vld [tilespmem:$0x130];
	_ =	sdelay $0x2  }
0x68: {  	v0 =	vadd.f32 v56, v55;
	_ =	sdelay $0x1  }
0x69: {  	v0 =	vadd.f32 v3, v0  }
0x6a: {  	v57 =	vpop (erf)  }
0x6b: {  	v0 =	vsub.f32 $0.0e+00, v0;
	v3 =	vpop (erf)  }
0x6c: {  	v3 =	vadd.f32 $1.000000000e+00, v3  }
0x6d: {  	v0 =	vmul.f32 $1.442695020e+00, v0  }
0x6e: {  	v58 =	vld [tilespmem:$0x2C0];
	(erf) = vrcp.f32 v3  }
0x6f: {  	v3 =	vld [tilespmem:$0x240];
	(erf) = vpow2.f32 v0;
	_ =	sdelay $0x1  }
0x70: {  	v4 =	vld [tilespmem:$0x140];
	_ =	sdelay $0x2  }
0x71: {  	v0 =	vadd.f32 v58, v3;
	_ =	sdelay $0x1  }
0x72: {  	v0 =	vadd.f32 v4, v0  }
0x73: {  	v3 =	vpop (erf)  }
0x74: {  	v0 =	vsub.f32 $0.0e+00, v0;
	v4 =	vpop (erf)  }
0x75: {  	v4 =	vadd.f32 $1.000000000e+00, v4  }
0x76: {  	v0 =	vmul.f32 $1.442695020e+00, v0  }
0x77: {  	v59 =	vld [tilespmem:$0x2D0];
	(erf) = vrcp.f32 v4  }
0x78: {  	v4 =	vld [tilespmem:$0x250];
	(erf) = vpow2.f32 v0;
	_ =	sdelay $0x1  }
0x79: {  	v5 =	vld [tilespmem:$0x150];
	_ =	sdelay $0x2  }
0x7a: {  	v0 =	vadd.f32 v59, v4;
	_ =	sdelay $0x1  }
0x7b: {  	v0 =	vadd.f32 v5, v0  }
0x7c: {  	v4 =	vpop (erf)  }
0x7d: {  	v0 =	vsub.f32 $0.0e+00, v0;
	v5 =	vpop (erf)  }
0x7e: {  	v5 =	vadd.f32 $1.000000000e+00, v5  }
0x7f: {  	v0 =	vmul.f32 $1.442695020e+00, v0  }
0x80: {  	v60 =	vld [tilespmem:$0x2E0];
	(erf) = vrcp.f32 v5  }
0x81: {  	v5 =	vld [tilespmem:$0x260];
	(erf) = vpow2.f32 v0;
	_ =	sdelay $0x1  }
0x82: {  	v6 =	vld [tilespmem:$0x160];
	_ =	sdelay $0x2  }
0x83: {  	v0 =	vadd.f32 v60, v5;
	_ =	sdelay $0x1  }
0x84: {  	v0 =	vadd.f32 v6, v0  }
0x85: {  	v5 =	vpop (erf)  }
0x86: {  	v0 =	vsub.f32 $0.0e+00, v0;
	v6 =	vpop (erf)  }
0x87: {  	v6 =	vadd.f32 $1.000000000e+00, v6  }
0x88: {  	v0 =	vmul.f32 $1.442695020e+00, v0  }
0x89: {  	v61 =	vld [tilespmem:$0x2F0];
	(erf) = vrcp.f32 v6  }
0x8a: {  	v6 =	vld [tilespmem:$0x270];
	(erf) = vpow2.f32 v0;
	_ =	sdelay $0x1  }
0x8b: {  	v7 =	vld [tilespmem:$0x170];
	_ =	sdelay $0x2  }
0x8c: {  	v0 =	vadd.f32 v61, v6;
	_ =	sdelay $0x1  }
0x8d: {  	v0 =	vadd.f32 v7, v0  }
0x8e: {  	v6 =	vpop (erf)  }
0x8f: {  	v0 =	vsub.f32 $0.0e+00, v0;
	v7 =	vpop (erf)  }
0x90: {  	v7 =	vadd.f32 $1.000000000e+00, v7  }
0x91: {  	v0 =	vmul.f32 $1.442695020e+00, v0  }
0x92: {  	(erf) = vrcp.f32 v7  }
0x93: {  	(erf) = vpow2.f32 v0;
	_ =	sdelay $0x7  }
0x94: {  	v62 =	vpop (erf)  }
0x95: {  	v8 =	vld [tilespmem:$0x180];
	v7 =	vpop (erf)  }
0x96: {  	v9 =	vld [tilespmem:$0x190];
	v7 =	vadd.f32 $1.000000000e+00, v7;
	_ =	sdelay $0x1  }
0x97: {  	v10 =	vld [tilespmem:$0x1A0];
	(erf) = vrcp.f32 v7  }
0x98: {  	v11 =	vld [tilespmem:$0x1C0]  }
0x99: {  	v1 =	vmul.f32 v53, v8;
	v8 =	vld [tilespmem:$0x1D0]  }
0x9a: {  	v2 =	vmul.f32 v57, v9;
	v9 =	vld [tilespmem:$0x1E0]  }
0x9b: {  	v7 =	vld [tilespmem:$0x1B0]  }
0x9c: {  	[tilespmem:$0x300] =	vst v1;
	v63 =	vmul.f32 v3, v10;
	v3 =	vld [tilespmem:$0x1F0]  }
0x9d: {  	[tilespmem:$0x310] =	vst v2;
	v25 =	vmul.f32 v5, v11  }
0x9e: {  	[tilespmem:$0x320] =	vst v63;
	v26 =	vmul.f32 v6, v8  }
0x9f: {  	[tilespmem:$0x340] =	vst v25;
	v0 =	vmul.f32 v62, v9  }
0xa0: {  	[tilespmem:$0x350] =	vst v26;
	v24 =	vmul.f32 v4, v7;
	v27 =	vpop (erf)  }
0xa1: {  	[tilespmem:$0x360] =	vst v0;
	v1 =	vmul.f32 v27, v3  }
0xa2: {  	[tilespmem:$0x330] =	vst v24  }
0xa3: {  	[tilespmem:$0x370] =	vst v1  }
0xa4: {  	_ =	swait.ge [sflag:s25], $0x2000  }
0xa5: {  	s10 =	simm.s32 $0x0;
	[sflag:s25] =	ssyncset.done $0x0  }
0xa6: {  	s2 =	sand.u32 $0x3FFFFFF0, s10;
	[sflag:s25] =	ssyncadd.s32 $0xFFFFE000  }
0xa7: {  	v45 =	vld [tilespmem:s2+$0x300]  }
0xa8: {  	s4 =	simm.s32 $0x0  }
0xa9: {  	v6 =	vld [tilespmem:s4+$0x380];
	_ =	sdelay $0x1  }
0xaa: {  	v46 =	vimm.s32 $0x0;
	v17 =	vld [tilespmem:s4+$0x390]  }
0xab: {  	v46 =	vperm.xlane v45, v46  }
0xac: {  	v18 =	vld [tilespmem:s4+$0x3A0]  }
0xad: {  	v19 =	vld [tilespmem:s4+$0x3B0];
	v6 =	vmul.f32 v6, v46  }
0xae: {  	v20 =	vld [tilespmem:s4+$0x3C0]  }
0xaf: {  	[tilespmem:s4+$0x4380] =	vst v6;
	v6 =	vmul.f32 v17, v46;
	v17 =	vld [tilespmem:s4+$0x7A0]  }
0xb0: {  	v22 =	vld [tilespmem:s4+$0x3D0]  }
0xb1: {  	v23 =	vld [tilespmem:s4+$0x3E0]  }
0xb2: {  	v24 =	vld [tilespmem:s4+$0x3F0]  }
0xb3: {  	v28 =	vld [tilespmem:s4+$0x420]  }
0xb4: {  	[tilespmem:$0x1FDE0] =	vst v17;
	v17 =	vld [tilespmem:s4+$0x7B0]  }
0xb5: {  	v29 =	vld [tilespmem:s4+$0x430]  }
0xb6: {  	v31 =	vld [tilespmem:s4+$0x440]  }
0xb7: {  	v35 =	vld [tilespmem:s4+$0x470]  }
0xb8: {  	v36 =	vld [tilespmem:s4+$0x480];
	[tilespmem:s4+$0x4390] =	vst v6  }
0xb9: {  	v6 =	vmul.f32 v18, v46;
	[tilespmem:$0x1FDF0] =	vst v17;
	v17 =	vld [tilespmem:s4+$0x7C0]  }
0xba: {  	v37 =	vld [tilespmem:s4+$0x490]  }
0xbb: {  	v38 =	vld [tilespmem:s4+$0x4A0];
	[tilespmem:s4+$0x43A0] =	vst v6;
	v6 =	vmul.f32 v19, v46  }
0xbc: {  	v39 =	vld [tilespmem:s4+$0x4B0];
	v18 =	vmul.f32 v23, v46  }
0xbd: {  	v43 =	vld [tilespmem:s4+$0x4C0];
	v19 =	vmul.f32 v24, v46;
	[tilespmem:s4+$0x43B0] =	vst v6;
	v6 =	vmul.f32 v20, v46  }
0xbe: {  	v42 =	vld [tilespmem:s4+$0x740];
	[tilespmem:$0x1FE00] =	vst v17;
	v17 =	vmul.f32 v22, v46;
	v46 =	vperm.xlane v45, v49  }
0xbf: {  	v47 =	vld [tilespmem:s4+$0x4D0]  }
0xc0: {  	v0 =	vld [tilespmem:s4+$0x4E0];
	v22 =	vmul.f32 v28, v46;
	v28 =	vmul.f32 v35, v46;
	v35 =	vimm.s32 $0x2  }
0xc1: {  	v1 =	vld [tilespmem:s4+$0x4F0];
	v35 =	vperm.xlane v45, v35  }
0xc2: {  	v2 =	vld [tilespmem:s4+$0x500];
	v23 =	vmul.f32 v29, v46  }
0xc3: {  	[tilespmem:$0x1FD90] =	vst v42;
	v42 =	vld [tilespmem:s4+$0x750];
	v24 =	vmul.f32 v31, v46;
	v31 =	vmul.f32 v38, v35  }
0xc4: {  	v3 =	vld [tilespmem:s4+$0x510];
	v38 =	vmul.f32 v39, v35;
	v39 =	vmul.f32 v43, v35  }
0xc5: {  	v7 =	vld [tilespmem:s4+$0x540];
	[tilespmem:s4+$0x4470] =	vst v28;
	v28 =	vmul.f32 v36, v35;
	v29 =	vmul.f32 v37, v35  }
0xc6: {  	v4 =	vld [tilespmem:s4+$0x520];
	v43 =	vmul.f32 v47, v35;
	v47 =	vmul.f32 v0, v35;
	[tilespmem:s4+$0x44C0] =	vst v39;
	v39 =	vimm.s32 $0x3  }
0xc7: {  	v44 =	vld [tilespmem:s4+$0x550];
	v1 =	vmul.f32 v1, v35;
	v35 =	vperm.xlane v45, v39  }
0xc8: {  	v5 =	vld [tilespmem:s4+$0x530];
	[tilespmem:$0x1FDA0] =	vst v42  }
0xc9: {  	v48 =	vld [tilespmem:s4+$0x560];
	[tilespmem:s4+$0x44D0] =	vst v43;
	v43 =	vmul.f32 v2, v35  }
0xca: {  	v50 =	vld [tilespmem:s4+$0x570];
	[tilespmem:s4+$0x44F0] =	vst v1;
	v1 =	vmul.f32 v7, v35  }
0xcb: {  	v51 =	vld [tilespmem:s4+$0x580];
	[tilespmem:s4+$0x4500] =	vst v43;
	v43 =	vmul.f32 v3, v35  }
0xcc: {  	v52 =	vld [tilespmem:s4+$0x590];
	[tilespmem:s4+$0x4540] =	vst v1;
	v1 =	vmul.f32 v44, v35  }
0xcd: {  	v53 =	vld [tilespmem:s4+$0x5A0];
	[tilespmem:s4+$0x4510] =	vst v43;
	v43 =	vmul.f32 v4, v35  }
0xce: {  	v42 =	vld [tilespmem:s4+$0x760];
	[tilespmem:s4+$0x4550] =	vst v1;
	v1 =	vmul.f32 v48, v35  }
0xcf: {  	v56 =	vld [tilespmem:s4+$0x5C0];
	[tilespmem:s4+$0x4520] =	vst v43;
	v43 =	vmul.f32 v5, v35;
	v35 =	vmul.f32 v50, v35;
	v50 =	vimm.s32 $0x4  }
0xd0: {  	v55 =	vld [tilespmem:s4+$0x5B0];
	[tilespmem:s4+$0x4560] =	vst v1;
	v1 =	vperm.xlane v45, v50  }
0xd1: {  	v60 =	vld [tilespmem:s4+$0x5D0]  }
0xd2: {  	v63 =	vld [tilespmem:s4+$0x5E0];
	v53 =	vmul.f32 v53, v1  }
0xd3: {  	v8 =	vld [tilespmem:s4+$0x5F0];
	[tilespmem:$0x1FDB0] =	vst v42  }
0xd4: {  	[tilespmem:s4+$0x45A0] =	vst v53;
	v53 =	vmul.f32 v56, v1  }
0xd5: {  	[tilespmem:s4+$0x4570] =	vst v35;
	v35 =	vmul.f32 v51, v1  }
0xd6: {  	v42 =	vld [tilespmem:s4+$0x770];
	[tilespmem:s4+$0x45C0] =	vst v53;
	v53 =	vmul.f32 v60, v1  }
0xd7: {  	v2 =	vmul.f32 v55, v1;
	[tilespmem:s4+$0x4580] =	vst v35;
	v35 =	vmul.f32 v52, v1  }
0xd8: {  	[tilespmem:s4+$0x45D0] =	vst v53;
	v53 =	vmul.f32 v63, v1;
	v1 =	vmul.f32 v8, v1;
	v8 =	vld [tilespmem:s4+$0xA80]  }
0xd9: {  	v25 =	vld [tilespmem:s4+$0x400]  }
0xda: {  	v27 =	vld [tilespmem:s4+$0x410]  }
0xdb: {  	[tilespmem:$0x1FDC0] =	vst v42;
	v42 =	vld [tilespmem:s4+$0x780]  }
0xdc: {  	v32 =	vld [tilespmem:s4+$0x450];
	[tilespmem:s4+$0x43E0] =	vst v18  }
0xdd: {  	[tilespmem:$0x1FEB0] =	vst v8;
	v8 =	vld [tilespmem:s4+$0xAA0]  }
0xde: {  	v34 =	vld [tilespmem:s4+$0x460];
	[tilespmem:s4+$0x43F0] =	vst v19  }
0xdf: {  	[tilespmem:s4+$0x43C0] =	vst v6;
	v3 =	vld [tilespmem:s4+$0xA00]  }
0xe0: {  	v16 =	vld [tilespmem:s4+$0x600];
	[tilespmem:$0x1FDD0] =	vst v42  }
0xe1: {  	v15 =	vld [tilespmem:s4+$0x610];
	[tilespmem:s4+$0x43D0] =	vst v17;
	v19 =	vmul.f32 v25, v46  }
0xe2: {  	[tilespmem:$0x1FEC0] =	vst v8;
	v8 =	vld [tilespmem:s4+$0xAB0]  }
0xe3: {  	v14 =	vld [tilespmem:s4+$0x620];
	[tilespmem:s4+$0x4400] =	vst v19  }
0xe4: {  	v13 =	vld [tilespmem:s4+$0x630];
	[tilespmem:$0x1FE60] =	vst v3  }
0xe5: {  	v3 =	vld [tilespmem:s4+$0xA10];
	[tilespmem:s4+$0x45B0] =	vst v2  }
0xe6: {  	v9 =	vld [tilespmem:s4+$0x640];
	v20 =	vmul.f32 v27, v46;
	[tilespmem:s4+$0x45E0] =	vst v53;
	v53 =	vimm.s32 $0x5  }
0xe7: {  	v2 =	vperm.xlane v45, v53;
	[tilespmem:$0x1FEE0] =	vst v8;
	v8 =	vld [tilespmem:s4+$0xAC0]  }
0xe8: {  	v10 =	vld [tilespmem:s4+$0x650];
	[tilespmem:s4+$0x4410] =	vst v20  }
0xe9: {  	v12 =	vld [tilespmem:s4+$0x660];
	[tilespmem:s4+$0x4420] =	vst v22;
	v53 =	vmul.f32 v16, v2  }
0xea: {  	[tilespmem:$0x1FE70] =	vst v3;
	v3 =	vld [tilespmem:s4+$0xA20]  }
0xeb: {  	v11 =	vld [tilespmem:s4+$0x670];
	[tilespmem:s4+$0x4600] =	vst v53  }
0xec: {  	v53 =	vmul.f32 v15, v2;
	[tilespmem:$0x1FF00] =	vst v8;
	v8 =	vld [tilespmem:s4+$0xAD0]  }
0xed: {  	v21 =	vld [tilespmem:s4+$0x680];
	[tilespmem:s4+$0x4430] =	vst v23  }
0xee: {  	v26 =	vld [tilespmem:s4+$0x690];
	[tilespmem:s4+$0x4610] =	vst v53;
	v53 =	vmul.f32 v14, v2  }
0xef: {  	[tilespmem:$0x1FE80] =	vst v3;
	v3 =	vld [tilespmem:s4+$0xA30]  }
0xf0: {  	v30 =	vld [tilespmem:s4+$0x6A0];
	[tilespmem:s4+$0x4620] =	vst v53  }
0xf1: {  	v53 =	vmul.f32 v13, v2;
	[tilespmem:$0x1FF20] =	vst v8;
	v8 =	vld [tilespmem:s4+$0xAE0]  }
0xf2: {  	v62 =	vld [tilespmem:s4+$0x6B0];
	[tilespmem:s4+$0x4440] =	vst v24  }
0xf3: {  	v33 =	vld [tilespmem:s4+$0x6C0];
	[tilespmem:s4+$0x4630] =	vst v53;
	v53 =	vmul.f32 v9, v2  }
0xf4: {  	[tilespmem:$0x1FE90] =	vst v3;
	v3 =	vld [tilespmem:s4+$0xA60]  }
0xf5: {  	v61 =	vld [tilespmem:s4+$0x6D0];
	[tilespmem:s4+$0x4640] =	vst v53  }
0xf6: {  	v53 =	vmul.f32 v10, v2;
	[tilespmem:$0x1FF40] =	vst v8;
	v8 =	vld [tilespmem:s4+$0xB00]  }
0xf7: {  	v40 =	vld [tilespmem:s4+$0x6E0];
	[tilespmem:s4+$0x45F0] =	vst v1  }
0xf8: {  	v59 =	vld [tilespmem:s4+$0x6F0];
	[tilespmem:s4+$0x4650] =	vst v53;
	v53 =	vmul.f32 v12, v2  }
0xf9: {  	v58 =	vld [tilespmem:s4+$0x700];
	[tilespmem:$0x1FEA0] =	vst v3  }
0xfa: {  	v57 =	vld [tilespmem:s4+$0x710];
	v32 =	vmul.f32 v32, v46;
	[tilespmem:s4+$0x4660] =	vst v53;
	v53 =	vimm.s32 $0x6  }
0xfb: {  	v3 =	vmul.f32 v11, v2;
	v1 =	vperm.xlane v45, v53;
	[tilespmem:$0x1FF60] =	vst v8;
	v8 =	vld [tilespmem:s4+$0xB10]  }
0xfc: {  	v54 =	vld [tilespmem:s4+$0x720];
	v34 =	vmul.f32 v34, v46;
	[tilespmem:s4+$0x4450] =	vst v32  }
0xfd: {  	v41 =	vld [tilespmem:s4+$0x730];
	[tilespmem:s4+$0x4670] =	vst v3;
	v3 =	vmul.f32 v21, v1  }
0xfe: {  	v18 =	vld [tilespmem:s4+$0x800];
	[tilespmem:s4+$0x4460] =	vst v34  }
0xff: {  	v6 =	vld [tilespmem:s4+$0x7D0];
	[tilespmem:s4+$0x4680] =	vst v3  }
0x100: {  	v3 =	vmul.f32 v26, v1;
	[tilespmem:$0x1FF80] =	vst v8;
	v8 =	vld [tilespmem:s4+$0xB20]  }
0x101: {  	v49 =	vld [tilespmem:s4+$0x7F0];
	[tilespmem:s4+$0x4480] =	vst v28  }
0x102: {  	v42 =	vld [tilespmem:s4+$0x790];
	[tilespmem:s4+$0x4690] =	vst v3;
	v3 =	vmul.f32 v30, v1  }
0x103: {  	v17 =	vld [tilespmem:s4+$0x7E0];
	[tilespmem:s4+$0x4490] =	vst v29  }
0x104: {  	v25 =	vld [tilespmem:s4+$0x860];
	[tilespmem:s4+$0x46A0] =	vst v3  }
0x105: {  	v3 =	vmul.f32 v62, v1;
	[tilespmem:$0x1FFA0] =	vst v8;
	v8 =	vld [tilespmem:s4+$0xB30]  }
0x106: {  	v46 =	vld [tilespmem:s4+$0x870];
	[tilespmem:s4+$0x44A0] =	vst v31  }
0x107: {  	v27 =	vld [tilespmem:s4+$0x880];
	[tilespmem:s4+$0x46B0] =	vst v3;
	v3 =	vmul.f32 v33, v1  }
0x108: {  	v19 =	vld [tilespmem:s4+$0x810];
	[tilespmem:s4+$0x44B0] =	vst v38  }
0x109: {  	v20 =	vld [tilespmem:s4+$0x820];
	[tilespmem:s4+$0x46C0] =	vst v3;
	v3 =	vmul.f32 v61, v1  }
0x10a: {  	[tilespmem:$0x1FFB0] =	vst v8;
	v8 =	vld [tilespmem:s4+$0xB40]  }
0x10b: {  	v22 =	vld [tilespmem:s4+$0x830];
	[tilespmem:s4+$0x46D0] =	vst v3;
	v3 =	vmul.f32 v40, v1  }
0x10c: {  	v23 =	vld [tilespmem:s4+$0x840];
	[tilespmem:s4+$0x44E0] =	vst v47  }
0x10d: {  	v24 =	vld [tilespmem:s4+$0x850];
	[tilespmem:s4+$0x46E0] =	vst v3;
	v3 =	vimm.s32 $0x7  }
0x10e: {  	[tilespmem:s4+$0x4530] =	vst v43;
	v61 =	vld [tilespmem:$0x1FD90];
	v9 =	vperm.xlane v45, v3  }
0x10f: {  	v1 =	vmul.f32 v59, v1;
	[tilespmem:$0x1FFD0] =	vst v8;
	v8 =	vld [tilespmem:s4+$0xB50]  }
0x110: {  	[tilespmem:s4+$0x4590] =	vst v35;
	v11 =	vld [tilespmem:$0x1FDC0];
	v53 =	vmul.f32 v58, v9  }
0x111: {  	v62 =	vld [tilespmem:$0x1FDA0];
	[tilespmem:s4+$0x46F0] =	vst v1;
	v57 =	vmul.f32 v57, v9  }
0x112: {  	v32 =	vld [tilespmem:s4+$0x8C0];
	[tilespmem:s4+$0x4700] =	vst v53  }
0x113: {  	v33 =	vld [tilespmem:$0x1FDB0];
	v58 =	vmul.f32 v54, v9;
	[tilespmem:s4+$0x4710] =	vst v57  }
0x114: {  	v34 =	vld [tilespmem:s4+$0x8D0];
	v1 =	vmul.f32 v61, v9;
	[tilespmem:$0x1FFE0] =	vst v8;
	v8 =	vimm.s32 $0x8  }
0x115: {  	v40 =	vld [tilespmem:$0x1FDD0];
	v11 =	vmul.f32 v11, v9;
	[tilespmem:s4+$0x4720] =	vst v58;
	v10 =	vperm.xlane v45, v8  }
0x116: {  	v0 =	vld [tilespmem:s4+$0x8E0];
	[tilespmem:s4+$0x4740] =	vst v1;
	v1 =	vmul.f32 v62, v9  }
0x117: {  	v59 =	vmul.f32 v41, v9;
	v41 =	vld [tilespmem:$0x1FDE0];
	[tilespmem:s4+$0x4770] =	vst v11;
	v11 =	vmul.f32 v42, v10  }
0x118: {  	[tilespmem:s4+$0x4750] =	vst v1;
	v1 =	vmul.f32 v33, v9;
	v42 =	vld [tilespmem:$0x1FE00]  }
0x119: {  	[tilespmem:s4+$0x4790] =	vst v11;
	v11 =	vld [tilespmem:$0x1FDF0]  }
0x11a: {  	v36 =	vld [tilespmem:s4+$0x900];
	[tilespmem:s4+$0x4760] =	vst v1;
	v1 =	vmul.f32 v40, v10  }
0x11b: {  	v37 =	vld [tilespmem:s4+$0x910];
	[tilespmem:s4+$0x4730] =	vst v59;
	v6 =	vmul.f32 v6, v10  }
0x11c: {  	v28 =	vld [tilespmem:s4+$0x890];
	[tilespmem:s4+$0x4780] =	vst v1;
	v1 =	vmul.f32 v41, v10  }
0x11d: {  	v29 =	vld [tilespmem:s4+$0x8A0];
	v53 =	vmul.f32 v17, v10;
	[tilespmem:s4+$0x47D0] =	vst v6;
	v6 =	vmul.f32 v49, v10  }
0x11e: {  	v31 =	vld [tilespmem:s4+$0x8B0];
	[tilespmem:s4+$0x47A0] =	vst v1;
	v1 =	vmul.f32 v42, v10;
	v11 =	vmul.f32 v11, v10;
	v10 =	vimm.s32 $0x9  }
0x11f: {  	v47 =	vld [tilespmem:s4+$0x8F0];
	[tilespmem:s4+$0x47E0] =	vst v53;
	v10 =	vperm.xlane v45, v10  }
0x120: {  	v38 =	vld [tilespmem:s4+$0x920];
	[tilespmem:s4+$0x47C0] =	vst v1  }
0x121: {  	s2 =	simm.s32 $0x800;
	v39 =	vld [tilespmem:s4+$0x930];
	[tilespmem:s4+$0x47B0] =	vst v11;
	v54 =	vmul.f32 v18, v10  }
0x122: {  	v30 =	vld [tilespmem:s2+$0x380];
	[tilespmem:s4+$0x47F0] =	vst v6;
	v6 =	vmul.f32 v19, v10  }
0x123: {  	v57 =	vmul.f32 v20, v10;
	v13 =	vld [tilespmem:s2+$0x390];
	[tilespmem:s4+$0x4800] =	vst v54  }
0x124: {  	v11 =	vld [tilespmem:s2+$0x3A0];
	[tilespmem:s4+$0x4810] =	vst v6;
	v6 =	vmul.f32 v22, v10  }
0x125: {  	v58 =	vmul.f32 v23, v10;
	v14 =	vld [tilespmem:s2+$0x3B0];
	[tilespmem:s4+$0x4820] =	vst v57  }
0x126: {  	v12 =	vld [tilespmem:s2+$0x3C0];
	[tilespmem:s4+$0x4830] =	vst v6;
	v6 =	vmul.f32 v24, v10  }
0x127: {  	v42 =	vld [tilespmem:s2+$0x3D0];
	[tilespmem:s4+$0x4840] =	vst v58  }
0x128: {  	v59 =	vmul.f32 v25, v10;
	v15 =	vld [tilespmem:s2+$0x3E0];
	[tilespmem:s4+$0x4850] =	vst v6;
	v6 =	vmul.f32 v46, v10;
	v10 =	vimm.s32 $0xA  }
0x129: {  	v7 =	vld [tilespmem:s4+$0xA50];
	v10 =	vperm.xlane v45, v10  }
0x12a: {  	v44 =	vld [tilespmem:s4+$0x950]  }
0x12b: {  	v33 =	vld [tilespmem:s2+$0x3F0];
	[tilespmem:s4+$0x4860] =	vst v59;
	v61 =	vmul.f32 v27, v10  }
0x12c: {  	v16 =	vld [tilespmem:s2+$0x400];
	[tilespmem:s4+$0x4870] =	vst v6;
	v6 =	vmul.f32 v28, v10  }
0x12d: {  	v53 =	vld [tilespmem:s2+$0x410];
	[tilespmem:s4+$0x4880] =	vst v61  }
0x12e: {  	v17 =	vld [tilespmem:s2+$0x420];
	[tilespmem:s4+$0x4890] =	vst v6  }
0x12f: {  	v6 =	vld [tilespmem:s2+$0x430]  }
0x130: {  	v48 =	vld [tilespmem:s4+$0x960]  }
0x131: {  	v4 =	vld [tilespmem:s4+$0x9F0]  }
0x132: {  	v5 =	vld [tilespmem:s4+$0xA40]  }
0x133: {  	v50 =	vld [tilespmem:s4+$0x970];
	v62 =	vmul.f32 v29, v10  }
0x134: {  	v43 =	vld [tilespmem:s4+$0x940];
	[tilespmem:$0x1FE10] =	vst v6;
	v6 =	vmul.f32 v31, v10  }
0x135: {  	v51 =	vld [tilespmem:s4+$0x980];
	[tilespmem:s4+$0x48A0] =	vst v62  }
0x136: {  	v1 =	vld [tilespmem:s2+$0x440];
	[tilespmem:s4+$0x48B0] =	vst v6  }
0x137: {  	v6 =	vld [tilespmem:s2+$0x450]  }
0x138: {  	v55 =	vld [tilespmem:s4+$0x9B0]  }
0x139: {  	v52 =	vld [tilespmem:s4+$0x990]  }
0x13a: {  	v56 =	vld [tilespmem:s4+$0x9C0]  }
0x13b: {  	v35 =	vld [tilespmem:s4+$0x9A0];
	v24 =	vmul.f32 v32, v10  }
0x13c: {  	v60 =	vld [tilespmem:s4+$0x9D0];
	[tilespmem:$0x1FE30] =	vst v6;
	v6 =	vmul.f32 v34, v10  }
0x13d: {  	v63 =	vld [tilespmem:s4+$0x9E0];
	[tilespmem:s4+$0x48C0] =	vst v24  }
0x13e: {  	v32 =	vmov v15;
	v15 =	vld [tilespmem:s2+$0x460];
	[tilespmem:s4+$0x48D0] =	vst v6;
	v6 =	vimm.s32 $0xB  }
0x13f: {  	v2 =	vld [tilespmem:s4+$0xA70];
	v0 =	vmul.f32 v0, v10;
	v6 =	vperm.xlane v45, v6  }
0x140: {  	v26 =	vld [tilespmem:s4+$0xA90];
	v25 =	vmul.f32 v47, v10  }
0x141: {  	v40 =	vld [tilespmem:s2+$0x470];
	[tilespmem:s4+$0x48E0] =	vst v0;
	v27 =	vmul.f32 v36, v6  }
0x142: {  	v18 =	vld [tilespmem:s2+$0x480];
	[tilespmem:s4+$0x48F0] =	vst v25  }
0x143: {  	v41 =	vld [tilespmem:s2+$0x490];
	[tilespmem:s4+$0x4900] =	vst v27  }
0x144: {  	v0 =	vld [tilespmem:s2+$0x4A0]  }
0x145: {  	v3 =	vld [tilespmem:s4+$0xAF0];
	v34 =	vmul.f32 v37, v6  }
0x146: {  	v9 =	vld [tilespmem:s4+$0xB70];
	v36 =	vmul.f32 v38, v6  }
0x147: {  	v54 =	vmul.f32 v48, v6;
	v48 =	vld [tilespmem:$0x1FE90];
	[tilespmem:s4+$0x4910] =	vst v34  }
0x148: {  	v38 =	vmul.f32 v39, v6;
	v46 =	vld [tilespmem:s2+$0x4B0];
	[tilespmem:s4+$0x4920] =	vst v36  }
0x149: {  	[tilespmem:$0x1FE40] =	vst v0;
	v0 =	vld [tilespmem:s2+$0x4C0]  }
0x14a: {  	v39 =	vmul.f32 v43, v6;
	[tilespmem:s4+$0x4930] =	vst v38;
	v38 =	vld [tilespmem:$0x1FE60]  }
0x14b: {  	v43 =	vmul.f32 v44, v6;
	v61 =	vmul.f32 v50, v6;
	v6 =	vimm.s32 $0xC;
	v49 =	vld [tilespmem:s2+$0x4D0]  }
0x14c: {  	v10 =	vperm.xlane v45, v6;
	[tilespmem:s4+$0x4940] =	vst v39;
	v39 =	vld [tilespmem:$0x1FE70]  }
0x14d: {  	v47 =	vld [tilespmem:s2+$0x4E0];
	[tilespmem:s4+$0x4950] =	vst v43  }
0x14e: {  	v62 =	vmul.f32 v51, v10;
	v57 =	vld [tilespmem:s2+$0x4F0];
	[tilespmem:s4+$0x4960] =	vst v54  }
0x14f: {  	v24 =	vmul.f32 v52, v10;
	v50 =	vld [tilespmem:s2+$0x500];
	[tilespmem:s4+$0x4970] =	vst v61  }
0x150: {  	v25 =	vmul.f32 v35, v10;
	v58 =	vld [tilespmem:s2+$0x510];
	[tilespmem:s4+$0x4980] =	vst v62  }
0x151: {  	v27 =	vmul.f32 v55, v10;
	v54 =	vld [tilespmem:s2+$0x520];
	[tilespmem:s4+$0x4990] =	vst v24  }
0x152: {  	v6 =	vmul.f32 v56, v10;
	v61 =	vld [tilespmem:s2+$0x530];
	[tilespmem:s4+$0x49A0] =	vst v25  }
0x153: {  	v34 =	vmul.f32 v60, v10;
	v59 =	vld [tilespmem:s2+$0x540];
	[tilespmem:s4+$0x49B0] =	vst v27  }
0x154: {  	v37 =	vmovc v11;
	v56 =	vmov v16;
	v11 =	vmul.f32 v63, v10;
	v36 =	vimm.s32 $0xD;
	v16 =	vld [tilespmem:s2+$0x550];
	[tilespmem:s4+$0x49C0] =	vst v6  }
0x155: {  	v35 =	vmul.f32 v4, v10;
	v4 =	vperm.xlane v45, v36;
	v62 =	vld [tilespmem:s2+$0x560];
	[tilespmem:s4+$0x49D0] =	vst v34  }
0x156: {  	v6 =	vld [tilespmem:s2+$0x570];
	[tilespmem:s4+$0x49E0] =	vst v11  }
0x157: {  	v60 =	vmov v17;
	v10 =	vmul.f32 v38, v4;
	v17 =	vld [tilespmem:s2+$0x580];
	[tilespmem:s4+$0x49F0] =	vst v35  }
0x158: {  	v55 =	vmov v14;
	v14 =	vld [tilespmem:s2+$0x590]  }
0x159: {  	[tilespmem:s4+$0x4A00] =	vst v10;
	v10 =	vld [tilespmem:$0x1FE80]  }
0x15a: {  	v36 =	vld [tilespmem:$0x1FEC0]  }
0x15b: {  	v44 =	vld [tilespmem:s2+$0x5A0]  }
0x15c: {  	v43 =	vmul.f32 v39, v4;
	v24 =	vld [tilespmem:$0x1FEA0];
	v27 =	vimm.s32 $0xE  }
0x15d: {  	v25 =	vmul.f32 v2, v4;
	v2 =	vperm.xlane v45, v27;
	v27 =	vld [tilespmem:$0x1FF20]  }
0x15e: {  	v34 =	vld [tilespmem:$0x1FEB0];
	[tilespmem:s4+$0x4A10] =	vst v43;
	v10 =	vmul.f32 v10, v4  }
0x15f: {  	[tilespmem:$0x1FE20] =	vst v1;
	v1 =	vmul.f32 v48, v4;
	v63 =	vld [tilespmem:s2+$0x5B0]  }
0x160: {  	v5 =	vmul.f32 v5, v4;
	v51 =	vmul.f32 v7, v4;
	v7 =	vmov v44;
	v44 =	vld [tilespmem:$0x1FEE0];
	[tilespmem:s4+$0x4A20] =	vst v10  }
0x161: {  	v21 =	vld [tilespmem:s2+$0x5C0];
	[tilespmem:s4+$0x4A30] =	vst v1  }
0x162: {  	v23 =	vld [tilespmem:s2+$0x5D0];
	[tilespmem:s4+$0x4A40] =	vst v5;
	v5 =	vmul.f32 v24, v4  }
0x163: {  	v10 =	vld [tilespmem:s2+$0x5E0];
	[tilespmem:s4+$0x4A50] =	vst v51  }
0x164: {  	v38 =	vld [tilespmem:s2+$0x5F0];
	[tilespmem:s4+$0x4A60] =	vst v5  }
0x165: {  	v39 =	vld [tilespmem:s2+$0x600]  }
0x166: {  	v4 =	vmul.f32 v34, v2;
	[tilespmem:s4+$0x4A70] =	vst v25;
	v25 =	vld [tilespmem:$0x1FF00]  }
0x167: {  	v35 =	vmul.f32 v26, v2;
	v51 =	vld [tilespmem:s2+$0x610]  }
0x168: {  	[tilespmem:s4+$0x4A80] =	vst v4;
	v4 =	vmul.f32 v36, v2;
	v36 =	vld [tilespmem:$0x1FF40]  }
0x169: {  	v19 =	vld [tilespmem:s2+$0x620];
	[tilespmem:s4+$0x4A90] =	vst v35  }
0x16a: {  	v48 =	vmul.f32 v44, v2;
	v43 =	vld [tilespmem:s2+$0x630];
	[tilespmem:s4+$0x4AA0] =	vst v4  }
0x16b: {  	v24 =	vld [tilespmem:s2+$0x640]  }
0x16c: {  	[tilespmem:s4+$0x4AB0] =	vst v48;
	v48 =	vld [tilespmem:$0x1FF80];
	v4 =	vmul.f32 v25, v2  }
0x16d: {  	[tilespmem:$0x1FE50] =	vst v0;
	v26 =	vld [tilespmem:s2+$0x650]  }
0x16e: {  	v34 =	vmul.f32 v27, v2;
	v25 =	vld [tilespmem:$0x1FFA0];
	[tilespmem:s4+$0x4AC0] =	vst v4  }
0x16f: {  	v4 =	vmul.f32 v36, v2;
	v2 =	vmul.f32 v3, v2;
	v3 =	vld [tilespmem:$0x1FF60];
	[tilespmem:$0x1FED0] =	vst v43  }
0x170: {  	v35 =	vld [tilespmem:s2+$0x660];
	[tilespmem:s4+$0x4AD0] =	vst v34  }
0x171: {  	[tilespmem:$0x1FEF0] =	vst v24;
	v43 =	vld [tilespmem:s2+$0x670]  }
0x172: {  	v44 =	vimm.s32 $0xF;
	v34 =	vld [tilespmem:$0x1FFD0];
	[tilespmem:s4+$0x4AE0] =	vst v4  }
0x173: {  	v1 =	vperm.xlane v45, v44;
	[tilespmem:$0x1FF10] =	vst v26;
	v26 =	vld [tilespmem:$0x1FFB0]  }
0x174: {  	v0 =	vld [tilespmem:s2+$0x680];
	[tilespmem:s4+$0x4AF0] =	vst v2  }
0x175: {  	v8 =	vld [tilespmem:s4+$0xB60];
	v3 =	vmul.f32 v3, v1;
	[tilespmem:$0x1FF30] =	vst v35  }
0x176: {  	v4 =	vmul.f32 v48, v1;
	v2 =	vld [tilespmem:s2+$0x690];
	[tilespmem:$0x1FF50] =	vst v43  }
0x177: {  	v35 =	vld [tilespmem:$0x1FFE0];
	[tilespmem:s4+$0x4B00] =	vst v3;
	v3 =	vmul.f32 v25, v1  }
0x178: {  	v24 =	vld [tilespmem:s2+$0x6A0];
	[tilespmem:s4+$0x4B10] =	vst v4;
	v5 =	vmul.f32 v26, v1  }
0x179: {  	v11 =	vmul.f32 v34, v1;
	v48 =	vld [tilespmem:s2+$0x6B0];
	[tilespmem:s4+$0x4B20] =	vst v3  }
0x17a: {  	v27 =	vld [tilespmem:s2+$0x6C0];
	[tilespmem:s4+$0x4B30] =	vst v5  }
0x17b: {  	v44 =	vld [tilespmem:s2+$0x6D0];
	[tilespmem:s4+$0x4B40] =	vst v11  }
0x17c: {  	v52 =	vmov v12;
	[tilespmem:$0x1FF70] =	vst v2;
	v12 =	vmul.f32 v35, v1;
	v36 =	vld [tilespmem:s2+$0x6E0]  }
0x17d: {  	v43 =	vmul.f32 v8, v1;
	[tilespmem:$0x1FF90] =	vst v24  }
0x17e: {  	[tilespmem:s4+$0x4B50] =	vst v12  }
0x17f: {  	v8 =	vld [tilespmem:s2+$0x6F0];
	[tilespmem:s4+$0x4B60] =	vst v43  }
0x180: {  	v45 =	vmov v18;
	v9 =	vmul.f32 v9, v1;
	[tilespmem:$0x1FFC0] =	vst v27  }
0x181: {  	s9 =	simm.s32 $0x2;
	s10 =	simm.s32 $0x10;
	v4 =	vimm.s32 $0x5;
	v11 =	vmovc v14;
	v14 =	vmovc v10;
	v12 =	vmov v13;
	v13 =	vmov v0;
	[tilespmem:$0x1FFF0] =	vst v36  }
.LBB2_5:
0x182: {  	s10 =	sand.u32 $0x3FFFFFF0, s10;
	v0 =	vld [tilespmem:s2+$0x700];
	[tilespmem:s4+$0x4B70] =	vst v9  }
0x183: {  	s4 =	smov.u32 s2;
	v9 =	vld [tilespmem:s10+$0x300]  }
0x184: {  	v36 =	vld [tilespmem:s4+$0x730]  }
0x185: {  	v43 =	vld [tilespmem:s4+$0x740]  }
0x186: {  	v26 =	vld [tilespmem:s4+$0x750]  }
0x187: {  	v35 =	vld [tilespmem:s4+$0x760]  }
0x188: {  	v24 =	vimm.s32 $0x0;
	[tilespmem:$0x1FBC0] =	vst v0  }
0x189: {  	[tilespmem:$0x1FBE0] =	vst v36;
	v18 =	vperm.xlane v9, v24  }
0x18a: {  	v25 =	vimm.s32 $0x1;
	[tilespmem:$0x1FBF0] =	vst v43  }
0x18b: {  	v24 =	vperm.xlane v9, v25;
	[tilespmem:$0x1FC00] =	vst v26;
	v25 =	vmul.f32 v37, v18  }
0x18c: {  	v27 =	vimm.s32 $0x2;
	[tilespmem:$0x1FC10] =	vst v35;
	v26 =	vmul.f32 v52, v18  }
0x18d: {  	v28 =	vperm.xlane v9, v27;
	v27 =	vmul.f32 v42, v18;
	[tilespmem:s4+$0x43A0] =	vst v25  }
0x18e: {  	v20 =	vmul.f32 v30, v18;
	v30 =	vmul.f32 v32, v18;
	[tilespmem:s4+$0x43C0] =	vst v26  }
0x18f: {  	v32 =	vmul.f32 v56, v24;
	[tilespmem:s4+$0x43D0] =	vst v27  }
0x190: {  	v34 =	vimm.s32 $0x3;
	v31 =	vmul.f32 v33, v18;
	v33 =	vmul.f32 v53, v24;
	[tilespmem:s4+$0x43E0] =	vst v30  }
0x191: {  	v29 =	vperm.xlane v9, v34;
	v34 =	vmul.f32 v60, v24;
	[tilespmem:s4+$0x4400] =	vst v32  }
0x192: {  	v1 =	vld [tilespmem:s4+$0x720];
	v40 =	vmul.f32 v40, v24;
	[tilespmem:s4+$0x4410] =	vst v33  }
0x193: {  	v5 =	vmov v39;
	v36 =	vld [tilespmem:s4+$0x770];
	v39 =	vmul.f32 v45, v28;
	[tilespmem:s4+$0x4420] =	vst v34  }
0x194: {  	v43 =	vld [tilespmem:s4+$0x790];
	v41 =	vmul.f32 v41, v28;
	[tilespmem:s4+$0x4470] =	vst v40  }
0x195: {  	v52 =	vld [tilespmem:s4+$0x7A0];
	v46 =	vmul.f32 v46, v28;
	[tilespmem:s4+$0x4480] =	vst v39  }
0x196: {  	v53 =	vld [tilespmem:s4+$0x7B0];
	v49 =	vmul.f32 v49, v28;
	[tilespmem:s4+$0x4490] =	vst v41  }
0x197: {  	v2 =	vmov v23;
	v23 =	vmul.f32 v55, v18;
	v55 =	vld [tilespmem:$0x1FE10];
	v47 =	vmul.f32 v47, v28;
	[tilespmem:s4+$0x44B0] =	vst v46  }
0x198: {  	v60 =	vld [tilespmem:$0x1FE20];
	[tilespmem:s4+$0x44D0] =	vst v49  }
0x199: {  	v42 =	vld [tilespmem:s4+$0x7E0];
	[tilespmem:s4+$0x44E0] =	vst v47  }
0x19a: {  	v45 =	vld [tilespmem:$0x1FE40];
	v27 =	vmul.f32 v15, v24;
	[tilespmem:$0x1FC20] =	vst v36  }
0x19b: {  	v25 =	vld [tilespmem:$0x1FE30];
	[tilespmem:$0x1FC30] =	vst v43  }
0x19c: {  	v0 =	vld [tilespmem:s4+$0x710];
	v22 =	vmul.f32 v12, v18;
	v33 =	vimm.s32 $0x6;
	[tilespmem:s4+$0x4460] =	vst v27  }
0x19d: {  	v50 =	vmul.f32 v50, v29;
	v26 =	vld [tilespmem:s4+$0x7D0];
	v40 =	vperm.xlane v9, v33;
	[tilespmem:$0x1FC40] =	vst v52  }
0x19e: {  	v39 =	vld [tilespmem:$0x1FFC0];
	[tilespmem:$0x1FC50] =	vst v53;
	v35 =	vmul.f32 v55, v24;
	v36 =	vmul.f32 v60, v24  }
0x19f: {  	[tilespmem:$0x1FC80] =	vst v42;
	v42 =	vmul.f32 v45, v28;
	v52 =	vld [tilespmem:s4+$0x800];
	v30 =	vmul.f32 v48, v40  }
0x1a0: {  	v53 =	vld [tilespmem:$0x1FE50];
	v37 =	vmul.f32 v25, v24;
	[tilespmem:s4+$0x4430] =	vst v35;
	v35 =	vmul.f32 v54, v29  }
0x1a1: {  	v55 =	vld [tilespmem:s4+$0x810];
	v54 =	vmul.f32 v61, v29;
	[tilespmem:s4+$0x4440] =	vst v36;
	v36 =	vmul.f32 v59, v29  }
0x1a2: {  	v34 =	vimm.s32 $0x7;
	v60 =	vld [tilespmem:s4+$0x830];
	[tilespmem:$0x1FC70] =	vst v26;
	v59 =	vmul.f32 v16, v29;
	v61 =	vmul.f32 v6, v29  }
0x1a3: {  	v47 =	vld [tilespmem:$0x1FEF0];
	v26 =	vimm.s32 $0x4;
	v6 =	vmovc v51;
	v51 =	vperm.xlane v9, v34;
	[tilespmem:s4+$0x44A0] =	vst v42;
	v48 =	vmul.f32 v39, v40  }
0x1a4: {  	v24 =	vld [tilespmem:s4+$0x840];
	v27 =	vperm.xlane v9, v26;
	[tilespmem:s4+$0x4450] =	vst v37;
	v37 =	vmul.f32 v62, v29  }
0x1a5: {  	v25 =	vld [tilespmem:s4+$0x850];
	v62 =	vperm.xlane v9, v4;
	v39 =	vmul.f32 v0, v51;
	[tilespmem:$0x1FCA0] =	vst v52  }
0x1a6: {  	v45 =	vld [tilespmem:$0x1FED0];
	v32 =	vmul.f32 v53, v28;
	[tilespmem:$0x1FCB0] =	vst v55;
	v52 =	vmul.f32 v17, v27  }
0x1a7: {  	[tilespmem:$0x1FCD0] =	vst v60;
	v53 =	vmul.f32 v11, v27;
	v55 =	vmul.f32 v63, v27;
	v63 =	vld [tilespmem:$0x1FF10]  }
0x1a8: {  	v41 =	vmul.f32 v7, v27;
	v42 =	vmul.f32 v21, v27;
	[tilespmem:s4+$0x4560] =	vst v37;
	v37 =	vld [tilespmem:$0x1FC10]  }
0x1a9: {  	v3 =	vmov v38;
	v60 =	vmul.f32 v2, v27;
	v46 =	vmul.f32 v14, v27;
	[tilespmem:$0x1FCE0] =	vst v24;
	v24 =	vld [tilespmem:$0x1FF30]  }
0x1aa: {  	v10 =	vmul.f32 v3, v27;
	v14 =	vmul.f32 v6, v62;
	[tilespmem:$0x1FCF0] =	vst v25;
	v25 =	vld [tilespmem:$0x1FF50]  }
0x1ab: {  	v49 =	vmul.f32 v19, v62;
	[tilespmem:s4+$0x44C0] =	vst v32;
	v32 =	vmul.f32 v5, v62;
	v5 =	vld [tilespmem:$0x1FC30]  }
0x1ac: {  	v16 =	vmul.f32 v45, v62;
	v45 =	vmul.f32 v47, v62  }
0x1ad: {  	v38 =	vld [tilespmem:$0x1FF90];
	[tilespmem:s4+$0x4580] =	vst v52;
	v52 =	vimm.s32 $0x8;
	v18 =	vmul.f32 v63, v62;
	v0 =	vmul.f32 v37, v51  }
0x1ae: {  	[tilespmem:s4+$0x4390] =	vst v22;
	v27 =	vld [tilespmem:$0x1FF70];
	v37 =	vperm.xlane v9, v52;
	v22 =	vmul.f32 v24, v62  }
0x1af: {  	[tilespmem:$0x1FBD0] =	vst v1;
	v24 =	vmul.f32 v25, v62;
	v62 =	vmul.f32 v44, v40;
	v44 =	vld [tilespmem:$0x1FFF0]  }
0x1b0: {  	v58 =	vmul.f32 v58, v29;
	[tilespmem:s4+$0x45A0] =	vst v41;
	v41 =	vmul.f32 v5, v37;
	v5 =	vld [tilespmem:$0x1FC40]  }
0x1b1: {  	v56 =	vld [tilespmem:s4+$0x7C0];
	[tilespmem:s4+$0x4500] =	vst v50  }
0x1b2: {  	[tilespmem:s4+$0x4510] =	vst v58;
	v50 =	vld [tilespmem:$0x1FBD0];
	v29 =	vmul.f32 v38, v40  }
0x1b3: {  	v58 =	vld [tilespmem:$0x1FBF0];
	[tilespmem:s4+$0x4520] =	vst v35;
	v35 =	vmul.f32 v8, v40;
	v27 =	vmul.f32 v27, v40  }
0x1b4: {  	[tilespmem:s4+$0x4380] =	vst v20;
	v25 =	vmul.f32 v13, v40;
	v44 =	vmul.f32 v44, v40;
	v40 =	vld [tilespmem:$0x1FC20]  }
0x1b5: {  	[tilespmem:s4+$0x43B0] =	vst v23;
	v52 =	vmul.f32 v5, v37;
	v5 =	vld [tilespmem:$0x1FC50]  }
0x1b6: {  	v12 =	vld [tilespmem:s4+$0x780];
	[tilespmem:s4+$0x43F0] =	vst v31  }
0x1b7: {  	v31 =	vld [tilespmem:s4+$0x860];
	[tilespmem:$0x1FC60] =	vst v56  }
0x1b8: {  	v57 =	vmul.f32 v57, v28;
	v23 =	vld [tilespmem:s4+$0x8E0];
	[tilespmem:s4+$0x4540] =	vst v36;
	v36 =	vmul.f32 v50, v51  }
0x1b9: {  	v20 =	vld [tilespmem:s4+$0x900];
	v50 =	vmul.f32 v58, v51;
	v58 =	vimm.s32 $0x9;
	[tilespmem:$0x1FD00] =	vst v0;
	v0 =	vmul.f32 v40, v51  }
0x1ba: {  	v40 =	vperm.xlane v9, v58;
	v58 =	vmul.f32 v5, v37;
	v5 =	vld [tilespmem:$0x1FC60]  }
0x1bb: {  	[tilespmem:s4+$0x44F0] =	vst v57;
	v57 =	vld [tilespmem:$0x1FBE0]  }
0x1bc: {  	v15 =	vld [tilespmem:s4+$0x990]  }
0x1bd: {  	v43 =	vld [tilespmem:s4+$0x7F0]  }
0x1be: {  	v33 =	vld [tilespmem:s4+$0x890]  }
0x1bf: {  	[tilespmem:s4+$0x45C0] =	vst v42;
	v42 =	vmul.f32 v5, v37;
	v5 =	vld [tilespmem:$0x1FC70]  }
0x1c0: {  	v56 =	vld [tilespmem:s4+$0x820]  }
0x1c1: {  	v34 =	vld [tilespmem:s4+$0x880]  }
0x1c2: {  	[tilespmem:$0x1FC90] =	vst v43;
	v43 =	vld [tilespmem:s4+$0x870]  }
0x1c3: {  	v26 =	vld [tilespmem:s4+$0x8D0]  }
0x1c4: {  	[tilespmem:s4+$0x45B0] =	vst v55;
	v55 =	vmul.f32 v5, v37;
	v5 =	vld [tilespmem:$0x1FC80]  }
0x1c5: {  	v4 =	vld [tilespmem:s4+$0x8B0]  }
0x1c6: {  	[tilespmem:s4+$0x4530] =	vst v54;
	v54 =	vld [tilespmem:s4+$0x940]  }
0x1c7: {  	[tilespmem:s4+$0x4550] =	vst v59;
	v59 =	vld [tilespmem:s4+$0x960]  }
0x1c8: {  	v8 =	vld [tilespmem:s4+$0x970];
	[tilespmem:s4+$0x4570] =	vst v61;
	v61 =	vimm.s32 $0xA  }
0x1c9: {  	[tilespmem:$0x1FD10] =	vst v0;
	v0 =	vperm.xlane v9, v61;
	v61 =	vmul.f32 v5, v37;
	v5 =	vld [tilespmem:$0x1FC90]  }
0x1ca: {  	[tilespmem:s4+$0x46C0] =	vst v48;
	v48 =	vld [tilespmem:s4+$0xAD0]  }
0x1cb: {  	[tilespmem:$0x1FCC0] =	vst v56;
	v56 =	vld [tilespmem:s4+$0x8A0]  }
0x1cc: {  	v3 =	vld [tilespmem:s4+$0x8C0]  }
0x1cd: {  	v21 =	vld [tilespmem:s4+$0x8F0]  }
0x1ce: {  	[tilespmem:s4+$0x4590] =	vst v53;
	v53 =	vmul.f32 v12, v37;
	v37 =	vmul.f32 v5, v37;
	v5 =	vld [tilespmem:$0x1FCA0]  }
0x1cf: {  	v17 =	vld [tilespmem:s4+$0x920]  }
0x1d0: {  	[tilespmem:s4+$0x46B0] =	vst v30;
	v2 =	vld [tilespmem:s4+$0x930]  }
0x1d1: {  	v28 =	vld [tilespmem:s4+$0x950];
	[tilespmem:s4+$0x46A0] =	vst v29  }
0x1d2: {  	v11 =	vld [tilespmem:s4+$0x9C0];
	[tilespmem:s4+$0x46F0] =	vst v35  }
0x1d3: {  	[tilespmem:s4+$0x45E0] =	vst v46;
	v46 =	vmul.f32 v5, v40;
	v5 =	vld [tilespmem:$0x1FCB0]  }
0x1d4: {  	v7 =	vld [tilespmem:s4+$0x9D0];
	[tilespmem:s4+$0x4710] =	vst v39  }
0x1d5: {  	v19 =	vld [tilespmem:s4+$0x910];
	[tilespmem:s4+$0x4720] =	vst v36  }
0x1d6: {  	v47 =	vld [tilespmem:$0x1FBC0];
	[tilespmem:s4+$0x4740] =	vst v50  }
0x1d7: {  	[tilespmem:s4+$0x45D0] =	vst v60;
	v63 =	vld [tilespmem:$0x1FC00]  }
0x1d8: {  	v6 =	vld [tilespmem:s4+$0x9F0];
	[tilespmem:s4+$0x45F0] =	vst v10;
	v5 =	vmul.f32 v5, v40  }
0x1d9: {  	v50 =	vld [tilespmem:s4+$0xB60];
	[tilespmem:s4+$0x4610] =	vst v14  }
0x1da: {  	[tilespmem:$0x1FD20] =	vst v5;
	v5 =	vld [tilespmem:$0x1FCC0]  }
0x1db: {  	v10 =	vld [tilespmem:s4+$0xA00];
	[tilespmem:s4+$0x4620] =	vst v49;
	v38 =	vmul.f32 v47, v51  }
0x1dc: {  	v14 =	vld [tilespmem:s4+$0xA20];
	[tilespmem:s4+$0x4630] =	vst v16;
	v47 =	vmul.f32 v57, v51;
	v57 =	vmul.f32 v63, v51;
	v63 =	vimm.s32 $0xB  }
0x1dd: {  	[tilespmem:s4+$0x4640] =	vst v45;
	v13 =	vld [tilespmem:s4+$0x9A0];
	v1 =	vperm.xlane v9, v63  }
0x1de: {  	v12 =	vld [tilespmem:s4+$0x9B0];
	[tilespmem:s4+$0x4660] =	vst v22  }
0x1df: {  	[tilespmem:s4+$0x4670] =	vst v24;
	v24 =	vmul.f32 v2, v1;
	v60 =	vmul.f32 v5, v40;
	v5 =	vld [tilespmem:$0x1FCD0]  }
0x1e0: {  	[tilespmem:s4+$0x4680] =	vst v25;
	v25 =	vld [tilespmem:s4+$0xA90];
	v22 =	vmul.f32 v54, v1;
	v54 =	vmul.f32 v8, v1  }
0x1e1: {  	v36 =	vld [tilespmem:$0x1FD00];
	v20 =	vmul.f32 v20, v1;
	v17 =	vmul.f32 v17, v1;
	[tilespmem:$0x1FD60] =	vst v24;
	v24 =	vimm.s32 $0xD  }
0x1e2: {  	v63 =	vld [tilespmem:s4+$0x9E0];
	v28 =	vmul.f32 v28, v1;
	[tilespmem:$0x1FD70] =	vst v54;
	v54 =	vimm.s32 $0xE;
	v29 =	vperm.xlane v9, v24  }
0x1e3: {  	[tilespmem:s4+$0x4690] =	vst v27;
	v2 =	vld [tilespmem:s4+$0xA80];
	v27 =	vmul.f32 v59, v1;
	v30 =	vperm.xlane v9, v54  }
0x1e4: {  	[tilespmem:s4+$0x4600] =	vst v32;
	v8 =	vld [tilespmem:s4+$0xAA0];
	v14 =	vmul.f32 v14, v29;
	v5 =	vmul.f32 v5, v40  }
0x1e5: {  	[tilespmem:s4+$0x4650] =	vst v18;
	v51 =	vld [tilespmem:s4+$0x980];
	v31 =	vmul.f32 v31, v40;
	v49 =	vmul.f32 v34, v0  }
0x1e6: {  	v34 =	vmul.f32 v33, v0;
	v33 =	vmul.f32 v56, v0;
	[tilespmem:$0x1FD30] =	vst v5;
	v5 =	vld [tilespmem:$0x1FCE0]  }
0x1e7: {  	[tilespmem:s4+$0x4750] =	vst v57;
	v57 =	vld [tilespmem:$0x1FD10];
	v4 =	vmul.f32 v4, v0;
	v16 =	vmul.f32 v3, v0  }
0x1e8: {  	[tilespmem:s4+$0x4700] =	vst v38;
	v59 =	vimm.s32 $0xC;
	v56 =	vld [tilespmem:s4+$0xA40];
	v45 =	vmul.f32 v26, v0;
	v18 =	vmul.f32 v23, v0  }
0x1e9: {  	[tilespmem:s4+$0x4730] =	vst v47;
	v26 =	vmul.f32 v21, v0;
	v3 =	vld [tilespmem:s4+$0xA60];
	v23 =	vperm.xlane v9, v59;
	v59 =	vimm.s32 $0xF  }
0x1ea: {  	[tilespmem:s4+$0x46D0] =	vst v62;
	v21 =	vmul.f32 v19, v1;
	v19 =	vld [tilespmem:s4+$0xA70];
	v9 =	vperm.xlane v9, v59  }
0x1eb: {  	[tilespmem:s4+$0x4780] =	vst v53;
	v54 =	vmul.f32 v51, v23;
	v32 =	vmul.f32 v5, v40;
	v5 =	vld [tilespmem:$0x1FCF0]  }
0x1ec: {  	[tilespmem:s4+$0x4790] =	vst v41;
	v1 =	vld [tilespmem:s4+$0xAC0];
	v59 =	vmul.f32 v15, v23;
	v24 =	vmul.f32 v13, v23  }
0x1ed: {  	[tilespmem:$0x1FD50] =	vst v4;
	v4 =	vld [tilespmem:s4+$0xA50];
	v62 =	vmul.f32 v12, v23;
	v11 =	vmul.f32 v11, v23  }
0x1ee: {  	[tilespmem:s4+$0x46E0] =	vst v44;
	v7 =	vmul.f32 v7, v23;
	v15 =	vmul.f32 v6, v23;
	v6 =	vld [tilespmem:s4+$0xB00]  }
0x1ef: {  	[tilespmem:s4+$0x4760] =	vst v36;
	v13 =	vld [tilespmem:s4+$0xAE0];
	v63 =	vmul.f32 v63, v23;
	v23 =	vmul.f32 v10, v29  }
0x1f0: {  	[tilespmem:s4+$0x47A0] =	vst v52;
	v12 =	vld [tilespmem:s4+$0xAF0];
	v51 =	vmul.f32 v56, v29;
	v5 =	vmul.f32 v5, v40  }
0x1f1: {  	[tilespmem:s4+$0x47B0] =	vst v58;
	v35 =	vmul.f32 v19, v29;
	v40 =	vmul.f32 v43, v40;
	v43 =	vld [tilespmem:s4+$0xA30]  }
0x1f2: {  	v19 =	vmul.f32 v2, v30;
	v44 =	vmul.f32 v4, v29;
	[tilespmem:$0x1FD40] =	vst v5;
	v5 =	vld [tilespmem:s4+$0xA10]  }
0x1f3: {  	v0 =	vld [tilespmem:s4+$0xAB0];
	[tilespmem:s4+$0x4770] =	vst v57;
	v2 =	vmul.f32 v6, v9;
	v6 =	vmul.f32 v50, v9  }
0x1f4: {  	[tilespmem:s4+$0x47C0] =	vst v42;
	v4 =	vmul.f32 v1, v30;
	v1 =	vmul.f32 v48, v30  }
0x1f5: {  	v13 =	vmul.f32 v13, v30;
	v36 =	vmul.f32 v12, v30;
	[tilespmem:$0x1FD80] =	vst v6  }
0x1f6: {  	[tilespmem:s4+$0x47D0] =	vst v55;
	v6 =	vld [tilespmem:$0x1FD20];
	v39 =	vmul.f32 v43, v29;
	v43 =	vmul.f32 v3, v29  }
0x1f7: {  	s2 =	sshll.u32 s9, $0xB;
	[tilespmem:s4+$0x47E0] =	vst v61;
	v38 =	vmul.f32 v5, v29;
	v29 =	vmul.f32 v25, v30  }
0x1f8: {  	v25 =	vmul.f32 v8, v30;
	v8 =	vmul.f32 v0, v30;
	v30 =	vld [tilespmem:s2+$0x380];
	[tilespmem:s4+$0x47F0] =	vst v37  }
0x1f9: {  	v12 =	vld [tilespmem:s2+$0x390];
	[tilespmem:s4+$0x4800] =	vst v46  }
0x1fa: {  	v37 =	vld [tilespmem:s2+$0x3A0]  }
0x1fb: {  	[tilespmem:s4+$0x4810] =	vst v6;
	v6 =	vld [tilespmem:$0x1FD30];
	_ =	sdelay $0x2  }
0x1fc: {  	v55 =	vld [tilespmem:s2+$0x3B0];
	[tilespmem:s4+$0x4820] =	vst v60  }
0x1fd: {  	v52 =	vld [tilespmem:s2+$0x3C0]  }
0x1fe: {  	[tilespmem:s4+$0x4830] =	vst v6;
	v6 =	vld [tilespmem:$0x1FD40]  }
0x1ff: {  	v10 =	vld [tilespmem:s4+$0xB20]  }
0x200: {  	v56 =	vld [tilespmem:s4+$0xB30];
	_ =	sdelay $0x1  }
0x201: {  	v42 =	vld [tilespmem:s2+$0x3D0];
	[tilespmem:s4+$0x4840] =	vst v32  }
0x202: {  	v32 =	vld [tilespmem:s2+$0x3E0];
	[tilespmem:s4+$0x4850] =	vst v6  }
0x203: {  	v6 =	vld [tilespmem:s2+$0x3F0];
	[tilespmem:s4+$0x4860] =	vst v31  }
0x204: {  	v0 =	vmul.f32 v10, v9;
	v10 =	vmul.f32 v56, v9;
	v56 =	vld [tilespmem:s2+$0x400];
	[tilespmem:s4+$0x4870] =	vst v40  }
0x205: {  	v31 =	vld [tilespmem:s2+$0x410];
	[tilespmem:s4+$0x4880] =	vst v49  }
0x206: {  	v60 =	vld [tilespmem:s2+$0x420];
	[tilespmem:s4+$0x4890] =	vst v34  }
0x207: {  	v34 =	vld [tilespmem:s2+$0x430];
	[tilespmem:s4+$0x48A0] =	vst v33  }
0x208: {  	v33 =	vmov v6;
	v6 =	vld [tilespmem:s2+$0x440];
	_ =	sdelay $0x4  }
0x209: {  	[tilespmem:$0x1FE20] =	vst v6;
	v6 =	vld [tilespmem:$0x1FD50];
	_ =	sdelay $0x3  }
0x20a: {  	[tilespmem:$0x1FE10] =	vst v34  }
0x20b: {  	[tilespmem:s4+$0x48B0] =	vst v6  }
0x20c: {  	v6 =	vld [tilespmem:s2+$0x450];
	[tilespmem:s4+$0x48C0] =	vst v16  }
0x20d: {  	v34 =	vld [tilespmem:s2+$0x460];
	[tilespmem:s4+$0x48D0] =	vst v45  }
0x20e: {  	v40 =	vld [tilespmem:s2+$0x470];
	[tilespmem:s4+$0x48E0] =	vst v18  }
0x20f: {  	v45 =	vld [tilespmem:s2+$0x480];
	[tilespmem:s4+$0x48F0] =	vst v26  }
0x210: {  	v41 =	vld [tilespmem:s2+$0x490];
	[tilespmem:s4+$0x4900] =	vst v20  }
0x211: {  	[tilespmem:$0x1FE30] =	vst v6;
	v6 =	vld [tilespmem:s2+$0x4A0];
	_ =	sdelay $0x2  }
0x212: {  	[tilespmem:s4+$0x4910] =	vst v21  }
0x213: {  	v46 =	vld [tilespmem:s2+$0x4B0];
	[tilespmem:s4+$0x4920] =	vst v17  }
0x214: {  	[tilespmem:$0x1FE40] =	vst v6;
	v6 =	vld [tilespmem:s2+$0x4C0];
	_ =	sdelay $0x4  }
0x215: {  	[tilespmem:$0x1FE50] =	vst v6;
	v6 =	vld [tilespmem:$0x1FD60]  }
0x216: {  	v47 =	vld [tilespmem:s4+$0xB50]  }
0x217: {  	v5 =	vld [tilespmem:s4+$0xB10]  }
0x218: {  	v3 =	vld [tilespmem:s4+$0xB40];
	_ =	sdelay $0x1  }
0x219: {  	[tilespmem:s4+$0x4930] =	vst v6;
	v6 =	vld [tilespmem:$0x1FD70];
	_ =	sdelay $0x1  }
0x21a: {  	v53 =	vmul.f32 v5, v9;
	v49 =	vld [tilespmem:s2+$0x4D0];
	[tilespmem:s4+$0x4940] =	vst v22  }
0x21b: {  	v5 =	vmul.f32 v3, v9;
	v3 =	vmul.f32 v47, v9;
	v47 =	vld [tilespmem:s2+$0x4E0];
	[tilespmem:s4+$0x4950] =	vst v28  }
0x21c: {  	v57 =	vld [tilespmem:s2+$0x4F0];
	[tilespmem:s4+$0x4960] =	vst v27  }
0x21d: {  	v50 =	vld [tilespmem:s2+$0x500];
	[tilespmem:s4+$0x4970] =	vst v6  }
0x21e: {  	v58 =	vld [tilespmem:s2+$0x510];
	[tilespmem:s4+$0x4980] =	vst v54  }
0x21f: {  	v54 =	vld [tilespmem:s2+$0x520];
	[tilespmem:s4+$0x4990] =	vst v59  }
0x220: {  	v61 =	vld [tilespmem:s2+$0x530];
	[tilespmem:s4+$0x49A0] =	vst v24  }
0x221: {  	v59 =	vld [tilespmem:s2+$0x540];
	[tilespmem:s4+$0x49B0] =	vst v62  }
0x222: {  	v16 =	vld [tilespmem:s2+$0x550];
	[tilespmem:s4+$0x49C0] =	vst v11  }
0x223: {  	v62 =	vld [tilespmem:s2+$0x560];
	[tilespmem:s4+$0x49D0] =	vst v7  }
0x224: {  	v6 =	vld [tilespmem:s2+$0x570];
	[tilespmem:s4+$0x49E0] =	vst v63  }
0x225: {  	v17 =	vld [tilespmem:s2+$0x580];
	[tilespmem:s4+$0x49F0] =	vst v15  }
0x226: {  	v11 =	vld [tilespmem:s2+$0x590];
	[tilespmem:s4+$0x4A00] =	vst v23  }
0x227: {  	v7 =	vld [tilespmem:s2+$0x5A0];
	[tilespmem:s4+$0x4A10] =	vst v38  }
0x228: {  	v63 =	vld [tilespmem:s2+$0x5B0];
	[tilespmem:s4+$0x4A20] =	vst v14  }
0x229: {  	v21 =	vld [tilespmem:s2+$0x5C0];
	[tilespmem:s4+$0x4A30] =	vst v39  }
0x22a: {  	v23 =	vld [tilespmem:s2+$0x5D0];
	[tilespmem:s4+$0x4A40] =	vst v51  }
0x22b: {  	v14 =	vld [tilespmem:s2+$0x5E0];
	[tilespmem:s4+$0x4A50] =	vst v44  }
0x22c: {  	v38 =	vld [tilespmem:s2+$0x5F0];
	[tilespmem:s4+$0x4A60] =	vst v43  }
0x22d: {  	v39 =	vld [tilespmem:s2+$0x600];
	[tilespmem:s4+$0x4A70] =	vst v35  }
0x22e: {  	v51 =	vld [tilespmem:s2+$0x610];
	[tilespmem:s4+$0x4A80] =	vst v19  }
0x22f: {  	v19 =	vld [tilespmem:s2+$0x620];
	[tilespmem:s4+$0x4A90] =	vst v29  }
0x230: {  	v18 =	vld [tilespmem:s2+$0x630];
	_ =	sdelay $0x3  }
0x231: {  	[tilespmem:s4+$0x4AA0] =	vst v25  }
0x232: {  	[tilespmem:$0x1FED0] =	vst v18  }
0x233: {  	v18 =	vld [tilespmem:s2+$0x640];
	[tilespmem:s4+$0x4AB0] =	vst v8  }
0x234: {  	v8 =	vld [tilespmem:s2+$0x650];
	[tilespmem:s4+$0x4AC0] =	vst v4  }
0x235: {  	v4 =	vld [tilespmem:s2+$0x660];
	[tilespmem:s4+$0x4AD0] =	vst v1  }
0x236: {  	v1 =	vld [tilespmem:s2+$0x670];
	[tilespmem:s4+$0x4AE0] =	vst v13  }
0x237: {  	v13 =	vld [tilespmem:s2+$0x680];
	[tilespmem:s4+$0x4AF0] =	vst v36  }
0x238: {  	v48 =	vld [tilespmem:s4+$0xB70];
	[tilespmem:$0x1FEF0] =	vst v18  }
0x239: {  	v15 =	vmov v34;
	v34 =	vld [tilespmem:s2+$0x690];
	[tilespmem:s4+$0x4B00] =	vst v2  }
0x23a: {  	[tilespmem:$0x1FF10] =	vst v8  }
0x23b: {  	v35 =	vld [tilespmem:s2+$0x6A0];
	[tilespmem:s4+$0x4B10] =	vst v53  }
0x23c: {  	[tilespmem:$0x1FF30] =	vst v4  }
0x23d: {  	v9 =	vmul.f32 v48, v9;
	v48 =	vld [tilespmem:s2+$0x6B0];
	[tilespmem:s4+$0x4B20] =	vst v0  }
0x23e: {  	v43 =	vld [tilespmem:$0x1FD80];
	[tilespmem:$0x1FF50] =	vst v1  }
0x23f: {  	v0 =	vld [tilespmem:s2+$0x6C0];
	[tilespmem:s4+$0x4B30] =	vst v10  }
0x240: {  	v44 =	vld [tilespmem:s2+$0x6D0];
	[tilespmem:s4+$0x4B40] =	vst v5  }
0x241: {  	p0 =	sne.s32 s9, $0x3;
	[tilespmem:$0x1FF70] =	vst v34;
	v36 =	vld [tilespmem:s2+$0x6E0]  }
.Ltmp1:
0x242: {  	[tilespmem:s4+$0x4B50] =	vst v3;
	(pc) =	sbr.rel @p0 .LBB2_5-.Ltmp1, $4  }
0x243: {  	[tilespmem:$0x1FF90] =	vst v35  }
0x244: {  	v8 =	vld [tilespmem:s2+$0x6F0];
	[tilespmem:s4+$0x4B60] =	vst v43  }
0x245: {  	[tilespmem:$0x1FFC0] =	vst v0  }
0x246: {  	s10 =	sshll.u32 s9, $0x4;
	s9 =	sadd.s32 $0x1, s9;
	v53 =	vmov v31;
	v4 =	vimm.s32 $0x5;
	[tilespmem:$0x1FFF0] =	vst v36  }
0x247: {  	v0 =	vld [tilespmem:s2+$0x700];
	s9 =	sand.u32 $0x3FFFFFF0, s10;
	[tilespmem:s4+$0x4B70] =	vst v9  }
0x248: {  	v9 =	vld [tilespmem:s9+$0x300]  }
0x249: {  	v25 =	vld [tilespmem:s2+$0x720]  }
0x24a: {  	v26 =	vld [tilespmem:s2+$0x730]  }
0x24b: {  	v27 =	vld [tilespmem:s2+$0x740]  }
0x24c: {  	v1 =	vld [tilespmem:s2+$0x750]  }
0x24d: {  	v35 =	vld [tilespmem:s2+$0x760];
	[tilespmem:$0x1F8B0] =	vst v0  }
0x24e: {  	v2 =	vld [tilespmem:s2+$0x780];
	[tilespmem:$0x1F8C0] =	vst v25  }
0x24f: {  	v24 =	vld [tilespmem:s2+$0x790];
	[tilespmem:$0x1F8D0] =	vst v26  }
0x250: {  	v34 =	vimm.s32 $0x0;
	[tilespmem:$0x1F8E0] =	vst v27  }
0x251: {  	v0 =	vperm.xlane v9, v34;
	[tilespmem:$0x1F8F0] =	vst v1  }
0x252: {  	v18 =	vld [tilespmem:s2+$0x710];
	[tilespmem:$0x1F900] =	vst v35  }
0x253: {  	v22 =	vmov v14;
	v14 =	vld [tilespmem:s2+$0x770];
	[tilespmem:$0x1F910] =	vst v2;
	v36 =	vmul.f32 v30, v0  }
0x254: {  	v20 =	vld [tilespmem:s2+$0x7C0];
	[tilespmem:$0x1F920] =	vst v24;
	v43 =	vmul.f32 v12, v0  }
0x255: {  	v3 =	vmov v21;
	v21 =	vld [tilespmem:s2+$0x7D0];
	v27 =	vmul.f32 v55, v0;
	[tilespmem:s2+$0x4380] =	vst v36  }
0x256: {  	v26 =	vld [tilespmem:s2+$0x7A0];
	v25 =	vmul.f32 v37, v0;
	[tilespmem:s2+$0x4390] =	vst v43  }
0x257: {  	v35 =	vmul.f32 v52, v0;
	[tilespmem:s2+$0x43B0] =	vst v27;
	v27 =	vld [tilespmem:$0x1FE10]  }
0x258: {  	v34 =	vld [tilespmem:s2+$0x7B0];
	v37 =	vmul.f32 v32, v0;
	[tilespmem:s2+$0x43A0] =	vst v25  }
0x259: {  	v32 =	vld [tilespmem:$0x1FE20];
	[tilespmem:s2+$0x43C0] =	vst v35;
	v36 =	vmul.f32 v42, v0;
	v42 =	vimm.s32 $0x1  }
0x25a: {  	v28 =	vld [tilespmem:s2+$0x840];
	v0 =	vmul.f32 v33, v0;
	[tilespmem:s2+$0x43E0] =	vst v37;
	v1 =	vperm.xlane v9, v42  }
0x25b: {  	v33 =	vld [tilespmem:$0x1FE30];
	[tilespmem:$0x1F930] =	vst v26  }
0x25c: {  	v52 =	vld [tilespmem:s2+$0x7F0];
	[tilespmem:s2+$0x43F0] =	vst v0;
	v0 =	vmul.f32 v27, v1  }
0x25d: {  	v31 =	vld [tilespmem:s2+$0x860];
	[tilespmem:$0x1F940] =	vst v34  }
0x25e: {  	v5 =	vmov v63;
	v63 =	vld [tilespmem:s2+$0x8B0];
	[tilespmem:s2+$0x4430] =	vst v0;
	v0 =	vmul.f32 v32, v1  }
0x25f: {  	v10 =	vld [tilespmem:s2+$0x8F0];
	[tilespmem:s2+$0x43D0] =	vst v36  }
0x260: {  	v29 =	vld [tilespmem:s2+$0x9B0];
	[tilespmem:s2+$0x4440] =	vst v0;
	v0 =	vmul.f32 v33, v1  }
0x261: {  	v24 =	vld [tilespmem:s2+$0x800];
	v35 =	vimm.s32 $0x2;
	[tilespmem:$0x1F950] =	vst v52;
	v55 =	vmul.f32 v56, v1  }
0x262: {  	v30 =	vld [tilespmem:s2+$0x850];
	v56 =	vmul.f32 v53, v1;
	[tilespmem:s2+$0x4450] =	vst v0;
	v0 =	vperm.xlane v9, v35  }
0x263: {  	v12 =	vld [tilespmem:s2+$0x940];
	v60 =	vmul.f32 v60, v1;
	[tilespmem:s2+$0x4400] =	vst v55  }
0x264: {  	v34 =	vmul.f32 v15, v1;
	[tilespmem:s2+$0x4410] =	vst v56;
	v36 =	vmul.f32 v45, v0;
	v45 =	vld [tilespmem:$0x1FE40]  }
0x265: {  	v25 =	vld [tilespmem:s2+$0x820];
	[tilespmem:s2+$0x4420] =	vst v60;
	v1 =	vmul.f32 v40, v1  }
0x266: {  	v53 =	vld [tilespmem:$0x1FE50];
	[tilespmem:s2+$0x4460] =	vst v34  }
0x267: {  	v26 =	vld [tilespmem:s2+$0x810];
	[tilespmem:s2+$0x4470] =	vst v1;
	v37 =	vmul.f32 v41, v0  }
0x268: {  	v42 =	vld [tilespmem:s2+$0x8D0];
	v52 =	vmul.f32 v46, v0;
	[tilespmem:s2+$0x4480] =	vst v36  }
0x269: {  	v43 =	vmov v19;
	v19 =	vld [tilespmem:s2+$0x7E0];
	[tilespmem:s2+$0x4490] =	vst v37;
	v1 =	vmul.f32 v45, v0  }
0x26a: {  	v15 =	vld [tilespmem:s2+$0x980];
	v55 =	vmul.f32 v49, v0;
	v56 =	vmul.f32 v47, v0;
	[tilespmem:s2+$0x44B0] =	vst v52  }
0x26b: {  	v27 =	vld [tilespmem:s2+$0x830];
	[tilespmem:s2+$0x44A0] =	vst v1;
	v1 =	vmul.f32 v53, v0;
	v0 =	vmul.f32 v57, v0;
	v57 =	vimm.s32 $0x4  }
0x26c: {  	v34 =	vld [tilespmem:s2+$0x880];
	[tilespmem:s2+$0x44D0] =	vst v55;
	v2 =	vperm.xlane v9, v57  }
0x26d: {  	v60 =	vimm.s32 $0x3;
	v33 =	vld [tilespmem:s2+$0x870];
	[tilespmem:s2+$0x44E0] =	vst v56  }
0x26e: {  	v40 =	vld [tilespmem:s2+$0x890];
	[tilespmem:s2+$0x44C0] =	vst v1;
	v1 =	vperm.xlane v9, v60;
	v60 =	vmul.f32 v7, v2  }
0x26f: {  	v41 =	vld [tilespmem:s2+$0x8C0];
	[tilespmem:s2+$0x44F0] =	vst v0;
	v52 =	vmul.f32 v22, v2  }
0x270: {  	v46 =	vld [tilespmem:s2+$0x8E0];
	v32 =	vmul.f32 v50, v1;
	[tilespmem:s2+$0x45A0] =	vst v60  }
0x271: {  	v47 =	vld [tilespmem:s2+$0x900];
	v35 =	vmul.f32 v58, v1;
	[tilespmem:s2+$0x45E0] =	vst v52  }
0x272: {  	v49 =	vld [tilespmem:s2+$0x910];
	v36 =	vmul.f32 v54, v1;
	[tilespmem:s2+$0x4500] =	vst v32  }
0x273: {  	v37 =	vld [tilespmem:s2+$0x8A0];
	v45 =	vmul.f32 v61, v1;
	[tilespmem:s2+$0x4510] =	vst v35  }
0x274: {  	v57 =	vld [tilespmem:$0x1FED0];
	v53 =	vmul.f32 v59, v1;
	[tilespmem:s2+$0x4520] =	vst v36  }
0x275: {  	v0 =	vld [tilespmem:s2+$0x950];
	v55 =	vmul.f32 v16, v1;
	[tilespmem:s2+$0x4530] =	vst v45  }
0x276: {  	v22 =	vld [tilespmem:s2+$0xA30];
	v56 =	vmul.f32 v62, v1;
	[tilespmem:s2+$0x4540] =	vst v53  }
0x277: {  	v50 =	vld [tilespmem:s2+$0x920];
	v1 =	vmul.f32 v6, v1;
	[tilespmem:s2+$0x4550] =	vst v55  }
0x278: {  	v54 =	vld [tilespmem:s2+$0x930];
	v58 =	vmul.f32 v17, v2;
	[tilespmem:s2+$0x4560] =	vst v56  }
0x279: {  	v6 =	vld [tilespmem:s2+$0x970];
	v59 =	vmul.f32 v11, v2;
	[tilespmem:s2+$0x4570] =	vst v1  }
0x27a: {  	v16 =	vld [tilespmem:s2+$0x990];
	v61 =	vmul.f32 v5, v2;
	[tilespmem:s2+$0x4580] =	vst v58  }
0x27b: {  	v17 =	vld [tilespmem:s2+$0x9A0];
	v62 =	vmul.f32 v3, v2;
	[tilespmem:s2+$0x4590] =	vst v59  }
0x27c: {  	[tilespmem:s2+$0x45B0] =	vst v61;
	v32 =	vld [tilespmem:s2+$0x9C0];
	v36 =	vmul.f32 v23, v2;
	v1 =	vperm.xlane v9, v4  }
0x27d: {  	[tilespmem:s2+$0x45C0] =	vst v62;
	v35 =	vld [tilespmem:s2+$0x9D0];
	v2 =	vmul.f32 v38, v2  }
0x27e: {  	v38 =	vld [tilespmem:s2+$0x9F0];
	[tilespmem:s2+$0x45D0] =	vst v36;
	v53 =	vmul.f32 v39, v1  }
0x27f: {  	v23 =	vld [tilespmem:s2+$0xA10];
	[tilespmem:s2+$0x45F0] =	vst v2;
	v55 =	vmul.f32 v51, v1  }
0x280: {  	v62 =	vld [tilespmem:s2+$0xA20];
	v56 =	vmul.f32 v43, v1;
	[tilespmem:s2+$0x4600] =	vst v53  }
0x281: {  	v45 =	vmov v13;
	v13 =	vld [tilespmem:s2+$0x960];
	v2 =	vmul.f32 v57, v1;
	[tilespmem:s2+$0x4610] =	vst v55  }
0x282: {  	v36 =	vld [tilespmem:s2+$0x9E0];
	[tilespmem:s2+$0x4620] =	vst v56  }
0x283: {  	v39 =	vld [tilespmem:s2+$0xA00];
	[tilespmem:s2+$0x4630] =	vst v2  }
0x284: {  	v2 =	vld [tilespmem:$0x1FEF0];
	_ =	sdelay $0x1  }
0x285: {  	v58 =	vld [tilespmem:$0x1FF10];
	_ =	sdelay $0x1  }
0x286: {  	v59 =	vld [tilespmem:$0x1FF30]  }
0x287: {  	v2 =	vmul.f32 v2, v1;
	_ =	sdelay $0x1  }
0x288: {  	[tilespmem:s2+$0x4640] =	vst v2;
	v2 =	vmul.f32 v58, v1;
	_ =	sdelay $0x1  }
0x289: {  	[tilespmem:s2+$0x4650] =	vst v2;
	v2 =	vmul.f32 v59, v1;
	v59 =	vld [tilespmem:$0x1FFC0];
	_ =	sdelay $0x1  }
0x28a: {  	v61 =	vimm.s32 $0x6  }
0x28b: {  	v11 =	vperm.xlane v9, v61;
	_ =	sdelay $0x1  }
0x28c: {  	v5 =	vmul.f32 v59, v11  }
0x28d: {  	v60 =	vld [tilespmem:$0x1FF50]  }
0x28e: {  	v55 =	vld [tilespmem:$0x1FF70];
	[tilespmem:s2+$0x46C0] =	vst v5;
	v5 =	vmul.f32 v44, v11  }
0x28f: {  	v57 =	vld [tilespmem:$0x1FF90]  }
0x290: {  	[tilespmem:s2+$0x46D0] =	vst v5;
	v5 =	vld [tilespmem:$0x1FFF0];
	_ =	sdelay $0x1  }
0x291: {  	v3 =	vmul.f32 v60, v1  }
0x292: {  	v43 =	vmul.f32 v45, v11;
	v56 =	vmul.f32 v55, v11  }
0x293: {  	[tilespmem:s2+$0x4670] =	vst v3;
	v3 =	vmul.f32 v57, v11;
	v58 =	vmul.f32 v48, v11  }
0x294: {  	v60 =	vmul.f32 v5, v11;
	v11 =	vmul.f32 v8, v11;
	_ =	sdelay $0x1  }
0x295: {  	[tilespmem:s2+$0x46F0] =	vst v11;
	v11 =	vld [tilespmem:$0x1F8B0];
	_ =	sdelay $0x1  }
0x296: {  	v8 =	vimm.s32 $0x7  }
0x297: {  	[tilespmem:s2+$0x4680] =	vst v43;
	v43 =	vperm.xlane v9, v8;
	_ =	sdelay $0x1  }
0x298: {  	v11 =	vmul.f32 v11, v43;
	_ =	sdelay $0x1  }
0x299: {  	[tilespmem:s2+$0x4700] =	vst v11;
	v11 =	vmul.f32 v18, v43;
	_ =	sdelay $0x1  }
0x29a: {  	[tilespmem:s2+$0x4710] =	vst v11;
	v11 =	vld [tilespmem:$0x1F8C0];
	_ =	sdelay $0x4  }
0x29b: {  	v11 =	vmul.f32 v11, v43;
	_ =	sdelay $0x1  }
0x29c: {  	[tilespmem:s2+$0x4720] =	vst v11;
	v11 =	vld [tilespmem:$0x1F8D0];
	_ =	sdelay $0x4  }
0x29d: {  	v11 =	vmul.f32 v11, v43;
	_ =	sdelay $0x1  }
0x29e: {  	[tilespmem:s2+$0x4730] =	vst v11;
	v11 =	vld [tilespmem:$0x1F8E0];
	_ =	sdelay $0x4  }
0x29f: {  	v11 =	vmul.f32 v11, v43;
	_ =	sdelay $0x1  }
0x2a0: {  	[tilespmem:s2+$0x4740] =	vst v11;
	v11 =	vld [tilespmem:$0x1F8F0];
	_ =	sdelay $0x4  }
0x2a1: {  	v11 =	vmul.f32 v11, v43;
	_ =	sdelay $0x1  }
0x2a2: {  	[tilespmem:s2+$0x4750] =	vst v11;
	v11 =	vld [tilespmem:$0x1F900];
	_ =	sdelay $0x4  }
0x2a3: {  	v11 =	vmul.f32 v11, v43;
	_ =	sdelay $0x1  }
0x2a4: {  	[tilespmem:s2+$0x4760] =	vst v11;
	v11 =	vld [tilespmem:$0x1F910]  }
0x2a5: {  	v18 =	vld [tilespmem:$0x1F920]  }
0x2a6: {  	v61 =	vimm.s32 $0x8  }
0x2a7: {  	v44 =	vperm.xlane v9, v61  }
0x2a8: {  	v43 =	vmul.f32 v14, v43  }
0x2a9: {  	[tilespmem:s2+$0x4690] =	vst v56;
	v11 =	vmul.f32 v11, v44  }
0x2aa: {  	[tilespmem:s2+$0x4770] =	vst v43;
	v43 =	vmul.f32 v18, v44;
	v18 =	vld [tilespmem:$0x1F940]  }
0x2ab: {  	[tilespmem:s2+$0x4780] =	vst v11;
	v11 =	vld [tilespmem:$0x1F930]  }
0x2ac: {  	[tilespmem:s2+$0x46A0] =	vst v3  }
0x2ad: {  	[tilespmem:s2+$0x46B0] =	vst v58  }
0x2ae: {  	[tilespmem:s2+$0x4660] =	vst v2;
	v20 =	vmul.f32 v20, v44  }
0x2af: {  	v19 =	vmul.f32 v19, v44;
	[tilespmem:s2+$0x4790] =	vst v43;
	v43 =	vmul.f32 v18, v44;
	v18 =	vld [tilespmem:$0x1F950]  }
0x2b0: {  	[tilespmem:s2+$0x47C0] =	vst v20;
	v11 =	vmul.f32 v11, v44  }
0x2b1: {  	[tilespmem:s2+$0x47E0] =	vst v19  }
0x2b2: {  	[tilespmem:s2+$0x47A0] =	vst v11;
	v11 =	vmul.f32 v21, v44;
	v21 =	vimm.s32 $0x9  }
0x2b3: {  	[tilespmem:s2+$0x46E0] =	vst v60;
	v21 =	vperm.xlane v9, v21  }
0x2b4: {  	[tilespmem:s2+$0x47B0] =	vst v43;
	v18 =	vmul.f32 v18, v44  }
0x2b5: {  	[tilespmem:s2+$0x47D0] =	vst v11;
	v11 =	vmul.f32 v24, v21  }
0x2b6: {  	[tilespmem:s2+$0x47F0] =	vst v18;
	v19 =	vmul.f32 v26, v21  }
0x2b7: {  	v18 =	vmul.f32 v25, v21;
	[tilespmem:s2+$0x4800] =	vst v11  }
0x2b8: {  	v11 =	vmul.f32 v27, v21;
	[tilespmem:s2+$0x4810] =	vst v19  }
0x2b9: {  	v20 =	vmul.f32 v31, v21;
	[tilespmem:s2+$0x4820] =	vst v18  }
0x2ba: {  	v19 =	vmul.f32 v28, v21;
	[tilespmem:s2+$0x4830] =	vst v11;
	v11 =	vimm.s32 $0xA  }
0x2bb: {  	v18 =	vmul.f32 v30, v21;
	[tilespmem:s2+$0x4860] =	vst v20;
	v11 =	vperm.xlane v9, v11  }
0x2bc: {  	[tilespmem:s2+$0x4840] =	vst v19;
	v19 =	vmul.f32 v33, v21  }
0x2bd: {  	[tilespmem:s2+$0x4850] =	vst v18;
	v18 =	vmul.f32 v34, v11  }
0x2be: {  	[tilespmem:s2+$0x4870] =	vst v19;
	v20 =	vmul.f32 v40, v11  }
0x2bf: {  	v19 =	vmul.f32 v37, v11;
	[tilespmem:s2+$0x4880] =	vst v18  }
0x2c0: {  	v18 =	vmul.f32 v63, v11;
	[tilespmem:s2+$0x4890] =	vst v20  }
0x2c1: {  	v21 =	vmul.f32 v46, v11;
	[tilespmem:s2+$0x48A0] =	vst v19  }
0x2c2: {  	v10 =	vmul.f32 v10, v11;
	[tilespmem:s2+$0x48B0] =	vst v18;
	v18 =	vimm.s32 $0xB  }
0x2c3: {  	v20 =	vmul.f32 v41, v11;
	[tilespmem:s2+$0x48E0] =	vst v21;
	v18 =	vperm.xlane v9, v18  }
0x2c4: {  	v19 =	vmul.f32 v42, v11;
	[tilespmem:s2+$0x48F0] =	vst v10  }
0x2c5: {  	[tilespmem:s2+$0x48C0] =	vst v20;
	v11 =	vmul.f32 v47, v18  }
0x2c6: {  	[tilespmem:s2+$0x48D0] =	vst v19;
	v19 =	vmul.f32 v49, v18  }
0x2c7: {  	v10 =	vmul.f32 v50, v18;
	[tilespmem:s2+$0x4900] =	vst v11  }
0x2c8: {  	v11 =	vmul.f32 v54, v18;
	[tilespmem:s2+$0x4910] =	vst v19  }
0x2c9: {  	v12 =	vmul.f32 v12, v18;
	[tilespmem:s2+$0x4920] =	vst v10  }
0x2ca: {  	v0 =	vmul.f32 v0, v18;
	[tilespmem:s2+$0x4930] =	vst v11;
	v11 =	vimm.s32 $0xC  }
0x2cb: {  	v6 =	vmul.f32 v6, v18;
	[tilespmem:s2+$0x4940] =	vst v12;
	v11 =	vperm.xlane v9, v11  }
0x2cc: {  	v10 =	vmul.f32 v13, v18;
	[tilespmem:s2+$0x4950] =	vst v0  }
0x2cd: {  	[tilespmem:s2+$0x4970] =	vst v6;
	v26 =	vmul.f32 v15, v11  }
0x2ce: {  	[tilespmem:s2+$0x4960] =	vst v10;
	v10 =	vmul.f32 v16, v11  }
0x2cf: {  	v53 =	vld [tilespmem:s2+$0xA60];
	v6 =	vmul.f32 v17, v11;
	[tilespmem:s2+$0x4980] =	vst v26  }
0x2d0: {  	v27 =	vmul.f32 v29, v11;
	[tilespmem:s2+$0x4990] =	vst v10  }
0x2d1: {  	v33 =	vimm.s32 $0xD;
	v12 =	vmul.f32 v36, v11;
	[tilespmem:s2+$0x49A0] =	vst v6  }
0x2d2: {  	v0 =	vperm.xlane v9, v33;
	v10 =	vmul.f32 v32, v11;
	[tilespmem:s2+$0x49B0] =	vst v27  }
0x2d3: {  	v6 =	vmul.f32 v35, v11;
	[tilespmem:s2+$0x49E0] =	vst v12  }
0x2d4: {  	v51 =	vld [tilespmem:s2+$0xA40];
	v12 =	vmul.f32 v53, v0;
	[tilespmem:s2+$0x49C0] =	vst v10  }
0x2d5: {  	v52 =	vld [tilespmem:s2+$0xA50];
	v10 =	vmul.f32 v38, v11;
	[tilespmem:s2+$0x49D0] =	vst v6  }
0x2d6: {  	v1 =	vld [tilespmem:s2+$0xA70];
	v6 =	vmul.f32 v39, v0;
	[tilespmem:s2+$0x4A60] =	vst v12  }
0x2d7: {  	v11 =	vmul.f32 v23, v0;
	[tilespmem:s2+$0x49F0] =	vst v10  }
0x2d8: {  	v56 =	vld [tilespmem:s2+$0xB00];
	v10 =	vmul.f32 v62, v0;
	[tilespmem:s2+$0x4A00] =	vst v6  }
0x2d9: {  	v48 =	vld [tilespmem:s2+$0xB10];
	v6 =	vmul.f32 v22, v0;
	[tilespmem:s2+$0x4A10] =	vst v11  }
0x2da: {  	v57 =	vld [tilespmem:s2+$0xB20];
	v39 =	vimm.s32 $0xF;
	v11 =	vmul.f32 v51, v0;
	[tilespmem:s2+$0x4A20] =	vst v10;
	v10 =	vmul.f32 v52, v0  }
0x2db: {  	v59 =	vld [tilespmem:s2+$0xB40];
	[tilespmem:s2+$0x4A30] =	vst v6;
	v0 =	vmul.f32 v1, v0;
	v1 =	vperm.xlane v9, v39  }
0x2dc: {  	v60 =	vld [tilespmem:s2+$0xB50];
	[tilespmem:s2+$0x4A40] =	vst v11  }
0x2dd: {  	v61 =	vld [tilespmem:s2+$0xB60];
	[tilespmem:s2+$0x4A50] =	vst v10;
	v42 =	vmul.f32 v56, v1  }
0x2de: {  	v45 =	vld [tilespmem:s2+$0xA80];
	[tilespmem:s2+$0x4A70] =	vst v0;
	v43 =	vmul.f32 v48, v1  }
0x2df: {  	v2 =	vld [tilespmem:s2+$0xA90];
	v44 =	vmul.f32 v57, v1;
	[tilespmem:s2+$0x4B00] =	vst v42  }
0x2e0: {  	v55 =	vld [tilespmem:s2+$0xAA0];
	v6 =	vimm.s32 $0xE;
	v46 =	vmul.f32 v59, v1;
	[tilespmem:s2+$0x4B10] =	vst v43  }
0x2e1: {  	v4 =	vld [tilespmem:s2+$0xAB0];
	v6 =	vperm.xlane v9, v6;
	v47 =	vmul.f32 v60, v1;
	[tilespmem:s2+$0x4B20] =	vst v44  }
0x2e2: {  	v3 =	vld [tilespmem:s2+$0xAC0];
	v48 =	vmul.f32 v61, v1;
	[tilespmem:s2+$0x4B40] =	vst v46  }
0x2e3: {  	v7 =	vld [tilespmem:s2+$0xAD0];
	v34 =	vmul.f32 v45, v6;
	[tilespmem:s2+$0x4B50] =	vst v47  }
0x2e4: {  	v5 =	vld [tilespmem:s2+$0xAE0];
	v2 =	vmul.f32 v2, v6;
	[tilespmem:s2+$0x4B60] =	vst v48  }
0x2e5: {  	v8 =	vld [tilespmem:s2+$0xAF0];
	v35 =	vmul.f32 v55, v6;
	[tilespmem:s2+$0x4A80] =	vst v34  }
0x2e6: {  	v58 =	vld [tilespmem:s2+$0xB30];
	v36 =	vmul.f32 v4, v6;
	[tilespmem:s2+$0x4A90] =	vst v2  }
0x2e7: {  	v14 =	vld [tilespmem:s2+$0xB70];
	v37 =	vmul.f32 v3, v6;
	[tilespmem:s2+$0x4AA0] =	vst v35  }
0x2e8: {  	v38 =	vmul.f32 v7, v6;
	[tilespmem:s2+$0x4AB0] =	vst v36  }
0x2e9: {  	v40 =	vmul.f32 v5, v6;
	[tilespmem:s2+$0x4AC0] =	vst v37  }
0x2ea: {  	v41 =	vmul.f32 v8, v6;
	[tilespmem:s2+$0x4AD0] =	vst v38  }
0x2eb: {  	v45 =	vmul.f32 v58, v1;
	[tilespmem:s2+$0x4AE0] =	vst v40  }
0x2ec: {  	v1 =	vmul.f32 v14, v1;
	[tilespmem:s2+$0x4AF0] =	vst v41  }
0x2ed: {  	[tilespmem:s2+$0x4B30] =	vst v45  }
0x2ee: {  	[tilespmem:s2+$0x4B70] =	vst v1  }
0x2ef: {  	_ =	swait.ge [sflag:s26], $0x2000  }
0x2f0: {  	s10 =	simm.s32 $0x40;
	[sflag:s26] =	ssyncset.done $0x0  }
0x2f1: {  	s2 =	sand.u32 $0x3FFFFFF0, s10;
	[sflag:s26] =	ssyncadd.s32 $0xFFFFE000  }
0x2f2: {  	v45 =	vld [tilespmem:s2+$0x300]  }
0x2f3: {  	s4 =	simm.s32 $0x2000  }
0x2f4: {  	v6 =	vld [tilespmem:s4+$0x380];
	_ =	sdelay $0x1  }
0x2f5: {  	v49 =	vimm.s32 $0x0;
	v17 =	vld [tilespmem:s4+$0x390]  }
0x2f6: {  	v46 =	vperm.xlane v45, v49;
	_ =	sdelay $0x1  }
0x2f7: {  	v6 =	vmul.f32 v6, v46;
	_ =	sdelay $0x1  }
0x2f8: {  	[tilespmem:s4+$0x4380] =	vst v6;
	v6 =	vmul.f32 v17, v46;
	v17 =	vld [tilespmem:s4+$0x790];
	_ =	sdelay $0x2  }
0x2f9: {  	v18 =	vld [tilespmem:s4+$0x3A0]  }
0x2fa: {  	v19 =	vld [tilespmem:s4+$0x3B0]  }
0x2fb: {  	[tilespmem:$0x1F9A0] =	vst v17;
	v17 =	vld [tilespmem:s4+$0x7A0]  }
0x2fc: {  	v20 =	vld [tilespmem:s4+$0x3C0]  }
0x2fd: {  	v22 =	vld [tilespmem:s4+$0x3D0]  }
0x2fe: {  	v23 =	vld [tilespmem:s4+$0x3E0]  }
0x2ff: {  	v24 =	vld [tilespmem:s4+$0x3F0]  }
0x300: {  	[tilespmem:$0x1F9B0] =	vst v17;
	v17 =	vld [tilespmem:s4+$0x7B0]  }
0x301: {  	v28 =	vld [tilespmem:s4+$0x420]  }
0x302: {  	v29 =	vld [tilespmem:s4+$0x430]  }
0x303: {  	v31 =	vld [tilespmem:s4+$0x440]  }
0x304: {  	v35 =	vld [tilespmem:s4+$0x470];
	[tilespmem:s4+$0x4390] =	vst v6  }
0x305: {  	v6 =	vmul.f32 v18, v46;
	[tilespmem:$0x1F9C0] =	vst v17;
	v17 =	vld [tilespmem:s4+$0x7C0]  }
0x306: {  	v36 =	vld [tilespmem:s4+$0x480];
	v18 =	vmul.f32 v23, v46  }
0x307: {  	v37 =	vld [tilespmem:s4+$0x490];
	[tilespmem:s4+$0x43A0] =	vst v6;
	v6 =	vmul.f32 v19, v46  }
0x308: {  	v38 =	vld [tilespmem:s4+$0x4A0];
	[tilespmem:s4+$0x43E0] =	vst v18  }
0x309: {  	v39 =	vld [tilespmem:s4+$0x4B0];
	v19 =	vmul.f32 v24, v46;
	v18 =	vimm.s32 $0x1;
	[tilespmem:s4+$0x43B0] =	vst v6;
	v6 =	vmul.f32 v20, v46  }
0x30a: {  	v43 =	vld [tilespmem:s4+$0x4C0];
	[tilespmem:$0x1F9D0] =	vst v17;
	v17 =	vmul.f32 v22, v46;
	v46 =	vperm.xlane v45, v18  }
0x30b: {  	v47 =	vld [tilespmem:s4+$0x4D0]  }
0x30c: {  	v0 =	vld [tilespmem:s4+$0x4E0];
	v22 =	vmul.f32 v28, v46;
	v28 =	vmul.f32 v35, v46;
	v35 =	vimm.s32 $0x2  }
0x30d: {  	v1 =	vld [tilespmem:s4+$0x4F0];
	v35 =	vperm.xlane v45, v35  }
0x30e: {  	v2 =	vld [tilespmem:s4+$0x500];
	v23 =	vmul.f32 v29, v46  }
0x30f: {  	v49 =	vld [tilespmem:s4+$0x750];
	v24 =	vmul.f32 v31, v46;
	v31 =	vmul.f32 v38, v35  }
0x310: {  	v3 =	vld [tilespmem:s4+$0x510];
	v38 =	vmul.f32 v39, v35;
	v39 =	vmul.f32 v43, v35  }
0x311: {  	v7 =	vld [tilespmem:s4+$0x540];
	[tilespmem:s4+$0x4470] =	vst v28;
	v28 =	vmul.f32 v36, v35;
	v29 =	vmul.f32 v37, v35  }
0x312: {  	v4 =	vld [tilespmem:s4+$0x520];
	v43 =	vmul.f32 v47, v35;
	v47 =	vmul.f32 v0, v35;
	[tilespmem:s4+$0x44C0] =	vst v39;
	v39 =	vimm.s32 $0x3  }
0x313: {  	v44 =	vld [tilespmem:s4+$0x550];
	v1 =	vmul.f32 v1, v35;
	v35 =	vperm.xlane v45, v39  }
0x314: {  	v5 =	vld [tilespmem:s4+$0x530];
	[tilespmem:$0x1F960] =	vst v49  }
0x315: {  	v48 =	vld [tilespmem:s4+$0x560];
	[tilespmem:s4+$0x44D0] =	vst v43;
	v43 =	vmul.f32 v2, v35  }
0x316: {  	v50 =	vld [tilespmem:s4+$0x570];
	[tilespmem:s4+$0x44F0] =	vst v1;
	v1 =	vmul.f32 v7, v35  }
0x317: {  	[tilespmem:s4+$0x4500] =	vst v43;
	v43 =	vmul.f32 v3, v35  }
0x318: {  	[tilespmem:s4+$0x4540] =	vst v1;
	v1 =	vmul.f32 v44, v35  }
0x319: {  	v53 =	vld [tilespmem:s4+$0x5A0];
	[tilespmem:s4+$0x4510] =	vst v43;
	v43 =	vmul.f32 v4, v35  }
0x31a: {  	v51 =	vld [tilespmem:s4+$0x580];
	[tilespmem:s4+$0x4550] =	vst v1;
	v1 =	vmul.f32 v48, v35  }
0x31b: {  	v55 =	vld [tilespmem:s4+$0x5B0];
	[tilespmem:s4+$0x4520] =	vst v43;
	v43 =	vmul.f32 v5, v35;
	v35 =	vmul.f32 v50, v35;
	v50 =	vimm.s32 $0x4  }
0x31c: {  	v49 =	vld [tilespmem:s4+$0x760];
	[tilespmem:s4+$0x4560] =	vst v1;
	v1 =	vperm.xlane v45, v50  }
0x31d: {  	v56 =	vld [tilespmem:s4+$0x5C0]  }
0x31e: {  	v52 =	vld [tilespmem:s4+$0x590];
	v2 =	vmul.f32 v53, v1  }
0x31f: {  	v60 =	vld [tilespmem:s4+$0x5D0]  }
0x320: {  	v63 =	vld [tilespmem:s4+$0x5E0];
	[tilespmem:s4+$0x45A0] =	vst v2;
	v2 =	vmul.f32 v55, v1  }
0x321: {  	v8 =	vld [tilespmem:s4+$0x5F0];
	[tilespmem:$0x1F970] =	vst v49  }
0x322: {  	[tilespmem:s4+$0x45B0] =	vst v2;
	v2 =	vmul.f32 v56, v1  }
0x323: {  	[tilespmem:s4+$0x4570] =	vst v35;
	v35 =	vmul.f32 v51, v1  }
0x324: {  	[tilespmem:s4+$0x45C0] =	vst v2;
	v2 =	vmul.f32 v60, v1  }
0x325: {  	v49 =	vld [tilespmem:s4+$0x770];
	[tilespmem:s4+$0x4580] =	vst v35;
	v35 =	vmul.f32 v52, v1  }
0x326: {  	[tilespmem:s4+$0x45D0] =	vst v2;
	v2 =	vmul.f32 v63, v1;
	v1 =	vmul.f32 v8, v1;
	v8 =	vld [tilespmem:s4+$0xA80];
	_ =	sdelay $0x2  }
0x327: {  	v25 =	vld [tilespmem:s4+$0x400]  }
0x328: {  	[tilespmem:$0x1F980] =	vst v49;
	v49 =	vld [tilespmem:s4+$0x780]  }
0x329: {  	[tilespmem:$0x1FA80] =	vst v8;
	v8 =	vld [tilespmem:s4+$0xAA0]  }
0x32a: {  	v27 =	vld [tilespmem:s4+$0x410]  }
0x32b: {  	[tilespmem:s4+$0x43F0] =	vst v19  }
0x32c: {  	[tilespmem:s4+$0x43C0] =	vst v6  }
0x32d: {  	v32 =	vld [tilespmem:s4+$0x450];
	[tilespmem:$0x1F990] =	vst v49  }
0x32e: {  	v19 =	vmul.f32 v25, v46;
	[tilespmem:$0x1FA90] =	vst v8;
	v8 =	vld [tilespmem:s4+$0xAB0]  }
0x32f: {  	v34 =	vld [tilespmem:s4+$0x460];
	[tilespmem:s4+$0x43D0] =	vst v17;
	v20 =	vmul.f32 v27, v46  }
0x330: {  	v16 =	vld [tilespmem:s4+$0x600];
	[tilespmem:s4+$0x4400] =	vst v19  }
0x331: {  	v15 =	vld [tilespmem:s4+$0x610];
	[tilespmem:s4+$0x4410] =	vst v20  }
0x332: {  	v14 =	vld [tilespmem:s4+$0x620];
	[tilespmem:s4+$0x4420] =	vst v22  }
0x333: {  	[tilespmem:$0x1FAB0] =	vst v8;
	v8 =	vld [tilespmem:s4+$0xAC0]  }
0x334: {  	v13 =	vld [tilespmem:s4+$0x630];
	v32 =	vmul.f32 v32, v46;
	[tilespmem:s4+$0x4430] =	vst v23  }
0x335: {  	v9 =	vld [tilespmem:s4+$0x640];
	v34 =	vmul.f32 v34, v46;
	[tilespmem:s4+$0x4440] =	vst v24  }
0x336: {  	[tilespmem:s4+$0x4450] =	vst v32;
	v3 =	vld [tilespmem:s4+$0xA00]  }
0x337: {  	v10 =	vld [tilespmem:s4+$0x650];
	[tilespmem:s4+$0x4460] =	vst v34  }
0x338: {  	[tilespmem:$0x1FAC0] =	vst v8;
	v8 =	vld [tilespmem:s4+$0xAD0]  }
0x339: {  	v12 =	vld [tilespmem:s4+$0x660];
	[tilespmem:s4+$0x4480] =	vst v28  }
0x33a: {  	v11 =	vld [tilespmem:s4+$0x670];
	[tilespmem:s4+$0x4490] =	vst v29  }
0x33b: {  	[tilespmem:$0x1FA30] =	vst v3;
	v3 =	vld [tilespmem:s4+$0xA10]  }
0x33c: {  	v21 =	vld [tilespmem:s4+$0x680];
	v53 =	vimm.s32 $0x5;
	[tilespmem:s4+$0x45E0] =	vst v2  }
0x33d: {  	v2 =	vperm.xlane v45, v53;
	[tilespmem:$0x1FAE0] =	vst v8;
	v8 =	vld [tilespmem:s4+$0xAE0]  }
0x33e: {  	v26 =	vld [tilespmem:s4+$0x690];
	[tilespmem:s4+$0x44A0] =	vst v31  }
0x33f: {  	v30 =	vld [tilespmem:s4+$0x6A0];
	[tilespmem:s4+$0x45F0] =	vst v1;
	v1 =	vmul.f32 v16, v2  }
0x340: {  	[tilespmem:$0x1FA40] =	vst v3;
	v3 =	vld [tilespmem:s4+$0xA20]  }
0x341: {  	v62 =	vld [tilespmem:s4+$0x6B0];
	[tilespmem:s4+$0x4600] =	vst v1  }
0x342: {  	v1 =	vmul.f32 v15, v2;
	[tilespmem:$0x1FB00] =	vst v8;
	v8 =	vld [tilespmem:s4+$0xB00]  }
0x343: {  	v33 =	vld [tilespmem:s4+$0x6C0];
	[tilespmem:s4+$0x44B0] =	vst v38  }
0x344: {  	v61 =	vld [tilespmem:s4+$0x6D0];
	[tilespmem:s4+$0x4610] =	vst v1;
	v1 =	vmul.f32 v14, v2  }
0x345: {  	[tilespmem:$0x1FA50] =	vst v3;
	v3 =	vld [tilespmem:s4+$0xA30]  }
0x346: {  	v40 =	vld [tilespmem:s4+$0x6E0];
	[tilespmem:s4+$0x4620] =	vst v1  }
0x347: {  	v1 =	vmul.f32 v13, v2;
	[tilespmem:$0x1FB20] =	vst v8;
	v8 =	vld [tilespmem:s4+$0xB10]  }
0x348: {  	v59 =	vld [tilespmem:s4+$0x6F0];
	[tilespmem:s4+$0x44E0] =	vst v47  }
0x349: {  	v58 =	vld [tilespmem:s4+$0x700];
	[tilespmem:s4+$0x4630] =	vst v1;
	v1 =	vmul.f32 v9, v2  }
0x34a: {  	v57 =	vld [tilespmem:s4+$0x710];
	[tilespmem:$0x1FA60] =	vst v3  }
0x34b: {  	v3 =	vld [tilespmem:s4+$0xA60];
	[tilespmem:s4+$0x4640] =	vst v1;
	v1 =	vmul.f32 v10, v2  }
0x34c: {  	[tilespmem:$0x1FB40] =	vst v8;
	v8 =	vld [tilespmem:s4+$0xB20]  }
0x34d: {  	v54 =	vld [tilespmem:s4+$0x720];
	[tilespmem:s4+$0x4650] =	vst v1;
	v1 =	vmul.f32 v12, v2  }
0x34e: {  	v41 =	vld [tilespmem:s4+$0x730];
	[tilespmem:s4+$0x4530] =	vst v43  }
0x34f: {  	v42 =	vld [tilespmem:s4+$0x740];
	[tilespmem:s4+$0x4660] =	vst v1;
	v1 =	vimm.s32 $0x6  }
0x350: {  	v6 =	vld [tilespmem:s4+$0x7D0];
	[tilespmem:$0x1FA70] =	vst v3;
	v3 =	vmul.f32 v11, v2;
	v1 =	vperm.xlane v45, v1  }
0x351: {  	[tilespmem:$0x1FB60] =	vst v8;
	v8 =	vld [tilespmem:s4+$0xB30]  }
0x352: {  	v49 =	vld [tilespmem:s4+$0x7F0];
	[tilespmem:s4+$0x4670] =	vst v3;
	v3 =	vmul.f32 v21, v1  }
0x353: {  	v18 =	vld [tilespmem:s4+$0x800];
	[tilespmem:s4+$0x4590] =	vst v35;
	v62 =	vmul.f32 v62, v1  }
0x354: {  	v17 =	vld [tilespmem:s4+$0x7E0];
	[tilespmem:s4+$0x4680] =	vst v3  }
0x355: {  	v25 =	vld [tilespmem:s4+$0x860];
	v3 =	vmul.f32 v26, v1;
	[tilespmem:s4+$0x46B0] =	vst v62  }
0x356: {  	v62 =	vmul.f32 v33, v1;
	[tilespmem:$0x1FB70] =	vst v8;
	v8 =	vld [tilespmem:s4+$0xB40]  }
0x357: {  	v11 =	vld [tilespmem:$0x1F980];
	v33 =	vmul.f32 v61, v1;
	[tilespmem:s4+$0x4690] =	vst v3  }
0x358: {  	v46 =	vld [tilespmem:s4+$0x870];
	v61 =	vmul.f32 v40, v1;
	[tilespmem:s4+$0x46C0] =	vst v62  }
0x359: {  	v27 =	vld [tilespmem:s4+$0x880];
	[tilespmem:s4+$0x46D0] =	vst v33;
	v62 =	vimm.s32 $0x7  }
0x35a: {  	v19 =	vld [tilespmem:s4+$0x810];
	v3 =	vmul.f32 v30, v1;
	[tilespmem:s4+$0x46E0] =	vst v61;
	v9 =	vperm.xlane v45, v62  }
0x35b: {  	v1 =	vmul.f32 v59, v1;
	[tilespmem:$0x1FB90] =	vst v8;
	v8 =	vld [tilespmem:s4+$0xB50]  }
0x35c: {  	v20 =	vld [tilespmem:s4+$0x820];
	[tilespmem:s4+$0x46A0] =	vst v3;
	v11 =	vmul.f32 v11, v9  }
0x35d: {  	v61 =	vld [tilespmem:$0x1F960];
	[tilespmem:s4+$0x46F0] =	vst v1;
	v33 =	vmul.f32 v58, v9  }
0x35e: {  	[tilespmem:s4+$0x4770] =	vst v11;
	v11 =	vld [tilespmem:$0x1F9A0]  }
0x35f: {  	v62 =	vld [tilespmem:$0x1F970];
	v40 =	vmul.f32 v57, v9;
	[tilespmem:s4+$0x4700] =	vst v33  }
0x360: {  	v22 =	vld [tilespmem:s4+$0x830];
	v57 =	vmul.f32 v54, v9;
	[tilespmem:$0x1FBA0] =	vst v8;
	v8 =	vimm.s32 $0x8  }
0x361: {  	v58 =	vmul.f32 v41, v9;
	[tilespmem:s4+$0x4710] =	vst v40;
	v33 =	vld [tilespmem:$0x1F990];
	v10 =	vperm.xlane v45, v8  }
0x362: {  	v23 =	vld [tilespmem:s4+$0x840];
	[tilespmem:s4+$0x4720] =	vst v57;
	v1 =	vmul.f32 v61, v9  }
0x363: {  	[tilespmem:s4+$0x4730] =	vst v58;
	v40 =	vld [tilespmem:$0x1F9B0];
	v11 =	vmul.f32 v11, v10  }
0x364: {  	v41 =	vld [tilespmem:$0x1F9D0];
	[tilespmem:s4+$0x4750] =	vst v1;
	v1 =	vmul.f32 v62, v9  }
0x365: {  	v59 =	vmul.f32 v42, v9;
	[tilespmem:s4+$0x4790] =	vst v11;
	v11 =	vld [tilespmem:$0x1F9C0]  }
0x366: {  	v24 =	vld [tilespmem:s4+$0x850];
	[tilespmem:s4+$0x4760] =	vst v1;
	v1 =	vmul.f32 v33, v10  }
0x367: {  	v32 =	vld [tilespmem:s4+$0x8C0];
	[tilespmem:s4+$0x4740] =	vst v59;
	v6 =	vmul.f32 v6, v10  }
0x368: {  	v34 =	vld [tilespmem:s4+$0x8D0];
	[tilespmem:s4+$0x4780] =	vst v1;
	v1 =	vmul.f32 v40, v10  }
0x369: {  	v0 =	vld [tilespmem:s4+$0x8E0];
	v42 =	vmul.f32 v17, v10;
	[tilespmem:s4+$0x47D0] =	vst v6;
	v6 =	vmul.f32 v49, v10  }
0x36a: {  	v36 =	vld [tilespmem:s4+$0x900];
	[tilespmem:s4+$0x47A0] =	vst v1;
	v1 =	vmul.f32 v41, v10;
	v11 =	vmul.f32 v11, v10;
	v10 =	vimm.s32 $0x9  }
0x36b: {  	v37 =	vld [tilespmem:s4+$0x910];
	[tilespmem:s4+$0x47E0] =	vst v42;
	v10 =	vperm.xlane v45, v10  }
0x36c: {  	v28 =	vld [tilespmem:s4+$0x890];
	[tilespmem:s4+$0x47C0] =	vst v1  }
0x36d: {  	s2 =	simm.s32 $0x2800;
	v29 =	vld [tilespmem:s4+$0x8A0];
	[tilespmem:s4+$0x47B0] =	vst v11;
	v54 =	vmul.f32 v18, v10  }
0x36e: {  	v30 =	vld [tilespmem:s2+$0x380];
	[tilespmem:s4+$0x47F0] =	vst v6;
	v6 =	vmul.f32 v19, v10  }
0x36f: {  	v57 =	vmul.f32 v20, v10;
	v13 =	vld [tilespmem:s2+$0x390];
	[tilespmem:s4+$0x4800] =	vst v54  }
0x370: {  	v11 =	vld [tilespmem:s2+$0x3A0];
	[tilespmem:s4+$0x4810] =	vst v6;
	v6 =	vmul.f32 v22, v10  }
0x371: {  	v58 =	vmul.f32 v23, v10;
	v14 =	vld [tilespmem:s2+$0x3B0];
	[tilespmem:s4+$0x4820] =	vst v57  }
0x372: {  	v12 =	vld [tilespmem:s2+$0x3C0];
	[tilespmem:s4+$0x4830] =	vst v6;
	v6 =	vmul.f32 v24, v10  }
0x373: {  	v59 =	vmul.f32 v25, v10;
	v42 =	vld [tilespmem:s2+$0x3D0];
	[tilespmem:s4+$0x4840] =	vst v58  }
0x374: {  	v15 =	vld [tilespmem:s2+$0x3E0];
	[tilespmem:s4+$0x4850] =	vst v6;
	v6 =	vmul.f32 v46, v10  }
0x375: {  	v33 =	vld [tilespmem:s2+$0x3F0];
	[tilespmem:s4+$0x4860] =	vst v59  }
0x376: {  	v16 =	vld [tilespmem:s2+$0x400];
	[tilespmem:s4+$0x4870] =	vst v6  }
0x377: {  	v6 =	vld [tilespmem:s2+$0x410]  }
0x378: {  	v31 =	vld [tilespmem:s4+$0x8B0];
	v10 =	vimm.s32 $0xA  }
0x379: {  	v47 =	vld [tilespmem:s4+$0x8F0];
	v10 =	vperm.xlane v45, v10  }
0x37a: {  	v38 =	vld [tilespmem:s4+$0x920]  }
0x37b: {  	v39 =	vld [tilespmem:s4+$0x930];
	v61 =	vmul.f32 v27, v10  }
0x37c: {  	v7 =	vld [tilespmem:s4+$0xA50];
	[tilespmem:$0x1F9E0] =	vst v6;
	v6 =	vmul.f32 v28, v10  }
0x37d: {  	v44 =	vld [tilespmem:s4+$0x950];
	[tilespmem:s4+$0x4880] =	vst v61  }
0x37e: {  	v17 =	vld [tilespmem:s2+$0x420];
	[tilespmem:s4+$0x4890] =	vst v6  }
0x37f: {  	v6 =	vld [tilespmem:s2+$0x430]  }
0x380: {  	v48 =	vld [tilespmem:s4+$0x960]  }
0x381: {  	v4 =	vld [tilespmem:s4+$0x9F0]  }
0x382: {  	v5 =	vld [tilespmem:s4+$0xA40]  }
0x383: {  	v50 =	vld [tilespmem:s4+$0x970];
	v62 =	vmul.f32 v29, v10  }
0x384: {  	v43 =	vld [tilespmem:s4+$0x940];
	[tilespmem:$0x1F9F0] =	vst v6;
	v6 =	vmul.f32 v31, v10  }
0x385: {  	v51 =	vld [tilespmem:s4+$0x980];
	[tilespmem:s4+$0x48A0] =	vst v62  }
0x386: {  	v31 =	vld [tilespmem:s2+$0x440];
	[tilespmem:s4+$0x48B0] =	vst v6  }
0x387: {  	v6 =	vld [tilespmem:s2+$0x450]  }
0x388: {  	v52 =	vld [tilespmem:s4+$0x990]  }
0x389: {  	v55 =	vld [tilespmem:s4+$0x9B0]  }
0x38a: {  	v35 =	vld [tilespmem:s4+$0x9A0]  }
0x38b: {  	v56 =	vld [tilespmem:s4+$0x9C0];
	v24 =	vmul.f32 v32, v10  }
0x38c: {  	v60 =	vld [tilespmem:s4+$0x9D0];
	[tilespmem:$0x1FA00] =	vst v6;
	v6 =	vmul.f32 v34, v10  }
0x38d: {  	v63 =	vld [tilespmem:s4+$0x9E0];
	[tilespmem:s4+$0x48C0] =	vst v24  }
0x38e: {  	v32 =	vmov v15;
	v15 =	vld [tilespmem:s2+$0x460];
	[tilespmem:s4+$0x48D0] =	vst v6;
	v6 =	vimm.s32 $0xB  }
0x38f: {  	v2 =	vld [tilespmem:s4+$0xA70];
	v0 =	vmul.f32 v0, v10;
	v6 =	vperm.xlane v45, v6  }
0x390: {  	v26 =	vld [tilespmem:s4+$0xA90];
	v25 =	vmul.f32 v47, v10  }
0x391: {  	v40 =	vld [tilespmem:s2+$0x470];
	[tilespmem:s4+$0x48E0] =	vst v0;
	v27 =	vmul.f32 v36, v6  }
0x392: {  	v18 =	vld [tilespmem:s2+$0x480];
	[tilespmem:s4+$0x48F0] =	vst v25  }
0x393: {  	v41 =	vld [tilespmem:s2+$0x490];
	[tilespmem:s4+$0x4900] =	vst v27  }
0x394: {  	v34 =	vmul.f32 v37, v6;
	v0 =	vld [tilespmem:s2+$0x4A0]  }
0x395: {  	v3 =	vld [tilespmem:s4+$0xAF0];
	v36 =	vmul.f32 v38, v6;
	v38 =	vmul.f32 v39, v6  }
0x396: {  	v39 =	vmul.f32 v43, v6;
	v43 =	vmul.f32 v44, v6;
	v44 =	vld [tilespmem:$0x1FA60];
	[tilespmem:s4+$0x4910] =	vst v34  }
0x397: {  	v46 =	vld [tilespmem:s2+$0x4B0]  }
0x398: {  	[tilespmem:s4+$0x4920] =	vst v36;
	v36 =	vld [tilespmem:$0x1FA30]  }
0x399: {  	[tilespmem:$0x1FA10] =	vst v0;
	v0 =	vld [tilespmem:s2+$0x4C0]  }
0x39a: {  	v54 =	vmul.f32 v48, v6;
	v59 =	vmul.f32 v50, v6;
	v6 =	vimm.s32 $0xC;
	[tilespmem:s4+$0x4930] =	vst v38;
	v38 =	vld [tilespmem:$0x1FA40]  }
0x39b: {  	v10 =	vperm.xlane v45, v6;
	v49 =	vld [tilespmem:s2+$0x4D0];
	[tilespmem:s4+$0x4940] =	vst v39  }
0x39c: {  	v47 =	vld [tilespmem:s2+$0x4E0];
	[tilespmem:s4+$0x4950] =	vst v43  }
0x39d: {  	v61 =	vmul.f32 v51, v10;
	v57 =	vld [tilespmem:s2+$0x4F0];
	[tilespmem:s4+$0x4960] =	vst v54  }
0x39e: {  	v62 =	vmul.f32 v52, v10;
	v50 =	vld [tilespmem:s2+$0x500];
	[tilespmem:s4+$0x4970] =	vst v59  }
0x39f: {  	v24 =	vmul.f32 v35, v10;
	v58 =	vld [tilespmem:s2+$0x510];
	[tilespmem:s4+$0x4980] =	vst v61  }
0x3a0: {  	v25 =	vmul.f32 v55, v10;
	v54 =	vld [tilespmem:s2+$0x520];
	[tilespmem:s4+$0x4990] =	vst v62  }
0x3a1: {  	v6 =	vmul.f32 v56, v10;
	v61 =	vld [tilespmem:s2+$0x530];
	[tilespmem:s4+$0x49A0] =	vst v24  }
0x3a2: {  	v27 =	vmul.f32 v60, v10;
	v59 =	vld [tilespmem:s2+$0x540];
	[tilespmem:s4+$0x49B0] =	vst v25  }
0x3a3: {  	v37 =	vmovc v11;
	v56 =	vmov v16;
	v11 =	vmul.f32 v63, v10;
	v35 =	vimm.s32 $0xD;
	v16 =	vld [tilespmem:s2+$0x550];
	[tilespmem:s4+$0x49C0] =	vst v6  }
0x3a4: {  	v34 =	vmul.f32 v4, v10;
	v4 =	vperm.xlane v45, v35;
	v62 =	vld [tilespmem:s2+$0x560];
	[tilespmem:s4+$0x49D0] =	vst v27  }
0x3a5: {  	v6 =	vld [tilespmem:s2+$0x570];
	[tilespmem:s4+$0x49E0] =	vst v11  }
0x3a6: {  	v60 =	vmov v17;
	v10 =	vmul.f32 v36, v4;
	v17 =	vld [tilespmem:s2+$0x580];
	[tilespmem:s4+$0x49F0] =	vst v34  }
0x3a7: {  	v55 =	vmov v14;
	v14 =	vld [tilespmem:s2+$0x590]  }
0x3a8: {  	[tilespmem:s4+$0x4A00] =	vst v10;
	v10 =	vld [tilespmem:$0x1FA50]  }
0x3a9: {  	v51 =	vld [tilespmem:$0x1FA70]  }
0x3aa: {  	v43 =	vld [tilespmem:s2+$0x5A0]  }
0x3ab: {  	v35 =	vld [tilespmem:$0x1FA90];
	v39 =	vmul.f32 v38, v4;
	v25 =	vimm.s32 $0xE  }
0x3ac: {  	v24 =	vmul.f32 v2, v4;
	v2 =	vperm.xlane v45, v25;
	v25 =	vld [tilespmem:$0x1FAE0]  }
0x3ad: {  	v27 =	vld [tilespmem:$0x1FA80];
	[tilespmem:s4+$0x4A10] =	vst v39;
	v10 =	vmul.f32 v10, v4  }
0x3ae: {  	v1 =	vmul.f32 v44, v4;
	v63 =	vld [tilespmem:s2+$0x5B0]  }
0x3af: {  	v5 =	vmul.f32 v5, v4;
	v48 =	vmul.f32 v7, v4;
	v7 =	vmov v43;
	v43 =	vld [tilespmem:$0x1FAB0];
	[tilespmem:s4+$0x4A20] =	vst v10  }
0x3b0: {  	v21 =	vld [tilespmem:s2+$0x5C0];
	[tilespmem:s4+$0x4A30] =	vst v1  }
0x3b1: {  	v22 =	vld [tilespmem:s2+$0x5D0];
	[tilespmem:s4+$0x4A40] =	vst v5  }
0x3b2: {  	v5 =	vmul.f32 v51, v4;
	v10 =	vld [tilespmem:s2+$0x5E0]  }
0x3b3: {  	[tilespmem:s4+$0x4A50] =	vst v48;
	v48 =	vld [tilespmem:$0x1FAC0]  }
0x3b4: {  	v4 =	vmul.f32 v27, v2;
	v38 =	vld [tilespmem:s2+$0x5F0];
	[tilespmem:s4+$0x4A60] =	vst v5  }
0x3b5: {  	v23 =	vld [tilespmem:s2+$0x600];
	[tilespmem:s4+$0x4A70] =	vst v24  }
0x3b6: {  	v34 =	vmul.f32 v26, v2;
	v39 =	vld [tilespmem:s2+$0x610];
	[tilespmem:s4+$0x4A80] =	vst v4  }
0x3b7: {  	v19 =	vld [tilespmem:s2+$0x620]  }
0x3b8: {  	v4 =	vmul.f32 v35, v2;
	[tilespmem:s4+$0x4A90] =	vst v34;
	v34 =	vld [tilespmem:$0x1FB00]  }
0x3b9: {  	v44 =	vmul.f32 v43, v2;
	v36 =	vld [tilespmem:s2+$0x630]  }
0x3ba: {  	v43 =	vld [tilespmem:$0x1FB20];
	[tilespmem:s4+$0x4AA0] =	vst v4  }
0x3bb: {  	v4 =	vmul.f32 v48, v2;
	v51 =	vld [tilespmem:s2+$0x640];
	[tilespmem:s4+$0x4AB0] =	vst v44  }
0x3bc: {  	[tilespmem:$0x1FA20] =	vst v0;
	v24 =	vld [tilespmem:s2+$0x650]  }
0x3bd: {  	v26 =	vmul.f32 v25, v2;
	v44 =	vld [tilespmem:$0x1FB40];
	[tilespmem:s4+$0x4AC0] =	vst v4  }
0x3be: {  	v27 =	vld [tilespmem:s2+$0x660];
	v4 =	vmul.f32 v34, v2;
	[tilespmem:$0x1FAA0] =	vst v36;
	v36 =	vimm.s32 $0xF  }
0x3bf: {  	[tilespmem:s4+$0x4AD0] =	vst v26;
	v26 =	vld [tilespmem:$0x1FB70];
	v1 =	vperm.xlane v45, v36  }
0x3c0: {  	v35 =	vld [tilespmem:s2+$0x670];
	v2 =	vmul.f32 v3, v2;
	[tilespmem:s4+$0x4AE0] =	vst v4  }
0x3c1: {  	[tilespmem:$0x1FAD0] =	vst v24;
	v0 =	vld [tilespmem:s2+$0x680];
	v3 =	vmul.f32 v43, v1  }
0x3c2: {  	[tilespmem:s4+$0x4AF0] =	vst v2;
	v24 =	vld [tilespmem:$0x1FB60]  }
0x3c3: {  	v2 =	vld [tilespmem:s2+$0x690];
	[tilespmem:s4+$0x4B00] =	vst v3  }
0x3c4: {  	v48 =	vld [tilespmem:s2+$0x6A0]  }
0x3c5: {  	v34 =	vld [tilespmem:$0x1FB90]  }
0x3c6: {  	[tilespmem:$0x1FAF0] =	vst v27;
	v4 =	vmul.f32 v44, v1  }
0x3c7: {  	v9 =	vld [tilespmem:s4+$0xB70];
	[tilespmem:$0x1FB10] =	vst v35  }
0x3c8: {  	v35 =	vld [tilespmem:$0x1FBA0];
	[tilespmem:s4+$0x4B10] =	vst v4;
	v25 =	vmul.f32 v24, v1  }
0x3c9: {  	v8 =	vld [tilespmem:s4+$0xB60];
	v5 =	vmul.f32 v26, v1;
	[tilespmem:$0x1FB50] =	vst v48  }
0x3ca: {  	v11 =	vmul.f32 v34, v1;
	v48 =	vld [tilespmem:s2+$0x6B0];
	[tilespmem:s4+$0x4B20] =	vst v25  }
0x3cb: {  	v27 =	vld [tilespmem:s2+$0x6C0];
	[tilespmem:s4+$0x4B30] =	vst v5  }
0x3cc: {  	v44 =	vld [tilespmem:s2+$0x6D0];
	[tilespmem:s4+$0x4B40] =	vst v11  }
0x3cd: {  	v52 =	vmov v12;
	v12 =	vmul.f32 v35, v1;
	v36 =	vld [tilespmem:s2+$0x6E0]  }
0x3ce: {  	v43 =	vmul.f32 v8, v1;
	[tilespmem:$0x1FB30] =	vst v2  }
0x3cf: {  	[tilespmem:s4+$0x4B50] =	vst v12  }
0x3d0: {  	v8 =	vld [tilespmem:s2+$0x6F0];
	[tilespmem:s4+$0x4B60] =	vst v43  }
0x3d1: {  	v9 =	vmul.f32 v9, v1;
	[tilespmem:$0x1FB80] =	vst v27  }
0x3d2: {  	s9 =	simm.s32 $0x6;
	s10 =	simm.s32 $0x50;
	v45 =	vmovc v18;
	v11 =	vmovc v14;
	v14 =	vmov v10;
	v12 =	vmov v13;
	v13 =	vmov v0;
	[tilespmem:$0x1FBB0] =	vst v36  }
.LBB2_7:
0x3d3: {  	s10 =	sand.u32 $0x3FFFFFF0, s10;
	v0 =	vld [tilespmem:s2+$0x700];
	[tilespmem:s4+$0x4B70] =	vst v9  }
0x3d4: {  	s4 =	smov.u32 s2;
	v9 =	vld [tilespmem:s10+$0x300]  }
0x3d5: {  	v35 =	vld [tilespmem:s4+$0x730]  }
0x3d6: {  	v36 =	vld [tilespmem:s4+$0x740]  }
0x3d7: {  	v25 =	vld [tilespmem:s4+$0x750]  }
0x3d8: {  	v34 =	vld [tilespmem:s4+$0x760]  }
0x3d9: {  	v43 =	vimm.s32 $0x0;
	[tilespmem:$0x1F6D0] =	vst v0  }
0x3da: {  	[tilespmem:$0x1F6F0] =	vst v35;
	v18 =	vperm.xlane v9, v43  }
0x3db: {  	v24 =	vimm.s32 $0x1;
	[tilespmem:$0x1F700] =	vst v36  }
0x3dc: {  	v26 =	vimm.s32 $0x2;
	v24 =	vperm.xlane v9, v24;
	[tilespmem:$0x1F710] =	vst v25;
	v25 =	vmul.f32 v37, v18  }
0x3dd: {  	v27 =	vimm.s32 $0x3;
	v28 =	vperm.xlane v9, v26;
	[tilespmem:$0x1F720] =	vst v34;
	v26 =	vmul.f32 v52, v18  }
0x3de: {  	v29 =	vperm.xlane v9, v27;
	v27 =	vmul.f32 v42, v18;
	[tilespmem:s4+$0x43A0] =	vst v25  }
0x3df: {  	v20 =	vmul.f32 v30, v18;
	v30 =	vmul.f32 v32, v18;
	[tilespmem:s4+$0x43C0] =	vst v26  }
0x3e0: {  	v32 =	vmul.f32 v56, v24;
	[tilespmem:s4+$0x43D0] =	vst v27  }
0x3e1: {  	v34 =	vmul.f32 v60, v24;
	[tilespmem:s4+$0x43E0] =	vst v30  }
0x3e2: {  	v1 =	vld [tilespmem:s4+$0x720];
	v40 =	vmul.f32 v40, v24;
	[tilespmem:s4+$0x4400] =	vst v32  }
0x3e3: {  	v3 =	vmovc v22;
	v0 =	vld [tilespmem:s4+$0x710];
	v22 =	vmul.f32 v12, v18;
	v12 =	vmov v39;
	v39 =	vmul.f32 v45, v28;
	[tilespmem:s4+$0x4420] =	vst v34  }
0x3e4: {  	v35 =	vld [tilespmem:s4+$0x770];
	v41 =	vmul.f32 v41, v28;
	[tilespmem:s4+$0x4470] =	vst v40  }
0x3e5: {  	v36 =	vld [tilespmem:s4+$0x780];
	v46 =	vmul.f32 v46, v28;
	[tilespmem:s4+$0x4480] =	vst v39  }
0x3e6: {  	v43 =	vld [tilespmem:$0x1F9E0];
	v49 =	vmul.f32 v49, v28;
	[tilespmem:s4+$0x4490] =	vst v41  }
0x3e7: {  	v37 =	vld [tilespmem:s4+$0x790];
	[tilespmem:s4+$0x44B0] =	vst v46  }
0x3e8: {  	v42 =	vld [tilespmem:s4+$0x7A0];
	[tilespmem:s4+$0x44D0] =	vst v49  }
0x3e9: {  	v52 =	vld [tilespmem:s4+$0x7B0];
	v26 =	vmul.f32 v15, v24;
	[tilespmem:$0x1F730] =	vst v35  }
0x3ea: {  	v5 =	vmov v23;
	v23 =	vmul.f32 v55, v18;
	v55 =	vld [tilespmem:$0x1F9F0];
	[tilespmem:$0x1F740] =	vst v36  }
0x3eb: {  	v60 =	vld [tilespmem:$0x1FA00];
	[tilespmem:s4+$0x4460] =	vst v26  }
0x3ec: {  	v45 =	vld [tilespmem:s4+$0x800];
	[tilespmem:$0x1F750] =	vst v37  }
0x3ed: {  	v2 =	vmov v31;
	v31 =	vmul.f32 v33, v18;
	v25 =	vld [tilespmem:s4+$0x7D0];
	v33 =	vmul.f32 v43, v24;
	[tilespmem:$0x1F760] =	vst v42  }
0x3ee: {  	v27 =	vld [tilespmem:s4+$0x7E0];
	v36 =	vmul.f32 v2, v24;
	[tilespmem:$0x1F770] =	vst v52  }
0x3ef: {  	v50 =	vmul.f32 v50, v29;
	v39 =	vld [tilespmem:$0x1FB80];
	v35 =	vmul.f32 v55, v24;
	[tilespmem:s4+$0x4410] =	vst v33  }
0x3f0: {  	v43 =	vld [tilespmem:$0x1FA10];
	v37 =	vmul.f32 v60, v24;
	[tilespmem:s4+$0x4440] =	vst v36;
	v36 =	vmul.f32 v59, v29;
	v33 =	vimm.s32 $0x6  }
0x3f1: {  	[tilespmem:$0x1F7C0] =	vst v45;
	v52 =	vld [tilespmem:$0x1FA20];
	v59 =	vmul.f32 v16, v29;
	v40 =	vperm.xlane v9, v33  }
0x3f2: {  	v42 =	vld [tilespmem:s4+$0x7F0];
	[tilespmem:s4+$0x4430] =	vst v35;
	v35 =	vmul.f32 v54, v29;
	v54 =	vmul.f32 v61, v29  }
0x3f3: {  	v26 =	vimm.s32 $0x4;
	v55 =	vld [tilespmem:s4+$0x810];
	[tilespmem:s4+$0x4450] =	vst v37;
	v37 =	vmul.f32 v62, v29;
	v61 =	vmul.f32 v6, v29  }
0x3f4: {  	v34 =	vimm.s32 $0x7;
	v60 =	vld [tilespmem:s4+$0x830];
	[tilespmem:$0x1F7A0] =	vst v27;
	v27 =	vperm.xlane v9, v26;
	v62 =	vperm.xlane v9, v53  }
0x3f5: {  	v24 =	vld [tilespmem:s4+$0x840];
	[tilespmem:$0x1F790] =	vst v25;
	v6 =	vmov v51;
	v51 =	vperm.xlane v9, v34;
	v30 =	vmul.f32 v48, v40  }
0x3f6: {  	v48 =	vmul.f32 v39, v40;
	[tilespmem:s4+$0x4560] =	vst v37;
	v37 =	vld [tilespmem:$0x1F720];
	v32 =	vmul.f32 v52, v28  }
0x3f7: {  	v25 =	vld [tilespmem:s4+$0x850];
	v53 =	vmul.f32 v11, v27;
	v41 =	vmul.f32 v7, v27;
	[tilespmem:$0x1F7B0] =	vst v42  }
0x3f8: {  	v2 =	vmov v38;
	v52 =	vmul.f32 v17, v27;
	[tilespmem:s4+$0x44C0] =	vst v32;
	v32 =	vmul.f32 v5, v62;
	v5 =	vld [tilespmem:$0x1F740]  }
0x3f9: {  	v45 =	vld [tilespmem:$0x1FAA0];
	v46 =	vmul.f32 v14, v27;
	v10 =	vmul.f32 v2, v27;
	[tilespmem:$0x1F7D0] =	vst v55  }
0x3fa: {  	v39 =	vmul.f32 v0, v51;
	v55 =	vmul.f32 v63, v27;
	v63 =	vld [tilespmem:$0x1FAD0];
	[tilespmem:s4+$0x4580] =	vst v52;
	v52 =	vimm.s32 $0x8  }
0x3fb: {  	[tilespmem:$0x1F800] =	vst v24;
	v24 =	vld [tilespmem:$0x1FAF0];
	v0 =	vmul.f32 v37, v51;
	v37 =	vperm.xlane v9, v52  }
0x3fc: {  	v14 =	vmul.f32 v12, v62;
	v49 =	vmul.f32 v19, v62;
	[tilespmem:$0x1F810] =	vst v25;
	v25 =	vld [tilespmem:$0x1FB10]  }
0x3fd: {  	v42 =	vmul.f32 v43, v28;
	[tilespmem:s4+$0x4590] =	vst v53;
	v53 =	vmul.f32 v5, v37;
	v5 =	vld [tilespmem:$0x1F750]  }
0x3fe: {  	[tilespmem:$0x1F7F0] =	vst v60;
	v60 =	vmul.f32 v3, v27;
	v16 =	vmul.f32 v45, v62  }
0x3ff: {  	v38 =	vld [tilespmem:$0x1FB50];
	v45 =	vmul.f32 v6, v62;
	[tilespmem:s4+$0x44A0] =	vst v42;
	v42 =	vmul.f32 v21, v27  }
0x400: {  	[tilespmem:s4+$0x4390] =	vst v22;
	v27 =	vld [tilespmem:$0x1FB30];
	v18 =	vmul.f32 v63, v62;
	v22 =	vmul.f32 v24, v62  }
0x401: {  	[tilespmem:$0x1F6E0] =	vst v1;
	v24 =	vmul.f32 v25, v62;
	v62 =	vmul.f32 v44, v40;
	v44 =	vld [tilespmem:$0x1FBB0]  }
0x402: {  	v58 =	vmul.f32 v58, v29;
	[tilespmem:s4+$0x45A0] =	vst v41;
	v41 =	vmul.f32 v5, v37;
	v5 =	vld [tilespmem:$0x1F760]  }
0x403: {  	v56 =	vld [tilespmem:s4+$0x7C0];
	[tilespmem:s4+$0x4500] =	vst v50  }
0x404: {  	[tilespmem:s4+$0x4510] =	vst v58;
	v50 =	vld [tilespmem:$0x1F6E0];
	v29 =	vmul.f32 v38, v40  }
0x405: {  	v58 =	vld [tilespmem:$0x1F700];
	[tilespmem:s4+$0x4520] =	vst v35;
	v35 =	vmul.f32 v8, v40;
	v25 =	vmul.f32 v13, v40  }
0x406: {  	v27 =	vmul.f32 v27, v40;
	v44 =	vmul.f32 v44, v40;
	v40 =	vld [tilespmem:$0x1F730]  }
0x407: {  	v52 =	vmul.f32 v5, v37;
	v5 =	vld [tilespmem:$0x1F770]  }
0x408: {  	[tilespmem:s4+$0x43F0] =	vst v31  }
0x409: {  	[tilespmem:$0x1F780] =	vst v56  }
0x40a: {  	v4 =	vld [tilespmem:s4+$0x8B0];
	[tilespmem:s4+$0x4540] =	vst v36;
	v36 =	vmul.f32 v50, v51  }
0x40b: {  	v31 =	vld [tilespmem:s4+$0x860];
	v50 =	vmul.f32 v58, v51;
	v58 =	vimm.s32 $0x9;
	[tilespmem:$0x1F820] =	vst v0;
	v0 =	vmul.f32 v40, v51  }
0x40c: {  	v40 =	vperm.xlane v9, v58;
	v58 =	vmul.f32 v5, v37;
	v5 =	vld [tilespmem:$0x1F780]  }
0x40d: {  	v47 =	vmul.f32 v47, v28;
	[tilespmem:s4+$0x43B0] =	vst v23;
	v23 =	vld [tilespmem:s4+$0x8E0]  }
0x40e: {  	v57 =	vmul.f32 v57, v28;
	[tilespmem:s4+$0x4380] =	vst v20;
	v20 =	vld [tilespmem:s4+$0x900]  }
0x40f: {  	[tilespmem:s4+$0x44E0] =	vst v47;
	v47 =	vld [tilespmem:$0x1F6D0]  }
0x410: {  	[tilespmem:s4+$0x44F0] =	vst v57;
	v57 =	vld [tilespmem:$0x1F6F0]  }
0x411: {  	[tilespmem:s4+$0x45C0] =	vst v42;
	v42 =	vmul.f32 v5, v37;
	v5 =	vld [tilespmem:$0x1F790]  }
0x412: {  	v15 =	vld [tilespmem:s4+$0x990]  }
0x413: {  	v56 =	vld [tilespmem:s4+$0x820]  }
0x414: {  	v33 =	vld [tilespmem:s4+$0x890]  }
0x415: {  	v34 =	vld [tilespmem:s4+$0x880]  }
0x416: {  	[tilespmem:s4+$0x45B0] =	vst v55;
	v55 =	vmul.f32 v5, v37;
	v5 =	vld [tilespmem:$0x1F7A0]  }
0x417: {  	v26 =	vld [tilespmem:s4+$0x8D0]  }
0x418: {  	[tilespmem:s4+$0x4550] =	vst v59;
	v59 =	vld [tilespmem:s4+$0x960]  }
0x419: {  	v19 =	vld [tilespmem:s4+$0x910]  }
0x41a: {  	v2 =	vld [tilespmem:s4+$0x930];
	[tilespmem:s4+$0x4570] =	vst v61;
	v61 =	vimm.s32 $0xA  }
0x41b: {  	[tilespmem:$0x1F830] =	vst v0;
	v0 =	vperm.xlane v9, v61;
	v61 =	vmul.f32 v5, v37;
	v5 =	vld [tilespmem:$0x1F7B0]  }
0x41c: {  	[tilespmem:s4+$0x4530] =	vst v54;
	v54 =	vld [tilespmem:s4+$0x940]  }
0x41d: {  	v8 =	vld [tilespmem:s4+$0x970]  }
0x41e: {  	v12 =	vld [tilespmem:s4+$0x9B0]  }
0x41f: {  	v11 =	vld [tilespmem:s4+$0x9C0]  }
0x420: {  	[tilespmem:$0x1F7E0] =	vst v56;
	v37 =	vmul.f32 v5, v37;
	v5 =	vld [tilespmem:$0x1F7C0]  }
0x421: {  	v7 =	vld [tilespmem:s4+$0x9D0];
	[tilespmem:s4+$0x46A0] =	vst v29  }
0x422: {  	v43 =	vld [tilespmem:s4+$0x870];
	[tilespmem:s4+$0x46B0] =	vst v30  }
0x423: {  	v56 =	vld [tilespmem:s4+$0x8A0];
	[tilespmem:s4+$0x46C0] =	vst v48  }
0x424: {  	v3 =	vld [tilespmem:s4+$0x8C0];
	[tilespmem:s4+$0x45E0] =	vst v46  }
0x425: {  	[tilespmem:s4+$0x45F0] =	vst v10;
	v46 =	vmul.f32 v5, v40;
	v5 =	vld [tilespmem:$0x1F7D0]  }
0x426: {  	v17 =	vld [tilespmem:s4+$0x920];
	[tilespmem:s4+$0x4610] =	vst v14  }
0x427: {  	v38 =	vmul.f32 v47, v51;
	v28 =	vld [tilespmem:s4+$0x950];
	[tilespmem:s4+$0x4620] =	vst v49  }
0x428: {  	v6 =	vld [tilespmem:s4+$0x9F0];
	[tilespmem:s4+$0x46F0] =	vst v35  }
0x429: {  	[tilespmem:s4+$0x4700] =	vst v38;
	v63 =	vld [tilespmem:$0x1F710]  }
0x42a: {  	v48 =	vld [tilespmem:s4+$0xAD0];
	[tilespmem:s4+$0x4710] =	vst v39;
	v5 =	vmul.f32 v5, v40  }
0x42b: {  	v47 =	vmul.f32 v57, v51;
	v10 =	vld [tilespmem:s4+$0xA00];
	[tilespmem:s4+$0x4720] =	vst v36  }
0x42c: {  	[tilespmem:$0x1F840] =	vst v5;
	v5 =	vld [tilespmem:$0x1F7E0]  }
0x42d: {  	v14 =	vld [tilespmem:s4+$0xA20];
	[tilespmem:s4+$0x4730] =	vst v47  }
0x42e: {  	[tilespmem:s4+$0x4740] =	vst v50;
	v50 =	vld [tilespmem:s4+$0xB60];
	v57 =	vmul.f32 v63, v51;
	v63 =	vimm.s32 $0xB  }
0x42f: {  	v21 =	vld [tilespmem:s4+$0x8F0];
	[tilespmem:s4+$0x45D0] =	vst v60;
	v1 =	vperm.xlane v9, v63  }
0x430: {  	v13 =	vld [tilespmem:s4+$0x9A0];
	[tilespmem:s4+$0x4660] =	vst v22  }
0x431: {  	[tilespmem:s4+$0x4670] =	vst v24;
	v24 =	vmul.f32 v2, v1;
	v60 =	vmul.f32 v5, v40;
	v5 =	vld [tilespmem:$0x1F7F0]  }
0x432: {  	v36 =	vld [tilespmem:$0x1F820];
	[tilespmem:s4+$0x4680] =	vst v25;
	v22 =	vmul.f32 v54, v1;
	v54 =	vmul.f32 v8, v1  }
0x433: {  	v25 =	vld [tilespmem:s4+$0xA90];
	v20 =	vmul.f32 v20, v1;
	v17 =	vmul.f32 v17, v1;
	[tilespmem:$0x1F880] =	vst v24;
	v24 =	vimm.s32 $0xD  }
0x434: {  	v63 =	vld [tilespmem:s4+$0x9E0];
	v28 =	vmul.f32 v28, v1;
	[tilespmem:$0x1F890] =	vst v54;
	v54 =	vimm.s32 $0xE;
	v29 =	vperm.xlane v9, v24  }
0x435: {  	[tilespmem:s4+$0x4690] =	vst v27;
	v2 =	vld [tilespmem:s4+$0xA80];
	v27 =	vmul.f32 v59, v1;
	v30 =	vperm.xlane v9, v54  }
0x436: {  	[tilespmem:s4+$0x4630] =	vst v16;
	v8 =	vld [tilespmem:s4+$0xAA0];
	v14 =	vmul.f32 v14, v29;
	v5 =	vmul.f32 v5, v40  }
0x437: {  	[tilespmem:s4+$0x4640] =	vst v45;
	v51 =	vld [tilespmem:s4+$0x980];
	v31 =	vmul.f32 v31, v40;
	v49 =	vmul.f32 v34, v0  }
0x438: {  	v34 =	vmul.f32 v33, v0;
	v33 =	vmul.f32 v56, v0;
	[tilespmem:$0x1F850] =	vst v5;
	v5 =	vld [tilespmem:$0x1F800]  }
0x439: {  	[tilespmem:s4+$0x4750] =	vst v57;
	v57 =	vld [tilespmem:$0x1F830];
	v4 =	vmul.f32 v4, v0;
	v16 =	vmul.f32 v3, v0  }
0x43a: {  	[tilespmem:s4+$0x4650] =	vst v18;
	v59 =	vimm.s32 $0xC;
	v56 =	vld [tilespmem:s4+$0xA40];
	v45 =	vmul.f32 v26, v0;
	v18 =	vmul.f32 v23, v0  }
0x43b: {  	[tilespmem:s4+$0x4600] =	vst v32;
	v26 =	vmul.f32 v21, v0;
	v3 =	vld [tilespmem:s4+$0xA60];
	v23 =	vperm.xlane v9, v59;
	v59 =	vimm.s32 $0xF  }
0x43c: {  	[tilespmem:s4+$0x46D0] =	vst v62;
	v21 =	vmul.f32 v19, v1;
	v19 =	vld [tilespmem:s4+$0xA70];
	v9 =	vperm.xlane v9, v59  }
0x43d: {  	[tilespmem:s4+$0x4780] =	vst v53;
	v54 =	vmul.f32 v51, v23;
	v32 =	vmul.f32 v5, v40;
	v5 =	vld [tilespmem:$0x1F810]  }
0x43e: {  	[tilespmem:s4+$0x4760] =	vst v36;
	v1 =	vld [tilespmem:s4+$0xAC0];
	v59 =	vmul.f32 v15, v23;
	v24 =	vmul.f32 v13, v23  }
0x43f: {  	[tilespmem:$0x1F870] =	vst v4;
	v4 =	vld [tilespmem:s4+$0xA50];
	v62 =	vmul.f32 v12, v23;
	v11 =	vmul.f32 v11, v23  }
0x440: {  	[tilespmem:s4+$0x46E0] =	vst v44;
	v7 =	vmul.f32 v7, v23;
	v15 =	vmul.f32 v6, v23;
	v6 =	vld [tilespmem:s4+$0xB00]  }
0x441: {  	[tilespmem:s4+$0x4790] =	vst v41;
	v13 =	vld [tilespmem:s4+$0xAE0];
	v63 =	vmul.f32 v63, v23;
	v23 =	vmul.f32 v10, v29  }
0x442: {  	[tilespmem:s4+$0x47A0] =	vst v52;
	v12 =	vld [tilespmem:s4+$0xAF0];
	v51 =	vmul.f32 v56, v29;
	v5 =	vmul.f32 v5, v40  }
0x443: {  	[tilespmem:s4+$0x47B0] =	vst v58;
	v35 =	vmul.f32 v19, v29;
	v40 =	vmul.f32 v43, v40;
	v43 =	vld [tilespmem:s4+$0xA30]  }
0x444: {  	v19 =	vmul.f32 v2, v30;
	v44 =	vmul.f32 v4, v29;
	[tilespmem:$0x1F860] =	vst v5;
	v5 =	vld [tilespmem:s4+$0xA10]  }
0x445: {  	v0 =	vld [tilespmem:s4+$0xAB0];
	[tilespmem:s4+$0x4770] =	vst v57;
	v2 =	vmul.f32 v6, v9;
	v6 =	vmul.f32 v50, v9  }
0x446: {  	v4 =	vmul.f32 v1, v30;
	v1 =	vmul.f32 v48, v30;
	[tilespmem:s4+$0x47C0] =	vst v42  }
0x447: {  	v13 =	vmul.f32 v13, v30;
	v36 =	vmul.f32 v12, v30;
	[tilespmem:$0x1F8A0] =	vst v6  }
0x448: {  	[tilespmem:s4+$0x47D0] =	vst v55;
	v6 =	vld [tilespmem:$0x1F840];
	v39 =	vmul.f32 v43, v29;
	v43 =	vmul.f32 v3, v29  }
0x449: {  	s2 =	sshll.u32 s9, $0xB;
	[tilespmem:s4+$0x47E0] =	vst v61;
	v38 =	vmul.f32 v5, v29;
	v29 =	vmul.f32 v25, v30  }
0x44a: {  	v25 =	vmul.f32 v8, v30;
	v8 =	vmul.f32 v0, v30;
	v30 =	vld [tilespmem:s2+$0x380];
	[tilespmem:s4+$0x47F0] =	vst v37  }
0x44b: {  	v12 =	vld [tilespmem:s2+$0x390];
	[tilespmem:s4+$0x4800] =	vst v46  }
0x44c: {  	v37 =	vld [tilespmem:s2+$0x3A0]  }
0x44d: {  	[tilespmem:s4+$0x4810] =	vst v6;
	v6 =	vld [tilespmem:$0x1F850];
	_ =	sdelay $0x2  }
0x44e: {  	v55 =	vld [tilespmem:s2+$0x3B0];
	[tilespmem:s4+$0x4820] =	vst v60  }
0x44f: {  	v52 =	vld [tilespmem:s2+$0x3C0]  }
0x450: {  	[tilespmem:s4+$0x4830] =	vst v6;
	v6 =	vld [tilespmem:$0x1F860]  }
0x451: {  	v10 =	vld [tilespmem:s4+$0xB20]  }
0x452: {  	v56 =	vld [tilespmem:s4+$0xB30];
	_ =	sdelay $0x1  }
0x453: {  	v42 =	vld [tilespmem:s2+$0x3D0];
	[tilespmem:s4+$0x4840] =	vst v32  }
0x454: {  	v32 =	vld [tilespmem:s2+$0x3E0];
	[tilespmem:s4+$0x4850] =	vst v6  }
0x455: {  	v6 =	vld [tilespmem:s2+$0x3F0];
	[tilespmem:s4+$0x4860] =	vst v31  }
0x456: {  	v0 =	vmul.f32 v10, v9;
	v10 =	vmul.f32 v56, v9;
	v56 =	vld [tilespmem:s2+$0x400];
	[tilespmem:s4+$0x4870] =	vst v40  }
0x457: {  	v31 =	vld [tilespmem:s2+$0x410];
	_ =	sdelay $0x2  }
0x458: {  	[tilespmem:s4+$0x4880] =	vst v49  }
0x459: {  	v60 =	vld [tilespmem:s2+$0x420];
	[tilespmem:s4+$0x4890] =	vst v34  }
0x45a: {  	[tilespmem:$0x1F9E0] =	vst v31;
	v31 =	vld [tilespmem:s2+$0x430]  }
0x45b: {  	[tilespmem:s4+$0x48A0] =	vst v33;
	v33 =	vmov v6;
	v6 =	vld [tilespmem:$0x1F870];
	_ =	sdelay $0x3  }
0x45c: {  	[tilespmem:$0x1F9F0] =	vst v31  }
0x45d: {  	v31 =	vld [tilespmem:s2+$0x440];
	[tilespmem:s4+$0x48B0] =	vst v6  }
0x45e: {  	v6 =	vld [tilespmem:s2+$0x450];
	[tilespmem:s4+$0x48C0] =	vst v16  }
0x45f: {  	v34 =	vld [tilespmem:s2+$0x460];
	[tilespmem:s4+$0x48D0] =	vst v45  }
0x460: {  	v40 =	vld [tilespmem:s2+$0x470];
	[tilespmem:s4+$0x48E0] =	vst v18  }
0x461: {  	v45 =	vld [tilespmem:s2+$0x480];
	[tilespmem:s4+$0x48F0] =	vst v26  }
0x462: {  	v41 =	vld [tilespmem:s2+$0x490];
	[tilespmem:s4+$0x4900] =	vst v20  }
0x463: {  	[tilespmem:$0x1FA00] =	vst v6;
	v6 =	vld [tilespmem:s2+$0x4A0];
	_ =	sdelay $0x2  }
0x464: {  	[tilespmem:s4+$0x4910] =	vst v21  }
0x465: {  	v46 =	vld [tilespmem:s2+$0x4B0];
	[tilespmem:s4+$0x4920] =	vst v17  }
0x466: {  	[tilespmem:$0x1FA10] =	vst v6;
	v6 =	vld [tilespmem:s2+$0x4C0];
	_ =	sdelay $0x4  }
0x467: {  	[tilespmem:$0x1FA20] =	vst v6;
	v6 =	vld [tilespmem:$0x1F880]  }
0x468: {  	v47 =	vld [tilespmem:s4+$0xB50]  }
0x469: {  	v5 =	vld [tilespmem:s4+$0xB10]  }
0x46a: {  	v3 =	vld [tilespmem:s4+$0xB40];
	_ =	sdelay $0x1  }
0x46b: {  	[tilespmem:s4+$0x4930] =	vst v6;
	v6 =	vld [tilespmem:$0x1F890];
	_ =	sdelay $0x1  }
0x46c: {  	v53 =	vmul.f32 v5, v9;
	v49 =	vld [tilespmem:s2+$0x4D0];
	[tilespmem:s4+$0x4940] =	vst v22  }
0x46d: {  	v5 =	vmul.f32 v3, v9;
	v3 =	vmul.f32 v47, v9;
	v47 =	vld [tilespmem:s2+$0x4E0];
	[tilespmem:s4+$0x4950] =	vst v28  }
0x46e: {  	v57 =	vld [tilespmem:s2+$0x4F0];
	[tilespmem:s4+$0x4960] =	vst v27  }
0x46f: {  	v50 =	vld [tilespmem:s2+$0x500];
	[tilespmem:s4+$0x4970] =	vst v6  }
0x470: {  	v58 =	vld [tilespmem:s2+$0x510];
	[tilespmem:s4+$0x4980] =	vst v54  }
0x471: {  	v54 =	vld [tilespmem:s2+$0x520];
	[tilespmem:s4+$0x4990] =	vst v59  }
0x472: {  	v61 =	vld [tilespmem:s2+$0x530];
	[tilespmem:s4+$0x49A0] =	vst v24  }
0x473: {  	v59 =	vld [tilespmem:s2+$0x540];
	[tilespmem:s4+$0x49B0] =	vst v62  }
0x474: {  	v16 =	vld [tilespmem:s2+$0x550];
	[tilespmem:s4+$0x49C0] =	vst v11  }
0x475: {  	v62 =	vld [tilespmem:s2+$0x560];
	[tilespmem:s4+$0x49D0] =	vst v7  }
0x476: {  	v6 =	vld [tilespmem:s2+$0x570];
	[tilespmem:s4+$0x49E0] =	vst v63  }
0x477: {  	v17 =	vld [tilespmem:s2+$0x580];
	[tilespmem:s4+$0x49F0] =	vst v15  }
0x478: {  	v11 =	vld [tilespmem:s2+$0x590];
	[tilespmem:s4+$0x4A00] =	vst v23  }
0x479: {  	v7 =	vld [tilespmem:s2+$0x5A0];
	[tilespmem:s4+$0x4A10] =	vst v38  }
0x47a: {  	v63 =	vld [tilespmem:s2+$0x5B0];
	[tilespmem:s4+$0x4A20] =	vst v14  }
0x47b: {  	v21 =	vld [tilespmem:s2+$0x5C0];
	[tilespmem:s4+$0x4A30] =	vst v39  }
0x47c: {  	v22 =	vld [tilespmem:s2+$0x5D0];
	[tilespmem:s4+$0x4A40] =	vst v51  }
0x47d: {  	v14 =	vld [tilespmem:s2+$0x5E0];
	[tilespmem:s4+$0x4A50] =	vst v44  }
0x47e: {  	v38 =	vld [tilespmem:s2+$0x5F0];
	[tilespmem:s4+$0x4A60] =	vst v43  }
0x47f: {  	v23 =	vld [tilespmem:s2+$0x600];
	[tilespmem:s4+$0x4A70] =	vst v35  }
0x480: {  	v39 =	vld [tilespmem:s2+$0x610];
	[tilespmem:s4+$0x4A80] =	vst v19  }
0x481: {  	v19 =	vld [tilespmem:s2+$0x620];
	[tilespmem:s4+$0x4A90] =	vst v29  }
0x482: {  	v18 =	vld [tilespmem:s2+$0x630];
	[tilespmem:s4+$0x4AA0] =	vst v25  }
0x483: {  	v51 =	vld [tilespmem:s2+$0x640];
	[tilespmem:s4+$0x4AB0] =	vst v8  }
0x484: {  	v8 =	vld [tilespmem:s2+$0x650];
	[tilespmem:s4+$0x4AC0] =	vst v4  }
0x485: {  	v4 =	vld [tilespmem:s2+$0x660];
	[tilespmem:s4+$0x4AD0] =	vst v1  }
0x486: {  	v1 =	vld [tilespmem:s2+$0x670];
	[tilespmem:s4+$0x4AE0] =	vst v13  }
0x487: {  	v48 =	vld [tilespmem:s4+$0xB70];
	[tilespmem:$0x1FAA0] =	vst v18  }
0x488: {  	v13 =	vld [tilespmem:s2+$0x680];
	[tilespmem:s4+$0x4AF0] =	vst v36  }
0x489: {  	v15 =	vmov v34;
	v34 =	vld [tilespmem:s2+$0x690];
	[tilespmem:s4+$0x4B00] =	vst v2  }
0x48a: {  	[tilespmem:$0x1FAD0] =	vst v8  }
0x48b: {  	v35 =	vld [tilespmem:s2+$0x6A0];
	[tilespmem:s4+$0x4B10] =	vst v53  }
0x48c: {  	[tilespmem:$0x1FAF0] =	vst v4  }
0x48d: {  	v9 =	vmul.f32 v48, v9;
	v48 =	vld [tilespmem:s2+$0x6B0];
	[tilespmem:s4+$0x4B20] =	vst v0  }
0x48e: {  	v43 =	vld [tilespmem:$0x1F8A0];
	[tilespmem:$0x1FB10] =	vst v1  }
0x48f: {  	v0 =	vld [tilespmem:s2+$0x6C0];
	[tilespmem:s4+$0x4B30] =	vst v10  }
0x490: {  	v44 =	vld [tilespmem:s2+$0x6D0];
	[tilespmem:s4+$0x4B40] =	vst v5  }
0x491: {  	p0 =	sne.s32 s9, $0x7;
	[tilespmem:$0x1FB30] =	vst v34;
	v36 =	vld [tilespmem:s2+$0x6E0]  }
.Ltmp2:
0x492: {  	[tilespmem:s4+$0x4B50] =	vst v3;
	(pc) =	sbr.rel @p0 .LBB2_7-.Ltmp2, $4  }
0x493: {  	[tilespmem:$0x1FB50] =	vst v35  }
0x494: {  	v8 =	vld [tilespmem:s2+$0x6F0];
	[tilespmem:s4+$0x4B60] =	vst v43  }
0x495: {  	[tilespmem:$0x1FB80] =	vst v0  }
0x496: {  	s10 =	sshll.u32 s9, $0x4;
	s9 =	sadd.s32 $0x1, s9;
	v53 =	vimm.s32 $0x5;
	[tilespmem:$0x1FBB0] =	vst v36  }
0x497: {  	v0 =	vld [tilespmem:s2+$0x700];
	s9 =	sand.u32 $0x3FFFFFF0, s10;
	[tilespmem:s4+$0x4B70] =	vst v9  }
0x498: {  	v4 =	vld [tilespmem:s9+$0x300]  }
0x499: {  	v28 =	vld [tilespmem:s2+$0x720]  }
0x49a: {  	v29 =	vld [tilespmem:s2+$0x730]  }
0x49b: {  	v34 =	vld [tilespmem:s2+$0x740]  }
0x49c: {  	v1 =	vld [tilespmem:s2+$0x750]  }
0x49d: {  	v36 =	vld [tilespmem:s2+$0x760];
	[tilespmem:$0x1F620] =	vst v0  }
0x49e: {  	v2 =	vld [tilespmem:s2+$0x770];
	[tilespmem:$0x1F630] =	vst v28  }
0x49f: {  	v5 =	vld [tilespmem:s2+$0x780];
	[tilespmem:$0x1F640] =	vst v29  }
0x4a0: {  	v20 =	vld [tilespmem:s2+$0x7A0];
	[tilespmem:$0x1F650] =	vst v34  }
0x4a1: {  	v25 =	vld [tilespmem:s2+$0x7B0];
	[tilespmem:$0x1F660] =	vst v1  }
0x4a2: {  	v35 =	vimm.s32 $0x0;
	[tilespmem:$0x1F670] =	vst v36  }
0x4a3: {  	v0 =	vperm.xlane v4, v35;
	[tilespmem:$0x1F680] =	vst v2  }
0x4a4: {  	[tilespmem:$0x1F690] =	vst v5  }
0x4a5: {  	[tilespmem:$0x1F6B0] =	vst v20;
	v43 =	vmul.f32 v30, v0  }
0x4a6: {  	[tilespmem:$0x1F6C0] =	vst v25;
	v29 =	vimm.s32 $0x1;
	v10 =	vmul.f32 v12, v0;
	v28 =	vmul.f32 v32, v0;
	v32 =	vld [tilespmem:$0x1F9E0]  }
0x4a7: {  	v1 =	vperm.xlane v4, v29;
	v18 =	vmul.f32 v37, v0;
	[tilespmem:s2+$0x4380] =	vst v43  }
0x4a8: {  	v34 =	vld [tilespmem:$0x1F9F0];
	v24 =	vmul.f32 v55, v0;
	v26 =	vmul.f32 v52, v0;
	[tilespmem:s2+$0x4390] =	vst v10  }
0x4a9: {  	v27 =	vmul.f32 v42, v0;
	v0 =	vmul.f32 v33, v0;
	[tilespmem:s2+$0x43A0] =	vst v18  }
0x4aa: {  	v36 =	vld [tilespmem:$0x1FA00];
	[tilespmem:s2+$0x43B0] =	vst v24  }
0x4ab: {  	[tilespmem:s2+$0x43F0] =	vst v0;
	v0 =	vmul.f32 v32, v1  }
0x4ac: {  	[tilespmem:s2+$0x43C0] =	vst v26  }
0x4ad: {  	[tilespmem:s2+$0x4410] =	vst v0;
	v0 =	vmul.f32 v34, v1  }
0x4ae: {  	v30 =	vmul.f32 v56, v1;
	v56 =	vld [tilespmem:$0x1FA10];
	[tilespmem:s2+$0x43D0] =	vst v27  }
0x4af: {  	v33 =	vmul.f32 v60, v1;
	[tilespmem:s2+$0x4430] =	vst v0;
	v0 =	vmul.f32 v36, v1  }
0x4b0: {  	v5 =	vld [tilespmem:$0x1FA20];
	v42 =	vimm.s32 $0x2;
	v35 =	vmul.f32 v31, v1;
	v37 =	vmul.f32 v15, v1;
	[tilespmem:s2+$0x43E0] =	vst v28  }
0x4b1: {  	v1 =	vmul.f32 v40, v1;
	[tilespmem:s2+$0x4450] =	vst v0;
	v0 =	vperm.xlane v4, v42  }
0x4b2: {  	[tilespmem:s2+$0x4400] =	vst v30  }
0x4b3: {  	[tilespmem:s2+$0x4470] =	vst v1;
	v1 =	vmul.f32 v56, v0  }
0x4b4: {  	[tilespmem:s2+$0x4420] =	vst v33  }
0x4b5: {  	[tilespmem:s2+$0x44A0] =	vst v1;
	v1 =	vmul.f32 v5, v0  }
0x4b6: {  	v15 =	vimm.s32 $0x3;
	[tilespmem:s2+$0x4440] =	vst v35  }
0x4b7: {  	v55 =	vmul.f32 v41, v0;
	[tilespmem:s2+$0x44C0] =	vst v1;
	v1 =	vperm.xlane v4, v15  }
0x4b8: {  	[tilespmem:s2+$0x4460] =	vst v37;
	v60 =	vmul.f32 v46, v0  }
0x4b9: {  	[tilespmem:s2+$0x4490] =	vst v55;
	v36 =	vmul.f32 v54, v1  }
0x4ba: {  	v52 =	vmul.f32 v45, v0;
	[tilespmem:s2+$0x44B0] =	vst v60;
	v45 =	vmul.f32 v61, v1  }
0x4bb: {  	v55 =	vmul.f32 v59, v1;
	v59 =	vimm.s32 $0x4;
	[tilespmem:s2+$0x4520] =	vst v36  }
0x4bc: {  	v56 =	vmul.f32 v16, v1;
	v2 =	vperm.xlane v4, v59;
	[tilespmem:s2+$0x4530] =	vst v45  }
0x4bd: {  	v35 =	vmul.f32 v58, v1;
	v58 =	vmul.f32 v62, v1;
	[tilespmem:s2+$0x4540] =	vst v55  }
0x4be: {  	[tilespmem:s2+$0x4550] =	vst v56;
	v60 =	vmul.f32 v17, v2  }
0x4bf: {  	v29 =	vmov v63;
	[tilespmem:s2+$0x4560] =	vst v58;
	v45 =	vperm.xlane v4, v53;
	v61 =	vmul.f32 v11, v2  }
0x4c0: {  	v3 =	vmov v21;
	v58 =	vld [tilespmem:$0x1FAA0];
	v62 =	vmul.f32 v7, v2;
	v7 =	vmul.f32 v29, v2;
	[tilespmem:s2+$0x4580] =	vst v60  }
0x4c1: {  	v5 =	vmov v14;
	v11 =	vmul.f32 v3, v2;
	v22 =	vmul.f32 v22, v2;
	[tilespmem:s2+$0x4590] =	vst v61  }
0x4c2: {  	v36 =	vmul.f32 v5, v2;
	v2 =	vmul.f32 v38, v2;
	[tilespmem:s2+$0x45B0] =	vst v7  }
0x4c3: {  	v53 =	vmul.f32 v23, v45;
	[tilespmem:s2+$0x45C0] =	vst v11;
	v61 =	vld [tilespmem:$0x1FAD0]  }
0x4c4: {  	v43 =	vmov v19;
	v55 =	vmul.f32 v39, v45;
	[tilespmem:s2+$0x45F0] =	vst v2;
	v7 =	vld [tilespmem:$0x1FB10]  }
0x4c5: {  	v56 =	vmul.f32 v43, v45;
	v11 =	vimm.s32 $0x6;
	[tilespmem:s2+$0x4600] =	vst v53;
	v2 =	vmul.f32 v58, v45;
	v58 =	vld [tilespmem:$0x1FB80]  }
0x4c6: {  	[tilespmem:s2+$0x4610] =	vst v55;
	v11 =	vperm.xlane v4, v11;
	v55 =	vld [tilespmem:$0x1FB50]  }
0x4c7: {  	v59 =	vmul.f32 v51, v45;
	v43 =	vld [tilespmem:$0x1FB30];
	[tilespmem:s2+$0x4620] =	vst v56  }
0x4c8: {  	v56 =	vmul.f32 v48, v11;
	[tilespmem:s2+$0x4630] =	vst v2;
	v2 =	vmul.f32 v61, v45;
	v61 =	vld [tilespmem:$0x1FBB0]  }
0x4c9: {  	[tilespmem:s2+$0x4640] =	vst v59;
	v3 =	vmul.f32 v7, v45  }
0x4ca: {  	v13 =	vmul.f32 v13, v11;
	[tilespmem:s2+$0x46B0] =	vst v56;
	v56 =	vld [tilespmem:$0x1F620];
	v59 =	vmul.f32 v58, v11  }
0x4cb: {  	v12 =	vld [tilespmem:s2+$0x790];
	v60 =	vmul.f32 v44, v11;
	[tilespmem:s2+$0x4670] =	vst v3;
	v3 =	vmul.f32 v55, v11;
	v55 =	vimm.s32 $0x7  }
0x4cc: {  	v53 =	vmul.f32 v43, v11;
	v43 =	vperm.xlane v4, v55;
	[tilespmem:s2+$0x46C0] =	vst v59;
	v59 =	vld [tilespmem:$0x1F630]  }
0x4cd: {  	[tilespmem:s2+$0x4680] =	vst v13;
	v13 =	vmul.f32 v61, v11;
	v11 =	vmul.f32 v8, v11  }
0x4ce: {  	[tilespmem:s2+$0x46D0] =	vst v60;
	v60 =	vld [tilespmem:$0x1F640]  }
0x4cf: {  	[tilespmem:s2+$0x46F0] =	vst v11;
	v11 =	vmul.f32 v56, v43  }
0x4d0: {  	[tilespmem:$0x1F6A0] =	vst v12;
	v61 =	vld [tilespmem:$0x1F650]  }
0x4d1: {  	[tilespmem:s2+$0x4700] =	vst v11;
	v11 =	vmul.f32 v59, v43  }
0x4d2: {  	[tilespmem:s2+$0x46E0] =	vst v13;
	v13 =	vld [tilespmem:$0x1F660]  }
0x4d3: {  	[tilespmem:s2+$0x4720] =	vst v11;
	v11 =	vmul.f32 v60, v43  }
0x4d4: {  	v10 =	vmul.f32 v49, v0;
	[tilespmem:s2+$0x4480] =	vst v52  }
0x4d5: {  	v9 =	vld [tilespmem:s2+$0x710];
	[tilespmem:s2+$0x4730] =	vst v11;
	v11 =	vmul.f32 v61, v43  }
0x4d6: {  	v12 =	vmul.f32 v47, v0;
	[tilespmem:s2+$0x44D0] =	vst v10;
	v44 =	vld [tilespmem:$0x1F670]  }
0x4d7: {  	v0 =	vmul.f32 v57, v0;
	[tilespmem:s2+$0x4740] =	vst v11;
	v11 =	vmul.f32 v13, v43;
	v13 =	vld [tilespmem:$0x1F680]  }
0x4d8: {  	[tilespmem:s2+$0x44E0] =	vst v12;
	v32 =	vmul.f32 v50, v1  }
0x4d9: {  	[tilespmem:s2+$0x44F0] =	vst v0  }
0x4da: {  	[tilespmem:s2+$0x4500] =	vst v32  }
0x4db: {  	v1 =	vmul.f32 v6, v1;
	[tilespmem:s2+$0x4510] =	vst v35;
	v58 =	vmul.f32 v9, v43  }
0x4dc: {  	[tilespmem:s2+$0x4750] =	vst v11;
	v11 =	vmul.f32 v44, v43;
	v43 =	vmul.f32 v13, v43  }
0x4dd: {  	[tilespmem:s2+$0x4570] =	vst v1;
	v13 =	vld [tilespmem:$0x1F690]  }
0x4de: {  	[tilespmem:s2+$0x4770] =	vst v43;
	v43 =	vld [tilespmem:$0x1F6A0]  }
0x4df: {  	[tilespmem:s2+$0x45A0] =	vst v62;
	v61 =	vimm.s32 $0x8  }
0x4e0: {  	v5 =	vld [tilespmem:$0x1FAF0];
	[tilespmem:s2+$0x45D0] =	vst v22;
	v44 =	vperm.xlane v4, v61  }
0x4e1: {  	v21 =	vld [tilespmem:s2+$0x7D0];
	[tilespmem:s2+$0x45E0] =	vst v36  }
0x4e2: {  	v18 =	vld [tilespmem:s2+$0x7F0];
	[tilespmem:s2+$0x4760] =	vst v11;
	v11 =	vmul.f32 v13, v44  }
0x4e3: {  	v19 =	vld [tilespmem:s2+$0x7E0];
	[tilespmem:s2+$0x4650] =	vst v2;
	v43 =	vmul.f32 v43, v44  }
0x4e4: {  	[tilespmem:s2+$0x4780] =	vst v11;
	v11 =	vld [tilespmem:$0x1F6B0]  }
0x4e5: {  	v2 =	vmul.f32 v5, v45;
	[tilespmem:s2+$0x4790] =	vst v43;
	v43 =	vld [tilespmem:$0x1F6C0]  }
0x4e6: {  	v20 =	vld [tilespmem:s2+$0x7C0];
	[tilespmem:s2+$0x4690] =	vst v53  }
0x4e7: {  	[tilespmem:s2+$0x4660] =	vst v2  }
0x4e8: {  	[tilespmem:s2+$0x46A0] =	vst v3;
	v19 =	vmul.f32 v19, v44  }
0x4e9: {  	v47 =	vld [tilespmem:s2+$0x900];
	[tilespmem:s2+$0x4710] =	vst v58;
	v11 =	vmul.f32 v11, v44  }
0x4ea: {  	v54 =	vld [tilespmem:s2+$0x930];
	v18 =	vmul.f32 v18, v44;
	[tilespmem:s2+$0x47E0] =	vst v19;
	v43 =	vmul.f32 v43, v44  }
0x4eb: {  	v0 =	vld [tilespmem:s2+$0x950];
	[tilespmem:s2+$0x47A0] =	vst v11;
	v11 =	vmul.f32 v20, v44;
	v20 =	vmul.f32 v21, v44;
	v44 =	vimm.s32 $0xB  }
0x4ec: {  	v6 =	vld [tilespmem:s2+$0x970];
	[tilespmem:s2+$0x47F0] =	vst v18;
	v18 =	vperm.xlane v4, v44  }
0x4ed: {  	v24 =	vld [tilespmem:s2+$0x800];
	[tilespmem:s2+$0x47B0] =	vst v43  }
0x4ee: {  	v26 =	vld [tilespmem:s2+$0x810];
	[tilespmem:s2+$0x47C0] =	vst v11;
	v47 =	vmul.f32 v47, v18  }
0x4ef: {  	v25 =	vld [tilespmem:s2+$0x820];
	v43 =	vimm.s32 $0x9;
	[tilespmem:s2+$0x47D0] =	vst v20;
	v20 =	vmul.f32 v54, v18  }
0x4f0: {  	v27 =	vld [tilespmem:s2+$0x830];
	v11 =	vperm.xlane v4, v43;
	v0 =	vmul.f32 v0, v18;
	[tilespmem:s2+$0x4900] =	vst v47  }
0x4f1: {  	v28 =	vld [tilespmem:s2+$0x840];
	v6 =	vmul.f32 v6, v18;
	[tilespmem:s2+$0x4930] =	vst v20  }
0x4f2: {  	v30 =	vld [tilespmem:s2+$0x850];
	v21 =	vmul.f32 v24, v11;
	[tilespmem:s2+$0x4950] =	vst v0  }
0x4f3: {  	v31 =	vld [tilespmem:s2+$0x860];
	v24 =	vmul.f32 v26, v11;
	[tilespmem:s2+$0x4970] =	vst v6  }
0x4f4: {  	v33 =	vld [tilespmem:s2+$0x870];
	v25 =	vmul.f32 v25, v11;
	[tilespmem:s2+$0x4800] =	vst v21  }
0x4f5: {  	v57 =	vld [tilespmem:s2+$0x940];
	v26 =	vmul.f32 v27, v11;
	[tilespmem:s2+$0x4810] =	vst v24  }
0x4f6: {  	v12 =	vld [tilespmem:s2+$0x960];
	v27 =	vmul.f32 v28, v11;
	[tilespmem:s2+$0x4820] =	vst v25  }
0x4f7: {  	v34 =	vld [tilespmem:s2+$0x880];
	v28 =	vmul.f32 v30, v11;
	[tilespmem:s2+$0x4830] =	vst v26  }
0x4f8: {  	v40 =	vld [tilespmem:s2+$0x890];
	v31 =	vmul.f32 v31, v11;
	[tilespmem:s2+$0x4840] =	vst v27  }
0x4f9: {  	v37 =	vld [tilespmem:s2+$0x8A0];
	v30 =	vimm.s32 $0xA;
	v11 =	vmul.f32 v33, v11;
	[tilespmem:s2+$0x4850] =	vst v28  }
0x4fa: {  	v41 =	vld [tilespmem:s2+$0x8B0];
	v19 =	vperm.xlane v4, v30;
	[tilespmem:s2+$0x4860] =	vst v31;
	v21 =	vmul.f32 v57, v18  }
0x4fb: {  	v63 =	vld [tilespmem:s2+$0x8C0];
	[tilespmem:s2+$0x4870] =	vst v11;
	v24 =	vmul.f32 v12, v18  }
0x4fc: {  	v42 =	vld [tilespmem:s2+$0x8D0];
	v33 =	vmul.f32 v34, v19;
	[tilespmem:s2+$0x4940] =	vst v21  }
0x4fd: {  	v46 =	vld [tilespmem:s2+$0x8E0];
	v34 =	vmul.f32 v40, v19;
	[tilespmem:s2+$0x4960] =	vst v24  }
0x4fe: {  	v10 =	vld [tilespmem:s2+$0x8F0];
	v37 =	vmul.f32 v37, v19;
	[tilespmem:s2+$0x4880] =	vst v33  }
0x4ff: {  	v49 =	vld [tilespmem:s2+$0x910];
	v40 =	vmul.f32 v41, v19;
	[tilespmem:s2+$0x4890] =	vst v34  }
0x500: {  	v50 =	vld [tilespmem:s2+$0x920];
	v41 =	vmul.f32 v63, v19;
	[tilespmem:s2+$0x48A0] =	vst v37  }
0x501: {  	v14 =	vld [tilespmem:s2+$0x980];
	v43 =	vmul.f32 v42, v19;
	[tilespmem:s2+$0x48B0] =	vst v40  }
0x502: {  	v15 =	vld [tilespmem:s2+$0x990];
	v46 =	vmul.f32 v46, v19;
	[tilespmem:s2+$0x48C0] =	vst v41  }
0x503: {  	v16 =	vld [tilespmem:s2+$0x9A0];
	v25 =	vimm.s32 $0xC;
	v10 =	vmul.f32 v10, v19;
	[tilespmem:s2+$0x48D0] =	vst v43  }
0x504: {  	v17 =	vld [tilespmem:s2+$0x9B0];
	v63 =	vmul.f32 v49, v18;
	v11 =	vperm.xlane v4, v25;
	[tilespmem:s2+$0x48E0] =	vst v46  }
0x505: {  	v29 =	vld [tilespmem:s2+$0x9C0];
	v19 =	vmul.f32 v50, v18;
	[tilespmem:s2+$0x48F0] =	vst v10  }
0x506: {  	v32 =	vld [tilespmem:s2+$0x9D0];
	[tilespmem:s2+$0x4910] =	vst v63;
	v26 =	vmul.f32 v14, v11  }
0x507: {  	v35 =	vld [tilespmem:s2+$0x9E0];
	[tilespmem:s2+$0x4920] =	vst v19;
	v27 =	vmul.f32 v15, v11  }
0x508: {  	v36 =	vld [tilespmem:s2+$0x9F0];
	v28 =	vmul.f32 v16, v11;
	[tilespmem:s2+$0x4980] =	vst v26  }
0x509: {  	v38 =	vld [tilespmem:s2+$0xA00];
	v30 =	vmul.f32 v17, v11;
	[tilespmem:s2+$0x4990] =	vst v27  }
0x50a: {  	v39 =	vld [tilespmem:s2+$0xA10];
	v31 =	vmul.f32 v29, v11;
	[tilespmem:s2+$0x49A0] =	vst v28  }
0x50b: {  	v22 =	vld [tilespmem:s2+$0xA20];
	v33 =	vmul.f32 v32, v11;
	v34 =	vimm.s32 $0xD;
	[tilespmem:s2+$0x49B0] =	vst v30  }
0x50c: {  	v23 =	vld [tilespmem:s2+$0xA30];
	v35 =	vmul.f32 v35, v11;
	v0 =	vperm.xlane v4, v34;
	[tilespmem:s2+$0x49C0] =	vst v31  }
0x50d: {  	v62 =	vld [tilespmem:s2+$0xA40];
	v11 =	vmul.f32 v36, v11;
	[tilespmem:s2+$0x49D0] =	vst v33  }
0x50e: {  	v51 =	vld [tilespmem:s2+$0xA50];
	[tilespmem:s2+$0x49E0] =	vst v35;
	v37 =	vmul.f32 v38, v0  }
0x50f: {  	v52 =	vld [tilespmem:s2+$0xA60];
	[tilespmem:s2+$0x49F0] =	vst v11;
	v38 =	vmul.f32 v39, v0  }
0x510: {  	v1 =	vld [tilespmem:s2+$0xA70];
	v39 =	vmul.f32 v22, v0;
	[tilespmem:s2+$0x4A00] =	vst v37  }
0x511: {  	v45 =	vld [tilespmem:s2+$0xA80];
	v40 =	vmul.f32 v23, v0;
	[tilespmem:s2+$0x4A10] =	vst v38  }
0x512: {  	v2 =	vld [tilespmem:s2+$0xA90];
	v41 =	vmul.f32 v62, v0;
	[tilespmem:s2+$0x4A20] =	vst v39  }
0x513: {  	v53 =	vld [tilespmem:s2+$0xAA0];
	v43 =	vimm.s32 $0xE;
	v42 =	vmul.f32 v51, v0;
	[tilespmem:s2+$0x4A30] =	vst v40  }
0x514: {  	v48 =	vld [tilespmem:s2+$0xAB0];
	v6 =	vperm.xlane v4, v43;
	v44 =	vmul.f32 v52, v0;
	[tilespmem:s2+$0x4A40] =	vst v41  }
0x515: {  	v3 =	vld [tilespmem:s2+$0xAC0];
	v0 =	vmul.f32 v1, v0;
	[tilespmem:s2+$0x4A50] =	vst v42  }
0x516: {  	v7 =	vld [tilespmem:s2+$0xAD0];
	v45 =	vmul.f32 v45, v6;
	[tilespmem:s2+$0x4A60] =	vst v44  }
0x517: {  	v5 =	vld [tilespmem:s2+$0xAE0];
	v46 =	vmul.f32 v2, v6;
	[tilespmem:s2+$0x4A70] =	vst v0  }
0x518: {  	v8 =	vld [tilespmem:s2+$0xAF0];
	v47 =	vmul.f32 v53, v6;
	[tilespmem:s2+$0x4A80] =	vst v45  }
0x519: {  	v55 =	vld [tilespmem:s2+$0xB00];
	v48 =	vmul.f32 v48, v6;
	[tilespmem:s2+$0x4A90] =	vst v46  }
0x51a: {  	v9 =	vld [tilespmem:s2+$0xB10];
	v49 =	vmul.f32 v3, v6;
	[tilespmem:s2+$0x4AA0] =	vst v47  }
0x51b: {  	v56 =	vld [tilespmem:s2+$0xB20];
	v50 =	vmul.f32 v7, v6;
	v51 =	vimm.s32 $0xF;
	[tilespmem:s2+$0x4AB0] =	vst v48  }
0x51c: {  	v58 =	vld [tilespmem:s2+$0xB30];
	v52 =	vmul.f32 v5, v6;
	v1 =	vperm.xlane v4, v51;
	[tilespmem:s2+$0x4AC0] =	vst v49  }
0x51d: {  	v59 =	vld [tilespmem:s2+$0xB40];
	v53 =	vmul.f32 v8, v6;
	[tilespmem:s2+$0x4AD0] =	vst v50  }
0x51e: {  	v60 =	vld [tilespmem:s2+$0xB50];
	[tilespmem:s2+$0x4AE0] =	vst v52;
	v54 =	vmul.f32 v55, v1  }
0x51f: {  	v61 =	vld [tilespmem:s2+$0xB60];
	[tilespmem:s2+$0x4AF0] =	vst v53;
	v55 =	vmul.f32 v9, v1  }
0x520: {  	v13 =	vld [tilespmem:s2+$0xB70];
	v57 =	vmul.f32 v56, v1;
	[tilespmem:s2+$0x4B00] =	vst v54  }
0x521: {  	v58 =	vmul.f32 v58, v1;
	[tilespmem:s2+$0x4B10] =	vst v55  }
0x522: {  	v59 =	vmul.f32 v59, v1;
	[tilespmem:s2+$0x4B20] =	vst v57  }
0x523: {  	v62 =	vmul.f32 v60, v1;
	[tilespmem:s2+$0x4B30] =	vst v58  }
0x524: {  	v63 =	vmul.f32 v61, v1;
	[tilespmem:s2+$0x4B40] =	vst v59  }
0x525: {  	s31 =	sadd.s32 $0x1, s31;
	v1 =	vmul.f32 v13, v1;
	[tilespmem:s2+$0x4B50] =	vst v62  }
0x526: {  	p0 =	sne.s32 s31, $0x4F;
	[tilespmem:s2+$0x4B60] =	vst v63  }
.Ltmp3:
0x527: {  	[tilespmem:s2+$0x4B70] =	vst v1;
	(pc) =	sbr.rel @p0 .LBB2_4-.Ltmp3, $4  }
0x528: {  	[spmem:s6] =	stream.indirect.scatter.add.f32 [tilespmem:s28], [sflag:$0x4], $0x80, s7, s19, $0xb8;
	[tilespmem:$0x1C380] =	vst v63  }
0x529: {  	_ =	swait.ge [sflag:s17], $0x4000  }
0x52a: {  	[sflag:s17] =	ssyncset.done $0x0  }
0x52b: {  	v49 =	vimm.s32 $0x1;
	[sflag:s17] =	ssyncadd.s32 $0xFFFFC000  }
0x52c: {  	s2 =	stileid.u32;
	s29 =	sadd.s32 $0x1, s29  }
0x52d: {  	[bflag:$0x0] =	sbarrier.arrive $0xFFFF;
	s2 =	sshll.u32 s2, $0x6;
	p0 =	sne.s32 s29, s15  }
.Ltmp4:
0x52e: {  	s4 =	sshrl.u32 s8, $0x3;
	s2 =	sor.u32 $0x1C04, s2;
	(pc) =	sbr.rel @p0 .LBB2_1-.Ltmp4, $4  }
0x52f: {  	[hbm:s14], [sflag:s2] =	dma.local [spmem:s4], $0x2800  }
0x530: {  	_ =	swait.ge [sflag:s17], $0x2800  }
0x531: {  	[sflag:s17] =	ssyncset.done $0x0  }
0x532: {  	v0 =	vimm.f32 $0.0e+00;
	[sflag:s17] =	ssyncadd.s32 $0xFFFFD800  }
0x533: {  	_ =	sfence.sel $0x180000  }
0x534: {  	[bflag:$0x0] =	sbarrier.arrive $0xFFFF  }
0x535: {  	_ =	strace $0x90000047  }
0x536: {  	s0 =	stileid.u32;
	[bflag:$0x2] =	sbarrier.arrive $0xFFFF  }
0x537: {  	p0 =	sne.s32 s0, $0x0;
	s0 =	rddreg [dreg:$0x5]  }
0x538: {  	s0 =	sadd.s32 @!p0 $0x100000, s0  }
0x539: {  	[sflag:s0] =	ssyncadd.tile.s32 @!p0 $0x1;
	_ =	shalt  }
.Lfunc_end2:
_tile_overlayer_lowered:
.L_overlay_start_2:
0x53a: {  	(tag) =	ssettag $0x2  }
0x53b: {  	s0 =	rddreg [dreg:$0x0];
	s2 =	stileid.u32  }
0x53c: {  	s1 =	rddreg [dreg:$0x1];
	p0 =	sne.s32 s2, $0x0  }
0x53d: {  	s3 =	rddreg [dreg:$0x2];
	[bflag:$0x3] =	sbarrier.arrive $0xFFFF;
	s2 =	simm.s32 @!p0 $0x1C04  }
0x53e: {  	[timem:s3], [sflag:s2] =	dma.local @!p0 [hbm:s0], s1  }
0x53f: {  	s0 =	simm.s32 @!p0 $0x4  }
0x540: {  	_ =	swait.ge @!p0 [sflag:s0], s1  }
0x541: {  	s1 =	ssub.s32 @!p0 $0x0, s1;
	[sflag:s0] =	ssyncset.done @!p0 $0x0  }
0x542: {  	[sflag:s0] =	ssyncadd.s32 @!p0 s1  }
0x543: {  	[bflag:$0x3] =	sbarrier.arrive $0xFFFF  }
0x544: {  	_ =	shalt  }

</sc_bundles>
